<compile_context>
chip_gen: v7x
topology: tpu7x:2x2x1
jax: 0.10.2.dev20260603
libtpu: 0.0.44.dev20260713+nightly
codegen_flags: <defaults>
</compile_context>

<pallas_src>
import jax
import jax.numpy as jnp
from jax import lax
from jax.experimental import pallas as pl
from jax.experimental.pallas import tpu as pltpu
from jax.experimental.pallas import tpu_sc as plsc

N = 10000
NP = 10240
E = 160000
H = 8
F = 2 * H * H
NC = 2
NS = 16
NW = NC * NS
EPW = E // NW
CHX = 100
NITX = EPW // CHX
NB = 2
CHB = 200
CH2 = 100
NIT2 = EPW // CHB
NPT = NP // NS

_f32 = jnp.float32
_MESH = dict(core_axis_name="c", subcore_axis_name="s")



def _sc_scatter(payload3, dstidx3, f):

    def body(p_hbm, idx_hbm, z_hbm, out_hbm, idx_sl, b0, b1,
             l0, l1, s0, s1, acc_sh):
        bufs = (b0, b1)
        lsems = (l0, l1)
        ssems = (s0, s1)
        c = lax.axis_index("c")
        s = lax.axis_index("s")
        wid = c * NS + s
        chunk0 = wid * NITX
        nsl = pl.ds(s * NPT, NPT)
        pltpu.sync_copy(z_hbm.at[nsl], acc_sh.at[nsl])
        pltpu.sync_copy(idx_hbm.at[wid], idx_sl)
        plsc.subcore_barrier()

        def load(i, b):
            pltpu.async_copy(p_hbm.at[chunk0 + i], bufs[b], lsems[b])

        for b in range(NB - 1):
            load(b, b)

        def outer(g, carry):
            i0 = g * NB
            for b in range(NB):
                i = i0 + b
                pltpu.make_async_copy(p_hbm.at[chunk0 + i], bufs[b],
                                      lsems[b]).wait()
                pltpu.async_copy(bufs[b], acc_sh.at[idx_sl.at[i]], ssems[b],
                                 add=True)
                nxt = i + NB - 1
                bn = (b + NB - 1) % NB

                @pl.when(nxt < NITX)
                def _():
                    @pl.when(i >= 1)
                    def _():
                        pltpu.make_async_copy(
                            bufs[bn], acc_sh.at[idx_sl.at[i - 1]],
                            ssems[bn]).wait()
                    load(nxt, bn)
            return carry

        lax.fori_loop(0, NITX // NB, outer, 0)
        for b in range(NB):
            i = NITX - NB + b
            pltpu.make_async_copy(bufs[b], acc_sh.at[idx_sl.at[i]],
                                  ssems[b]).wait()
        plsc.subcore_barrier()
        pltpu.sync_copy(acc_sh.at[nsl], out_hbm.at[pl.ds(c * NP + s * NPT, NPT)])

    zeros = jnp.zeros((NP, f), _f32)
    return pl.kernel(
        body,
        out_type=jax.ShapeDtypeStruct((2 * NP, f), _f32),
        mesh=plsc.VectorSubcoreMesh(**_MESH),
        scratch_types=(
            [pltpu.VMEM((NITX, CHX), jnp.int32)]
            + [pltpu.VMEM((CHX, f), _f32) for _ in range(NB)]
            + [pltpu.SemaphoreType.DMA] * (2 * NB)
            + [pltpu.VMEM_SHARED((NP, f), _f32)]
        ),
    )(payload3, dstidx3, zeros)


def _sc_gather(table, srcidx4, f):

    def body(t_hbm, idx_hbm, out_hbm, idx_sl, b0, b1, g0, g1, t0, t1):
        bufs = (b0, b1)
        gsems = (g0, g1)
        stsems = (t0, t1)
        c = lax.axis_index("c")
        s = lax.axis_index("s")
        wid = c * NS + s
        ebase = wid * EPW
        pltpu.sync_copy(idx_hbm.at[wid], idx_sl)

        def gather(i, bi):
            pltpu.async_copy(t_hbm.at[idx_sl.at[i, 0]],
                             bufs[bi].at[pl.ds(0, CH2)], gsems[bi])
            pltpu.async_copy(t_hbm.at[idx_sl.at[i, 1]],
                             bufs[bi].at[pl.ds(CH2, CH2)], gsems[bi])

        def wait_gather(i, bi):
            pltpu.make_async_copy(t_hbm.at[idx_sl.at[i, 0]],
                                  bufs[bi].at[pl.ds(0, CH2)], gsems[bi]).wait()
            pltpu.make_async_copy(t_hbm.at[idx_sl.at[i, 1]],
                                  bufs[bi].at[pl.ds(CH2, CH2)], gsems[bi]).wait()

        def store(i, bi):
            pltpu.async_copy(bufs[bi], out_hbm.at[pl.ds(ebase + i * CHB, CHB)],
                             stsems[bi])

        def wait_store(i, bi):
            pltpu.make_async_copy(bufs[bi],
                                  out_hbm.at[pl.ds(ebase + i * CHB, CHB)],
                                  stsems[bi]).wait()

        gather(0, 0)

        def outer(g, carry):
            i = 2 * g
            wait_gather(i, 0)

            @pl.when(g >= 1)
            def _():
                wait_store(i - 1, 1)

            gather(i + 1, 1)
            store(i, 0)
            wait_gather(i + 1, 1)

            @pl.when(i + 2 < NIT2)
            def _():
                wait_store(i, 0)
                gather(i + 2, 0)

            store(i + 1, 1)
            return carry

        lax.fori_loop(0, NIT2 // 2, outer, 0)
        wait_gather(NIT2 - 1, 0)
        store(NIT2 - 1, 0)
        wait_store(NIT2 - 2, 1)
        wait_store(NIT2 - 1, 0)

    return pl.kernel(
        body,
        out_type=jax.ShapeDtypeStruct((E, f), _f32),
        mesh=plsc.VectorSubcoreMesh(**_MESH),
        scratch_types=(
            [pltpu.VMEM((NIT2, 2, CH2), jnp.int32)]
            + [pltpu.VMEM((CHB, f), _f32) for _ in range(2)]
            + [pltpu.SemaphoreType.DMA] * 4
        ),
    )(table, srcidx4)



BE = 2000
GE = E // BE
CPB = BE // CHX


def _full(shape):
    nd = len(shape)
    return pl.BlockSpec(shape, lambda i: (0,) * nd)


def _blk(shape):
    return pl.BlockSpec(shape, lambda i: (i,) + (0,) * (len(shape) - 1))


def _node_proj(node_feats, wab):

    def body(nf_ref, w_ref, out_ref):
        ab = jnp.dot(nf_ref[...], w_ref[...], preferred_element_type=_f32)
        out_ref[...] = jnp.concatenate(
            [ab, jnp.zeros((ab.shape[0], F - 2 * H), _f32)], axis=1)

    return pl.pallas_call(
        body,
        grid=(10,),
        in_specs=[_blk((N // 10, 128)), _full((128, 2 * H))],
        out_specs=_blk((N // 10, F)),
        out_shape=jax.ShapeDtypeStruct((NP, F), _f32),
    )(node_feats, wab)


def _init_ef(g_s, g_d, edge_feats, wc):
    def body(s_ref, d_ref, ef_ref, w_ref, out_ref):
        x = (s_ref[...][:, :H] + d_ref[...][:, H:2 * H]
             + jnp.dot(ef_ref[...], w_ref[...], preferred_element_type=_f32))
        x = jnp.maximum(x, 0.0)
        out_ref[...] = jnp.concatenate([x, jnp.zeros_like(x)], axis=1)

    return pl.pallas_call(
        body,
        grid=(GE,),
        in_specs=[_blk((BE, F)), _blk((BE, F)), _blk((BE, 16)),
                  _full((16, H))],
        out_specs=_blk((BE, 2 * H)),
        out_shape=jax.ShapeDtypeStruct((E, 2 * H), _f32),
    )(g_s, g_d, edge_feats, wc)


def _edge_mats(ef16, w1cat, b1cat, w2blk, b2cat, rm2):
    t = jnp.dot(ef16, w1cat, preferred_element_type=_f32) + b1cat
    u = jnp.maximum(t, 0.0)
    wma = jnp.dot(u, w2blk, preferred_element_type=_f32) + b2cat
    ef_r2 = jnp.dot(ef16, rm2, preferred_element_type=_f32)
    return wma, wma * ef_r2


def _pass1(ef16, w1cat, b1cat, w2blk, b2cat, rm2):

    def body(ef_ref, w1_ref, b1_ref, w2_ref, b2_ref, rm2_ref, out_ref):
        _, e_all = _edge_mats(ef_ref[...], w1_ref[...], b1_ref[...],
                              w2_ref[...], b2_ref[...], rm2_ref[...])
        exp_e2 = jnp.exp(e_all[:, H * H:])
        h1 = exp_e2 * e_all[:, :H * H]
        out_ref[...] = jnp.concatenate([exp_e2, h1],
                                       axis=1).reshape(CPB, CHX, F)

    return pl.pallas_call(
        body,
        grid=(GE,),
        in_specs=[_blk((BE, 2 * H)), _full((2 * H, 2 * H)), _full((1, 2 * H)),
                  _full((2 * H, F)), _full((1, F)), _full((2 * H, F))],
        out_specs=_blk((CPB, CHX, F)),
        out_shape=jax.ShapeDtypeStruct((NW * NITX, CHX, F), _f32),
    )(ef16, w1cat, b1cat, w2blk, b2cat, rm2)


def _combine_partials(partials, f):
    def body(a_ref, b_ref, out_ref):
        out_ref[...] = a_ref[...] + b_ref[...]

    return pl.pallas_call(
        body,
        grid=(10,),
        in_specs=[
            pl.BlockSpec((NP // 10, f), lambda i: (i, 0)),
            pl.BlockSpec((NP // 10, f), lambda i: (i + 10, 0)),
        ],
        out_specs=pl.BlockSpec((NP // 10, f), lambda i: (i, 0)),
        out_shape=jax.ShapeDtypeStruct((NP, f), _f32),
    )(partials, partials)


def _pass2_gru(g, ef16, ief16, cw, out_3d=False):

    def body(g_ref, ef_ref, ief_ref, w1_ref, b1_ref, w2_ref, b2_ref, rm2_ref,
             rt_ref, wir_ref, wiz_ref, win_ref, whr_ref, whz_ref, whn_ref,
             gb_ref, out_ref):
        ef16v = ef_ref[...]
        wma, e_all = _edge_mats(ef16v, w1_ref[...], b1_ref[...], w2_ref[...],
                                b2_ref[...], rm2_ref[...])
        ie_all = wma * jnp.dot(ief_ref[...], rm2_ref[...],
                               preferred_element_type=_f32)
        exp_e2 = jnp.exp(e_all[:, H * H:])
        h1 = exp_e2 * e_all[:, :H * H]
        exp_ie2 = jnp.exp(ie_all[:, H * H:])
        ih1 = exp_ie2 * ie_all[:, :H * H]
        gathered = g_ref[...]
        sg = gathered[:, :H * H]
        mg = gathered[:, H * H:]
        h2 = (mg - h1 + ih1) / (sg - exp_e2 + exp_ie2)
        conv = jnp.maximum(jnp.dot(h2, rt_ref[...],
                                   preferred_element_type=_f32), 0.0)
        gb = gb_ref[...]
        r = jax.nn.sigmoid(
            jnp.dot(conv, wir_ref[...], preferred_element_type=_f32)
            + jnp.dot(ef16v, whr_ref[...], preferred_element_type=_f32)
            + gb[:, :H])
        z = jax.nn.sigmoid(
            jnp.dot(conv, wiz_ref[...], preferred_element_type=_f32)
            + jnp.dot(ef16v, whz_ref[...], preferred_element_type=_f32)
            + gb[:, H:2 * H])
        n = jnp.tanh(
            jnp.dot(conv, win_ref[...], preferred_element_type=_f32)
            + gb[:, 2 * H:3 * H]
            + r * (jnp.dot(ef16v, whn_ref[...], preferred_element_type=_f32)
                   + gb[:, 3 * H:]))
        newef = (1.0 - z) * n + z * ef16v[:, :H]
        if out_3d:
            out_ref[...] = jnp.concatenate(
                [newef, jnp.zeros((BE, F - H), _f32)],
                axis=1).reshape(CPB, CHX, F)
        else:
            out_ref[...] = jnp.concatenate([newef, jnp.zeros_like(newef)],
                                           axis=1)

    if out_3d:
        out_spec = _blk((CPB, CHX, F))
        out_shape = jax.ShapeDtypeStruct((NW * NITX, CHX, F), _f32)
    else:
        out_spec = _blk((BE, 2 * H))
        out_shape = jax.ShapeDtypeStruct((E, 2 * H), _f32)
    (w1cat, b1cat, w2blk, b2cat, rm2, rt, wir, wiz, win, whr, whz, whn,
     gbias) = cw
    return pl.pallas_call(
        body,
        grid=(GE,),
        in_specs=[_blk((BE, F)), _blk((BE, 2 * H)), _blk((BE, 2 * H)),
                  _full((2 * H, 2 * H)), _full((1, 2 * H)), _full((2 * H, F)),
                  _full((1, F)), _full((2 * H, F)), _full((H * H, H)),
                  _full((H, H)), _full((H, H)), _full((H, H)),
                  _full((2 * H, H)), _full((2 * H, H)), _full((2 * H, H)),
                  _full((1, 4 * H))],
        out_specs=out_spec,
        out_shape=out_shape,
    )(g, ef16, ief16, w1cat, b1cat, w2blk, b2cat, rm2, rt, wir, wiz, win,
      whr, whz, whn, gbias)


def _readout(partials):
    def body(a_ref, b_ref, out_ref):
        out_ref[...] = (a_ref[...] + b_ref[...])[:, :H]

    return pl.pallas_call(
        body,
        grid=(10,),
        in_specs=[
            pl.BlockSpec((NP // 10, F), lambda i: (i, 0)),
            pl.BlockSpec((NP // 10, F), lambda i: (i + 10, 0)),
        ],
        out_specs=pl.BlockSpec((NP // 10, H), lambda i: (i, 0)),
        out_shape=jax.ShapeDtypeStruct((NP, H), _f32),
    )(partials, partials)



def kernel(node_feats, edge_feats, edge_index, W_i, msg_W1, msg_b1, msg_W2,
           msg_b2, attn_W1, attn_b1, attn_W2, attn_b2, gru_Wih, gru_bih,
           gru_Whh, gru_bhh):
    src4 = edge_index[0].reshape(NW, NIT2, 2, CH2)
    dst4 = edge_index[1].reshape(NW, NIT2, 2, CH2)
    dst3 = edge_index[1].reshape(NW, NITX, CHX)

    wab = jnp.concatenate([W_i[:128], W_i[128:256]], axis=1)
    wc = W_i[256:]
    rm = jnp.repeat(jnp.eye(H, dtype=_f32), H, axis=1)
    zrow = jnp.zeros((H, H), _f32)
    w1cat = jnp.concatenate([
        jnp.concatenate([msg_W1, attn_W1], axis=1),
        jnp.zeros((H, 2 * H), _f32)], axis=0)
    b1cat = jnp.concatenate([msg_b1, attn_b1]).reshape(1, 2 * H)
    w2blk = jnp.concatenate([
        jnp.concatenate([msg_W2, jnp.zeros((H, H * H), _f32)], axis=1),
        jnp.concatenate([jnp.zeros((H, H * H), _f32), attn_W2], axis=1),
    ], axis=0)
    b2cat = jnp.concatenate([msg_b2, attn_b2]).reshape(1, F)
    rm2 = jnp.concatenate([
        jnp.concatenate([rm, rm], axis=1),
        jnp.zeros((H, F), _f32)], axis=0)
    rt = rm.T
    wir, wiz, win = (gru_Wih[:, :H], gru_Wih[:, H:2 * H], gru_Wih[:, 2 * H:])
    whr = jnp.concatenate([gru_Whh[:, :H], zrow], axis=0)
    whz = jnp.concatenate([gru_Whh[:, H:2 * H], zrow], axis=0)
    whn = jnp.concatenate([gru_Whh[:, 2 * H:], zrow], axis=0)
    gbias = jnp.concatenate([
        gru_bih[:H] + gru_bhh[:H],
        gru_bih[H:2 * H] + gru_bhh[H:2 * H],
        gru_bih[2 * H:],
        gru_bhh[2 * H:]]).reshape(1, 4 * H)
    cw = (w1cat, b1cat, w2blk, b2cat, rm2, rt, wir, wiz, win, whr, whz, whn,
          gbias)

    t128 = _node_proj(node_feats, wab)
    g_s = _sc_gather(t128, src4, F)
    g_d = _sc_gather(t128, dst4, F)
    ef16 = _init_ef(g_s, g_d, edge_feats, wc)
    ief16 = ef16

    for step in range(3):
        payload = _pass1(ef16, w1cat, b1cat, w2blk, b2cat, rm2)
        sm = _combine_partials(_sc_scatter(payload, dst3, F), F)
        g = _sc_gather(sm, src4, F)
        newef = _pass2_gru(g, ef16, ief16, cw, out_3d=(step == 2))
        if step < 2:
            ef16 = newef

    return _readout(_sc_scatter(newef, dst3, F))[:N]

# --- scband reference (transcript-rebuilt; emitter-appended) ---
"""Pipeline reference for scband-emnngnn-84387517432503 (READ-ONLY COPY).

The authoritative reference and input builder live on the scoring server;
editing this copy changes nothing except your own understanding.
"""

import jax, jax.numpy as jnp
import numpy as np

N = 10000
E = 160000
DN = 128
DE = 16
H = 8
STEPS = 3


def setup_inputs(seed: int = 0):
    key = jax.random.key(seed)
    ks = jax.random.split(key, 16)
    s = 0.05
    return {
        "node_feats": jax.random.normal(ks[0], (N, DN), dtype=jnp.float32),
        "edge_feats": jax.random.normal(ks[1], (E, DE), dtype=jnp.float32),
        "edge_index": jax.random.randint(ks[2], (2, E), 0, N, dtype=jnp.int32),
        "W_i": jax.random.normal(ks[3], (2 * DN + DE, H), dtype=jnp.float32) * s,
        "msg_W1": jax.random.normal(ks[4], (H, H), dtype=jnp.float32) * s,
        "msg_b1": jnp.zeros((H,), jnp.float32),
        "msg_W2": jax.random.normal(ks[5], (H, H * H), dtype=jnp.float32) * s,
        "msg_b2": jnp.zeros((H * H,), jnp.float32),
        "attn_W1": jax.random.normal(ks[6], (H, H), dtype=jnp.float32) * s,
        "attn_b1": jnp.zeros((H,), jnp.float32),
        "attn_W2": jax.random.normal(ks[7], (H, H * H), dtype=jnp.float32) * s,
        "attn_b2": jnp.zeros((H * H,), jnp.float32),
        "gru_Wih": jax.random.normal(ks[8], (H, 3 * H), dtype=jnp.float32) * s,
        "gru_bih": jnp.zeros((3 * H,), jnp.float32),
        "gru_Whh": jax.random.normal(ks[9], (H, 3 * H), dtype=jnp.float32) * s,
        "gru_bhh": jnp.zeros((3 * H,), jnp.float32),
    }


def _conv(src, dst, ef, init_ef, msg_W1, msg_b1, msg_W2, msg_b2,
          attn_W1, attn_b1, attn_W2, attn_b2):
    # per-edge message / attention weight matrices [E, H, H]
    w_m = (jax.nn.relu(ef @ msg_W1 + msg_b1) @ msg_W2 + msg_b2).reshape(-1, H, H)
    w_a = (jax.nn.relu(ef @ attn_W1 + attn_b1) @ attn_W2 + attn_b2).reshape(-1, H, H)
    h = ef[:, :, None]
    ih = init_ef[:, :, None]
    e1 = w_m * h
    e2 = w_a * h
    exp_e2 = jnp.exp(e2)
    ie1 = w_m * ih
    ie2 = w_a * ih
    exp_ie2 = jnp.exp(ie2)
    # update_all(copy_e, sum): scatter-add edge data onto dst nodes
    node_sum = jax.ops.segment_sum(exp_e2, dst, num_segments=N)
    # edges.src[...] gathers from the src node of each edge
    sum_exp = node_sum[src] - exp_e2 + exp_ie2
    h1 = exp_e2 * e1
    ih1 = exp_ie2 * ie1
    m = jax.ops.segment_sum(h1, dst, num_segments=N)
    h2 = (m[src] - h1 + ih1) / sum_exp
    return h2.sum(axis=1)


def reference(node_feats, edge_feats, edge_index, W_i, msg_W1, msg_b1, msg_W2, msg_b2,
              attn_W1, attn_b1, attn_W2, attn_b2, gru_Wih, gru_bih, gru_Whh, gru_bhh):
    src = edge_index[0]
    dst = edge_index[1]
    h0 = jnp.concatenate([node_feats[src], node_feats[dst], edge_feats], axis=1)
    init_ef = jax.nn.relu(h0 @ W_i)
    # edge_feats = initial_efeats.clone().detach()
    ef = jax.lax.stop_gradient(init_ef)
    hid = ef
    for _ in range(STEPS):
        ef = jax.nn.relu(_conv(src, dst, ef, init_ef, msg_W1, msg_b1, msg_W2, msg_b2,
                               attn_W1, attn_b1, attn_W2, attn_b2))
        # single-step GRU (PyTorch gate ordering r, z, n)
        gi = ef @ gru_Wih + gru_bih
        gh = hid @ gru_Whh + gru_bhh
        r = jax.nn.sigmoid(gi[:, :H] + gh[:, :H])
        z = jax.nn.sigmoid(gi[:, H:2 * H] + gh[:, H:2 * H])
        n = jnp.tanh(gi[:, 2 * H:] + r * gh[:, 2 * H:])
        hid = (1.0 - z) * n + z * hid
        ef = hid
    # final readout: sum edge features onto dst nodes
    return jax.ops.segment_sum(ef, dst, num_segments=N)

if __name__ == "__main__":
    import jax
    _d = setup_inputs()
    print(jax.jit(kernel)(*tuple(_d.values())))

</pallas_src>

<mosaic_0001>
#map = affine_map<(d0, d1) -> (0, 0, 0)>
#map1 = affine_map<(d0, d1) -> (0, 0)>
module attributes {stable_mosaic.version = 14 : i64} {
  func.func @body(%arg0: i32, %arg1: i32, %arg2: memref<1600x100x128xf32, #tpu.memory_space<hbm>>, %arg3: memref<32x50x100xi32, #tpu.memory_space<hbm>>, %arg4: memref<10240x128xf32, #tpu.memory_space<hbm>>, %arg5: memref<20480x128xf32, #tpu.memory_space<hbm>>, %arg6: memref<50x100xi32, #tpu.memory_space<vmem>>, %arg7: memref<100x128xf32, #tpu.memory_space<vmem>>, %arg8: memref<100x128xf32, #tpu.memory_space<vmem>>, %arg9: memref<!tpu.dma_semaphore, #tpu.memory_space<semaphore_mem>>, %arg10: memref<!tpu.dma_semaphore, #tpu.memory_space<semaphore_mem>>, %arg11: memref<!tpu.dma_semaphore, #tpu.memory_space<semaphore_mem>>, %arg12: memref<!tpu.dma_semaphore, #tpu.memory_space<semaphore_mem>>, %arg13: memref<10240x128xf32, #tpu.memory_space<vmem_shared>>) attributes {dimension_semantics = [#tpu.dimension_semantics<core_parallel>, #tpu.dimension_semantics<subcore_parallel>], iteration_bounds = array<i64: 2, 16>, scalar_prefetch = 0 : i64, scratch_operands = 8 : i64, tpu.core_type = #tpu.core_type<sc_vector_subcore>, window_params = [{transform_indices = #map}, {transform_indices = #map}, {transform_indices = #map1}, {transform_indices = #map1}]} {
    %mul3A = arith.constant 16 : i32
    %mul3A_0 = arith.muli %arg0, %mul3A : i32
    %add3A = arith.addi %mul3A_0, %arg1 : i32
    %mul3A_1 = arith.constant 50 : i32
    %mul3A_2 = arith.muli %add3A, %mul3A_1 : i32
    %mul3A_3 = arith.constant 640 : i32
    %mul3A_4 = arith.muli %arg1, %mul3A_3 : i32
    "tpu.region"() ({
      %run_scoped3A = tpu.sem_alloc : memref<!tpu.dma_semaphore, #tpu.memory_space<semaphore_mem>>
      %dma_start3A_38 = arith.constant 0 : i32
      %dma_start3A_39 = tpu.memref_slice %arg13[%mul3A_4, %dma_start3A_38] : memref<10240x128xf32, #tpu.memory_space<vmem_shared>> -> memref<640x128xf32, #tpu.memory_space<vmem_shared>>
      %dma_start3A_40 = arith.constant 0 : i32
      %dma_start3A_41 = tpu.memref_slice %arg4[%mul3A_4, %dma_start3A_40] : memref<10240x128xf32, #tpu.memory_space<hbm>> -> memref<640x128xf32, #tpu.memory_space<hbm>>
      tpu.enqueue_dma source(%dma_start3A_41 : memref<640x128xf32, #tpu.memory_space<hbm>>) target(%dma_start3A_39 : memref<640x128xf32, #tpu.memory_space<vmem_shared>>) target_semaphore(%run_scoped3A : memref<!tpu.dma_semaphore, #tpu.memory_space<semaphore_mem>>)
      %dma_wait3A_42 = arith.constant 0 : i32
      %dma_wait3A_43 = tpu.memref_slice %arg13[%mul3A_4, %dma_wait3A_42] : memref<10240x128xf32, #tpu.memory_space<vmem_shared>> -> memref<640x128xf32, #tpu.memory_space<vmem_shared>>
      %dma_wait3A_44 = arith.constant 0 : i32
      %dma_wait3A_45 = tpu.memref_slice %arg4[%mul3A_4, %dma_wait3A_44] : memref<10240x128xf32, #tpu.memory_space<hbm>> -> memref<640x128xf32, #tpu.memory_space<hbm>>
      tpu.wait_dma2 semaphore(%run_scoped3A : memref<!tpu.dma_semaphore, #tpu.memory_space<semaphore_mem>>) src(%dma_wait3A_45 : memref<640x128xf32, #tpu.memory_space<hbm>>) dst(%dma_wait3A_43 : memref<640x128xf32, #tpu.memory_space<vmem_shared>>)
      tpu.yield
    }) : () -> ()
    "tpu.region"() ({
      %run_scoped3A = tpu.sem_alloc : memref<!tpu.dma_semaphore, #tpu.memory_space<semaphore_mem>>
      %dma_start3A_38 = arith.constant 0 : i32
      %dma_start3A_39 = arith.constant 0 : i32
      %dma_start3A_40 = tpu.memref_slice %arg3[%add3A, %dma_start3A_38, %dma_start3A_39] : memref<32x50x100xi32, #tpu.memory_space<hbm>> -> memref<1x50x100xi32, #tpu.memory_space<hbm>>
      %dma_start3A_41 = tpu.memref_squeeze %dma_start3A_40 : memref<1x50x100xi32, #tpu.memory_space<hbm>> -> memref<50x100xi32, #tpu.memory_space<hbm>>
      %dma_start3A_42 = arith.constant 0 : i32
      %dma_start3A_43 = arith.constant 0 : i32
      %dma_start3A_44 = tpu.memref_slice %arg3[%add3A, %dma_start3A_42, %dma_start3A_43] : memref<32x50x100xi32, #tpu.memory_space<hbm>> -> memref<1x50x100xi32, #tpu.memory_space<hbm>>
      %dma_start3A_45 = tpu.memref_squeeze %dma_start3A_44 : memref<1x50x100xi32, #tpu.memory_space<hbm>> -> memref<50x100xi32, #tpu.memory_space<hbm>>
      tpu.enqueue_dma source(%dma_start3A_45 : memref<50x100xi32, #tpu.memory_space<hbm>>) target(%arg6 : memref<50x100xi32, #tpu.memory_space<vmem>>) target_semaphore(%run_scoped3A : memref<!tpu.dma_semaphore, #tpu.memory_space<semaphore_mem>>)
      %dma_wait3A_46 = arith.constant 0 : i32
      %dma_wait3A_47 = arith.constant 0 : i32
      %dma_wait3A_48 = tpu.memref_slice %arg3[%add3A, %dma_wait3A_46, %dma_wait3A_47] : memref<32x50x100xi32, #tpu.memory_space<hbm>> -> memref<1x50x100xi32, #tpu.memory_space<hbm>>
      %dma_wait3A_49 = tpu.memref_squeeze %dma_wait3A_48 : memref<1x50x100xi32, #tpu.memory_space<hbm>> -> memref<50x100xi32, #tpu.memory_space<hbm>>
      %dma_wait3A_50 = arith.constant 0 : i32
      %dma_wait3A_51 = arith.constant 0 : i32
      %dma_wait3A_52 = tpu.memref_slice %arg3[%add3A, %dma_wait3A_50, %dma_wait3A_51] : memref<32x50x100xi32, #tpu.memory_space<hbm>> -> memref<1x50x100xi32, #tpu.memory_space<hbm>>
      %dma_wait3A_53 = tpu.memref_squeeze %dma_wait3A_52 : memref<1x50x100xi32, #tpu.memory_space<hbm>> -> memref<50x100xi32, #tpu.memory_space<hbm>>
      tpu.wait_dma2 semaphore(%run_scoped3A : memref<!tpu.dma_semaphore, #tpu.memory_space<semaphore_mem>>) src(%dma_wait3A_53 : memref<50x100xi32, #tpu.memory_space<hbm>>) dst(%arg6 : memref<50x100xi32, #tpu.memory_space<vmem>>)
      tpu.yield
    }) : () -> ()
    %barrier3A = arith.constant 0 : index
    tpu.barrier barrier_id(%barrier3A)
    %add3A_5 = arith.constant 0 : i32
    %add3A_6 = arith.addi %mul3A_2, %add3A_5 : i32
    %dma_start3A = arith.constant 0 : i32
    %dma_start3A_7 = arith.constant 0 : i32
    %dma_start3A_8 = tpu.memref_slice %arg2[%add3A_6, %dma_start3A, %dma_start3A_7] : memref<1600x100x128xf32, #tpu.memory_space<hbm>> -> memref<1x100x128xf32, #tpu.memory_space<hbm>>
    %dma_start3A_9 = tpu.memref_squeeze %dma_start3A_8 : memref<1x100x128xf32, #tpu.memory_space<hbm>> -> memref<100x128xf32, #tpu.memory_space<hbm>>
    %dma_start3A_10 = arith.constant 0 : i32
    %dma_start3A_11 = arith.constant 0 : i32
    %dma_start3A_12 = tpu.memref_slice %arg2[%add3A_6, %dma_start3A_10, %dma_start3A_11] : memref<1600x100x128xf32, #tpu.memory_space<hbm>> -> memref<1x100x128xf32, #tpu.memory_space<hbm>>
    %dma_start3A_13 = tpu.memref_squeeze %dma_start3A_12 : memref<1x100x128xf32, #tpu.memory_space<hbm>> -> memref<100x128xf32, #tpu.memory_space<hbm>>
    tpu.enqueue_dma source(%dma_start3A_13 : memref<100x128xf32, #tpu.memory_space<hbm>>) target(%arg7 : memref<100x128xf32, #tpu.memory_space<vmem>>) target_semaphore(%arg9 : memref<!tpu.dma_semaphore, #tpu.memory_space<semaphore_mem>>)
    %scan3A = arith.constant 0 : i32
    %scan3A_14 = arith.constant 0 : i32
    %scan3A_15 = arith.constant 25 : i32
    %scan3A_16 = arith.addi %scan3A_14, %scan3A_15 : i32
    %scan3A_17 = arith.constant 1 : i32
    scf.for %scan3A_38 = %scan3A_14 to %scan3A_16 step %scan3A_17  : i32 {
      %mul3A_39 = arith.constant 2 : i32
      %mul3A_40 = arith.muli %scan3A_38, %mul3A_39 : i32
      %add3A_41 = arith.constant 0 : i32
      %add3A_42 = arith.addi %mul3A_40, %add3A_41 : i32
      %add3A_43 = arith.addi %mul3A_2, %add3A_42 : i32
      %dma_wait3A_44 = arith.constant 0 : i32
      %dma_wait3A_45 = arith.constant 0 : i32
      %dma_wait3A_46 = tpu.memref_slice %arg2[%add3A_43, %dma_wait3A_44, %dma_wait3A_45] : memref<1600x100x128xf32, #tpu.memory_space<hbm>> -> memref<1x100x128xf32, #tpu.memory_space<hbm>>
      %dma_wait3A_47 = tpu.memref_squeeze %dma_wait3A_46 : memref<1x100x128xf32, #tpu.memory_space<hbm>> -> memref<100x128xf32, #tpu.memory_space<hbm>>
      %dma_wait3A_48 = arith.constant 0 : i32
      %dma_wait3A_49 = arith.constant 0 : i32
      %dma_wait3A_50 = tpu.memref_slice %arg2[%add3A_43, %dma_wait3A_48, %dma_wait3A_49] : memref<1600x100x128xf32, #tpu.memory_space<hbm>> -> memref<1x100x128xf32, #tpu.memory_space<hbm>>
      %dma_wait3A_51 = tpu.memref_squeeze %dma_wait3A_50 : memref<1x100x128xf32, #tpu.memory_space<hbm>> -> memref<100x128xf32, #tpu.memory_space<hbm>>
      tpu.wait_dma2 semaphore(%arg9 : memref<!tpu.dma_semaphore, #tpu.memory_space<semaphore_mem>>) src(%dma_wait3A_51 : memref<100x128xf32, #tpu.memory_space<hbm>>) dst(%arg7 : memref<100x128xf32, #tpu.memory_space<vmem>>)
      %dma_start3A_52 = arith.constant 0 : i32
      %dma_start3A_53 = tpu.memref_slice %arg6[%add3A_42, %dma_start3A_52] : memref<50x100xi32, #tpu.memory_space<vmem>> -> memref<1x100xi32, #tpu.memory_space<vmem>>
      %dma_start3A_54 = tpu.memref_squeeze %dma_start3A_53 : memref<1x100xi32, #tpu.memory_space<vmem>> -> memref<100xi32, #tpu.memory_space<vmem>>
      %dma_start3A_55 = arith.constant 0 : i32
      %dma_start3A_56 = arith.constant 0 : i32
      %dma_start3A_57 = tpu.memref_slice %arg13[%dma_start3A_55, %dma_start3A_56] : memref<10240x128xf32, #tpu.memory_space<vmem_shared>> -> memref<10240x128xf32, #tpu.memory_space<vmem_shared>>
      tpu.enqueue_indirect_dma source(%arg7 : memref<100x128xf32, #tpu.memory_space<vmem>>) target(%dma_start3A_57 : memref<10240x128xf32, #tpu.memory_space<vmem_shared>>) offsets(%dma_start3A_54 : memref<100xi32, #tpu.memory_space<vmem>>) semaphore(%arg11 : memref<!tpu.dma_semaphore, #tpu.memory_space<semaphore_mem>>) {add = true}
      %add3A_58 = arith.constant 2 : i32
      %add3A_59 = arith.addi %add3A_42, %add3A_58 : i32
      %sub3A = arith.constant 1 : i32
      %sub3A_60 = arith.subi %add3A_59, %sub3A : i32
      %lt3A = arith.constant 50 : i32
      %lt3A_61 = arith.cmpi slt, %sub3A_60, %lt3A : i32
      %convert_element_type3A = arith.extui %lt3A_61 : i1 to i32
      %cond3A = arith.constant 0 : i32
      %cond3A_62 = arith.cmpi ne, %convert_element_type3A, %cond3A : i32
      scf.if %cond3A_62 {
        %ge3A = arith.constant 1 : i32
        %ge3A_89 = arith.cmpi sge, %add3A_42, %ge3A : i32
        %convert_element_type3A_90 = arith.extui %ge3A_89 : i1 to i32
        %cond3A_91 = arith.constant 0 : i32
        %cond3A_92 = arith.cmpi ne, %convert_element_type3A_90, %cond3A_91 : i32
        scf.if %cond3A_92 {
          %sub3A_102 = arith.constant 1 : i32
          %sub3A_103 = arith.subi %add3A_42, %sub3A_102 : i32
          %dma_wait3A_104 = arith.constant 0 : i32
          %dma_wait3A_105 = tpu.memref_slice %arg6[%sub3A_103, %dma_wait3A_104] : memref<50x100xi32, #tpu.memory_space<vmem>> -> memref<1x100xi32, #tpu.memory_space<vmem>>
          %dma_wait3A_106 = tpu.memref_squeeze %dma_wait3A_105 : memref<1x100xi32, #tpu.memory_space<vmem>> -> memref<100xi32, #tpu.memory_space<vmem>>
          %dma_wait3A_107 = arith.constant 0 : i32
          %dma_wait3A_108 = arith.constant 0 : i32
          %dma_wait3A_109 = tpu.memref_slice %arg13[%dma_wait3A_107, %dma_wait3A_108] : memref<10240x128xf32, #tpu.memory_space<vmem_shared>> -> memref<10240x128xf32, #tpu.memory_space<vmem_shared>>
          tpu.wait_indirect_dma semaphore(%arg12 : memref<!tpu.dma_semaphore, #tpu.memory_space<semaphore_mem>>) src(%arg8 : memref<100x128xf32, #tpu.memory_space<vmem>>) dst(%dma_wait3A_109 : memref<10240x128xf32, #tpu.memory_space<vmem_shared>>)
        } else {
        }
        %add3A_93 = arith.addi %mul3A_2, %sub3A_60 : i32
        %dma_start3A_94 = arith.constant 0 : i32
        %dma_start3A_95 = arith.constant 0 : i32
        %dma_start3A_96 = tpu.memref_slice %arg2[%add3A_93, %dma_start3A_94, %dma_start3A_95] : memref<1600x100x128xf32, #tpu.memory_space<hbm>> -> memref<1x100x128xf32, #tpu.memory_space<hbm>>
        %dma_start3A_97 = tpu.memref_squeeze %dma_start3A_96 : memref<1x100x128xf32, #tpu.memory_space<hbm>> -> memref<100x128xf32, #tpu.memory_space<hbm>>
        %dma_start3A_98 = arith.constant 0 : i32
        %dma_start3A_99 = arith.constant 0 : i32
        %dma_start3A_100 = tpu.memref_slice %arg2[%add3A_93, %dma_start3A_98, %dma_start3A_99] : memref<1600x100x128xf32, #tpu.memory_space<hbm>> -> memref<1x100x128xf32, #tpu.memory_space<hbm>>
        %dma_start3A_101 = tpu.memref_squeeze %dma_start3A_100 : memref<1x100x128xf32, #tpu.memory_space<hbm>> -> memref<100x128xf32, #tpu.memory_space<hbm>>
        tpu.enqueue_dma source(%dma_start3A_101 : memref<100x128xf32, #tpu.memory_space<hbm>>) target(%arg8 : memref<100x128xf32, #tpu.memory_space<vmem>>) target_semaphore(%arg10 : memref<!tpu.dma_semaphore, #tpu.memory_space<semaphore_mem>>)
      } else {
      }
      %add3A_63 = arith.constant 1 : i32
      %add3A_64 = arith.addi %mul3A_40, %add3A_63 : i32
      %add3A_65 = arith.addi %mul3A_2, %add3A_64 : i32
      %dma_wait3A_66 = arith.constant 0 : i32
      %dma_wait3A_67 = arith.constant 0 : i32
      %dma_wait3A_68 = tpu.memref_slice %arg2[%add3A_65, %dma_wait3A_66, %dma_wait3A_67] : memref<1600x100x128xf32, #tpu.memory_space<hbm>> -> memref<1x100x128xf32, #tpu.memory_space<hbm>>
      %dma_wait3A_69 = tpu.memref_squeeze %dma_wait3A_68 : memref<1x100x128xf32, #tpu.memory_space<hbm>> -> memref<100x128xf32, #tpu.memory_space<hbm>>
      %dma_wait3A_70 = arith.constant 0 : i32
      %dma_wait3A_71 = arith.constant 0 : i32
      %dma_wait3A_72 = tpu.memref_slice %arg2[%add3A_65, %dma_wait3A_70, %dma_wait3A_71] : memref<1600x100x128xf32, #tpu.memory_space<hbm>> -> memref<1x100x128xf32, #tpu.memory_space<hbm>>
      %dma_wait3A_73 = tpu.memref_squeeze %dma_wait3A_72 : memref<1x100x128xf32, #tpu.memory_space<hbm>> -> memref<100x128xf32, #tpu.memory_space<hbm>>
      tpu.wait_dma2 semaphore(%arg10 : memref<!tpu.dma_semaphore, #tpu.memory_space<semaphore_mem>>) src(%dma_wait3A_73 : memref<100x128xf32, #tpu.memory_space<hbm>>) dst(%arg8 : memref<100x128xf32, #tpu.memory_space<vmem>>)
      %dma_start3A_74 = arith.constant 0 : i32
      %dma_start3A_75 = tpu.memref_slice %arg6[%add3A_64, %dma_start3A_74] : memref<50x100xi32, #tpu.memory_space<vmem>> -> memref<1x100xi32, #tpu.memory_space<vmem>>
      %dma_start3A_76 = tpu.memref_squeeze %dma_start3A_75 : memref<1x100xi32, #tpu.memory_space<vmem>> -> memref<100xi32, #tpu.memory_space<vmem>>
      %dma_start3A_77 = arith.constant 0 : i32
      %dma_start3A_78 = arith.constant 0 : i32
      %dma_start3A_79 = tpu.memref_slice %arg13[%dma_start3A_77, %dma_start3A_78] : memref<10240x128xf32, #tpu.memory_space<vmem_shared>> -> memref<10240x128xf32, #tpu.memory_space<vmem_shared>>
      tpu.enqueue_indirect_dma source(%arg8 : memref<100x128xf32, #tpu.memory_space<vmem>>) target(%dma_start3A_79 : memref<10240x128xf32, #tpu.memory_space<vmem_shared>>) offsets(%dma_start3A_76 : memref<100xi32, #tpu.memory_space<vmem>>) semaphore(%arg12 : memref<!tpu.dma_semaphore, #tpu.memory_space<semaphore_mem>>) {add = true}
      %add3A_80 = arith.constant 2 : i32
      %add3A_81 = arith.addi %add3A_64, %add3A_80 : i32
      %sub3A_82 = arith.constant 1 : i32
      %sub3A_83 = arith.subi %add3A_81, %sub3A_82 : i32
      %lt3A_84 = arith.constant 50 : i32
      %lt3A_85 = arith.cmpi slt, %sub3A_83, %lt3A_84 : i32
      %convert_element_type3A_86 = arith.extui %lt3A_85 : i1 to i32
      %cond3A_87 = arith.constant 0 : i32
      %cond3A_88 = arith.cmpi ne, %convert_element_type3A_86, %cond3A_87 : i32
      scf.if %cond3A_88 {
        %ge3A = arith.constant 1 : i32
        %ge3A_89 = arith.cmpi sge, %add3A_64, %ge3A : i32
        %convert_element_type3A_90 = arith.extui %ge3A_89 : i1 to i32
        %cond3A_91 = arith.constant 0 : i32
        %cond3A_92 = arith.cmpi ne, %convert_element_type3A_90, %cond3A_91 : i32
        scf.if %cond3A_92 {
          %sub3A_102 = arith.constant 1 : i32
          %sub3A_103 = arith.subi %add3A_64, %sub3A_102 : i32
          %dma_wait3A_104 = arith.constant 0 : i32
          %dma_wait3A_105 = tpu.memref_slice %arg6[%sub3A_103, %dma_wait3A_104] : memref<50x100xi32, #tpu.memory_space<vmem>> -> memref<1x100xi32, #tpu.memory_space<vmem>>
          %dma_wait3A_106 = tpu.memref_squeeze %dma_wait3A_105 : memref<1x100xi32, #tpu.memory_space<vmem>> -> memref<100xi32, #tpu.memory_space<vmem>>
          %dma_wait3A_107 = arith.constant 0 : i32
          %dma_wait3A_108 = arith.constant 0 : i32
          %dma_wait3A_109 = tpu.memref_slice %arg13[%dma_wait3A_107, %dma_wait3A_108] : memref<10240x128xf32, #tpu.memory_space<vmem_shared>> -> memref<10240x128xf32, #tpu.memory_space<vmem_shared>>
          tpu.wait_indirect_dma semaphore(%arg11 : memref<!tpu.dma_semaphore, #tpu.memory_space<semaphore_mem>>) src(%arg7 : memref<100x128xf32, #tpu.memory_space<vmem>>) dst(%dma_wait3A_109 : memref<10240x128xf32, #tpu.memory_space<vmem_shared>>)
        } else {
        }
        %add3A_93 = arith.addi %mul3A_2, %sub3A_83 : i32
        %dma_start3A_94 = arith.constant 0 : i32
        %dma_start3A_95 = arith.constant 0 : i32
        %dma_start3A_96 = tpu.memref_slice %arg2[%add3A_93, %dma_start3A_94, %dma_start3A_95] : memref<1600x100x128xf32, #tpu.memory_space<hbm>> -> memref<1x100x128xf32, #tpu.memory_space<hbm>>
        %dma_start3A_97 = tpu.memref_squeeze %dma_start3A_96 : memref<1x100x128xf32, #tpu.memory_space<hbm>> -> memref<100x128xf32, #tpu.memory_space<hbm>>
        %dma_start3A_98 = arith.constant 0 : i32
        %dma_start3A_99 = arith.constant 0 : i32
        %dma_start3A_100 = tpu.memref_slice %arg2[%add3A_93, %dma_start3A_98, %dma_start3A_99] : memref<1600x100x128xf32, #tpu.memory_space<hbm>> -> memref<1x100x128xf32, #tpu.memory_space<hbm>>
        %dma_start3A_101 = tpu.memref_squeeze %dma_start3A_100 : memref<1x100x128xf32, #tpu.memory_space<hbm>> -> memref<100x128xf32, #tpu.memory_space<hbm>>
        tpu.enqueue_dma source(%dma_start3A_101 : memref<100x128xf32, #tpu.memory_space<hbm>>) target(%arg7 : memref<100x128xf32, #tpu.memory_space<vmem>>) target_semaphore(%arg9 : memref<!tpu.dma_semaphore, #tpu.memory_space<semaphore_mem>>)
      } else {
      }
    }
    %scan3A_18 = arith.constant 25 : i32
    %dma_wait3A = arith.constant 48 : i32
    %dma_wait3A_19 = arith.constant 0 : i32
    %dma_wait3A_20 = tpu.memref_slice %arg6[%dma_wait3A, %dma_wait3A_19] : memref<50x100xi32, #tpu.memory_space<vmem>> -> memref<1x100xi32, #tpu.memory_space<vmem>>
    %dma_wait3A_21 = tpu.memref_squeeze %dma_wait3A_20 : memref<1x100xi32, #tpu.memory_space<vmem>> -> memref<100xi32, #tpu.memory_space<vmem>>
    %dma_wait3A_22 = arith.constant 0 : i32
    %dma_wait3A_23 = arith.constant 0 : i32
    %dma_wait3A_24 = tpu.memref_slice %arg13[%dma_wait3A_22, %dma_wait3A_23] : memref<10240x128xf32, #tpu.memory_space<vmem_shared>> -> memref<10240x128xf32, #tpu.memory_space<vmem_shared>>
    tpu.wait_indirect_dma semaphore(%arg11 : memref<!tpu.dma_semaphore, #tpu.memory_space<semaphore_mem>>) src(%arg7 : memref<100x128xf32, #tpu.memory_space<vmem>>) dst(%dma_wait3A_24 : memref<10240x128xf32, #tpu.memory_space<vmem_shared>>)
    %dma_wait3A_25 = arith.constant 49 : i32
    %dma_wait3A_26 = arith.constant 0 : i32
    %dma_wait3A_27 = tpu.memref_slice %arg6[%dma_wait3A_25, %dma_wait3A_26] : memref<50x100xi32, #tpu.memory_space<vmem>> -> memref<1x100xi32, #tpu.memory_space<vmem>>
    %dma_wait3A_28 = tpu.memref_squeeze %dma_wait3A_27 : memref<1x100xi32, #tpu.memory_space<vmem>> -> memref<100xi32, #tpu.memory_space<vmem>>
    %dma_wait3A_29 = arith.constant 0 : i32
    %dma_wait3A_30 = arith.constant 0 : i32
    %dma_wait3A_31 = tpu.memref_slice %arg13[%dma_wait3A_29, %dma_wait3A_30] : memref<10240x128xf32, #tpu.memory_space<vmem_shared>> -> memref<10240x128xf32, #tpu.memory_space<vmem_shared>>
    tpu.wait_indirect_dma semaphore(%arg12 : memref<!tpu.dma_semaphore, #tpu.memory_space<semaphore_mem>>) src(%arg8 : memref<100x128xf32, #tpu.memory_space<vmem>>) dst(%dma_wait3A_31 : memref<10240x128xf32, #tpu.memory_space<vmem_shared>>)
    %barrier3A_32 = arith.constant 0 : index
    tpu.barrier barrier_id(%barrier3A_32)
    %mul3A_33 = arith.constant 10240 : i32
    %mul3A_34 = arith.muli %arg0, %mul3A_33 : i32
    %mul3A_35 = arith.constant 640 : i32
    %mul3A_36 = arith.muli %arg1, %mul3A_35 : i32
    %add3A_37 = arith.addi %mul3A_34, %mul3A_36 : i32
    "tpu.region"() ({
      %run_scoped3A = tpu.sem_alloc : memref<!tpu.dma_semaphore, #tpu.memory_space<semaphore_mem>>
      %dma_start3A_38 = arith.constant 0 : i32
      %dma_start3A_39 = tpu.memref_slice %arg5[%add3A_37, %dma_start3A_38] : memref<20480x128xf32, #tpu.memory_space<hbm>> -> memref<640x128xf32, #tpu.memory_space<hbm>>
      %dma_start3A_40 = arith.constant 0 : i32
      %dma_start3A_41 = tpu.memref_slice %arg13[%mul3A_4, %dma_start3A_40] : memref<10240x128xf32, #tpu.memory_space<vmem_shared>> -> memref<640x128xf32, #tpu.memory_space<vmem_shared>>
      tpu.enqueue_dma source(%dma_start3A_41 : memref<640x128xf32, #tpu.memory_space<vmem_shared>>) target(%dma_start3A_39 : memref<640x128xf32, #tpu.memory_space<hbm>>) target_semaphore(%run_scoped3A : memref<!tpu.dma_semaphore, #tpu.memory_space<semaphore_mem>>)
      %dma_wait3A_42 = arith.constant 0 : i32
      %dma_wait3A_43 = tpu.memref_slice %arg5[%add3A_37, %dma_wait3A_42] : memref<20480x128xf32, #tpu.memory_space<hbm>> -> memref<640x128xf32, #tpu.memory_space<hbm>>
      %dma_wait3A_44 = arith.constant 0 : i32
      %dma_wait3A_45 = tpu.memref_slice %arg13[%mul3A_4, %dma_wait3A_44] : memref<10240x128xf32, #tpu.memory_space<vmem_shared>> -> memref<640x128xf32, #tpu.memory_space<vmem_shared>>
      tpu.wait_dma2 semaphore(%run_scoped3A : memref<!tpu.dma_semaphore, #tpu.memory_space<semaphore_mem>>) src(%dma_wait3A_45 : memref<640x128xf32, #tpu.memory_space<vmem_shared>>) dst(%dma_wait3A_43 : memref<640x128xf32, #tpu.memory_space<hbm>>)
      tpu.yield
    }) : () -> ()
    return
  }
}

#map = affine_map<(d0, d1) -> (0, 0)>
#map1 = affine_map<(d0, d1) -> (0, 0, 0, 0)>
module attributes {stable_mosaic.version = 14 : i64} {
  func.func @body(%arg0: i32, %arg1: i32, %arg2: memref<10240x128xf32, #tpu.memory_space<hbm>>, %arg3: memref<32x25x2x100xi32, #tpu.memory_space<hbm>>, %arg4: memref<160000x128xf32, #tpu.memory_space<hbm>>, %arg5: memref<25x2x100xi32, #tpu.memory_space<vmem>>, %arg6: memref<200x128xf32, #tpu.memory_space<vmem>>, %arg7: memref<200x128xf32, #tpu.memory_space<vmem>>, %arg8: memref<!tpu.dma_semaphore, #tpu.memory_space<semaphore_mem>>, %arg9: memref<!tpu.dma_semaphore, #tpu.memory_space<semaphore_mem>>, %arg10: memref<!tpu.dma_semaphore, #tpu.memory_space<semaphore_mem>>, %arg11: memref<!tpu.dma_semaphore, #tpu.memory_space<semaphore_mem>>) attributes {dimension_semantics = [#tpu.dimension_semantics<core_parallel>, #tpu.dimension_semantics<subcore_parallel>], iteration_bounds = array<i64: 2, 16>, scalar_prefetch = 0 : i64, scratch_operands = 7 : i64, tpu.core_type = #tpu.core_type<sc_vector_subcore>, window_params = [{transform_indices = #map}, {transform_indices = #map1}, {transform_indices = #map}]} {
    %mul3A = arith.constant 16 : i32
    %mul3A_0 = arith.muli %arg0, %mul3A : i32
    %add3A = arith.addi %mul3A_0, %arg1 : i32
    %mul3A_1 = arith.constant 5000 : i32
    %mul3A_2 = arith.muli %add3A, %mul3A_1 : i32
    "tpu.region"() ({
      %run_scoped3A = tpu.sem_alloc : memref<!tpu.dma_semaphore, #tpu.memory_space<semaphore_mem>>
      %dma_start3A_68 = arith.constant 0 : i32
      %dma_start3A_69 = arith.constant 0 : i32
      %dma_start3A_70 = arith.constant 0 : i32
      %dma_start3A_71 = tpu.memref_slice %arg3[%add3A, %dma_start3A_68, %dma_start3A_69, %dma_start3A_70] : memref<32x25x2x100xi32, #tpu.memory_space<hbm>> -> memref<1x25x2x100xi32, #tpu.memory_space<hbm>>
      %dma_start3A_72 = tpu.memref_squeeze %dma_start3A_71 : memref<1x25x2x100xi32, #tpu.memory_space<hbm>> -> memref<25x2x100xi32, #tpu.memory_space<hbm>>
      %dma_start3A_73 = arith.constant 0 : i32
      %dma_start3A_74 = arith.constant 0 : i32
      %dma_start3A_75 = arith.constant 0 : i32
      %dma_start3A_76 = tpu.memref_slice %arg3[%add3A, %dma_start3A_73, %dma_start3A_74, %dma_start3A_75] : memref<32x25x2x100xi32, #tpu.memory_space<hbm>> -> memref<1x25x2x100xi32, #tpu.memory_space<hbm>>
      %dma_start3A_77 = tpu.memref_squeeze %dma_start3A_76 : memref<1x25x2x100xi32, #tpu.memory_space<hbm>> -> memref<25x2x100xi32, #tpu.memory_space<hbm>>
      tpu.enqueue_dma source(%dma_start3A_77 : memref<25x2x100xi32, #tpu.memory_space<hbm>>) target(%arg5 : memref<25x2x100xi32, #tpu.memory_space<vmem>>) target_semaphore(%run_scoped3A : memref<!tpu.dma_semaphore, #tpu.memory_space<semaphore_mem>>)
      %dma_wait3A_78 = arith.constant 0 : i32
      %dma_wait3A_79 = arith.constant 0 : i32
      %dma_wait3A_80 = arith.constant 0 : i32
      %dma_wait3A_81 = tpu.memref_slice %arg3[%add3A, %dma_wait3A_78, %dma_wait3A_79, %dma_wait3A_80] : memref<32x25x2x100xi32, #tpu.memory_space<hbm>> -> memref<1x25x2x100xi32, #tpu.memory_space<hbm>>
      %dma_wait3A_82 = tpu.memref_squeeze %dma_wait3A_81 : memref<1x25x2x100xi32, #tpu.memory_space<hbm>> -> memref<25x2x100xi32, #tpu.memory_space<hbm>>
      %dma_wait3A_83 = arith.constant 0 : i32
      %dma_wait3A_84 = arith.constant 0 : i32
      %dma_wait3A_85 = arith.constant 0 : i32
      %dma_wait3A_86 = tpu.memref_slice %arg3[%add3A, %dma_wait3A_83, %dma_wait3A_84, %dma_wait3A_85] : memref<32x25x2x100xi32, #tpu.memory_space<hbm>> -> memref<1x25x2x100xi32, #tpu.memory_space<hbm>>
      %dma_wait3A_87 = tpu.memref_squeeze %dma_wait3A_86 : memref<1x25x2x100xi32, #tpu.memory_space<hbm>> -> memref<25x2x100xi32, #tpu.memory_space<hbm>>
      tpu.wait_dma2 semaphore(%run_scoped3A : memref<!tpu.dma_semaphore, #tpu.memory_space<semaphore_mem>>) src(%dma_wait3A_87 : memref<25x2x100xi32, #tpu.memory_space<hbm>>) dst(%arg5 : memref<25x2x100xi32, #tpu.memory_space<vmem>>)
      tpu.yield
    }) : () -> ()
    %dma_start3A = arith.constant 0 : i32
    %dma_start3A_3 = arith.constant 0 : i32
    %dma_start3A_4 = arith.constant 0 : i32
    %dma_start3A_5 = arith.constant 0 : i32
    %dma_start3A_6 = tpu.memref_slice %arg6[%dma_start3A_4, %dma_start3A_5] : memref<200x128xf32, #tpu.memory_space<vmem>> -> memref<100x128xf32, #tpu.memory_space<vmem>>
    %dma_start3A_7 = arith.constant 0 : i32
    %dma_start3A_8 = tpu.memref_slice %arg5[%dma_start3A, %dma_start3A_3, %dma_start3A_7] : memref<25x2x100xi32, #tpu.memory_space<vmem>> -> memref<1x1x100xi32, #tpu.memory_space<vmem>>
    %dma_start3A_9 = tpu.memref_squeeze %dma_start3A_8 : memref<1x1x100xi32, #tpu.memory_space<vmem>> -> memref<100xi32, #tpu.memory_space<vmem>>
    %dma_start3A_10 = arith.constant 0 : i32
    %dma_start3A_11 = arith.constant 0 : i32
    %dma_start3A_12 = tpu.memref_slice %arg2[%dma_start3A_10, %dma_start3A_11] : memref<10240x128xf32, #tpu.memory_space<hbm>> -> memref<10240x128xf32, #tpu.memory_space<hbm>>
    tpu.enqueue_indirect_dma source(%dma_start3A_12 : memref<10240x128xf32, #tpu.memory_space<hbm>>) target(%dma_start3A_6 : memref<100x128xf32, #tpu.memory_space<vmem>>) offsets(%dma_start3A_9 : memref<100xi32, #tpu.memory_space<vmem>>) semaphore(%arg8 : memref<!tpu.dma_semaphore, #tpu.memory_space<semaphore_mem>>)
    %dma_start3A_13 = arith.constant 0 : i32
    %dma_start3A_14 = arith.constant 1 : i32
    %dma_start3A_15 = arith.constant 100 : i32
    %dma_start3A_16 = arith.constant 0 : i32
    %dma_start3A_17 = tpu.memref_slice %arg6[%dma_start3A_15, %dma_start3A_16] : memref<200x128xf32, #tpu.memory_space<vmem>> -> memref<100x128xf32, #tpu.memory_space<vmem>>
    %dma_start3A_18 = arith.constant 0 : i32
    %dma_start3A_19 = tpu.memref_slice %arg5[%dma_start3A_13, %dma_start3A_14, %dma_start3A_18] : memref<25x2x100xi32, #tpu.memory_space<vmem>> -> memref<1x1x100xi32, #tpu.memory_space<vmem>>
    %dma_start3A_20 = tpu.memref_squeeze %dma_start3A_19 : memref<1x1x100xi32, #tpu.memory_space<vmem>> -> memref<100xi32, #tpu.memory_space<vmem>>
    %dma_start3A_21 = arith.constant 0 : i32
    %dma_start3A_22 = arith.constant 0 : i32
    %dma_start3A_23 = tpu.memref_slice %arg2[%dma_start3A_21, %dma_start3A_22] : memref<10240x128xf32, #tpu.memory_space<hbm>> -> memref<10240x128xf32, #tpu.memory_space<hbm>>
    tpu.enqueue_indirect_dma source(%dma_start3A_23 : memref<10240x128xf32, #tpu.memory_space<hbm>>) target(%dma_start3A_17 : memref<100x128xf32, #tpu.memory_space<vmem>>) offsets(%dma_start3A_20 : memref<100xi32, #tpu.memory_space<vmem>>) semaphore(%arg8 : memref<!tpu.dma_semaphore, #tpu.memory_space<semaphore_mem>>)
    %scan3A = arith.constant 0 : i32
    %scan3A_24 = arith.constant 0 : i32
    %scan3A_25 = arith.constant 12 : i32
    %scan3A_26 = arith.addi %scan3A_24, %scan3A_25 : i32
    %scan3A_27 = arith.constant 1 : i32
    scf.for %scan3A_68 = %scan3A_24 to %scan3A_26 step %scan3A_27  : i32 {
      %mul3A_69 = arith.constant 2 : i32
      %mul3A_70 = arith.muli %mul3A_69, %scan3A_68 : i32
      %dma_wait3A_71 = arith.constant 0 : i32
      %dma_wait3A_72 = arith.constant 0 : i32
      %dma_wait3A_73 = arith.constant 0 : i32
      %dma_wait3A_74 = tpu.memref_slice %arg6[%dma_wait3A_72, %dma_wait3A_73] : memref<200x128xf32, #tpu.memory_space<vmem>> -> memref<100x128xf32, #tpu.memory_space<vmem>>
      %dma_wait3A_75 = arith.constant 0 : i32
      %dma_wait3A_76 = tpu.memref_slice %arg5[%mul3A_70, %dma_wait3A_71, %dma_wait3A_75] : memref<25x2x100xi32, #tpu.memory_space<vmem>> -> memref<1x1x100xi32, #tpu.memory_space<vmem>>
      %dma_wait3A_77 = tpu.memref_squeeze %dma_wait3A_76 : memref<1x1x100xi32, #tpu.memory_space<vmem>> -> memref<100xi32, #tpu.memory_space<vmem>>
      %dma_wait3A_78 = arith.constant 0 : i32
      %dma_wait3A_79 = arith.constant 0 : i32
      %dma_wait3A_80 = tpu.memref_slice %arg2[%dma_wait3A_78, %dma_wait3A_79] : memref<10240x128xf32, #tpu.memory_space<hbm>> -> memref<10240x128xf32, #tpu.memory_space<hbm>>
      tpu.wait_indirect_dma semaphore(%arg8 : memref<!tpu.dma_semaphore, #tpu.memory_space<semaphore_mem>>) src(%dma_wait3A_80 : memref<10240x128xf32, #tpu.memory_space<hbm>>) dst(%dma_wait3A_74 : memref<100x128xf32, #tpu.memory_space<vmem>>)
      %dma_wait3A_81 = arith.constant 1 : i32
      %dma_wait3A_82 = arith.constant 100 : i32
      %dma_wait3A_83 = arith.constant 0 : i32
      %dma_wait3A_84 = tpu.memref_slice %arg6[%dma_wait3A_82, %dma_wait3A_83] : memref<200x128xf32, #tpu.memory_space<vmem>> -> memref<100x128xf32, #tpu.memory_space<vmem>>
      %dma_wait3A_85 = arith.constant 0 : i32
      %dma_wait3A_86 = tpu.memref_slice %arg5[%mul3A_70, %dma_wait3A_81, %dma_wait3A_85] : memref<25x2x100xi32, #tpu.memory_space<vmem>> -> memref<1x1x100xi32, #tpu.memory_space<vmem>>
      %dma_wait3A_87 = tpu.memref_squeeze %dma_wait3A_86 : memref<1x1x100xi32, #tpu.memory_space<vmem>> -> memref<100xi32, #tpu.memory_space<vmem>>
      %dma_wait3A_88 = arith.constant 0 : i32
      %dma_wait3A_89 = arith.constant 0 : i32
      %dma_wait3A_90 = tpu.memref_slice %arg2[%dma_wait3A_88, %dma_wait3A_89] : memref<10240x128xf32, #tpu.memory_space<hbm>> -> memref<10240x128xf32, #tpu.memory_space<hbm>>
      tpu.wait_indirect_dma semaphore(%arg8 : memref<!tpu.dma_semaphore, #tpu.memory_space<semaphore_mem>>) src(%dma_wait3A_90 : memref<10240x128xf32, #tpu.memory_space<hbm>>) dst(%dma_wait3A_84 : memref<100x128xf32, #tpu.memory_space<vmem>>)
      %ge3A = arith.constant 1 : i32
      %ge3A_91 = arith.cmpi sge, %scan3A_68, %ge3A : i32
      %convert_element_type3A = arith.extui %ge3A_91 : i1 to i32
      %cond3A = arith.constant 0 : i32
      %cond3A_92 = arith.cmpi ne, %convert_element_type3A, %cond3A : i32
      scf.if %cond3A_92 {
        %sub3A = arith.constant 1 : i32
        %sub3A_159 = arith.subi %mul3A_70, %sub3A : i32
        %mul3A_160 = arith.constant 200 : i32
        %mul3A_161 = arith.muli %sub3A_159, %mul3A_160 : i32
        %add3A_162 = arith.addi %mul3A_2, %mul3A_161 : i32
        %dma_wait3A_163 = arith.constant 0 : i32
        %dma_wait3A_164 = tpu.memref_slice %arg4[%add3A_162, %dma_wait3A_163] : memref<160000x128xf32, #tpu.memory_space<hbm>> -> memref<200x128xf32, #tpu.memory_space<hbm>>
        %dma_wait3A_165 = arith.constant 0 : i32
        %dma_wait3A_166 = tpu.memref_slice %arg4[%add3A_162, %dma_wait3A_165] : memref<160000x128xf32, #tpu.memory_space<hbm>> -> memref<200x128xf32, #tpu.memory_space<hbm>>
        tpu.wait_dma2 semaphore(%arg11 : memref<!tpu.dma_semaphore, #tpu.memory_space<semaphore_mem>>) src(%arg7 : memref<200x128xf32, #tpu.memory_space<vmem>>) dst(%dma_wait3A_166 : memref<200x128xf32, #tpu.memory_space<hbm>>)
      } else {
      }
      %add3A_93 = arith.constant 1 : i32
      %add3A_94 = arith.addi %mul3A_70, %add3A_93 : i32
      %dma_start3A_95 = arith.constant 0 : i32
      %dma_start3A_96 = arith.constant 0 : i32
      %dma_start3A_97 = arith.constant 0 : i32
      %dma_start3A_98 = tpu.memref_slice %arg7[%dma_start3A_96, %dma_start3A_97] : memref<200x128xf32, #tpu.memory_space<vmem>> -> memref<100x128xf32, #tpu.memory_space<vmem>>
      %dma_start3A_99 = arith.constant 0 : i32
      %dma_start3A_100 = tpu.memref_slice %arg5[%add3A_94, %dma_start3A_95, %dma_start3A_99] : memref<25x2x100xi32, #tpu.memory_space<vmem>> -> memref<1x1x100xi32, #tpu.memory_space<vmem>>
      %dma_start3A_101 = tpu.memref_squeeze %dma_start3A_100 : memref<1x1x100xi32, #tpu.memory_space<vmem>> -> memref<100xi32, #tpu.memory_space<vmem>>
      %dma_start3A_102 = arith.constant 0 : i32
      %dma_start3A_103 = arith.constant 0 : i32
      %dma_start3A_104 = tpu.memref_slice %arg2[%dma_start3A_102, %dma_start3A_103] : memref<10240x128xf32, #tpu.memory_space<hbm>> -> memref<10240x128xf32, #tpu.memory_space<hbm>>
      tpu.enqueue_indirect_dma source(%dma_start3A_104 : memref<10240x128xf32, #tpu.memory_space<hbm>>) target(%dma_start3A_98 : memref<100x128xf32, #tpu.memory_space<vmem>>) offsets(%dma_start3A_101 : memref<100xi32, #tpu.memory_space<vmem>>) semaphore(%arg9 : memref<!tpu.dma_semaphore, #tpu.memory_space<semaphore_mem>>)
      %dma_start3A_105 = arith.constant 1 : i32
      %dma_start3A_106 = arith.constant 100 : i32
      %dma_start3A_107 = arith.constant 0 : i32
      %dma_start3A_108 = tpu.memref_slice %arg7[%dma_start3A_106, %dma_start3A_107] : memref<200x128xf32, #tpu.memory_space<vmem>> -> memref<100x128xf32, #tpu.memory_space<vmem>>
      %dma_start3A_109 = arith.constant 0 : i32
      %dma_start3A_110 = tpu.memref_slice %arg5[%add3A_94, %dma_start3A_105, %dma_start3A_109] : memref<25x2x100xi32, #tpu.memory_space<vmem>> -> memref<1x1x100xi32, #tpu.memory_space<vmem>>
      %dma_start3A_111 = tpu.memref_squeeze %dma_start3A_110 : memref<1x1x100xi32, #tpu.memory_space<vmem>> -> memref<100xi32, #tpu.memory_space<vmem>>
      %dma_start3A_112 = arith.constant 0 : i32
      %dma_start3A_113 = arith.constant 0 : i32
      %dma_start3A_114 = tpu.memref_slice %arg2[%dma_start3A_112, %dma_start3A_113] : memref<10240x128xf32, #tpu.memory_space<hbm>> -> memref<10240x128xf32, #tpu.memory_space<hbm>>
      tpu.enqueue_indirect_dma source(%dma_start3A_114 : memref<10240x128xf32, #tpu.memory_space<hbm>>) target(%dma_start3A_108 : memref<100x128xf32, #tpu.memory_space<vmem>>) offsets(%dma_start3A_111 : memref<100xi32, #tpu.memory_space<vmem>>) semaphore(%arg9 : memref<!tpu.dma_semaphore, #tpu.memory_space<semaphore_mem>>)
      %mul3A_115 = arith.constant 200 : i32
      %mul3A_116 = arith.muli %mul3A_70, %mul3A_115 : i32
      %add3A_117 = arith.addi %mul3A_2, %mul3A_116 : i32
      %dma_start3A_118 = arith.constant 0 : i32
      %dma_start3A_119 = tpu.memref_slice %arg4[%add3A_117, %dma_start3A_118] : memref<160000x128xf32, #tpu.memory_space<hbm>> -> memref<200x128xf32, #tpu.memory_space<hbm>>
      %dma_start3A_120 = arith.constant 0 : i32
      %dma_start3A_121 = tpu.memref_slice %arg4[%add3A_117, %dma_start3A_120] : memref<160000x128xf32, #tpu.memory_space<hbm>> -> memref<200x128xf32, #tpu.memory_space<hbm>>
      tpu.enqueue_dma source(%arg6 : memref<200x128xf32, #tpu.memory_space<vmem>>) target(%dma_start3A_121 : memref<200x128xf32, #tpu.memory_space<hbm>>) target_semaphore(%arg10 : memref<!tpu.dma_semaphore, #tpu.memory_space<semaphore_mem>>)
      %add3A_122 = arith.constant 1 : i32
      %add3A_123 = arith.addi %mul3A_70, %add3A_122 : i32
      %dma_wait3A_124 = arith.constant 0 : i32
      %dma_wait3A_125 = arith.constant 0 : i32
      %dma_wait3A_126 = arith.constant 0 : i32
      %dma_wait3A_127 = tpu.memref_slice %arg7[%dma_wait3A_125, %dma_wait3A_126] : memref<200x128xf32, #tpu.memory_space<vmem>> -> memref<100x128xf32, #tpu.memory_space<vmem>>
      %dma_wait3A_128 = arith.constant 0 : i32
      %dma_wait3A_129 = tpu.memref_slice %arg5[%add3A_123, %dma_wait3A_124, %dma_wait3A_128] : memref<25x2x100xi32, #tpu.memory_space<vmem>> -> memref<1x1x100xi32, #tpu.memory_space<vmem>>
      %dma_wait3A_130 = tpu.memref_squeeze %dma_wait3A_129 : memref<1x1x100xi32, #tpu.memory_space<vmem>> -> memref<100xi32, #tpu.memory_space<vmem>>
      %dma_wait3A_131 = arith.constant 0 : i32
      %dma_wait3A_132 = arith.constant 0 : i32
      %dma_wait3A_133 = tpu.memref_slice %arg2[%dma_wait3A_131, %dma_wait3A_132] : memref<10240x128xf32, #tpu.memory_space<hbm>> -> memref<10240x128xf32, #tpu.memory_space<hbm>>
      tpu.wait_indirect_dma semaphore(%arg9 : memref<!tpu.dma_semaphore, #tpu.memory_space<semaphore_mem>>) src(%dma_wait3A_133 : memref<10240x128xf32, #tpu.memory_space<hbm>>) dst(%dma_wait3A_127 : memref<100x128xf32, #tpu.memory_space<vmem>>)
      %dma_wait3A_134 = arith.constant 1 : i32
      %dma_wait3A_135 = arith.constant 100 : i32
      %dma_wait3A_136 = arith.constant 0 : i32
      %dma_wait3A_137 = tpu.memref_slice %arg7[%dma_wait3A_135, %dma_wait3A_136] : memref<200x128xf32, #tpu.memory_space<vmem>> -> memref<100x128xf32, #tpu.memory_space<vmem>>
      %dma_wait3A_138 = arith.constant 0 : i32
      %dma_wait3A_139 = tpu.memref_slice %arg5[%add3A_123, %dma_wait3A_134, %dma_wait3A_138] : memref<25x2x100xi32, #tpu.memory_space<vmem>> -> memref<1x1x100xi32, #tpu.memory_space<vmem>>
      %dma_wait3A_140 = tpu.memref_squeeze %dma_wait3A_139 : memref<1x1x100xi32, #tpu.memory_space<vmem>> -> memref<100xi32, #tpu.memory_space<vmem>>
      %dma_wait3A_141 = arith.constant 0 : i32
      %dma_wait3A_142 = arith.constant 0 : i32
      %dma_wait3A_143 = tpu.memref_slice %arg2[%dma_wait3A_141, %dma_wait3A_142] : memref<10240x128xf32, #tpu.memory_space<hbm>> -> memref<10240x128xf32, #tpu.memory_space<hbm>>
      tpu.wait_indirect_dma semaphore(%arg9 : memref<!tpu.dma_semaphore, #tpu.memory_space<semaphore_mem>>) src(%dma_wait3A_143 : memref<10240x128xf32, #tpu.memory_space<hbm>>) dst(%dma_wait3A_137 : memref<100x128xf32, #tpu.memory_space<vmem>>)
      %add3A_144 = arith.constant 2 : i32
      %add3A_145 = arith.addi %mul3A_70, %add3A_144 : i32
      %lt3A = arith.constant 25 : i32
      %lt3A_146 = arith.cmpi slt, %add3A_145, %lt3A : i32
      %convert_element_type3A_147 = arith.extui %lt3A_146 : i1 to i32
      %cond3A_148 = arith.constant 0 : i32
      %cond3A_149 = arith.cmpi ne, %convert_element_type3A_147, %cond3A_148 : i32
      scf.if %cond3A_149 {
        %mul3A_159 = arith.constant 200 : i32
        %mul3A_160 = arith.muli %mul3A_70, %mul3A_159 : i32
        %add3A_161 = arith.addi %mul3A_2, %mul3A_160 : i32
        %dma_wait3A_162 = arith.constant 0 : i32
        %dma_wait3A_163 = tpu.memref_slice %arg4[%add3A_161, %dma_wait3A_162] : memref<160000x128xf32, #tpu.memory_space<hbm>> -> memref<200x128xf32, #tpu.memory_space<hbm>>
        %dma_wait3A_164 = arith.constant 0 : i32
        %dma_wait3A_165 = tpu.memref_slice %arg4[%add3A_161, %dma_wait3A_164] : memref<160000x128xf32, #tpu.memory_space<hbm>> -> memref<200x128xf32, #tpu.memory_space<hbm>>
        tpu.wait_dma2 semaphore(%arg10 : memref<!tpu.dma_semaphore, #tpu.memory_space<semaphore_mem>>) src(%arg6 : memref<200x128xf32, #tpu.memory_space<vmem>>) dst(%dma_wait3A_165 : memref<200x128xf32, #tpu.memory_space<hbm>>)
        %add3A_166 = arith.constant 2 : i32
        %add3A_167 = arith.addi %mul3A_70, %add3A_166 : i32
        %dma_start3A_168 = arith.constant 0 : i32
        %dma_start3A_169 = arith.constant 0 : i32
        %dma_start3A_170 = arith.constant 0 : i32
        %dma_start3A_171 = tpu.memref_slice %arg6[%dma_start3A_169, %dma_start3A_170] : memref<200x128xf32, #tpu.memory_space<vmem>> -> memref<100x128xf32, #tpu.memory_space<vmem>>
        %dma_start3A_172 = arith.constant 0 : i32
        %dma_start3A_173 = tpu.memref_slice %arg5[%add3A_167, %dma_start3A_168, %dma_start3A_172] : memref<25x2x100xi32, #tpu.memory_space<vmem>> -> memref<1x1x100xi32, #tpu.memory_space<vmem>>
        %dma_start3A_174 = tpu.memref_squeeze %dma_start3A_173 : memref<1x1x100xi32, #tpu.memory_space<vmem>> -> memref<100xi32, #tpu.memory_space<vmem>>
        %dma_start3A_175 = arith.constant 0 : i32
        %dma_start3A_176 = arith.constant 0 : i32
        %dma_start3A_177 = tpu.memref_slice %arg2[%dma_start3A_175, %dma_start3A_176] : memref<10240x128xf32, #tpu.memory_space<hbm>> -> memref<10240x128xf32, #tpu.memory_space<hbm>>
        tpu.enqueue_indirect_dma source(%dma_start3A_177 : memref<10240x128xf32, #tpu.memory_space<hbm>>) target(%dma_start3A_171 : memref<100x128xf32, #tpu.memory_space<vmem>>) offsets(%dma_start3A_174 : memref<100xi32, #tpu.memory_space<vmem>>) semaphore(%arg8 : memref<!tpu.dma_semaphore, #tpu.memory_space<semaphore_mem>>)
        %dma_start3A_178 = arith.constant 1 : i32
        %dma_start3A_179 = arith.constant 100 : i32
        %dma_start3A_180 = arith.constant 0 : i32
        %dma_start3A_181 = tpu.memref_slice %arg6[%dma_start3A_179, %dma_start3A_180] : memref<200x128xf32, #tpu.memory_space<vmem>> -> memref<100x128xf32, #tpu.memory_space<vmem>>
        %dma_start3A_182 = arith.constant 0 : i32
        %dma_start3A_183 = tpu.memref_slice %arg5[%add3A_167, %dma_start3A_178, %dma_start3A_182] : memref<25x2x100xi32, #tpu.memory_space<vmem>> -> memref<1x1x100xi32, #tpu.memory_space<vmem>>
        %dma_start3A_184 = tpu.memref_squeeze %dma_start3A_183 : memref<1x1x100xi32, #tpu.memory_space<vmem>> -> memref<100xi32, #tpu.memory_space<vmem>>
        %dma_start3A_185 = arith.constant 0 : i32
        %dma_start3A_186 = arith.constant 0 : i32
        %dma_start3A_187 = tpu.memref_slice %arg2[%dma_start3A_185, %dma_start3A_186] : memref<10240x128xf32, #tpu.memory_space<hbm>> -> memref<10240x128xf32, #tpu.memory_space<hbm>>
        tpu.enqueue_indirect_dma source(%dma_start3A_187 : memref<10240x128xf32, #tpu.memory_space<hbm>>) target(%dma_start3A_181 : memref<100x128xf32, #tpu.memory_space<vmem>>) offsets(%dma_start3A_184 : memref<100xi32, #tpu.memory_space<vmem>>) semaphore(%arg8 : memref<!tpu.dma_semaphore, #tpu.memory_space<semaphore_mem>>)
      } else {
      }
      %add3A_150 = arith.constant 1 : i32
      %add3A_151 = arith.addi %mul3A_70, %add3A_150 : i32
      %mul3A_152 = arith.constant 200 : i32
      %mul3A_153 = arith.muli %add3A_151, %mul3A_152 : i32
      %add3A_154 = arith.addi %mul3A_2, %mul3A_153 : i32
      %dma_start3A_155 = arith.constant 0 : i32
      %dma_start3A_156 = tpu.memref_slice %arg4[%add3A_154, %dma_start3A_155] : memref<160000x128xf32, #tpu.memory_space<hbm>> -> memref<200x128xf32, #tpu.memory_space<hbm>>
      %dma_start3A_157 = arith.constant 0 : i32
      %dma_start3A_158 = tpu.memref_slice %arg4[%add3A_154, %dma_start3A_157] : memref<160000x128xf32, #tpu.memory_space<hbm>> -> memref<200x128xf32, #tpu.memory_space<hbm>>
      tpu.enqueue_dma source(%arg7 : memref<200x128xf32, #tpu.memory_space<vmem>>) target(%dma_start3A_158 : memref<200x128xf32, #tpu.memory_space<hbm>>) target_semaphore(%arg11 : memref<!tpu.dma_semaphore, #tpu.memory_space<semaphore_mem>>)
    }
    %scan3A_28 = arith.constant 12 : i32
    %dma_wait3A = arith.constant 24 : i32
    %dma_wait3A_29 = arith.constant 0 : i32
    %dma_wait3A_30 = arith.constant 0 : i32
    %dma_wait3A_31 = arith.constant 0 : i32
    %dma_wait3A_32 = tpu.memref_slice %arg6[%dma_wait3A_30, %dma_wait3A_31] : memref<200x128xf32, #tpu.memory_space<vmem>> -> memref<100x128xf32, #tpu.memory_space<vmem>>
    %dma_wait3A_33 = arith.constant 0 : i32
    %dma_wait3A_34 = tpu.memref_slice %arg5[%dma_wait3A, %dma_wait3A_29, %dma_wait3A_33] : memref<25x2x100xi32, #tpu.memory_space<vmem>> -> memref<1x1x100xi32, #tpu.memory_space<vmem>>
    %dma_wait3A_35 = tpu.memref_squeeze %dma_wait3A_34 : memref<1x1x100xi32, #tpu.memory_space<vmem>> -> memref<100xi32, #tpu.memory_space<vmem>>
    %dma_wait3A_36 = arith.constant 0 : i32
    %dma_wait3A_37 = arith.constant 0 : i32
    %dma_wait3A_38 = tpu.memref_slice %arg2[%dma_wait3A_36, %dma_wait3A_37] : memref<10240x128xf32, #tpu.memory_space<hbm>> -> memref<10240x128xf32, #tpu.memory_space<hbm>>
    tpu.wait_indirect_dma semaphore(%arg8 : memref<!tpu.dma_semaphore, #tpu.memory_space<semaphore_mem>>) src(%dma_wait3A_38 : memref<10240x128xf32, #tpu.memory_space<hbm>>) dst(%dma_wait3A_32 : memref<100x128xf32, #tpu.memory_space<vmem>>)
    %dma_wait3A_39 = arith.constant 24 : i32
    %dma_wait3A_40 = arith.constant 1 : i32
    %dma_wait3A_41 = arith.constant 100 : i32
    %dma_wait3A_42 = arith.constant 0 : i32
    %dma_wait3A_43 = tpu.memref_slice %arg6[%dma_wait3A_41, %dma_wait3A_42] : memref<200x128xf32, #tpu.memory_space<vmem>> -> memref<100x128xf32, #tpu.memory_space<vmem>>
    %dma_wait3A_44 = arith.constant 0 : i32
    %dma_wait3A_45 = tpu.memref_slice %arg5[%dma_wait3A_39, %dma_wait3A_40, %dma_wait3A_44] : memref<25x2x100xi32, #tpu.memory_space<vmem>> -> memref<1x1x100xi32, #tpu.memory_space<vmem>>
    %dma_wait3A_46 = tpu.memref_squeeze %dma_wait3A_45 : memref<1x1x100xi32, #tpu.memory_space<vmem>> -> memref<100xi32, #tpu.memory_space<vmem>>
    %dma_wait3A_47 = arith.constant 0 : i32
    %dma_wait3A_48 = arith.constant 0 : i32
    %dma_wait3A_49 = tpu.memref_slice %arg2[%dma_wait3A_47, %dma_wait3A_48] : memref<10240x128xf32, #tpu.memory_space<hbm>> -> memref<10240x128xf32, #tpu.memory_space<hbm>>
    tpu.wait_indirect_dma semaphore(%arg8 : memref<!tpu.dma_semaphore, #tpu.memory_space<semaphore_mem>>) src(%dma_wait3A_49 : memref<10240x128xf32, #tpu.memory_space<hbm>>) dst(%dma_wait3A_43 : memref<100x128xf32, #tpu.memory_space<vmem>>)
    %add3A_50 = arith.constant 4800 : i32
    %add3A_51 = arith.addi %mul3A_2, %add3A_50 : i32
    %dma_start3A_52 = arith.constant 0 : i32
    %dma_start3A_53 = tpu.memref_slice %arg4[%add3A_51, %dma_start3A_52] : memref<160000x128xf32, #tpu.memory_space<hbm>> -> memref<200x128xf32, #tpu.memory_space<hbm>>
    %dma_start3A_54 = arith.constant 0 : i32
    %dma_start3A_55 = tpu.memref_slice %arg4[%add3A_51, %dma_start3A_54] : memref<160000x128xf32, #tpu.memory_space<hbm>> -> memref<200x128xf32, #tpu.memory_space<hbm>>
    tpu.enqueue_dma source(%arg6 : memref<200x128xf32, #tpu.memory_space<vmem>>) target(%dma_start3A_55 : memref<200x128xf32, #tpu.memory_space<hbm>>) target_semaphore(%arg10 : memref<!tpu.dma_semaphore, #tpu.memory_space<semaphore_mem>>)
    %add3A_56 = arith.constant 4600 : i32
    %add3A_57 = arith.addi %mul3A_2, %add3A_56 : i32
    %dma_wait3A_58 = arith.constant 0 : i32
    %dma_wait3A_59 = tpu.memref_slice %arg4[%add3A_57, %dma_wait3A_58] : memref<160000x128xf32, #tpu.memory_space<hbm>> -> memref<200x128xf32, #tpu.memory_space<hbm>>
    %dma_wait3A_60 = arith.constant 0 : i32
    %dma_wait3A_61 = tpu.memref_slice %arg4[%add3A_57, %dma_wait3A_60] : memref<160000x128xf32, #tpu.memory_space<hbm>> -> memref<200x128xf32, #tpu.memory_space<hbm>>
    tpu.wait_dma2 semaphore(%arg11 : memref<!tpu.dma_semaphore, #tpu.memory_space<semaphore_mem>>) src(%arg7 : memref<200x128xf32, #tpu.memory_space<vmem>>) dst(%dma_wait3A_61 : memref<200x128xf32, #tpu.memory_space<hbm>>)
    %add3A_62 = arith.constant 4800 : i32
    %add3A_63 = arith.addi %mul3A_2, %add3A_62 : i32
    %dma_wait3A_64 = arith.constant 0 : i32
    %dma_wait3A_65 = tpu.memref_slice %arg4[%add3A_63, %dma_wait3A_64] : memref<160000x128xf32, #tpu.memory_space<hbm>> -> memref<200x128xf32, #tpu.memory_space<hbm>>
    %dma_wait3A_66 = arith.constant 0 : i32
    %dma_wait3A_67 = tpu.memref_slice %arg4[%add3A_63, %dma_wait3A_66] : memref<160000x128xf32, #tpu.memory_space<hbm>> -> memref<200x128xf32, #tpu.memory_space<hbm>>
    tpu.wait_dma2 semaphore(%arg10 : memref<!tpu.dma_semaphore, #tpu.memory_space<semaphore_mem>>) src(%arg6 : memref<200x128xf32, #tpu.memory_space<vmem>>) dst(%dma_wait3A_67 : memref<200x128xf32, #tpu.memory_space<hbm>>)
    return
  }
}

#map = affine_map<(d0, d1) -> (0, 0)>
#map1 = affine_map<(d0, d1) -> (0, 0, 0, 0)>
module attributes {stable_mosaic.version = 14 : i64} {
  func.func @body(%arg0: i32, %arg1: i32, %arg2: memref<10240x128xf32, #tpu.memory_space<hbm>>, %arg3: memref<32x25x2x100xi32, #tpu.memory_space<hbm>>, %arg4: memref<160000x128xf32, #tpu.memory_space<hbm>>, %arg5: memref<25x2x100xi32, #tpu.memory_space<vmem>>, %arg6: memref<200x128xf32, #tpu.memory_space<vmem>>, %arg7: memref<200x128xf32, #tpu.memory_space<vmem>>, %arg8: memref<!tpu.dma_semaphore, #tpu.memory_space<semaphore_mem>>, %arg9: memref<!tpu.dma_semaphore, #tpu.memory_space<semaphore_mem>>, %arg10: memref<!tpu.dma_semaphore, #tpu.memory_space<semaphore_mem>>, %arg11: memref<!tpu.dma_semaphore, #tpu.memory_space<semaphore_mem>>) attributes {dimension_semantics = [#tpu.dimension_semantics<core_parallel>, #tpu.dimension_semantics<subcore_parallel>], iteration_bounds = array<i64: 2, 16>, scalar_prefetch = 0 : i64, scratch_operands = 7 : i64, tpu.core_type = #tpu.core_type<sc_vector_subcore>, window_params = [{transform_indices = #map}, {transform_indices = #map1}, {transform_indices = #map}]} {
    %mul3A = arith.constant 16 : i32
    %mul3A_0 = arith.muli %arg0, %mul3A : i32
    %add3A = arith.addi %mul3A_0, %arg1 : i32
    %mul3A_1 = arith.constant 5000 : i32
    %mul3A_2 = arith.muli %add3A, %mul3A_1 : i32
    "tpu.region"() ({
      %run_scoped3A = tpu.sem_alloc : memref<!tpu.dma_semaphore, #tpu.memory_space<semaphore_mem>>
      %dma_start3A_68 = arith.constant 0 : i32
      %dma_start3A_69 = arith.constant 0 : i32
      %dma_start3A_70 = arith.constant 0 : i32
      %dma_start3A_71 = tpu.memref_slice %arg3[%add3A, %dma_start3A_68, %dma_start3A_69, %dma_start3A_70] : memref<32x25x2x100xi32, #tpu.memory_space<hbm>> -> memref<1x25x2x100xi32, #tpu.memory_space<hbm>>
      %dma_start3A_72 = tpu.memref_squeeze %dma_start3A_71 : memref<1x25x2x100xi32, #tpu.memory_space<hbm>> -> memref<25x2x100xi32, #tpu.memory_space<hbm>>
      %dma_start3A_73 = arith.constant 0 : i32
      %dma_start3A_74 = arith.constant 0 : i32
      %dma_start3A_75 = arith.constant 0 : i32
      %dma_start3A_76 = tpu.memref_slice %arg3[%add3A, %dma_start3A_73, %dma_start3A_74, %dma_start3A_75] : memref<32x25x2x100xi32, #tpu.memory_space<hbm>> -> memref<1x25x2x100xi32, #tpu.memory_space<hbm>>
      %dma_start3A_77 = tpu.memref_squeeze %dma_start3A_76 : memref<1x25x2x100xi32, #tpu.memory_space<hbm>> -> memref<25x2x100xi32, #tpu.memory_space<hbm>>
      tpu.enqueue_dma source(%dma_start3A_77 : memref<25x2x100xi32, #tpu.memory_space<hbm>>) target(%arg5 : memref<25x2x100xi32, #tpu.memory_space<vmem>>) target_semaphore(%run_scoped3A : memref<!tpu.dma_semaphore, #tpu.memory_space<semaphore_mem>>)
      %dma_wait3A_78 = arith.constant 0 : i32
      %dma_wait3A_79 = arith.constant 0 : i32
      %dma_wait3A_80 = arith.constant 0 : i32
      %dma_wait3A_81 = tpu.memref_slice %arg3[%add3A, %dma_wait3A_78, %dma_wait3A_79, %dma_wait3A_80] : memref<32x25x2x100xi32, #tpu.memory_space<hbm>> -> memref<1x25x2x100xi32, #tpu.memory_space<hbm>>
      %dma_wait3A_82 = tpu.memref_squeeze %dma_wait3A_81 : memref<1x25x2x100xi32, #tpu.memory_space<hbm>> -> memref<25x2x100xi32, #tpu.memory_space<hbm>>
      %dma_wait3A_83 = arith.constant 0 : i32
      %dma_wait3A_84 = arith.constant 0 : i32
      %dma_wait3A_85 = arith.constant 0 : i32
      %dma_wait3A_86 = tpu.memref_slice %arg3[%add3A, %dma_wait3A_83, %dma_wait3A_84, %dma_wait3A_85] : memref<32x25x2x100xi32, #tpu.memory_space<hbm>> -> memref<1x25x2x100xi32, #tpu.memory_space<hbm>>
      %dma_wait3A_87 = tpu.memref_squeeze %dma_wait3A_86 : memref<1x25x2x100xi32, #tpu.memory_space<hbm>> -> memref<25x2x100xi32, #tpu.memory_space<hbm>>
      tpu.wait_dma2 semaphore(%run_scoped3A : memref<!tpu.dma_semaphore, #tpu.memory_space<semaphore_mem>>) src(%dma_wait3A_87 : memref<25x2x100xi32, #tpu.memory_space<hbm>>) dst(%arg5 : memref<25x2x100xi32, #tpu.memory_space<vmem>>)
      tpu.yield
    }) : () -> ()
    %dma_start3A = arith.constant 0 : i32
    %dma_start3A_3 = arith.constant 0 : i32
    %dma_start3A_4 = arith.constant 0 : i32
    %dma_start3A_5 = arith.constant 0 : i32
    %dma_start3A_6 = tpu.memref_slice %arg6[%dma_start3A_4, %dma_start3A_5] : memref<200x128xf32, #tpu.memory_space<vmem>> -> memref<100x128xf32, #tpu.memory_space<vmem>>
    %dma_start3A_7 = arith.constant 0 : i32
    %dma_start3A_8 = tpu.memref_slice %arg5[%dma_start3A, %dma_start3A_3, %dma_start3A_7] : memref<25x2x100xi32, #tpu.memory_space<vmem>> -> memref<1x1x100xi32, #tpu.memory_space<vmem>>
    %dma_start3A_9 = tpu.memref_squeeze %dma_start3A_8 : memref<1x1x100xi32, #tpu.memory_space<vmem>> -> memref<100xi32, #tpu.memory_space<vmem>>
    %dma_start3A_10 = arith.constant 0 : i32
    %dma_start3A_11 = arith.constant 0 : i32
    %dma_start3A_12 = tpu.memref_slice %arg2[%dma_start3A_10, %dma_start3A_11] : memref<10240x128xf32, #tpu.memory_space<hbm>> -> memref<10240x128xf32, #tpu.memory_space<hbm>>
    tpu.enqueue_indirect_dma source(%dma_start3A_12 : memref<10240x128xf32, #tpu.memory_space<hbm>>) target(%dma_start3A_6 : memref<100x128xf32, #tpu.memory_space<vmem>>) offsets(%dma_start3A_9 : memref<100xi32, #tpu.memory_space<vmem>>) semaphore(%arg8 : memref<!tpu.dma_semaphore, #tpu.memory_space<semaphore_mem>>)
    %dma_start3A_13 = arith.constant 0 : i32
    %dma_start3A_14 = arith.constant 1 : i32
    %dma_start3A_15 = arith.constant 100 : i32
    %dma_start3A_16 = arith.constant 0 : i32
    %dma_start3A_17 = tpu.memref_slice %arg6[%dma_start3A_15, %dma_start3A_16] : memref<200x128xf32, #tpu.memory_space<vmem>> -> memref<100x128xf32, #tpu.memory_space<vmem>>
    %dma_start3A_18 = arith.constant 0 : i32
    %dma_start3A_19 = tpu.memref_slice %arg5[%dma_start3A_13, %dma_start3A_14, %dma_start3A_18] : memref<25x2x100xi32, #tpu.memory_space<vmem>> -> memref<1x1x100xi32, #tpu.memory_space<vmem>>
    %dma_start3A_20 = tpu.memref_squeeze %dma_start3A_19 : memref<1x1x100xi32, #tpu.memory_space<vmem>> -> memref<100xi32, #tpu.memory_space<vmem>>
    %dma_start3A_21 = arith.constant 0 : i32
    %dma_start3A_22 = arith.constant 0 : i32
    %dma_start3A_23 = tpu.memref_slice %arg2[%dma_start3A_21, %dma_start3A_22] : memref<10240x128xf32, #tpu.memory_space<hbm>> -> memref<10240x128xf32, #tpu.memory_space<hbm>>
    tpu.enqueue_indirect_dma source(%dma_start3A_23 : memref<10240x128xf32, #tpu.memory_space<hbm>>) target(%dma_start3A_17 : memref<100x128xf32, #tpu.memory_space<vmem>>) offsets(%dma_start3A_20 : memref<100xi32, #tpu.memory_space<vmem>>) semaphore(%arg8 : memref<!tpu.dma_semaphore, #tpu.memory_space<semaphore_mem>>)
    %scan3A = arith.constant 0 : i32
    %scan3A_24 = arith.constant 0 : i32
    %scan3A_25 = arith.constant 12 : i32
    %scan3A_26 = arith.addi %scan3A_24, %scan3A_25 : i32
    %scan3A_27 = arith.constant 1 : i32
    scf.for %scan3A_68 = %scan3A_24 to %scan3A_26 step %scan3A_27  : i32 {
      %mul3A_69 = arith.constant 2 : i32
      %mul3A_70 = arith.muli %mul3A_69, %scan3A_68 : i32
      %dma_wait3A_71 = arith.constant 0 : i32
      %dma_wait3A_72 = arith.constant 0 : i32
      %dma_wait3A_73 = arith.constant 0 : i32
      %dma_wait3A_74 = tpu.memref_slice %arg6[%dma_wait3A_72, %dma_wait3A_73] : memref<200x128xf32, #tpu.memory_space<vmem>> -> memref<100x128xf32, #tpu.memory_space<vmem>>
      %dma_wait3A_75 = arith.constant 0 : i32
      %dma_wait3A_76 = tpu.memref_slice %arg5[%mul3A_70, %dma_wait3A_71, %dma_wait3A_75] : memref<25x2x100xi32, #tpu.memory_space<vmem>> -> memref<1x1x100xi32, #tpu.memory_space<vmem>>
      %dma_wait3A_77 = tpu.memref_squeeze %dma_wait3A_76 : memref<1x1x100xi32, #tpu.memory_space<vmem>> -> memref<100xi32, #tpu.memory_space<vmem>>
      %dma_wait3A_78 = arith.constant 0 : i32
      %dma_wait3A_79 = arith.constant 0 : i32
      %dma_wait3A_80 = tpu.memref_slice %arg2[%dma_wait3A_78, %dma_wait3A_79] : memref<10240x128xf32, #tpu.memory_space<hbm>> -> memref<10240x128xf32, #tpu.memory_space<hbm>>
      tpu.wait_indirect_dma semaphore(%arg8 : memref<!tpu.dma_semaphore, #tpu.memory_space<semaphore_mem>>) src(%dma_wait3A_80 : memref<10240x128xf32, #tpu.memory_space<hbm>>) dst(%dma_wait3A_74 : memref<100x128xf32, #tpu.memory_space<vmem>>)
      %dma_wait3A_81 = arith.constant 1 : i32
      %dma_wait3A_82 = arith.constant 100 : i32
      %dma_wait3A_83 = arith.constant 0 : i32
      %dma_wait3A_84 = tpu.memref_slice %arg6[%dma_wait3A_82, %dma_wait3A_83] : memref<200x128xf32, #tpu.memory_space<vmem>> -> memref<100x128xf32, #tpu.memory_space<vmem>>
      %dma_wait3A_85 = arith.constant 0 : i32
      %dma_wait3A_86 = tpu.memref_slice %arg5[%mul3A_70, %dma_wait3A_81, %dma_wait3A_85] : memref<25x2x100xi32, #tpu.memory_space<vmem>> -> memref<1x1x100xi32, #tpu.memory_space<vmem>>
      %dma_wait3A_87 = tpu.memref_squeeze %dma_wait3A_86 : memref<1x1x100xi32, #tpu.memory_space<vmem>> -> memref<100xi32, #tpu.memory_space<vmem>>
      %dma_wait3A_88 = arith.constant 0 : i32
      %dma_wait3A_89 = arith.constant 0 : i32
      %dma_wait3A_90 = tpu.memref_slice %arg2[%dma_wait3A_88, %dma_wait3A_89] : memref<10240x128xf32, #tpu.memory_space<hbm>> -> memref<10240x128xf32, #tpu.memory_space<hbm>>
      tpu.wait_indirect_dma semaphore(%arg8 : memref<!tpu.dma_semaphore, #tpu.memory_space<semaphore_mem>>) src(%dma_wait3A_90 : memref<10240x128xf32, #tpu.memory_space<hbm>>) dst(%dma_wait3A_84 : memref<100x128xf32, #tpu.memory_space<vmem>>)
      %ge3A = arith.constant 1 : i32
      %ge3A_91 = arith.cmpi sge, %scan3A_68, %ge3A : i32
      %convert_element_type3A = arith.extui %ge3A_91 : i1 to i32
      %cond3A = arith.constant 0 : i32
      %cond3A_92 = arith.cmpi ne, %convert_element_type3A, %cond3A : i32
      scf.if %cond3A_92 {
        %sub3A = arith.constant 1 : i32
        %sub3A_159 = arith.subi %mul3A_70, %sub3A : i32
        %mul3A_160 = arith.constant 200 : i32
        %mul3A_161 = arith.muli %sub3A_159, %mul3A_160 : i32
        %add3A_162 = arith.addi %mul3A_2, %mul3A_161 : i32
        %dma_wait3A_163 = arith.constant 0 : i32
        %dma_wait3A_164 = tpu.memref_slice %arg4[%add3A_162, %dma_wait3A_163] : memref<160000x128xf32, #tpu.memory_space<hbm>> -> memref<200x128xf32, #tpu.memory_space<hbm>>
        %dma_wait3A_165 = arith.constant 0 : i32
        %dma_wait3A_166 = tpu.memref_slice %arg4[%add3A_162, %dma_wait3A_165] : memref<160000x128xf32, #tpu.memory_space<hbm>> -> memref<200x128xf32, #tpu.memory_space<hbm>>
        tpu.wait_dma2 semaphore(%arg11 : memref<!tpu.dma_semaphore, #tpu.memory_space<semaphore_mem>>) src(%arg7 : memref<200x128xf32, #tpu.memory_space<vmem>>) dst(%dma_wait3A_166 : memref<200x128xf32, #tpu.memory_space<hbm>>)
      } else {
      }
      %add3A_93 = arith.constant 1 : i32
      %add3A_94 = arith.addi %mul3A_70, %add3A_93 : i32
      %dma_start3A_95 = arith.constant 0 : i32
      %dma_start3A_96 = arith.constant 0 : i32
      %dma_start3A_97 = arith.constant 0 : i32
      %dma_start3A_98 = tpu.memref_slice %arg7[%dma_start3A_96, %dma_start3A_97] : memref<200x128xf32, #tpu.memory_space<vmem>> -> memref<100x128xf32, #tpu.memory_space<vmem>>
      %dma_start3A_99 = arith.constant 0 : i32
      %dma_start3A_100 = tpu.memref_slice %arg5[%add3A_94, %dma_start3A_95, %dma_start3A_99] : memref<25x2x100xi32, #tpu.memory_space<vmem>> -> memref<1x1x100xi32, #tpu.memory_space<vmem>>
      %dma_start3A_101 = tpu.memref_squeeze %dma_start3A_100 : memref<1x1x100xi32, #tpu.memory_space<vmem>> -> memref<100xi32, #tpu.memory_space<vmem>>
      %dma_start3A_102 = arith.constant 0 : i32
      %dma_start3A_103 = arith.constant 0 : i32
      %dma_start3A_104 = tpu.memref_slice %arg2[%dma_start3A_102, %dma_start3A_103] : memref<10240x128xf32, #tpu.memory_space<hbm>> -> memref<10240x128xf32, #tpu.memory_space<hbm>>
      tpu.enqueue_indirect_dma source(%dma_start3A_104 : memref<10240x128xf32, #tpu.memory_space<hbm>>) target(%dma_start3A_98 : memref<100x128xf32, #tpu.memory_space<vmem>>) offsets(%dma_start3A_101 : memref<100xi32, #tpu.memory_space<vmem>>) semaphore(%arg9 : memref<!tpu.dma_semaphore, #tpu.memory_space<semaphore_mem>>)
      %dma_start3A_105 = arith.constant 1 : i32
      %dma_start3A_106 = arith.constant 100 : i32
      %dma_start3A_107 = arith.constant 0 : i32
      %dma_start3A_108 = tpu.memref_slice %arg7[%dma_start3A_106, %dma_start3A_107] : memref<200x128xf32, #tpu.memory_space<vmem>> -> memref<100x128xf32, #tpu.memory_space<vmem>>
      %dma_start3A_109 = arith.constant 0 : i32
      %dma_start3A_110 = tpu.memref_slice %arg5[%add3A_94, %dma_start3A_105, %dma_start3A_109] : memref<25x2x100xi32, #tpu.memory_space<vmem>> -> memref<1x1x100xi32, #tpu.memory_space<vmem>>
      %dma_start3A_111 = tpu.memref_squeeze %dma_start3A_110 : memref<1x1x100xi32, #tpu.memory_space<vmem>> -> memref<100xi32, #tpu.memory_space<vmem>>
      %dma_start3A_112 = arith.constant 0 : i32
      %dma_start3A_113 = arith.constant 0 : i32
      %dma_start3A_114 = tpu.memref_slice %arg2[%dma_start3A_112, %dma_start3A_113] : memref<10240x128xf32, #tpu.memory_space<hbm>> -> memref<10240x128xf32, #tpu.memory_space<hbm>>
      tpu.enqueue_indirect_dma source(%dma_start3A_114 : memref<10240x128xf32, #tpu.memory_space<hbm>>) target(%dma_start3A_108 : memref<100x128xf32, #tpu.memory_space<vmem>>) offsets(%dma_start3A_111 : memref<100xi32, #tpu.memory_space<vmem>>) semaphore(%arg9 : memref<!tpu.dma_semaphore, #tpu.memory_space<semaphore_mem>>)
      %mul3A_115 = arith.constant 200 : i32
      %mul3A_116 = arith.muli %mul3A_70, %mul3A_115 : i32
      %add3A_117 = arith.addi %mul3A_2, %mul3A_116 : i32
      %dma_start3A_118 = arith.constant 0 : i32
      %dma_start3A_119 = tpu.memref_slice %arg4[%add3A_117, %dma_start3A_118] : memref<160000x128xf32, #tpu.memory_space<hbm>> -> memref<200x128xf32, #tpu.memory_space<hbm>>
      %dma_start3A_120 = arith.constant 0 : i32
      %dma_start3A_121 = tpu.memref_slice %arg4[%add3A_117, %dma_start3A_120] : memref<160000x128xf32, #tpu.memory_space<hbm>> -> memref<200x128xf32, #tpu.memory_space<hbm>>
      tpu.enqueue_dma source(%arg6 : memref<200x128xf32, #tpu.memory_space<vmem>>) target(%dma_start3A_121 : memref<200x128xf32, #tpu.memory_space<hbm>>) target_semaphore(%arg10 : memref<!tpu.dma_semaphore, #tpu.memory_space<semaphore_mem>>)
      %add3A_122 = arith.constant 1 : i32
      %add3A_123 = arith.addi %mul3A_70, %add3A_122 : i32
      %dma_wait3A_124 = arith.constant 0 : i32
      %dma_wait3A_125 = arith.constant 0 : i32
      %dma_wait3A_126 = arith.constant 0 : i32
      %dma_wait3A_127 = tpu.memref_slice %arg7[%dma_wait3A_125, %dma_wait3A_126] : memref<200x128xf32, #tpu.memory_space<vmem>> -> memref<100x128xf32, #tpu.memory_space<vmem>>
      %dma_wait3A_128 = arith.constant 0 : i32
      %dma_wait3A_129 = tpu.memref_slice %arg5[%add3A_123, %dma_wait3A_124, %dma_wait3A_128] : memref<25x2x100xi32, #tpu.memory_space<vmem>> -> memref<1x1x100xi32, #tpu.memory_space<vmem>>
      %dma_wait3A_130 = tpu.memref_squeeze %dma_wait3A_129 : memref<1x1x100xi32, #tpu.memory_space<vmem>> -> memref<100xi32, #tpu.memory_space<vmem>>
      %dma_wait3A_131 = arith.constant 0 : i32
      %dma_wait3A_132 = arith.constant 0 : i32
      %dma_wait3A_133 = tpu.memref_slice %arg2[%dma_wait3A_131, %dma_wait3A_132] : memref<10240x128xf32, #tpu.memory_space<hbm>> -> memref<10240x128xf32, #tpu.memory_space<hbm>>
      tpu.wait_indirect_dma semaphore(%arg9 : memref<!tpu.dma_semaphore, #tpu.memory_space<semaphore_mem>>) src(%dma_wait3A_133 : memref<10240x128xf32, #tpu.memory_space<hbm>>) dst(%dma_wait3A_127 : memref<100x128xf32, #tpu.memory_space<vmem>>)
      %dma_wait3A_134 = arith.constant 1 : i32
      %dma_wait3A_135 = arith.constant 100 : i32
      %dma_wait3A_136 = arith.constant 0 : i32
      %dma_wait3A_137 = tpu.memref_slice %arg7[%dma_wait3A_135, %dma_wait3A_136] : memref<200x128xf32, #tpu.memory_space<vmem>> -> memref<100x128xf32, #tpu.memory_space<vmem>>
      %dma_wait3A_138 = arith.constant 0 : i32
      %dma_wait3A_139 = tpu.memref_slice %arg5[%add3A_123, %dma_wait3A_134, %dma_wait3A_138] : memref<25x2x100xi32, #tpu.memory_space<vmem>> -> memref<1x1x100xi32, #tpu.memory_space<vmem>>
      %dma_wait3A_140 = tpu.memref_squeeze %dma_wait3A_139 : memref<1x1x100xi32, #tpu.memory_space<vmem>> -> memref<100xi32, #tpu.memory_space<vmem>>
      %dma_wait3A_141 = arith.constant 0 : i32
      %dma_wait3A_142 = arith.constant 0 : i32
      %dma_wait3A_143 = tpu.memref_slice %arg2[%dma_wait3A_141, %dma_wait3A_142] : memref<10240x128xf32, #tpu.memory_space<hbm>> -> memref<10240x128xf32, #tpu.memory_space<hbm>>
      tpu.wait_indirect_dma semaphore(%arg9 : memref<!tpu.dma_semaphore, #tpu.memory_space<semaphore_mem>>) src(%dma_wait3A_143 : memref<10240x128xf32, #tpu.memory_space<hbm>>) dst(%dma_wait3A_137 : memref<100x128xf32, #tpu.memory_space<vmem>>)
      %add3A_144 = arith.constant 2 : i32
      %add3A_145 = arith.addi %mul3A_70, %add3A_144 : i32
      %lt3A = arith.constant 25 : i32
      %lt3A_146 = arith.cmpi slt, %add3A_145, %lt3A : i32
      %convert_element_type3A_147 = arith.extui %lt3A_146 : i1 to i32
      %cond3A_148 = arith.constant 0 : i32
      %cond3A_149 = arith.cmpi ne, %convert_element_type3A_147, %cond3A_148 : i32
      scf.if %cond3A_149 {
        %mul3A_159 = arith.constant 200 : i32
        %mul3A_160 = arith.muli %mul3A_70, %mul3A_159 : i32
        %add3A_161 = arith.addi %mul3A_2, %mul3A_160 : i32
        %dma_wait3A_162 = arith.constant 0 : i32
        %dma_wait3A_163 = tpu.memref_slice %arg4[%add3A_161, %dma_wait3A_162] : memref<160000x128xf32, #tpu.memory_space<hbm>> -> memref<200x128xf32, #tpu.memory_space<hbm>>
        %dma_wait3A_164 = arith.constant 0 : i32
        %dma_wait3A_165 = tpu.memref_slice %arg4[%add3A_161, %dma_wait3A_164] : memref<160000x128xf32, #tpu.memory_space<hbm>> -> memref<200x128xf32, #tpu.memory_space<hbm>>
        tpu.wait_dma2 semaphore(%arg10 : memref<!tpu.dma_semaphore, #tpu.memory_space<semaphore_mem>>) src(%arg6 : memref<200x128xf32, #tpu.memory_space<vmem>>) dst(%dma_wait3A_165 : memref<200x128xf32, #tpu.memory_space<hbm>>)
        %add3A_166 = arith.constant 2 : i32
        %add3A_167 = arith.addi %mul3A_70, %add3A_166 : i32
        %dma_start3A_168 = arith.constant 0 : i32
        %dma_start3A_169 = arith.constant 0 : i32
        %dma_start3A_170 = arith.constant 0 : i32
        %dma_start3A_171 = tpu.memref_slice %arg6[%dma_start3A_169, %dma_start3A_170] : memref<200x128xf32, #tpu.memory_space<vmem>> -> memref<100x128xf32, #tpu.memory_space<vmem>>
        %dma_start3A_172 = arith.constant 0 : i32
        %dma_start3A_173 = tpu.memref_slice %arg5[%add3A_167, %dma_start3A_168, %dma_start3A_172] : memref<25x2x100xi32, #tpu.memory_space<vmem>> -> memref<1x1x100xi32, #tpu.memory_space<vmem>>
        %dma_start3A_174 = tpu.memref_squeeze %dma_start3A_173 : memref<1x1x100xi32, #tpu.memory_space<vmem>> -> memref<100xi32, #tpu.memory_space<vmem>>
        %dma_start3A_175 = arith.constant 0 : i32
        %dma_start3A_176 = arith.constant 0 : i32
        %dma_start3A_177 = tpu.memref_slice %arg2[%dma_start3A_175, %dma_start3A_176] : memref<10240x128xf32, #tpu.memory_space<hbm>> -> memref<10240x128xf32, #tpu.memory_space<hbm>>
        tpu.enqueue_indirect_dma source(%dma_start3A_177 : memref<10240x128xf32, #tpu.memory_space<hbm>>) target(%dma_start3A_171 : memref<100x128xf32, #tpu.memory_space<vmem>>) offsets(%dma_start3A_174 : memref<100xi32, #tpu.memory_space<vmem>>) semaphore(%arg8 : memref<!tpu.dma_semaphore, #tpu.memory_space<semaphore_mem>>)
        %dma_start3A_178 = arith.constant 1 : i32
        %dma_start3A_179 = arith.constant 100 : i32
        %dma_start3A_180 = arith.constant 0 : i32
        %dma_start3A_181 = tpu.memref_slice %arg6[%dma_start3A_179, %dma_start3A_180] : memref<200x128xf32, #tpu.memory_space<vmem>> -> memref<100x128xf32, #tpu.memory_space<vmem>>
        %dma_start3A_182 = arith.constant 0 : i32
        %dma_start3A_183 = tpu.memref_slice %arg5[%add3A_167, %dma_start3A_178, %dma_start3A_182] : memref<25x2x100xi32, #tpu.memory_space<vmem>> -> memref<1x1x100xi32, #tpu.memory_space<vmem>>
        %dma_start3A_184 = tpu.memref_squeeze %dma_start3A_183 : memref<1x1x100xi32, #tpu.memory_space<vmem>> -> memref<100xi32, #tpu.memory_space<vmem>>
        %dma_start3A_185 = arith.constant 0 : i32
        %dma_start3A_186 = arith.constant 0 : i32
        %dma_start3A_187 = tpu.memref_slice %arg2[%dma_start3A_185, %dma_start3A_186] : memref<10240x128xf32, #tpu.memory_space<hbm>> -> memref<10240x128xf32, #tpu.memory_space<hbm>>
        tpu.enqueue_indirect_dma source(%dma_start3A_187 : memref<10240x128xf32, #tpu.memory_space<hbm>>) target(%dma_start3A_181 : memref<100x128xf32, #tpu.memory_space<vmem>>) offsets(%dma_start3A_184 : memref<100xi32, #tpu.memory_space<vmem>>) semaphore(%arg8 : memref<!tpu.dma_semaphore, #tpu.memory_space<semaphore_mem>>)
      } else {
      }
      %add3A_150 = arith.constant 1 : i32
      %add3A_151 = arith.addi %mul3A_70, %add3A_150 : i32
      %mul3A_152 = arith.constant 200 : i32
      %mul3A_153 = arith.muli %add3A_151, %mul3A_152 : i32
      %add3A_154 = arith.addi %mul3A_2, %mul3A_153 : i32
      %dma_start3A_155 = arith.constant 0 : i32
      %dma_start3A_156 = tpu.memref_slice %arg4[%add3A_154, %dma_start3A_155] : memref<160000x128xf32, #tpu.memory_space<hbm>> -> memref<200x128xf32, #tpu.memory_space<hbm>>
      %dma_start3A_157 = arith.constant 0 : i32
      %dma_start3A_158 = tpu.memref_slice %arg4[%add3A_154, %dma_start3A_157] : memref<160000x128xf32, #tpu.memory_space<hbm>> -> memref<200x128xf32, #tpu.memory_space<hbm>>
      tpu.enqueue_dma source(%arg7 : memref<200x128xf32, #tpu.memory_space<vmem>>) target(%dma_start3A_158 : memref<200x128xf32, #tpu.memory_space<hbm>>) target_semaphore(%arg11 : memref<!tpu.dma_semaphore, #tpu.memory_space<semaphore_mem>>)
    }
    %scan3A_28 = arith.constant 12 : i32
    %dma_wait3A = arith.constant 24 : i32
    %dma_wait3A_29 = arith.constant 0 : i32
    %dma_wait3A_30 = arith.constant 0 : i32
    %dma_wait3A_31 = arith.constant 0 : i32
    %dma_wait3A_32 = tpu.memref_slice %arg6[%dma_wait3A_30, %dma_wait3A_31] : memref<200x128xf32, #tpu.memory_space<vmem>> -> memref<100x128xf32, #tpu.memory_space<vmem>>
    %dma_wait3A_33 = arith.constant 0 : i32
    %dma_wait3A_34 = tpu.memref_slice %arg5[%dma_wait3A, %dma_wait3A_29, %dma_wait3A_33] : memref<25x2x100xi32, #tpu.memory_space<vmem>> -> memref<1x1x100xi32, #tpu.memory_space<vmem>>
    %dma_wait3A_35 = tpu.memref_squeeze %dma_wait3A_34 : memref<1x1x100xi32, #tpu.memory_space<vmem>> -> memref<100xi32, #tpu.memory_space<vmem>>
    %dma_wait3A_36 = arith.constant 0 : i32
    %dma_wait3A_37 = arith.constant 0 : i32
    %dma_wait3A_38 = tpu.memref_slice %arg2[%dma_wait3A_36, %dma_wait3A_37] : memref<10240x128xf32, #tpu.memory_space<hbm>> -> memref<10240x128xf32, #tpu.memory_space<hbm>>
    tpu.wait_indirect_dma semaphore(%arg8 : memref<!tpu.dma_semaphore, #tpu.memory_space<semaphore_mem>>) src(%dma_wait3A_38 : memref<10240x128xf32, #tpu.memory_space<hbm>>) dst(%dma_wait3A_32 : memref<100x128xf32, #tpu.memory_space<vmem>>)
    %dma_wait3A_39 = arith.constant 24 : i32
    %dma_wait3A_40 = arith.constant 1 : i32
    %dma_wait3A_41 = arith.constant 100 : i32
    %dma_wait3A_42 = arith.constant 0 : i32
    %dma_wait3A_43 = tpu.memref_slice %arg6[%dma_wait3A_41, %dma_wait3A_42] : memref<200x128xf32, #tpu.memory_space<vmem>> -> memref<100x128xf32, #tpu.memory_space<vmem>>
    %dma_wait3A_44 = arith.constant 0 : i32
    %dma_wait3A_45 = tpu.memref_slice %arg5[%dma_wait3A_39, %dma_wait3A_40, %dma_wait3A_44] : memref<25x2x100xi32, #tpu.memory_space<vmem>> -> memref<1x1x100xi32, #tpu.memory_space<vmem>>
    %dma_wait3A_46 = tpu.memref_squeeze %dma_wait3A_45 : memref<1x1x100xi32, #tpu.memory_space<vmem>> -> memref<100xi32, #tpu.memory_space<vmem>>
    %dma_wait3A_47 = arith.constant 0 : i32
    %dma_wait3A_48 = arith.constant 0 : i32
    %dma_wait3A_49 = tpu.memref_slice %arg2[%dma_wait3A_47, %dma_wait3A_48] : memref<10240x128xf32, #tpu.memory_space<hbm>> -> memref<10240x128xf32, #tpu.memory_space<hbm>>
    tpu.wait_indirect_dma semaphore(%arg8 : memref<!tpu.dma_semaphore, #tpu.memory_space<semaphore_mem>>) src(%dma_wait3A_49 : memref<10240x128xf32, #tpu.memory_space<hbm>>) dst(%dma_wait3A_43 : memref<100x128xf32, #tpu.memory_space<vmem>>)
    %add3A_50 = arith.constant 4800 : i32
    %add3A_51 = arith.addi %mul3A_2, %add3A_50 : i32
    %dma_start3A_52 = arith.constant 0 : i32
    %dma_start3A_53 = tpu.memref_slice %arg4[%add3A_51, %dma_start3A_52] : memref<160000x128xf32, #tpu.memory_space<hbm>> -> memref<200x128xf32, #tpu.memory_space<hbm>>
    %dma_start3A_54 = arith.constant 0 : i32
    %dma_start3A_55 = tpu.memref_slice %arg4[%add3A_51, %dma_start3A_54] : memref<160000x128xf32, #tpu.memory_space<hbm>> -> memref<200x128xf32, #tpu.memory_space<hbm>>
    tpu.enqueue_dma source(%arg6 : memref<200x128xf32, #tpu.memory_space<vmem>>) target(%dma_start3A_55 : memref<200x128xf32, #tpu.memory_space<hbm>>) target_semaphore(%arg10 : memref<!tpu.dma_semaphore, #tpu.memory_space<semaphore_mem>>)
    %add3A_56 = arith.constant 4600 : i32
    %add3A_57 = arith.addi %mul3A_2, %add3A_56 : i32
    %dma_wait3A_58 = arith.constant 0 : i32
    %dma_wait3A_59 = tpu.memref_slice %arg4[%add3A_57, %dma_wait3A_58] : memref<160000x128xf32, #tpu.memory_space<hbm>> -> memref<200x128xf32, #tpu.memory_space<hbm>>
    %dma_wait3A_60 = arith.constant 0 : i32
    %dma_wait3A_61 = tpu.memref_slice %arg4[%add3A_57, %dma_wait3A_60] : memref<160000x128xf32, #tpu.memory_space<hbm>> -> memref<200x128xf32, #tpu.memory_space<hbm>>
    tpu.wait_dma2 semaphore(%arg11 : memref<!tpu.dma_semaphore, #tpu.memory_space<semaphore_mem>>) src(%arg7 : memref<200x128xf32, #tpu.memory_space<vmem>>) dst(%dma_wait3A_61 : memref<200x128xf32, #tpu.memory_space<hbm>>)
    %add3A_62 = arith.constant 4800 : i32
    %add3A_63 = arith.addi %mul3A_2, %add3A_62 : i32
    %dma_wait3A_64 = arith.constant 0 : i32
    %dma_wait3A_65 = tpu.memref_slice %arg4[%add3A_63, %dma_wait3A_64] : memref<160000x128xf32, #tpu.memory_space<hbm>> -> memref<200x128xf32, #tpu.memory_space<hbm>>
    %dma_wait3A_66 = arith.constant 0 : i32
    %dma_wait3A_67 = tpu.memref_slice %arg4[%add3A_63, %dma_wait3A_66] : memref<160000x128xf32, #tpu.memory_space<hbm>> -> memref<200x128xf32, #tpu.memory_space<hbm>>
    tpu.wait_dma2 semaphore(%arg10 : memref<!tpu.dma_semaphore, #tpu.memory_space<semaphore_mem>>) src(%arg6 : memref<200x128xf32, #tpu.memory_space<vmem>>) dst(%dma_wait3A_67 : memref<200x128xf32, #tpu.memory_space<hbm>>)
    return
  }
}

#map = affine_map<(d0, d1) -> (0, 0)>
#map1 = affine_map<(d0, d1) -> (0, 0, 0, 0)>
module attributes {stable_mosaic.version = 14 : i64} {
  func.func @body(%arg0: i32, %arg1: i32, %arg2: memref<10240x128xf32, #tpu.memory_space<hbm>>, %arg3: memref<32x25x2x100xi32, #tpu.memory_space<hbm>>, %arg4: memref<160000x128xf32, #tpu.memory_space<hbm>>, %arg5: memref<25x2x100xi32, #tpu.memory_space<vmem>>, %arg6: memref<200x128xf32, #tpu.memory_space<vmem>>, %arg7: memref<200x128xf32, #tpu.memory_space<vmem>>, %arg8: memref<!tpu.dma_semaphore, #tpu.memory_space<semaphore_mem>>, %arg9: memref<!tpu.dma_semaphore, #tpu.memory_space<semaphore_mem>>, %arg10: memref<!tpu.dma_semaphore, #tpu.memory_space<semaphore_mem>>, %arg11: memref<!tpu.dma_semaphore, #tpu.memory_space<semaphore_mem>>) attributes {dimension_semantics = [#tpu.dimension_semantics<core_parallel>, #tpu.dimension_semantics<subcore_parallel>], iteration_bounds = array<i64: 2, 16>, scalar_prefetch = 0 : i64, scratch_operands = 7 : i64, tpu.core_type = #tpu.core_type<sc_vector_subcore>, window_params = [{transform_indices = #map}, {transform_indices = #map1}, {transform_indices = #map}]} {
    %mul3A = arith.constant 16 : i32
    %mul3A_0 = arith.muli %arg0, %mul3A : i32
    %add3A = arith.addi %mul3A_0, %arg1 : i32
    %mul3A_1 = arith.constant 5000 : i32
    %mul3A_2 = arith.muli %add3A, %mul3A_1 : i32
    "tpu.region"() ({
      %run_scoped3A = tpu.sem_alloc : memref<!tpu.dma_semaphore, #tpu.memory_space<semaphore_mem>>
      %dma_start3A_68 = arith.constant 0 : i32
      %dma_start3A_69 = arith.constant 0 : i32
      %dma_start3A_70 = arith.constant 0 : i32
      %dma_start3A_71 = tpu.memref_slice %arg3[%add3A, %dma_start3A_68, %dma_start3A_69, %dma_start3A_70] : memref<32x25x2x100xi32, #tpu.memory_space<hbm>> -> memref<1x25x2x100xi32, #tpu.memory_space<hbm>>
      %dma_start3A_72 = tpu.memref_squeeze %dma_start3A_71 : memref<1x25x2x100xi32, #tpu.memory_space<hbm>> -> memref<25x2x100xi32, #tpu.memory_space<hbm>>
      %dma_start3A_73 = arith.constant 0 : i32
      %dma_start3A_74 = arith.constant 0 : i32
      %dma_start3A_75 = arith.constant 0 : i32
      %dma_start3A_76 = tpu.memref_slice %arg3[%add3A, %dma_start3A_73, %dma_start3A_74, %dma_start3A_75] : memref<32x25x2x100xi32, #tpu.memory_space<hbm>> -> memref<1x25x2x100xi32, #tpu.memory_space<hbm>>
      %dma_start3A_77 = tpu.memref_squeeze %dma_start3A_76 : memref<1x25x2x100xi32, #tpu.memory_space<hbm>> -> memref<25x2x100xi32, #tpu.memory_space<hbm>>
      tpu.enqueue_dma source(%dma_start3A_77 : memref<25x2x100xi32, #tpu.memory_space<hbm>>) target(%arg5 : memref<25x2x100xi32, #tpu.memory_space<vmem>>) target_semaphore(%run_scoped3A : memref<!tpu.dma_semaphore, #tpu.memory_space<semaphore_mem>>)
      %dma_wait3A_78 = arith.constant 0 : i32
      %dma_wait3A_79 = arith.constant 0 : i32
      %dma_wait3A_80 = arith.constant 0 : i32
      %dma_wait3A_81 = tpu.memref_slice %arg3[%add3A, %dma_wait3A_78, %dma_wait3A_79, %dma_wait3A_80] : memref<32x25x2x100xi32, #tpu.memory_space<hbm>> -> memref<1x25x2x100xi32, #tpu.memory_space<hbm>>
      %dma_wait3A_82 = tpu.memref_squeeze %dma_wait3A_81 : memref<1x25x2x100xi32, #tpu.memory_space<hbm>> -> memref<25x2x100xi32, #tpu.memory_space<hbm>>
      %dma_wait3A_83 = arith.constant 0 : i32
      %dma_wait3A_84 = arith.constant 0 : i32
      %dma_wait3A_85 = arith.constant 0 : i32
      %dma_wait3A_86 = tpu.memref_slice %arg3[%add3A, %dma_wait3A_83, %dma_wait3A_84, %dma_wait3A_85] : memref<32x25x2x100xi32, #tpu.memory_space<hbm>> -> memref<1x25x2x100xi32, #tpu.memory_space<hbm>>
      %dma_wait3A_87 = tpu.memref_squeeze %dma_wait3A_86 : memref<1x25x2x100xi32, #tpu.memory_space<hbm>> -> memref<25x2x100xi32, #tpu.memory_space<hbm>>
      tpu.wait_dma2 semaphore(%run_scoped3A : memref<!tpu.dma_semaphore, #tpu.memory_space<semaphore_mem>>) src(%dma_wait3A_87 : memref<25x2x100xi32, #tpu.memory_space<hbm>>) dst(%arg5 : memref<25x2x100xi32, #tpu.memory_space<vmem>>)
      tpu.yield
    }) : () -> ()
    %dma_start3A = arith.constant 0 : i32
    %dma_start3A_3 = arith.constant 0 : i32
    %dma_start3A_4 = arith.constant 0 : i32
    %dma_start3A_5 = arith.constant 0 : i32
    %dma_start3A_6 = tpu.memref_slice %arg6[%dma_start3A_4, %dma_start3A_5] : memref<200x128xf32, #tpu.memory_space<vmem>> -> memref<100x128xf32, #tpu.memory_space<vmem>>
    %dma_start3A_7 = arith.constant 0 : i32
    %dma_start3A_8 = tpu.memref_slice %arg5[%dma_start3A, %dma_start3A_3, %dma_start3A_7] : memref<25x2x100xi32, #tpu.memory_space<vmem>> -> memref<1x1x100xi32, #tpu.memory_space<vmem>>
    %dma_start3A_9 = tpu.memref_squeeze %dma_start3A_8 : memref<1x1x100xi32, #tpu.memory_space<vmem>> -> memref<100xi32, #tpu.memory_space<vmem>>
    %dma_start3A_10 = arith.constant 0 : i32
    %dma_start3A_11 = arith.constant 0 : i32
    %dma_start3A_12 = tpu.memref_slice %arg2[%dma_start3A_10, %dma_start3A_11] : memref<10240x128xf32, #tpu.memory_space<hbm>> -> memref<10240x128xf32, #tpu.memory_space<hbm>>
    tpu.enqueue_indirect_dma source(%dma_start3A_12 : memref<10240x128xf32, #tpu.memory_space<hbm>>) target(%dma_start3A_6 : memref<100x128xf32, #tpu.memory_space<vmem>>) offsets(%dma_start3A_9 : memref<100xi32, #tpu.memory_space<vmem>>) semaphore(%arg8 : memref<!tpu.dma_semaphore, #tpu.memory_space<semaphore_mem>>)
    %dma_start3A_13 = arith.constant 0 : i32
    %dma_start3A_14 = arith.constant 1 : i32
    %dma_start3A_15 = arith.constant 100 : i32
    %dma_start3A_16 = arith.constant 0 : i32
    %dma_start3A_17 = tpu.memref_slice %arg6[%dma_start3A_15, %dma_start3A_16] : memref<200x128xf32, #tpu.memory_space<vmem>> -> memref<100x128xf32, #tpu.memory_space<vmem>>
    %dma_start3A_18 = arith.constant 0 : i32
    %dma_start3A_19 = tpu.memref_slice %arg5[%dma_start3A_13, %dma_start3A_14, %dma_start3A_18] : memref<25x2x100xi32, #tpu.memory_space<vmem>> -> memref<1x1x100xi32, #tpu.memory_space<vmem>>
    %dma_start3A_20 = tpu.memref_squeeze %dma_start3A_19 : memref<1x1x100xi32, #tpu.memory_space<vmem>> -> memref<100xi32, #tpu.memory_space<vmem>>
    %dma_start3A_21 = arith.constant 0 : i32
    %dma_start3A_22 = arith.constant 0 : i32
    %dma_start3A_23 = tpu.memref_slice %arg2[%dma_start3A_21, %dma_start3A_22] : memref<10240x128xf32, #tpu.memory_space<hbm>> -> memref<10240x128xf32, #tpu.memory_space<hbm>>
    tpu.enqueue_indirect_dma source(%dma_start3A_23 : memref<10240x128xf32, #tpu.memory_space<hbm>>) target(%dma_start3A_17 : memref<100x128xf32, #tpu.memory_space<vmem>>) offsets(%dma_start3A_20 : memref<100xi32, #tpu.memory_space<vmem>>) semaphore(%arg8 : memref<!tpu.dma_semaphore, #tpu.memory_space<semaphore_mem>>)
    %scan3A = arith.constant 0 : i32
    %scan3A_24 = arith.constant 0 : i32
    %scan3A_25 = arith.constant 12 : i32
    %scan3A_26 = arith.addi %scan3A_24, %scan3A_25 : i32
    %scan3A_27 = arith.constant 1 : i32
    scf.for %scan3A_68 = %scan3A_24 to %scan3A_26 step %scan3A_27  : i32 {
      %mul3A_69 = arith.constant 2 : i32
      %mul3A_70 = arith.muli %mul3A_69, %scan3A_68 : i32
      %dma_wait3A_71 = arith.constant 0 : i32
      %dma_wait3A_72 = arith.constant 0 : i32
      %dma_wait3A_73 = arith.constant 0 : i32
      %dma_wait3A_74 = tpu.memref_slice %arg6[%dma_wait3A_72, %dma_wait3A_73] : memref<200x128xf32, #tpu.memory_space<vmem>> -> memref<100x128xf32, #tpu.memory_space<vmem>>
      %dma_wait3A_75 = arith.constant 0 : i32
      %dma_wait3A_76 = tpu.memref_slice %arg5[%mul3A_70, %dma_wait3A_71, %dma_wait3A_75] : memref<25x2x100xi32, #tpu.memory_space<vmem>> -> memref<1x1x100xi32, #tpu.memory_space<vmem>>
      %dma_wait3A_77 = tpu.memref_squeeze %dma_wait3A_76 : memref<1x1x100xi32, #tpu.memory_space<vmem>> -> memref<100xi32, #tpu.memory_space<vmem>>
      %dma_wait3A_78 = arith.constant 0 : i32
      %dma_wait3A_79 = arith.constant 0 : i32
      %dma_wait3A_80 = tpu.memref_slice %arg2[%dma_wait3A_78, %dma_wait3A_79] : memref<10240x128xf32, #tpu.memory_space<hbm>> -> memref<10240x128xf32, #tpu.memory_space<hbm>>
      tpu.wait_indirect_dma semaphore(%arg8 : memref<!tpu.dma_semaphore, #tpu.memory_space<semaphore_mem>>) src(%dma_wait3A_80 : memref<10240x128xf32, #tpu.memory_space<hbm>>) dst(%dma_wait3A_74 : memref<100x128xf32, #tpu.memory_space<vmem>>)
      %dma_wait3A_81 = arith.constant 1 : i32
      %dma_wait3A_82 = arith.constant 100 : i32
      %dma_wait3A_83 = arith.constant 0 : i32
      %dma_wait3A_84 = tpu.memref_slice %arg6[%dma_wait3A_82, %dma_wait3A_83] : memref<200x128xf32, #tpu.memory_space<vmem>> -> memref<100x128xf32, #tpu.memory_space<vmem>>
      %dma_wait3A_85 = arith.constant 0 : i32
      %dma_wait3A_86 = tpu.memref_slice %arg5[%mul3A_70, %dma_wait3A_81, %dma_wait3A_85] : memref<25x2x100xi32, #tpu.memory_space<vmem>> -> memref<1x1x100xi32, #tpu.memory_space<vmem>>
      %dma_wait3A_87 = tpu.memref_squeeze %dma_wait3A_86 : memref<1x1x100xi32, #tpu.memory_space<vmem>> -> memref<100xi32, #tpu.memory_space<vmem>>
      %dma_wait3A_88 = arith.constant 0 : i32
      %dma_wait3A_89 = arith.constant 0 : i32
      %dma_wait3A_90 = tpu.memref_slice %arg2[%dma_wait3A_88, %dma_wait3A_89] : memref<10240x128xf32, #tpu.memory_space<hbm>> -> memref<10240x128xf32, #tpu.memory_space<hbm>>
      tpu.wait_indirect_dma semaphore(%arg8 : memref<!tpu.dma_semaphore, #tpu.memory_space<semaphore_mem>>) src(%dma_wait3A_90 : memref<10240x128xf32, #tpu.memory_space<hbm>>) dst(%dma_wait3A_84 : memref<100x128xf32, #tpu.memory_space<vmem>>)
      %ge3A = arith.constant 1 : i32
      %ge3A_91 = arith.cmpi sge, %scan3A_68, %ge3A : i32
      %convert_element_type3A = arith.extui %ge3A_91 : i1 to i32
      %cond3A = arith.constant 0 : i32
      %cond3A_92 = arith.cmpi ne, %convert_element_type3A, %cond3A : i32
      scf.if %cond3A_92 {
        %sub3A = arith.constant 1 : i32
        %sub3A_159 = arith.subi %mul3A_70, %sub3A : i32
        %mul3A_160 = arith.constant 200 : i32
        %mul3A_161 = arith.muli %sub3A_159, %mul3A_160 : i32
        %add3A_162 = arith.addi %mul3A_2, %mul3A_161 : i32
        %dma_wait3A_163 = arith.constant 0 : i32
        %dma_wait3A_164 = tpu.memref_slice %arg4[%add3A_162, %dma_wait3A_163] : memref<160000x128xf32, #tpu.memory_space<hbm>> -> memref<200x128xf32, #tpu.memory_space<hbm>>
        %dma_wait3A_165 = arith.constant 0 : i32
        %dma_wait3A_166 = tpu.memref_slice %arg4[%add3A_162, %dma_wait3A_165] : memref<160000x128xf32, #tpu.memory_space<hbm>> -> memref<200x128xf32, #tpu.memory_space<hbm>>
        tpu.wait_dma2 semaphore(%arg11 : memref<!tpu.dma_semaphore, #tpu.memory_space<semaphore_mem>>) src(%arg7 : memref<200x128xf32, #tpu.memory_space<vmem>>) dst(%dma_wait3A_166 : memref<200x128xf32, #tpu.memory_space<hbm>>)
      } else {
      }
      %add3A_93 = arith.constant 1 : i32
      %add3A_94 = arith.addi %mul3A_70, %add3A_93 : i32
      %dma_start3A_95 = arith.constant 0 : i32
      %dma_start3A_96 = arith.constant 0 : i32
      %dma_start3A_97 = arith.constant 0 : i32
      %dma_start3A_98 = tpu.memref_slice %arg7[%dma_start3A_96, %dma_start3A_97] : memref<200x128xf32, #tpu.memory_space<vmem>> -> memref<100x128xf32, #tpu.memory_space<vmem>>
      %dma_start3A_99 = arith.constant 0 : i32
      %dma_start3A_100 = tpu.memref_slice %arg5[%add3A_94, %dma_start3A_95, %dma_start3A_99] : memref<25x2x100xi32, #tpu.memory_space<vmem>> -> memref<1x1x100xi32, #tpu.memory_space<vmem>>
      %dma_start3A_101 = tpu.memref_squeeze %dma_start3A_100 : memref<1x1x100xi32, #tpu.memory_space<vmem>> -> memref<100xi32, #tpu.memory_space<vmem>>
      %dma_start3A_102 = arith.constant 0 : i32
      %dma_start3A_103 = arith.constant 0 : i32
      %dma_start3A_104 = tpu.memref_slice %arg2[%dma_start3A_102, %dma_start3A_103] : memref<10240x128xf32, #tpu.memory_space<hbm>> -> memref<10240x128xf32, #tpu.memory_space<hbm>>
      tpu.enqueue_indirect_dma source(%dma_start3A_104 : memref<10240x128xf32, #tpu.memory_space<hbm>>) target(%dma_start3A_98 : memref<100x128xf32, #tpu.memory_space<vmem>>) offsets(%dma_start3A_101 : memref<100xi32, #tpu.memory_space<vmem>>) semaphore(%arg9 : memref<!tpu.dma_semaphore, #tpu.memory_space<semaphore_mem>>)
      %dma_start3A_105 = arith.constant 1 : i32
      %dma_start3A_106 = arith.constant 100 : i32
      %dma_start3A_107 = arith.constant 0 : i32
      %dma_start3A_108 = tpu.memref_slice %arg7[%dma_start3A_106, %dma_start3A_107] : memref<200x128xf32, #tpu.memory_space<vmem>> -> memref<100x128xf32, #tpu.memory_space<vmem>>
      %dma_start3A_109 = arith.constant 0 : i32
      %dma_start3A_110 = tpu.memref_slice %arg5[%add3A_94, %dma_start3A_105, %dma_start3A_109] : memref<25x2x100xi32, #tpu.memory_space<vmem>> -> memref<1x1x100xi32, #tpu.memory_space<vmem>>
      %dma_start3A_111 = tpu.memref_squeeze %dma_start3A_110 : memref<1x1x100xi32, #tpu.memory_space<vmem>> -> memref<100xi32, #tpu.memory_space<vmem>>
      %dma_start3A_112 = arith.constant 0 : i32
      %dma_start3A_113 = arith.constant 0 : i32
      %dma_start3A_114 = tpu.memref_slice %arg2[%dma_start3A_112, %dma_start3A_113] : memref<10240x128xf32, #tpu.memory_space<hbm>> -> memref<10240x128xf32, #tpu.memory_space<hbm>>
      tpu.enqueue_indirect_dma source(%dma_start3A_114 : memref<10240x128xf32, #tpu.memory_space<hbm>>) target(%dma_start3A_108 : memref<100x128xf32, #tpu.memory_space<vmem>>) offsets(%dma_start3A_111 : memref<100xi32, #tpu.memory_space<vmem>>) semaphore(%arg9 : memref<!tpu.dma_semaphore, #tpu.memory_space<semaphore_mem>>)
      %mul3A_115 = arith.constant 200 : i32
      %mul3A_116 = arith.muli %mul3A_70, %mul3A_115 : i32
      %add3A_117 = arith.addi %mul3A_2, %mul3A_116 : i32
      %dma_start3A_118 = arith.constant 0 : i32
      %dma_start3A_119 = tpu.memref_slice %arg4[%add3A_117, %dma_start3A_118] : memref<160000x128xf32, #tpu.memory_space<hbm>> -> memref<200x128xf32, #tpu.memory_space<hbm>>
      %dma_start3A_120 = arith.constant 0 : i32
      %dma_start3A_121 = tpu.memref_slice %arg4[%add3A_117, %dma_start3A_120] : memref<160000x128xf32, #tpu.memory_space<hbm>> -> memref<200x128xf32, #tpu.memory_space<hbm>>
      tpu.enqueue_dma source(%arg6 : memref<200x128xf32, #tpu.memory_space<vmem>>) target(%dma_start3A_121 : memref<200x128xf32, #tpu.memory_space<hbm>>) target_semaphore(%arg10 : memref<!tpu.dma_semaphore, #tpu.memory_space<semaphore_mem>>)
      %add3A_122 = arith.constant 1 : i32
      %add3A_123 = arith.addi %mul3A_70, %add3A_122 : i32
      %dma_wait3A_124 = arith.constant 0 : i32
      %dma_wait3A_125 = arith.constant 0 : i32
      %dma_wait3A_126 = arith.constant 0 : i32
      %dma_wait3A_127 = tpu.memref_slice %arg7[%dma_wait3A_125, %dma_wait3A_126] : memref<200x128xf32, #tpu.memory_space<vmem>> -> memref<100x128xf32, #tpu.memory_space<vmem>>
      %dma_wait3A_128 = arith.constant 0 : i32
      %dma_wait3A_129 = tpu.memref_slice %arg5[%add3A_123, %dma_wait3A_124, %dma_wait3A_128] : memref<25x2x100xi32, #tpu.memory_space<vmem>> -> memref<1x1x100xi32, #tpu.memory_space<vmem>>
      %dma_wait3A_130 = tpu.memref_squeeze %dma_wait3A_129 : memref<1x1x100xi32, #tpu.memory_space<vmem>> -> memref<100xi32, #tpu.memory_space<vmem>>
      %dma_wait3A_131 = arith.constant 0 : i32
      %dma_wait3A_132 = arith.constant 0 : i32
      %dma_wait3A_133 = tpu.memref_slice %arg2[%dma_wait3A_131, %dma_wait3A_132] : memref<10240x128xf32, #tpu.memory_space<hbm>> -> memref<10240x128xf32, #tpu.memory_space<hbm>>
      tpu.wait_indirect_dma semaphore(%arg9 : memref<!tpu.dma_semaphore, #tpu.memory_space<semaphore_mem>>) src(%dma_wait3A_133 : memref<10240x128xf32, #tpu.memory_space<hbm>>) dst(%dma_wait3A_127 : memref<100x128xf32, #tpu.memory_space<vmem>>)
      %dma_wait3A_134 = arith.constant 1 : i32
      %dma_wait3A_135 = arith.constant 100 : i32
      %dma_wait3A_136 = arith.constant 0 : i32
      %dma_wait3A_137 = tpu.memref_slice %arg7[%dma_wait3A_135, %dma_wait3A_136] : memref<200x128xf32, #tpu.memory_space<vmem>> -> memref<100x128xf32, #tpu.memory_space<vmem>>
      %dma_wait3A_138 = arith.constant 0 : i32
      %dma_wait3A_139 = tpu.memref_slice %arg5[%add3A_123, %dma_wait3A_134, %dma_wait3A_138] : memref<25x2x100xi32, #tpu.memory_space<vmem>> -> memref<1x1x100xi32, #tpu.memory_space<vmem>>
      %dma_wait3A_140 = tpu.memref_squeeze %dma_wait3A_139 : memref<1x1x100xi32, #tpu.memory_space<vmem>> -> memref<100xi32, #tpu.memory_space<vmem>>
      %dma_wait3A_141 = arith.constant 0 : i32
      %dma_wait3A_142 = arith.constant 0 : i32
      %dma_wait3A_143 = tpu.memref_slice %arg2[%dma_wait3A_141, %dma_wait3A_142] : memref<10240x128xf32, #tpu.memory_space<hbm>> -> memref<10240x128xf32, #tpu.memory_space<hbm>>
      tpu.wait_indirect_dma semaphore(%arg9 : memref<!tpu.dma_semaphore, #tpu.memory_space<semaphore_mem>>) src(%dma_wait3A_143 : memref<10240x128xf32, #tpu.memory_space<hbm>>) dst(%dma_wait3A_137 : memref<100x128xf32, #tpu.memory_space<vmem>>)
      %add3A_144 = arith.constant 2 : i32
      %add3A_145 = arith.addi %mul3A_70, %add3A_144 : i32
      %lt3A = arith.constant 25 : i32
      %lt3A_146 = arith.cmpi slt, %add3A_145, %lt3A : i32
      %convert_element_type3A_147 = arith.extui %lt3A_146 : i1 to i32
      %cond3A_148 = arith.constant 0 : i32
      %cond3A_149 = arith.cmpi ne, %convert_element_type3A_147, %cond3A_148 : i32
      scf.if %cond3A_149 {
        %mul3A_159 = arith.constant 200 : i32
        %mul3A_160 = arith.muli %mul3A_70, %mul3A_159 : i32
        %add3A_161 = arith.addi %mul3A_2, %mul3A_160 : i32
        %dma_wait3A_162 = arith.constant 0 : i32
        %dma_wait3A_163 = tpu.memref_slice %arg4[%add3A_161, %dma_wait3A_162] : memref<160000x128xf32, #tpu.memory_space<hbm>> -> memref<200x128xf32, #tpu.memory_space<hbm>>
        %dma_wait3A_164 = arith.constant 0 : i32
        %dma_wait3A_165 = tpu.memref_slice %arg4[%add3A_161, %dma_wait3A_164] : memref<160000x128xf32, #tpu.memory_space<hbm>> -> memref<200x128xf32, #tpu.memory_space<hbm>>
        tpu.wait_dma2 semaphore(%arg10 : memref<!tpu.dma_semaphore, #tpu.memory_space<semaphore_mem>>) src(%arg6 : memref<200x128xf32, #tpu.memory_space<vmem>>) dst(%dma_wait3A_165 : memref<200x128xf32, #tpu.memory_space<hbm>>)
        %add3A_166 = arith.constant 2 : i32
        %add3A_167 = arith.addi %mul3A_70, %add3A_166 : i32
        %dma_start3A_168 = arith.constant 0 : i32
        %dma_start3A_169 = arith.constant 0 : i32
        %dma_start3A_170 = arith.constant 0 : i32
        %dma_start3A_171 = tpu.memref_slice %arg6[%dma_start3A_169, %dma_start3A_170] : memref<200x128xf32, #tpu.memory_space<vmem>> -> memref<100x128xf32, #tpu.memory_space<vmem>>
        %dma_start3A_172 = arith.constant 0 : i32
        %dma_start3A_173 = tpu.memref_slice %arg5[%add3A_167, %dma_start3A_168, %dma_start3A_172] : memref<25x2x100xi32, #tpu.memory_space<vmem>> -> memref<1x1x100xi32, #tpu.memory_space<vmem>>
        %dma_start3A_174 = tpu.memref_squeeze %dma_start3A_173 : memref<1x1x100xi32, #tpu.memory_space<vmem>> -> memref<100xi32, #tpu.memory_space<vmem>>
        %dma_start3A_175 = arith.constant 0 : i32
        %dma_start3A_176 = arith.constant 0 : i32
        %dma_start3A_177 = tpu.memref_slice %arg2[%dma_start3A_175, %dma_start3A_176] : memref<10240x128xf32, #tpu.memory_space<hbm>> -> memref<10240x128xf32, #tpu.memory_space<hbm>>
        tpu.enqueue_indirect_dma source(%dma_start3A_177 : memref<10240x128xf32, #tpu.memory_space<hbm>>) target(%dma_start3A_171 : memref<100x128xf32, #tpu.memory_space<vmem>>) offsets(%dma_start3A_174 : memref<100xi32, #tpu.memory_space<vmem>>) semaphore(%arg8 : memref<!tpu.dma_semaphore, #tpu.memory_space<semaphore_mem>>)
        %dma_start3A_178 = arith.constant 1 : i32
        %dma_start3A_179 = arith.constant 100 : i32
        %dma_start3A_180 = arith.constant 0 : i32
        %dma_start3A_181 = tpu.memref_slice %arg6[%dma_start3A_179, %dma_start3A_180] : memref<200x128xf32, #tpu.memory_space<vmem>> -> memref<100x128xf32, #tpu.memory_space<vmem>>
        %dma_start3A_182 = arith.constant 0 : i32
        %dma_start3A_183 = tpu.memref_slice %arg5[%add3A_167, %dma_start3A_178, %dma_start3A_182] : memref<25x2x100xi32, #tpu.memory_space<vmem>> -> memref<1x1x100xi32, #tpu.memory_space<vmem>>
        %dma_start3A_184 = tpu.memref_squeeze %dma_start3A_183 : memref<1x1x100xi32, #tpu.memory_space<vmem>> -> memref<100xi32, #tpu.memory_space<vmem>>
        %dma_start3A_185 = arith.constant 0 : i32
        %dma_start3A_186 = arith.constant 0 : i32
        %dma_start3A_187 = tpu.memref_slice %arg2[%dma_start3A_185, %dma_start3A_186] : memref<10240x128xf32, #tpu.memory_space<hbm>> -> memref<10240x128xf32, #tpu.memory_space<hbm>>
        tpu.enqueue_indirect_dma source(%dma_start3A_187 : memref<10240x128xf32, #tpu.memory_space<hbm>>) target(%dma_start3A_181 : memref<100x128xf32, #tpu.memory_space<vmem>>) offsets(%dma_start3A_184 : memref<100xi32, #tpu.memory_space<vmem>>) semaphore(%arg8 : memref<!tpu.dma_semaphore, #tpu.memory_space<semaphore_mem>>)
      } else {
      }
      %add3A_150 = arith.constant 1 : i32
      %add3A_151 = arith.addi %mul3A_70, %add3A_150 : i32
      %mul3A_152 = arith.constant 200 : i32
      %mul3A_153 = arith.muli %add3A_151, %mul3A_152 : i32
      %add3A_154 = arith.addi %mul3A_2, %mul3A_153 : i32
      %dma_start3A_155 = arith.constant 0 : i32
      %dma_start3A_156 = tpu.memref_slice %arg4[%add3A_154, %dma_start3A_155] : memref<160000x128xf32, #tpu.memory_space<hbm>> -> memref<200x128xf32, #tpu.memory_space<hbm>>
      %dma_start3A_157 = arith.constant 0 : i32
      %dma_start3A_158 = tpu.memref_slice %arg4[%add3A_154, %dma_start3A_157] : memref<160000x128xf32, #tpu.memory_space<hbm>> -> memref<200x128xf32, #tpu.memory_space<hbm>>
      tpu.enqueue_dma source(%arg7 : memref<200x128xf32, #tpu.memory_space<vmem>>) target(%dma_start3A_158 : memref<200x128xf32, #tpu.memory_space<hbm>>) target_semaphore(%arg11 : memref<!tpu.dma_semaphore, #tpu.memory_space<semaphore_mem>>)
    }
    %scan3A_28 = arith.constant 12 : i32
    %dma_wait3A = arith.constant 24 : i32
    %dma_wait3A_29 = arith.constant 0 : i32
    %dma_wait3A_30 = arith.constant 0 : i32
    %dma_wait3A_31 = arith.constant 0 : i32
    %dma_wait3A_32 = tpu.memref_slice %arg6[%dma_wait3A_30, %dma_wait3A_31] : memref<200x128xf32, #tpu.memory_space<vmem>> -> memref<100x128xf32, #tpu.memory_space<vmem>>
    %dma_wait3A_33 = arith.constant 0 : i32
    %dma_wait3A_34 = tpu.memref_slice %arg5[%dma_wait3A, %dma_wait3A_29, %dma_wait3A_33] : memref<25x2x100xi32, #tpu.memory_space<vmem>> -> memref<1x1x100xi32, #tpu.memory_space<vmem>>
    %dma_wait3A_35 = tpu.memref_squeeze %dma_wait3A_34 : memref<1x1x100xi32, #tpu.memory_space<vmem>> -> memref<100xi32, #tpu.memory_space<vmem>>
    %dma_wait3A_36 = arith.constant 0 : i32
    %dma_wait3A_37 = arith.constant 0 : i32
    %dma_wait3A_38 = tpu.memref_slice %arg2[%dma_wait3A_36, %dma_wait3A_37] : memref<10240x128xf32, #tpu.memory_space<hbm>> -> memref<10240x128xf32, #tpu.memory_space<hbm>>
    tpu.wait_indirect_dma semaphore(%arg8 : memref<!tpu.dma_semaphore, #tpu.memory_space<semaphore_mem>>) src(%dma_wait3A_38 : memref<10240x128xf32, #tpu.memory_space<hbm>>) dst(%dma_wait3A_32 : memref<100x128xf32, #tpu.memory_space<vmem>>)
    %dma_wait3A_39 = arith.constant 24 : i32
    %dma_wait3A_40 = arith.constant 1 : i32
    %dma_wait3A_41 = arith.constant 100 : i32
    %dma_wait3A_42 = arith.constant 0 : i32
    %dma_wait3A_43 = tpu.memref_slice %arg6[%dma_wait3A_41, %dma_wait3A_42] : memref<200x128xf32, #tpu.memory_space<vmem>> -> memref<100x128xf32, #tpu.memory_space<vmem>>
    %dma_wait3A_44 = arith.constant 0 : i32
    %dma_wait3A_45 = tpu.memref_slice %arg5[%dma_wait3A_39, %dma_wait3A_40, %dma_wait3A_44] : memref<25x2x100xi32, #tpu.memory_space<vmem>> -> memref<1x1x100xi32, #tpu.memory_space<vmem>>
    %dma_wait3A_46 = tpu.memref_squeeze %dma_wait3A_45 : memref<1x1x100xi32, #tpu.memory_space<vmem>> -> memref<100xi32, #tpu.memory_space<vmem>>
    %dma_wait3A_47 = arith.constant 0 : i32
    %dma_wait3A_48 = arith.constant 0 : i32
    %dma_wait3A_49 = tpu.memref_slice %arg2[%dma_wait3A_47, %dma_wait3A_48] : memref<10240x128xf32, #tpu.memory_space<hbm>> -> memref<10240x128xf32, #tpu.memory_space<hbm>>
    tpu.wait_indirect_dma semaphore(%arg8 : memref<!tpu.dma_semaphore, #tpu.memory_space<semaphore_mem>>) src(%dma_wait3A_49 : memref<10240x128xf32, #tpu.memory_space<hbm>>) dst(%dma_wait3A_43 : memref<100x128xf32, #tpu.memory_space<vmem>>)
    %add3A_50 = arith.constant 4800 : i32
    %add3A_51 = arith.addi %mul3A_2, %add3A_50 : i32
    %dma_start3A_52 = arith.constant 0 : i32
    %dma_start3A_53 = tpu.memref_slice %arg4[%add3A_51, %dma_start3A_52] : memref<160000x128xf32, #tpu.memory_space<hbm>> -> memref<200x128xf32, #tpu.memory_space<hbm>>
    %dma_start3A_54 = arith.constant 0 : i32
    %dma_start3A_55 = tpu.memref_slice %arg4[%add3A_51, %dma_start3A_54] : memref<160000x128xf32, #tpu.memory_space<hbm>> -> memref<200x128xf32, #tpu.memory_space<hbm>>
    tpu.enqueue_dma source(%arg6 : memref<200x128xf32, #tpu.memory_space<vmem>>) target(%dma_start3A_55 : memref<200x128xf32, #tpu.memory_space<hbm>>) target_semaphore(%arg10 : memref<!tpu.dma_semaphore, #tpu.memory_space<semaphore_mem>>)
    %add3A_56 = arith.constant 4600 : i32
    %add3A_57 = arith.addi %mul3A_2, %add3A_56 : i32
    %dma_wait3A_58 = arith.constant 0 : i32
    %dma_wait3A_59 = tpu.memref_slice %arg4[%add3A_57, %dma_wait3A_58] : memref<160000x128xf32, #tpu.memory_space<hbm>> -> memref<200x128xf32, #tpu.memory_space<hbm>>
    %dma_wait3A_60 = arith.constant 0 : i32
    %dma_wait3A_61 = tpu.memref_slice %arg4[%add3A_57, %dma_wait3A_60] : memref<160000x128xf32, #tpu.memory_space<hbm>> -> memref<200x128xf32, #tpu.memory_space<hbm>>
    tpu.wait_dma2 semaphore(%arg11 : memref<!tpu.dma_semaphore, #tpu.memory_space<semaphore_mem>>) src(%arg7 : memref<200x128xf32, #tpu.memory_space<vmem>>) dst(%dma_wait3A_61 : memref<200x128xf32, #tpu.memory_space<hbm>>)
    %add3A_62 = arith.constant 4800 : i32
    %add3A_63 = arith.addi %mul3A_2, %add3A_62 : i32
    %dma_wait3A_64 = arith.constant 0 : i32
    %dma_wait3A_65 = tpu.memref_slice %arg4[%add3A_63, %dma_wait3A_64] : memref<160000x128xf32, #tpu.memory_space<hbm>> -> memref<200x128xf32, #tpu.memory_space<hbm>>
    %dma_wait3A_66 = arith.constant 0 : i32
    %dma_wait3A_67 = tpu.memref_slice %arg4[%add3A_63, %dma_wait3A_66] : memref<160000x128xf32, #tpu.memory_space<hbm>> -> memref<200x128xf32, #tpu.memory_space<hbm>>
    tpu.wait_dma2 semaphore(%arg10 : memref<!tpu.dma_semaphore, #tpu.memory_space<semaphore_mem>>) src(%arg6 : memref<200x128xf32, #tpu.memory_space<vmem>>) dst(%dma_wait3A_67 : memref<200x128xf32, #tpu.memory_space<hbm>>)
    return
  }
}

#map = affine_map<(d0, d1) -> (0, 0, 0)>
#map1 = affine_map<(d0, d1) -> (0, 0)>
module attributes {stable_mosaic.version = 14 : i64} {
  func.func @body(%arg0: i32, %arg1: i32, %arg2: memref<1600x100x128xf32, #tpu.memory_space<hbm>>, %arg3: memref<32x50x100xi32, #tpu.memory_space<hbm>>, %arg4: memref<10240x128xf32, #tpu.memory_space<hbm>>, %arg5: memref<20480x128xf32, #tpu.memory_space<hbm>>, %arg6: memref<50x100xi32, #tpu.memory_space<vmem>>, %arg7: memref<100x128xf32, #tpu.memory_space<vmem>>, %arg8: memref<100x128xf32, #tpu.memory_space<vmem>>, %arg9: memref<!tpu.dma_semaphore, #tpu.memory_space<semaphore_mem>>, %arg10: memref<!tpu.dma_semaphore, #tpu.memory_space<semaphore_mem>>, %arg11: memref<!tpu.dma_semaphore, #tpu.memory_space<semaphore_mem>>, %arg12: memref<!tpu.dma_semaphore, #tpu.memory_space<semaphore_mem>>, %arg13: memref<10240x128xf32, #tpu.memory_space<vmem_shared>>) attributes {dimension_semantics = [#tpu.dimension_semantics<core_parallel>, #tpu.dimension_semantics<subcore_parallel>], iteration_bounds = array<i64: 2, 16>, scalar_prefetch = 0 : i64, scratch_operands = 8 : i64, tpu.core_type = #tpu.core_type<sc_vector_subcore>, window_params = [{transform_indices = #map}, {transform_indices = #map}, {transform_indices = #map1}, {transform_indices = #map1}]} {
    %mul3A = arith.constant 16 : i32
    %mul3A_0 = arith.muli %arg0, %mul3A : i32
    %add3A = arith.addi %mul3A_0, %arg1 : i32
    %mul3A_1 = arith.constant 50 : i32
    %mul3A_2 = arith.muli %add3A, %mul3A_1 : i32
    %mul3A_3 = arith.constant 640 : i32
    %mul3A_4 = arith.muli %arg1, %mul3A_3 : i32
    "tpu.region"() ({
      %run_scoped3A = tpu.sem_alloc : memref<!tpu.dma_semaphore, #tpu.memory_space<semaphore_mem>>
      %dma_start3A_38 = arith.constant 0 : i32
      %dma_start3A_39 = tpu.memref_slice %arg13[%mul3A_4, %dma_start3A_38] : memref<10240x128xf32, #tpu.memory_space<vmem_shared>> -> memref<640x128xf32, #tpu.memory_space<vmem_shared>>
      %dma_start3A_40 = arith.constant 0 : i32
      %dma_start3A_41 = tpu.memref_slice %arg4[%mul3A_4, %dma_start3A_40] : memref<10240x128xf32, #tpu.memory_space<hbm>> -> memref<640x128xf32, #tpu.memory_space<hbm>>
      tpu.enqueue_dma source(%dma_start3A_41 : memref<640x128xf32, #tpu.memory_space<hbm>>) target(%dma_start3A_39 : memref<640x128xf32, #tpu.memory_space<vmem_shared>>) target_semaphore(%run_scoped3A : memref<!tpu.dma_semaphore, #tpu.memory_space<semaphore_mem>>)
      %dma_wait3A_42 = arith.constant 0 : i32
      %dma_wait3A_43 = tpu.memref_slice %arg13[%mul3A_4, %dma_wait3A_42] : memref<10240x128xf32, #tpu.memory_space<vmem_shared>> -> memref<640x128xf32, #tpu.memory_space<vmem_shared>>
      %dma_wait3A_44 = arith.constant 0 : i32
      %dma_wait3A_45 = tpu.memref_slice %arg4[%mul3A_4, %dma_wait3A_44] : memref<10240x128xf32, #tpu.memory_space<hbm>> -> memref<640x128xf32, #tpu.memory_space<hbm>>
      tpu.wait_dma2 semaphore(%run_scoped3A : memref<!tpu.dma_semaphore, #tpu.memory_space<semaphore_mem>>) src(%dma_wait3A_45 : memref<640x128xf32, #tpu.memory_space<hbm>>) dst(%dma_wait3A_43 : memref<640x128xf32, #tpu.memory_space<vmem_shared>>)
      tpu.yield
    }) : () -> ()
    "tpu.region"() ({
      %run_scoped3A = tpu.sem_alloc : memref<!tpu.dma_semaphore, #tpu.memory_space<semaphore_mem>>
      %dma_start3A_38 = arith.constant 0 : i32
      %dma_start3A_39 = arith.constant 0 : i32
      %dma_start3A_40 = tpu.memref_slice %arg3[%add3A, %dma_start3A_38, %dma_start3A_39] : memref<32x50x100xi32, #tpu.memory_space<hbm>> -> memref<1x50x100xi32, #tpu.memory_space<hbm>>
      %dma_start3A_41 = tpu.memref_squeeze %dma_start3A_40 : memref<1x50x100xi32, #tpu.memory_space<hbm>> -> memref<50x100xi32, #tpu.memory_space<hbm>>
      %dma_start3A_42 = arith.constant 0 : i32
      %dma_start3A_43 = arith.constant 0 : i32
      %dma_start3A_44 = tpu.memref_slice %arg3[%add3A, %dma_start3A_42, %dma_start3A_43] : memref<32x50x100xi32, #tpu.memory_space<hbm>> -> memref<1x50x100xi32, #tpu.memory_space<hbm>>
      %dma_start3A_45 = tpu.memref_squeeze %dma_start3A_44 : memref<1x50x100xi32, #tpu.memory_space<hbm>> -> memref<50x100xi32, #tpu.memory_space<hbm>>
      tpu.enqueue_dma source(%dma_start3A_45 : memref<50x100xi32, #tpu.memory_space<hbm>>) target(%arg6 : memref<50x100xi32, #tpu.memory_space<vmem>>) target_semaphore(%run_scoped3A : memref<!tpu.dma_semaphore, #tpu.memory_space<semaphore_mem>>)
      %dma_wait3A_46 = arith.constant 0 : i32
      %dma_wait3A_47 = arith.constant 0 : i32
      %dma_wait3A_48 = tpu.memref_slice %arg3[%add3A, %dma_wait3A_46, %dma_wait3A_47] : memref<32x50x100xi32, #tpu.memory_space<hbm>> -> memref<1x50x100xi32, #tpu.memory_space<hbm>>
      %dma_wait3A_49 = tpu.memref_squeeze %dma_wait3A_48 : memref<1x50x100xi32, #tpu.memory_space<hbm>> -> memref<50x100xi32, #tpu.memory_space<hbm>>
      %dma_wait3A_50 = arith.constant 0 : i32
      %dma_wait3A_51 = arith.constant 0 : i32
      %dma_wait3A_52 = tpu.memref_slice %arg3[%add3A, %dma_wait3A_50, %dma_wait3A_51] : memref<32x50x100xi32, #tpu.memory_space<hbm>> -> memref<1x50x100xi32, #tpu.memory_space<hbm>>
      %dma_wait3A_53 = tpu.memref_squeeze %dma_wait3A_52 : memref<1x50x100xi32, #tpu.memory_space<hbm>> -> memref<50x100xi32, #tpu.memory_space<hbm>>
      tpu.wait_dma2 semaphore(%run_scoped3A : memref<!tpu.dma_semaphore, #tpu.memory_space<semaphore_mem>>) src(%dma_wait3A_53 : memref<50x100xi32, #tpu.memory_space<hbm>>) dst(%arg6 : memref<50x100xi32, #tpu.memory_space<vmem>>)
      tpu.yield
    }) : () -> ()
    %barrier3A = arith.constant 0 : index
    tpu.barrier barrier_id(%barrier3A)
    %add3A_5 = arith.constant 0 : i32
    %add3A_6 = arith.addi %mul3A_2, %add3A_5 : i32
    %dma_start3A = arith.constant 0 : i32
    %dma_start3A_7 = arith.constant 0 : i32
    %dma_start3A_8 = tpu.memref_slice %arg2[%add3A_6, %dma_start3A, %dma_start3A_7] : memref<1600x100x128xf32, #tpu.memory_space<hbm>> -> memref<1x100x128xf32, #tpu.memory_space<hbm>>
    %dma_start3A_9 = tpu.memref_squeeze %dma_start3A_8 : memref<1x100x128xf32, #tpu.memory_space<hbm>> -> memref<100x128xf32, #tpu.memory_space<hbm>>
    %dma_start3A_10 = arith.constant 0 : i32
    %dma_start3A_11 = arith.constant 0 : i32
    %dma_start3A_12 = tpu.memref_slice %arg2[%add3A_6, %dma_start3A_10, %dma_start3A_11] : memref<1600x100x128xf32, #tpu.memory_space<hbm>> -> memref<1x100x128xf32, #tpu.memory_space<hbm>>
    %dma_start3A_13 = tpu.memref_squeeze %dma_start3A_12 : memref<1x100x128xf32, #tpu.memory_space<hbm>> -> memref<100x128xf32, #tpu.memory_space<hbm>>
    tpu.enqueue_dma source(%dma_start3A_13 : memref<100x128xf32, #tpu.memory_space<hbm>>) target(%arg7 : memref<100x128xf32, #tpu.memory_space<vmem>>) target_semaphore(%arg9 : memref<!tpu.dma_semaphore, #tpu.memory_space<semaphore_mem>>)
    %scan3A = arith.constant 0 : i32
    %scan3A_14 = arith.constant 0 : i32
    %scan3A_15 = arith.constant 25 : i32
    %scan3A_16 = arith.addi %scan3A_14, %scan3A_15 : i32
    %scan3A_17 = arith.constant 1 : i32
    scf.for %scan3A_38 = %scan3A_14 to %scan3A_16 step %scan3A_17  : i32 {
      %mul3A_39 = arith.constant 2 : i32
      %mul3A_40 = arith.muli %scan3A_38, %mul3A_39 : i32
      %add3A_41 = arith.constant 0 : i32
      %add3A_42 = arith.addi %mul3A_40, %add3A_41 : i32
      %add3A_43 = arith.addi %mul3A_2, %add3A_42 : i32
      %dma_wait3A_44 = arith.constant 0 : i32
      %dma_wait3A_45 = arith.constant 0 : i32
      %dma_wait3A_46 = tpu.memref_slice %arg2[%add3A_43, %dma_wait3A_44, %dma_wait3A_45] : memref<1600x100x128xf32, #tpu.memory_space<hbm>> -> memref<1x100x128xf32, #tpu.memory_space<hbm>>
      %dma_wait3A_47 = tpu.memref_squeeze %dma_wait3A_46 : memref<1x100x128xf32, #tpu.memory_space<hbm>> -> memref<100x128xf32, #tpu.memory_space<hbm>>
      %dma_wait3A_48 = arith.constant 0 : i32
      %dma_wait3A_49 = arith.constant 0 : i32
      %dma_wait3A_50 = tpu.memref_slice %arg2[%add3A_43, %dma_wait3A_48, %dma_wait3A_49] : memref<1600x100x128xf32, #tpu.memory_space<hbm>> -> memref<1x100x128xf32, #tpu.memory_space<hbm>>
      %dma_wait3A_51 = tpu.memref_squeeze %dma_wait3A_50 : memref<1x100x128xf32, #tpu.memory_space<hbm>> -> memref<100x128xf32, #tpu.memory_space<hbm>>
      tpu.wait_dma2 semaphore(%arg9 : memref<!tpu.dma_semaphore, #tpu.memory_space<semaphore_mem>>) src(%dma_wait3A_51 : memref<100x128xf32, #tpu.memory_space<hbm>>) dst(%arg7 : memref<100x128xf32, #tpu.memory_space<vmem>>)
      %dma_start3A_52 = arith.constant 0 : i32
      %dma_start3A_53 = tpu.memref_slice %arg6[%add3A_42, %dma_start3A_52] : memref<50x100xi32, #tpu.memory_space<vmem>> -> memref<1x100xi32, #tpu.memory_space<vmem>>
      %dma_start3A_54 = tpu.memref_squeeze %dma_start3A_53 : memref<1x100xi32, #tpu.memory_space<vmem>> -> memref<100xi32, #tpu.memory_space<vmem>>
      %dma_start3A_55 = arith.constant 0 : i32
      %dma_start3A_56 = arith.constant 0 : i32
      %dma_start3A_57 = tpu.memref_slice %arg13[%dma_start3A_55, %dma_start3A_56] : memref<10240x128xf32, #tpu.memory_space<vmem_shared>> -> memref<10240x128xf32, #tpu.memory_space<vmem_shared>>
      tpu.enqueue_indirect_dma source(%arg7 : memref<100x128xf32, #tpu.memory_space<vmem>>) target(%dma_start3A_57 : memref<10240x128xf32, #tpu.memory_space<vmem_shared>>) offsets(%dma_start3A_54 : memref<100xi32, #tpu.memory_space<vmem>>) semaphore(%arg11 : memref<!tpu.dma_semaphore, #tpu.memory_space<semaphore_mem>>) {add = true}
      %add3A_58 = arith.constant 2 : i32
      %add3A_59 = arith.addi %add3A_42, %add3A_58 : i32
      %sub3A = arith.constant 1 : i32
      %sub3A_60 = arith.subi %add3A_59, %sub3A : i32
      %lt3A = arith.constant 50 : i32
      %lt3A_61 = arith.cmpi slt, %sub3A_60, %lt3A : i32
      %convert_element_type3A = arith.extui %lt3A_61 : i1 to i32
      %cond3A = arith.constant 0 : i32
      %cond3A_62 = arith.cmpi ne, %convert_element_type3A, %cond3A : i32
      scf.if %cond3A_62 {
        %ge3A = arith.constant 1 : i32
        %ge3A_89 = arith.cmpi sge, %add3A_42, %ge3A : i32
        %convert_element_type3A_90 = arith.extui %ge3A_89 : i1 to i32
        %cond3A_91 = arith.constant 0 : i32
        %cond3A_92 = arith.cmpi ne, %convert_element_type3A_90, %cond3A_91 : i32
        scf.if %cond3A_92 {
          %sub3A_102 = arith.constant 1 : i32
          %sub3A_103 = arith.subi %add3A_42, %sub3A_102 : i32
          %dma_wait3A_104 = arith.constant 0 : i32
          %dma_wait3A_105 = tpu.memref_slice %arg6[%sub3A_103, %dma_wait3A_104] : memref<50x100xi32, #tpu.memory_space<vmem>> -> memref<1x100xi32, #tpu.memory_space<vmem>>
          %dma_wait3A_106 = tpu.memref_squeeze %dma_wait3A_105 : memref<1x100xi32, #tpu.memory_space<vmem>> -> memref<100xi32, #tpu.memory_space<vmem>>
          %dma_wait3A_107 = arith.constant 0 : i32
          %dma_wait3A_108 = arith.constant 0 : i32
          %dma_wait3A_109 = tpu.memref_slice %arg13[%dma_wait3A_107, %dma_wait3A_108] : memref<10240x128xf32, #tpu.memory_space<vmem_shared>> -> memref<10240x128xf32, #tpu.memory_space<vmem_shared>>
          tpu.wait_indirect_dma semaphore(%arg12 : memref<!tpu.dma_semaphore, #tpu.memory_space<semaphore_mem>>) src(%arg8 : memref<100x128xf32, #tpu.memory_space<vmem>>) dst(%dma_wait3A_109 : memref<10240x128xf32, #tpu.memory_space<vmem_shared>>)
        } else {
        }
        %add3A_93 = arith.addi %mul3A_2, %sub3A_60 : i32
        %dma_start3A_94 = arith.constant 0 : i32
        %dma_start3A_95 = arith.constant 0 : i32
        %dma_start3A_96 = tpu.memref_slice %arg2[%add3A_93, %dma_start3A_94, %dma_start3A_95] : memref<1600x100x128xf32, #tpu.memory_space<hbm>> -> memref<1x100x128xf32, #tpu.memory_space<hbm>>
        %dma_start3A_97 = tpu.memref_squeeze %dma_start3A_96 : memref<1x100x128xf32, #tpu.memory_space<hbm>> -> memref<100x128xf32, #tpu.memory_space<hbm>>
        %dma_start3A_98 = arith.constant 0 : i32
        %dma_start3A_99 = arith.constant 0 : i32
        %dma_start3A_100 = tpu.memref_slice %arg2[%add3A_93, %dma_start3A_98, %dma_start3A_99] : memref<1600x100x128xf32, #tpu.memory_space<hbm>> -> memref<1x100x128xf32, #tpu.memory_space<hbm>>
        %dma_start3A_101 = tpu.memref_squeeze %dma_start3A_100 : memref<1x100x128xf32, #tpu.memory_space<hbm>> -> memref<100x128xf32, #tpu.memory_space<hbm>>
        tpu.enqueue_dma source(%dma_start3A_101 : memref<100x128xf32, #tpu.memory_space<hbm>>) target(%arg8 : memref<100x128xf32, #tpu.memory_space<vmem>>) target_semaphore(%arg10 : memref<!tpu.dma_semaphore, #tpu.memory_space<semaphore_mem>>)
      } else {
      }
      %add3A_63 = arith.constant 1 : i32
      %add3A_64 = arith.addi %mul3A_40, %add3A_63 : i32
      %add3A_65 = arith.addi %mul3A_2, %add3A_64 : i32
      %dma_wait3A_66 = arith.constant 0 : i32
      %dma_wait3A_67 = arith.constant 0 : i32
      %dma_wait3A_68 = tpu.memref_slice %arg2[%add3A_65, %dma_wait3A_66, %dma_wait3A_67] : memref<1600x100x128xf32, #tpu.memory_space<hbm>> -> memref<1x100x128xf32, #tpu.memory_space<hbm>>
      %dma_wait3A_69 = tpu.memref_squeeze %dma_wait3A_68 : memref<1x100x128xf32, #tpu.memory_space<hbm>> -> memref<100x128xf32, #tpu.memory_space<hbm>>
      %dma_wait3A_70 = arith.constant 0 : i32
      %dma_wait3A_71 = arith.constant 0 : i32
      %dma_wait3A_72 = tpu.memref_slice %arg2[%add3A_65, %dma_wait3A_70, %dma_wait3A_71] : memref<1600x100x128xf32, #tpu.memory_space<hbm>> -> memref<1x100x128xf32, #tpu.memory_space<hbm>>
      %dma_wait3A_73 = tpu.memref_squeeze %dma_wait3A_72 : memref<1x100x128xf32, #tpu.memory_space<hbm>> -> memref<100x128xf32, #tpu.memory_space<hbm>>
      tpu.wait_dma2 semaphore(%arg10 : memref<!tpu.dma_semaphore, #tpu.memory_space<semaphore_mem>>) src(%dma_wait3A_73 : memref<100x128xf32, #tpu.memory_space<hbm>>) dst(%arg8 : memref<100x128xf32, #tpu.memory_space<vmem>>)
      %dma_start3A_74 = arith.constant 0 : i32
      %dma_start3A_75 = tpu.memref_slice %arg6[%add3A_64, %dma_start3A_74] : memref<50x100xi32, #tpu.memory_space<vmem>> -> memref<1x100xi32, #tpu.memory_space<vmem>>
      %dma_start3A_76 = tpu.memref_squeeze %dma_start3A_75 : memref<1x100xi32, #tpu.memory_space<vmem>> -> memref<100xi32, #tpu.memory_space<vmem>>
      %dma_start3A_77 = arith.constant 0 : i32
      %dma_start3A_78 = arith.constant 0 : i32
      %dma_start3A_79 = tpu.memref_slice %arg13[%dma_start3A_77, %dma_start3A_78] : memref<10240x128xf32, #tpu.memory_space<vmem_shared>> -> memref<10240x128xf32, #tpu.memory_space<vmem_shared>>
      tpu.enqueue_indirect_dma source(%arg8 : memref<100x128xf32, #tpu.memory_space<vmem>>) target(%dma_start3A_79 : memref<10240x128xf32, #tpu.memory_space<vmem_shared>>) offsets(%dma_start3A_76 : memref<100xi32, #tpu.memory_space<vmem>>) semaphore(%arg12 : memref<!tpu.dma_semaphore, #tpu.memory_space<semaphore_mem>>) {add = true}
      %add3A_80 = arith.constant 2 : i32
      %add3A_81 = arith.addi %add3A_64, %add3A_80 : i32
      %sub3A_82 = arith.constant 1 : i32
      %sub3A_83 = arith.subi %add3A_81, %sub3A_82 : i32
      %lt3A_84 = arith.constant 50 : i32
      %lt3A_85 = arith.cmpi slt, %sub3A_83, %lt3A_84 : i32
      %convert_element_type3A_86 = arith.extui %lt3A_85 : i1 to i32
      %cond3A_87 = arith.constant 0 : i32
      %cond3A_88 = arith.cmpi ne, %convert_element_type3A_86, %cond3A_87 : i32
      scf.if %cond3A_88 {
        %ge3A = arith.constant 1 : i32
        %ge3A_89 = arith.cmpi sge, %add3A_64, %ge3A : i32
        %convert_element_type3A_90 = arith.extui %ge3A_89 : i1 to i32
        %cond3A_91 = arith.constant 0 : i32
        %cond3A_92 = arith.cmpi ne, %convert_element_type3A_90, %cond3A_91 : i32
        scf.if %cond3A_92 {
          %sub3A_102 = arith.constant 1 : i32
          %sub3A_103 = arith.subi %add3A_64, %sub3A_102 : i32
          %dma_wait3A_104 = arith.constant 0 : i32
          %dma_wait3A_105 = tpu.memref_slice %arg6[%sub3A_103, %dma_wait3A_104] : memref<50x100xi32, #tpu.memory_space<vmem>> -> memref<1x100xi32, #tpu.memory_space<vmem>>
          %dma_wait3A_106 = tpu.memref_squeeze %dma_wait3A_105 : memref<1x100xi32, #tpu.memory_space<vmem>> -> memref<100xi32, #tpu.memory_space<vmem>>
          %dma_wait3A_107 = arith.constant 0 : i32
          %dma_wait3A_108 = arith.constant 0 : i32
          %dma_wait3A_109 = tpu.memref_slice %arg13[%dma_wait3A_107, %dma_wait3A_108] : memref<10240x128xf32, #tpu.memory_space<vmem_shared>> -> memref<10240x128xf32, #tpu.memory_space<vmem_shared>>
          tpu.wait_indirect_dma semaphore(%arg11 : memref<!tpu.dma_semaphore, #tpu.memory_space<semaphore_mem>>) src(%arg7 : memref<100x128xf32, #tpu.memory_space<vmem>>) dst(%dma_wait3A_109 : memref<10240x128xf32, #tpu.memory_space<vmem_shared>>)
        } else {
        }
        %add3A_93 = arith.addi %mul3A_2, %sub3A_83 : i32
        %dma_start3A_94 = arith.constant 0 : i32
        %dma_start3A_95 = arith.constant 0 : i32
        %dma_start3A_96 = tpu.memref_slice %arg2[%add3A_93, %dma_start3A_94, %dma_start3A_95] : memref<1600x100x128xf32, #tpu.memory_space<hbm>> -> memref<1x100x128xf32, #tpu.memory_space<hbm>>
        %dma_start3A_97 = tpu.memref_squeeze %dma_start3A_96 : memref<1x100x128xf32, #tpu.memory_space<hbm>> -> memref<100x128xf32, #tpu.memory_space<hbm>>
        %dma_start3A_98 = arith.constant 0 : i32
        %dma_start3A_99 = arith.constant 0 : i32
        %dma_start3A_100 = tpu.memref_slice %arg2[%add3A_93, %dma_start3A_98, %dma_start3A_99] : memref<1600x100x128xf32, #tpu.memory_space<hbm>> -> memref<1x100x128xf32, #tpu.memory_space<hbm>>
        %dma_start3A_101 = tpu.memref_squeeze %dma_start3A_100 : memref<1x100x128xf32, #tpu.memory_space<hbm>> -> memref<100x128xf32, #tpu.memory_space<hbm>>
        tpu.enqueue_dma source(%dma_start3A_101 : memref<100x128xf32, #tpu.memory_space<hbm>>) target(%arg7 : memref<100x128xf32, #tpu.memory_space<vmem>>) target_semaphore(%arg9 : memref<!tpu.dma_semaphore, #tpu.memory_space<semaphore_mem>>)
      } else {
      }
    }
    %scan3A_18 = arith.constant 25 : i32
    %dma_wait3A = arith.constant 48 : i32
    %dma_wait3A_19 = arith.constant 0 : i32
    %dma_wait3A_20 = tpu.memref_slice %arg6[%dma_wait3A, %dma_wait3A_19] : memref<50x100xi32, #tpu.memory_space<vmem>> -> memref<1x100xi32, #tpu.memory_space<vmem>>
    %dma_wait3A_21 = tpu.memref_squeeze %dma_wait3A_20 : memref<1x100xi32, #tpu.memory_space<vmem>> -> memref<100xi32, #tpu.memory_space<vmem>>
    %dma_wait3A_22 = arith.constant 0 : i32
    %dma_wait3A_23 = arith.constant 0 : i32
    %dma_wait3A_24 = tpu.memref_slice %arg13[%dma_wait3A_22, %dma_wait3A_23] : memref<10240x128xf32, #tpu.memory_space<vmem_shared>> -> memref<10240x128xf32, #tpu.memory_space<vmem_shared>>
    tpu.wait_indirect_dma semaphore(%arg11 : memref<!tpu.dma_semaphore, #tpu.memory_space<semaphore_mem>>) src(%arg7 : memref<100x128xf32, #tpu.memory_space<vmem>>) dst(%dma_wait3A_24 : memref<10240x128xf32, #tpu.memory_space<vmem_shared>>)
    %dma_wait3A_25 = arith.constant 49 : i32
    %dma_wait3A_26 = arith.constant 0 : i32
    %dma_wait3A_27 = tpu.memref_slice %arg6[%dma_wait3A_25, %dma_wait3A_26] : memref<50x100xi32, #tpu.memory_space<vmem>> -> memref<1x100xi32, #tpu.memory_space<vmem>>
    %dma_wait3A_28 = tpu.memref_squeeze %dma_wait3A_27 : memref<1x100xi32, #tpu.memory_space<vmem>> -> memref<100xi32, #tpu.memory_space<vmem>>
    %dma_wait3A_29 = arith.constant 0 : i32
    %dma_wait3A_30 = arith.constant 0 : i32
    %dma_wait3A_31 = tpu.memref_slice %arg13[%dma_wait3A_29, %dma_wait3A_30] : memref<10240x128xf32, #tpu.memory_space<vmem_shared>> -> memref<10240x128xf32, #tpu.memory_space<vmem_shared>>
    tpu.wait_indirect_dma semaphore(%arg12 : memref<!tpu.dma_semaphore, #tpu.memory_space<semaphore_mem>>) src(%arg8 : memref<100x128xf32, #tpu.memory_space<vmem>>) dst(%dma_wait3A_31 : memref<10240x128xf32, #tpu.memory_space<vmem_shared>>)
    %barrier3A_32 = arith.constant 0 : index
    tpu.barrier barrier_id(%barrier3A_32)
    %mul3A_33 = arith.constant 10240 : i32
    %mul3A_34 = arith.muli %arg0, %mul3A_33 : i32
    %mul3A_35 = arith.constant 640 : i32
    %mul3A_36 = arith.muli %arg1, %mul3A_35 : i32
    %add3A_37 = arith.addi %mul3A_34, %mul3A_36 : i32
    "tpu.region"() ({
      %run_scoped3A = tpu.sem_alloc : memref<!tpu.dma_semaphore, #tpu.memory_space<semaphore_mem>>
      %dma_start3A_38 = arith.constant 0 : i32
      %dma_start3A_39 = tpu.memref_slice %arg5[%add3A_37, %dma_start3A_38] : memref<20480x128xf32, #tpu.memory_space<hbm>> -> memref<640x128xf32, #tpu.memory_space<hbm>>
      %dma_start3A_40 = arith.constant 0 : i32
      %dma_start3A_41 = tpu.memref_slice %arg13[%mul3A_4, %dma_start3A_40] : memref<10240x128xf32, #tpu.memory_space<vmem_shared>> -> memref<640x128xf32, #tpu.memory_space<vmem_shared>>
      tpu.enqueue_dma source(%dma_start3A_41 : memref<640x128xf32, #tpu.memory_space<vmem_shared>>) target(%dma_start3A_39 : memref<640x128xf32, #tpu.memory_space<hbm>>) target_semaphore(%run_scoped3A : memref<!tpu.dma_semaphore, #tpu.memory_space<semaphore_mem>>)
      %dma_wait3A_42 = arith.constant 0 : i32
      %dma_wait3A_43 = tpu.memref_slice %arg5[%add3A_37, %dma_wait3A_42] : memref<20480x128xf32, #tpu.memory_space<hbm>> -> memref<640x128xf32, #tpu.memory_space<hbm>>
      %dma_wait3A_44 = arith.constant 0 : i32
      %dma_wait3A_45 = tpu.memref_slice %arg13[%mul3A_4, %dma_wait3A_44] : memref<10240x128xf32, #tpu.memory_space<vmem_shared>> -> memref<640x128xf32, #tpu.memory_space<vmem_shared>>
      tpu.wait_dma2 semaphore(%run_scoped3A : memref<!tpu.dma_semaphore, #tpu.memory_space<semaphore_mem>>) src(%dma_wait3A_45 : memref<640x128xf32, #tpu.memory_space<vmem_shared>>) dst(%dma_wait3A_43 : memref<640x128xf32, #tpu.memory_space<hbm>>)
      tpu.yield
    }) : () -> ()
    return
  }
}

#map = affine_map<(d0, d1) -> (0, 0)>
#map1 = affine_map<(d0, d1) -> (0, 0, 0, 0)>
module attributes {stable_mosaic.version = 14 : i64} {
  func.func @body(%arg0: i32, %arg1: i32, %arg2: memref<10240x128xf32, #tpu.memory_space<hbm>>, %arg3: memref<32x25x2x100xi32, #tpu.memory_space<hbm>>, %arg4: memref<160000x128xf32, #tpu.memory_space<hbm>>, %arg5: memref<25x2x100xi32, #tpu.memory_space<vmem>>, %arg6: memref<200x128xf32, #tpu.memory_space<vmem>>, %arg7: memref<200x128xf32, #tpu.memory_space<vmem>>, %arg8: memref<!tpu.dma_semaphore, #tpu.memory_space<semaphore_mem>>, %arg9: memref<!tpu.dma_semaphore, #tpu.memory_space<semaphore_mem>>, %arg10: memref<!tpu.dma_semaphore, #tpu.memory_space<semaphore_mem>>, %arg11: memref<!tpu.dma_semaphore, #tpu.memory_space<semaphore_mem>>) attributes {dimension_semantics = [#tpu.dimension_semantics<core_parallel>, #tpu.dimension_semantics<subcore_parallel>], iteration_bounds = array<i64: 2, 16>, scalar_prefetch = 0 : i64, scratch_operands = 7 : i64, tpu.core_type = #tpu.core_type<sc_vector_subcore>, window_params = [{transform_indices = #map}, {transform_indices = #map1}, {transform_indices = #map}]} {
    %mul3A = arith.constant 16 : i32
    %mul3A_0 = arith.muli %arg0, %mul3A : i32
    %add3A = arith.addi %mul3A_0, %arg1 : i32
    %mul3A_1 = arith.constant 5000 : i32
    %mul3A_2 = arith.muli %add3A, %mul3A_1 : i32
    "tpu.region"() ({
      %run_scoped3A = tpu.sem_alloc : memref<!tpu.dma_semaphore, #tpu.memory_space<semaphore_mem>>
      %dma_start3A_68 = arith.constant 0 : i32
      %dma_start3A_69 = arith.constant 0 : i32
      %dma_start3A_70 = arith.constant 0 : i32
      %dma_start3A_71 = tpu.memref_slice %arg3[%add3A, %dma_start3A_68, %dma_start3A_69, %dma_start3A_70] : memref<32x25x2x100xi32, #tpu.memory_space<hbm>> -> memref<1x25x2x100xi32, #tpu.memory_space<hbm>>
      %dma_start3A_72 = tpu.memref_squeeze %dma_start3A_71 : memref<1x25x2x100xi32, #tpu.memory_space<hbm>> -> memref<25x2x100xi32, #tpu.memory_space<hbm>>
      %dma_start3A_73 = arith.constant 0 : i32
      %dma_start3A_74 = arith.constant 0 : i32
      %dma_start3A_75 = arith.constant 0 : i32
      %dma_start3A_76 = tpu.memref_slice %arg3[%add3A, %dma_start3A_73, %dma_start3A_74, %dma_start3A_75] : memref<32x25x2x100xi32, #tpu.memory_space<hbm>> -> memref<1x25x2x100xi32, #tpu.memory_space<hbm>>
      %dma_start3A_77 = tpu.memref_squeeze %dma_start3A_76 : memref<1x25x2x100xi32, #tpu.memory_space<hbm>> -> memref<25x2x100xi32, #tpu.memory_space<hbm>>
      tpu.enqueue_dma source(%dma_start3A_77 : memref<25x2x100xi32, #tpu.memory_space<hbm>>) target(%arg5 : memref<25x2x100xi32, #tpu.memory_space<vmem>>) target_semaphore(%run_scoped3A : memref<!tpu.dma_semaphore, #tpu.memory_space<semaphore_mem>>)
      %dma_wait3A_78 = arith.constant 0 : i32
      %dma_wait3A_79 = arith.constant 0 : i32
      %dma_wait3A_80 = arith.constant 0 : i32
      %dma_wait3A_81 = tpu.memref_slice %arg3[%add3A, %dma_wait3A_78, %dma_wait3A_79, %dma_wait3A_80] : memref<32x25x2x100xi32, #tpu.memory_space<hbm>> -> memref<1x25x2x100xi32, #tpu.memory_space<hbm>>
      %dma_wait3A_82 = tpu.memref_squeeze %dma_wait3A_81 : memref<1x25x2x100xi32, #tpu.memory_space<hbm>> -> memref<25x2x100xi32, #tpu.memory_space<hbm>>
      %dma_wait3A_83 = arith.constant 0 : i32
      %dma_wait3A_84 = arith.constant 0 : i32
      %dma_wait3A_85 = arith.constant 0 : i32
      %dma_wait3A_86 = tpu.memref_slice %arg3[%add3A, %dma_wait3A_83, %dma_wait3A_84, %dma_wait3A_85] : memref<32x25x2x100xi32, #tpu.memory_space<hbm>> -> memref<1x25x2x100xi32, #tpu.memory_space<hbm>>
      %dma_wait3A_87 = tpu.memref_squeeze %dma_wait3A_86 : memref<1x25x2x100xi32, #tpu.memory_space<hbm>> -> memref<25x2x100xi32, #tpu.memory_space<hbm>>
      tpu.wait_dma2 semaphore(%run_scoped3A : memref<!tpu.dma_semaphore, #tpu.memory_space<semaphore_mem>>) src(%dma_wait3A_87 : memref<25x2x100xi32, #tpu.memory_space<hbm>>) dst(%arg5 : memref<25x2x100xi32, #tpu.memory_space<vmem>>)
      tpu.yield
    }) : () -> ()
    %dma_start3A = arith.constant 0 : i32
    %dma_start3A_3 = arith.constant 0 : i32
    %dma_start3A_4 = arith.constant 0 : i32
    %dma_start3A_5 = arith.constant 0 : i32
    %dma_start3A_6 = tpu.memref_slice %arg6[%dma_start3A_4, %dma_start3A_5] : memref<200x128xf32, #tpu.memory_space<vmem>> -> memref<100x128xf32, #tpu.memory_space<vmem>>
    %dma_start3A_7 = arith.constant 0 : i32
    %dma_start3A_8 = tpu.memref_slice %arg5[%dma_start3A, %dma_start3A_3, %dma_start3A_7] : memref<25x2x100xi32, #tpu.memory_space<vmem>> -> memref<1x1x100xi32, #tpu.memory_space<vmem>>
    %dma_start3A_9 = tpu.memref_squeeze %dma_start3A_8 : memref<1x1x100xi32, #tpu.memory_space<vmem>> -> memref<100xi32, #tpu.memory_space<vmem>>
    %dma_start3A_10 = arith.constant 0 : i32
    %dma_start3A_11 = arith.constant 0 : i32
    %dma_start3A_12 = tpu.memref_slice %arg2[%dma_start3A_10, %dma_start3A_11] : memref<10240x128xf32, #tpu.memory_space<hbm>> -> memref<10240x128xf32, #tpu.memory_space<hbm>>
    tpu.enqueue_indirect_dma source(%dma_start3A_12 : memref<10240x128xf32, #tpu.memory_space<hbm>>) target(%dma_start3A_6 : memref<100x128xf32, #tpu.memory_space<vmem>>) offsets(%dma_start3A_9 : memref<100xi32, #tpu.memory_space<vmem>>) semaphore(%arg8 : memref<!tpu.dma_semaphore, #tpu.memory_space<semaphore_mem>>)
    %dma_start3A_13 = arith.constant 0 : i32
    %dma_start3A_14 = arith.constant 1 : i32
    %dma_start3A_15 = arith.constant 100 : i32
    %dma_start3A_16 = arith.constant 0 : i32
    %dma_start3A_17 = tpu.memref_slice %arg6[%dma_start3A_15, %dma_start3A_16] : memref<200x128xf32, #tpu.memory_space<vmem>> -> memref<100x128xf32, #tpu.memory_space<vmem>>
    %dma_start3A_18 = arith.constant 0 : i32
    %dma_start3A_19 = tpu.memref_slice %arg5[%dma_start3A_13, %dma_start3A_14, %dma_start3A_18] : memref<25x2x100xi32, #tpu.memory_space<vmem>> -> memref<1x1x100xi32, #tpu.memory_space<vmem>>
    %dma_start3A_20 = tpu.memref_squeeze %dma_start3A_19 : memref<1x1x100xi32, #tpu.memory_space<vmem>> -> memref<100xi32, #tpu.memory_space<vmem>>
    %dma_start3A_21 = arith.constant 0 : i32
    %dma_start3A_22 = arith.constant 0 : i32
    %dma_start3A_23 = tpu.memref_slice %arg2[%dma_start3A_21, %dma_start3A_22] : memref<10240x128xf32, #tpu.memory_space<hbm>> -> memref<10240x128xf32, #tpu.memory_space<hbm>>
    tpu.enqueue_indirect_dma source(%dma_start3A_23 : memref<10240x128xf32, #tpu.memory_space<hbm>>) target(%dma_start3A_17 : memref<100x128xf32, #tpu.memory_space<vmem>>) offsets(%dma_start3A_20 : memref<100xi32, #tpu.memory_space<vmem>>) semaphore(%arg8 : memref<!tpu.dma_semaphore, #tpu.memory_space<semaphore_mem>>)
    %scan3A = arith.constant 0 : i32
    %scan3A_24 = arith.constant 0 : i32
    %scan3A_25 = arith.constant 12 : i32
    %scan3A_26 = arith.addi %scan3A_24, %scan3A_25 : i32
    %scan3A_27 = arith.constant 1 : i32
    scf.for %scan3A_68 = %scan3A_24 to %scan3A_26 step %scan3A_27  : i32 {
      %mul3A_69 = arith.constant 2 : i32
      %mul3A_70 = arith.muli %mul3A_69, %scan3A_68 : i32
      %dma_wait3A_71 = arith.constant 0 : i32
      %dma_wait3A_72 = arith.constant 0 : i32
      %dma_wait3A_73 = arith.constant 0 : i32
      %dma_wait3A_74 = tpu.memref_slice %arg6[%dma_wait3A_72, %dma_wait3A_73] : memref<200x128xf32, #tpu.memory_space<vmem>> -> memref<100x128xf32, #tpu.memory_space<vmem>>
      %dma_wait3A_75 = arith.constant 0 : i32
      %dma_wait3A_76 = tpu.memref_slice %arg5[%mul3A_70, %dma_wait3A_71, %dma_wait3A_75] : memref<25x2x100xi32, #tpu.memory_space<vmem>> -> memref<1x1x100xi32, #tpu.memory_space<vmem>>
      %dma_wait3A_77 = tpu.memref_squeeze %dma_wait3A_76 : memref<1x1x100xi32, #tpu.memory_space<vmem>> -> memref<100xi32, #tpu.memory_space<vmem>>
      %dma_wait3A_78 = arith.constant 0 : i32
      %dma_wait3A_79 = arith.constant 0 : i32
      %dma_wait3A_80 = tpu.memref_slice %arg2[%dma_wait3A_78, %dma_wait3A_79] : memref<10240x128xf32, #tpu.memory_space<hbm>> -> memref<10240x128xf32, #tpu.memory_space<hbm>>
      tpu.wait_indirect_dma semaphore(%arg8 : memref<!tpu.dma_semaphore, #tpu.memory_space<semaphore_mem>>) src(%dma_wait3A_80 : memref<10240x128xf32, #tpu.memory_space<hbm>>) dst(%dma_wait3A_74 : memref<100x128xf32, #tpu.memory_space<vmem>>)
      %dma_wait3A_81 = arith.constant 1 : i32
      %dma_wait3A_82 = arith.constant 100 : i32
      %dma_wait3A_83 = arith.constant 0 : i32
      %dma_wait3A_84 = tpu.memref_slice %arg6[%dma_wait3A_82, %dma_wait3A_83] : memref<200x128xf32, #tpu.memory_space<vmem>> -> memref<100x128xf32, #tpu.memory_space<vmem>>
      %dma_wait3A_85 = arith.constant 0 : i32
      %dma_wait3A_86 = tpu.memref_slice %arg5[%mul3A_70, %dma_wait3A_81, %dma_wait3A_85] : memref<25x2x100xi32, #tpu.memory_space<vmem>> -> memref<1x1x100xi32, #tpu.memory_space<vmem>>
      %dma_wait3A_87 = tpu.memref_squeeze %dma_wait3A_86 : memref<1x1x100xi32, #tpu.memory_space<vmem>> -> memref<100xi32, #tpu.memory_space<vmem>>
      %dma_wait3A_88 = arith.constant 0 : i32
      %dma_wait3A_89 = arith.constant 0 : i32
      %dma_wait3A_90 = tpu.memref_slice %arg2[%dma_wait3A_88, %dma_wait3A_89] : memref<10240x128xf32, #tpu.memory_space<hbm>> -> memref<10240x128xf32, #tpu.memory_space<hbm>>
      tpu.wait_indirect_dma semaphore(%arg8 : memref<!tpu.dma_semaphore, #tpu.memory_space<semaphore_mem>>) src(%dma_wait3A_90 : memref<10240x128xf32, #tpu.memory_space<hbm>>) dst(%dma_wait3A_84 : memref<100x128xf32, #tpu.memory_space<vmem>>)
      %ge3A = arith.constant 1 : i32
      %ge3A_91 = arith.cmpi sge, %scan3A_68, %ge3A : i32
      %convert_element_type3A = arith.extui %ge3A_91 : i1 to i32
      %cond3A = arith.constant 0 : i32
      %cond3A_92 = arith.cmpi ne, %convert_element_type3A, %cond3A : i32
      scf.if %cond3A_92 {
        %sub3A = arith.constant 1 : i32
        %sub3A_159 = arith.subi %mul3A_70, %sub3A : i32
        %mul3A_160 = arith.constant 200 : i32
        %mul3A_161 = arith.muli %sub3A_159, %mul3A_160 : i32
        %add3A_162 = arith.addi %mul3A_2, %mul3A_161 : i32
        %dma_wait3A_163 = arith.constant 0 : i32
        %dma_wait3A_164 = tpu.memref_slice %arg4[%add3A_162, %dma_wait3A_163] : memref<160000x128xf32, #tpu.memory_space<hbm>> -> memref<200x128xf32, #tpu.memory_space<hbm>>
        %dma_wait3A_165 = arith.constant 0 : i32
        %dma_wait3A_166 = tpu.memref_slice %arg4[%add3A_162, %dma_wait3A_165] : memref<160000x128xf32, #tpu.memory_space<hbm>> -> memref<200x128xf32, #tpu.memory_space<hbm>>
        tpu.wait_dma2 semaphore(%arg11 : memref<!tpu.dma_semaphore, #tpu.memory_space<semaphore_mem>>) src(%arg7 : memref<200x128xf32, #tpu.memory_space<vmem>>) dst(%dma_wait3A_166 : memref<200x128xf32, #tpu.memory_space<hbm>>)
      } else {
      }
      %add3A_93 = arith.constant 1 : i32
      %add3A_94 = arith.addi %mul3A_70, %add3A_93 : i32
      %dma_start3A_95 = arith.constant 0 : i32
      %dma_start3A_96 = arith.constant 0 : i32
      %dma_start3A_97 = arith.constant 0 : i32
      %dma_start3A_98 = tpu.memref_slice %arg7[%dma_start3A_96, %dma_start3A_97] : memref<200x128xf32, #tpu.memory_space<vmem>> -> memref<100x128xf32, #tpu.memory_space<vmem>>
      %dma_start3A_99 = arith.constant 0 : i32
      %dma_start3A_100 = tpu.memref_slice %arg5[%add3A_94, %dma_start3A_95, %dma_start3A_99] : memref<25x2x100xi32, #tpu.memory_space<vmem>> -> memref<1x1x100xi32, #tpu.memory_space<vmem>>
      %dma_start3A_101 = tpu.memref_squeeze %dma_start3A_100 : memref<1x1x100xi32, #tpu.memory_space<vmem>> -> memref<100xi32, #tpu.memory_space<vmem>>
      %dma_start3A_102 = arith.constant 0 : i32
      %dma_start3A_103 = arith.constant 0 : i32
      %dma_start3A_104 = tpu.memref_slice %arg2[%dma_start3A_102, %dma_start3A_103] : memref<10240x128xf32, #tpu.memory_space<hbm>> -> memref<10240x128xf32, #tpu.memory_space<hbm>>
      tpu.enqueue_indirect_dma source(%dma_start3A_104 : memref<10240x128xf32, #tpu.memory_space<hbm>>) target(%dma_start3A_98 : memref<100x128xf32, #tpu.memory_space<vmem>>) offsets(%dma_start3A_101 : memref<100xi32, #tpu.memory_space<vmem>>) semaphore(%arg9 : memref<!tpu.dma_semaphore, #tpu.memory_space<semaphore_mem>>)
      %dma_start3A_105 = arith.constant 1 : i32
      %dma_start3A_106 = arith.constant 100 : i32
      %dma_start3A_107 = arith.constant 0 : i32
      %dma_start3A_108 = tpu.memref_slice %arg7[%dma_start3A_106, %dma_start3A_107] : memref<200x128xf32, #tpu.memory_space<vmem>> -> memref<100x128xf32, #tpu.memory_space<vmem>>
      %dma_start3A_109 = arith.constant 0 : i32
      %dma_start3A_110 = tpu.memref_slice %arg5[%add3A_94, %dma_start3A_105, %dma_start3A_109] : memref<25x2x100xi32, #tpu.memory_space<vmem>> -> memref<1x1x100xi32, #tpu.memory_space<vmem>>
      %dma_start3A_111 = tpu.memref_squeeze %dma_start3A_110 : memref<1x1x100xi32, #tpu.memory_space<vmem>> -> memref<100xi32, #tpu.memory_space<vmem>>
      %dma_start3A_112 = arith.constant 0 : i32
      %dma_start3A_113 = arith.constant 0 : i32
      %dma_start3A_114 = tpu.memref_slice %arg2[%dma_start3A_112, %dma_start3A_113] : memref<10240x128xf32, #tpu.memory_space<hbm>> -> memref<10240x128xf32, #tpu.memory_space<hbm>>
      tpu.enqueue_indirect_dma source(%dma_start3A_114 : memref<10240x128xf32, #tpu.memory_space<hbm>>) target(%dma_start3A_108 : memref<100x128xf32, #tpu.memory_space<vmem>>) offsets(%dma_start3A_111 : memref<100xi32, #tpu.memory_space<vmem>>) semaphore(%arg9 : memref<!tpu.dma_semaphore, #tpu.memory_space<semaphore_mem>>)
      %mul3A_115 = arith.constant 200 : i32
      %mul3A_116 = arith.muli %mul3A_70, %mul3A_115 : i32
      %add3A_117 = arith.addi %mul3A_2, %mul3A_116 : i32
      %dma_start3A_118 = arith.constant 0 : i32
      %dma_start3A_119 = tpu.memref_slice %arg4[%add3A_117, %dma_start3A_118] : memref<160000x128xf32, #tpu.memory_space<hbm>> -> memref<200x128xf32, #tpu.memory_space<hbm>>
      %dma_start3A_120 = arith.constant 0 : i32
      %dma_start3A_121 = tpu.memref_slice %arg4[%add3A_117, %dma_start3A_120] : memref<160000x128xf32, #tpu.memory_space<hbm>> -> memref<200x128xf32, #tpu.memory_space<hbm>>
      tpu.enqueue_dma source(%arg6 : memref<200x128xf32, #tpu.memory_space<vmem>>) target(%dma_start3A_121 : memref<200x128xf32, #tpu.memory_space<hbm>>) target_semaphore(%arg10 : memref<!tpu.dma_semaphore, #tpu.memory_space<semaphore_mem>>)
      %add3A_122 = arith.constant 1 : i32
      %add3A_123 = arith.addi %mul3A_70, %add3A_122 : i32
      %dma_wait3A_124 = arith.constant 0 : i32
      %dma_wait3A_125 = arith.constant 0 : i32
      %dma_wait3A_126 = arith.constant 0 : i32
      %dma_wait3A_127 = tpu.memref_slice %arg7[%dma_wait3A_125, %dma_wait3A_126] : memref<200x128xf32, #tpu.memory_space<vmem>> -> memref<100x128xf32, #tpu.memory_space<vmem>>
      %dma_wait3A_128 = arith.constant 0 : i32
      %dma_wait3A_129 = tpu.memref_slice %arg5[%add3A_123, %dma_wait3A_124, %dma_wait3A_128] : memref<25x2x100xi32, #tpu.memory_space<vmem>> -> memref<1x1x100xi32, #tpu.memory_space<vmem>>
      %dma_wait3A_130 = tpu.memref_squeeze %dma_wait3A_129 : memref<1x1x100xi32, #tpu.memory_space<vmem>> -> memref<100xi32, #tpu.memory_space<vmem>>
      %dma_wait3A_131 = arith.constant 0 : i32
      %dma_wait3A_132 = arith.constant 0 : i32
      %dma_wait3A_133 = tpu.memref_slice %arg2[%dma_wait3A_131, %dma_wait3A_132] : memref<10240x128xf32, #tpu.memory_space<hbm>> -> memref<10240x128xf32, #tpu.memory_space<hbm>>
      tpu.wait_indirect_dma semaphore(%arg9 : memref<!tpu.dma_semaphore, #tpu.memory_space<semaphore_mem>>) src(%dma_wait3A_133 : memref<10240x128xf32, #tpu.memory_space<hbm>>) dst(%dma_wait3A_127 : memref<100x128xf32, #tpu.memory_space<vmem>>)
      %dma_wait3A_134 = arith.constant 1 : i32
      %dma_wait3A_135 = arith.constant 100 : i32
      %dma_wait3A_136 = arith.constant 0 : i32
      %dma_wait3A_137 = tpu.memref_slice %arg7[%dma_wait3A_135, %dma_wait3A_136] : memref<200x128xf32, #tpu.memory_space<vmem>> -> memref<100x128xf32, #tpu.memory_space<vmem>>
      %dma_wait3A_138 = arith.constant 0 : i32
      %dma_wait3A_139 = tpu.memref_slice %arg5[%add3A_123, %dma_wait3A_134, %dma_wait3A_138] : memref<25x2x100xi32, #tpu.memory_space<vmem>> -> memref<1x1x100xi32, #tpu.memory_space<vmem>>
      %dma_wait3A_140 = tpu.memref_squeeze %dma_wait3A_139 : memref<1x1x100xi32, #tpu.memory_space<vmem>> -> memref<100xi32, #tpu.memory_space<vmem>>
      %dma_wait3A_141 = arith.constant 0 : i32
      %dma_wait3A_142 = arith.constant 0 : i32
      %dma_wait3A_143 = tpu.memref_slice %arg2[%dma_wait3A_141, %dma_wait3A_142] : memref<10240x128xf32, #tpu.memory_space<hbm>> -> memref<10240x128xf32, #tpu.memory_space<hbm>>
      tpu.wait_indirect_dma semaphore(%arg9 : memref<!tpu.dma_semaphore, #tpu.memory_space<semaphore_mem>>) src(%dma_wait3A_143 : memref<10240x128xf32, #tpu.memory_space<hbm>>) dst(%dma_wait3A_137 : memref<100x128xf32, #tpu.memory_space<vmem>>)
      %add3A_144 = arith.constant 2 : i32
      %add3A_145 = arith.addi %mul3A_70, %add3A_144 : i32
      %lt3A = arith.constant 25 : i32
      %lt3A_146 = arith.cmpi slt, %add3A_145, %lt3A : i32
      %convert_element_type3A_147 = arith.extui %lt3A_146 : i1 to i32
      %cond3A_148 = arith.constant 0 : i32
      %cond3A_149 = arith.cmpi ne, %convert_element_type3A_147, %cond3A_148 : i32
      scf.if %cond3A_149 {
        %mul3A_159 = arith.constant 200 : i32
        %mul3A_160 = arith.muli %mul3A_70, %mul3A_159 : i32
        %add3A_161 = arith.addi %mul3A_2, %mul3A_160 : i32
        %dma_wait3A_162 = arith.constant 0 : i32
        %dma_wait3A_163 = tpu.memref_slice %arg4[%add3A_161, %dma_wait3A_162] : memref<160000x128xf32, #tpu.memory_space<hbm>> -> memref<200x128xf32, #tpu.memory_space<hbm>>
        %dma_wait3A_164 = arith.constant 0 : i32
        %dma_wait3A_165 = tpu.memref_slice %arg4[%add3A_161, %dma_wait3A_164] : memref<160000x128xf32, #tpu.memory_space<hbm>> -> memref<200x128xf32, #tpu.memory_space<hbm>>
        tpu.wait_dma2 semaphore(%arg10 : memref<!tpu.dma_semaphore, #tpu.memory_space<semaphore_mem>>) src(%arg6 : memref<200x128xf32, #tpu.memory_space<vmem>>) dst(%dma_wait3A_165 : memref<200x128xf32, #tpu.memory_space<hbm>>)
        %add3A_166 = arith.constant 2 : i32
        %add3A_167 = arith.addi %mul3A_70, %add3A_166 : i32
        %dma_start3A_168 = arith.constant 0 : i32
        %dma_start3A_169 = arith.constant 0 : i32
        %dma_start3A_170 = arith.constant 0 : i32
        %dma_start3A_171 = tpu.memref_slice %arg6[%dma_start3A_169, %dma_start3A_170] : memref<200x128xf32, #tpu.memory_space<vmem>> -> memref<100x128xf32, #tpu.memory_space<vmem>>
        %dma_start3A_172 = arith.constant 0 : i32
        %dma_start3A_173 = tpu.memref_slice %arg5[%add3A_167, %dma_start3A_168, %dma_start3A_172] : memref<25x2x100xi32, #tpu.memory_space<vmem>> -> memref<1x1x100xi32, #tpu.memory_space<vmem>>
        %dma_start3A_174 = tpu.memref_squeeze %dma_start3A_173 : memref<1x1x100xi32, #tpu.memory_space<vmem>> -> memref<100xi32, #tpu.memory_space<vmem>>
        %dma_start3A_175 = arith.constant 0 : i32
        %dma_start3A_176 = arith.constant 0 : i32
        %dma_start3A_177 = tpu.memref_slice %arg2[%dma_start3A_175, %dma_start3A_176] : memref<10240x128xf32, #tpu.memory_space<hbm>> -> memref<10240x128xf32, #tpu.memory_space<hbm>>
        tpu.enqueue_indirect_dma source(%dma_start3A_177 : memref<10240x128xf32, #tpu.memory_space<hbm>>) target(%dma_start3A_171 : memref<100x128xf32, #tpu.memory_space<vmem>>) offsets(%dma_start3A_174 : memref<100xi32, #tpu.memory_space<vmem>>) semaphore(%arg8 : memref<!tpu.dma_semaphore, #tpu.memory_space<semaphore_mem>>)
        %dma_start3A_178 = arith.constant 1 : i32
        %dma_start3A_179 = arith.constant 100 : i32
        %dma_start3A_180 = arith.constant 0 : i32
        %dma_start3A_181 = tpu.memref_slice %arg6[%dma_start3A_179, %dma_start3A_180] : memref<200x128xf32, #tpu.memory_space<vmem>> -> memref<100x128xf32, #tpu.memory_space<vmem>>
        %dma_start3A_182 = arith.constant 0 : i32
        %dma_start3A_183 = tpu.memref_slice %arg5[%add3A_167, %dma_start3A_178, %dma_start3A_182] : memref<25x2x100xi32, #tpu.memory_space<vmem>> -> memref<1x1x100xi32, #tpu.memory_space<vmem>>
        %dma_start3A_184 = tpu.memref_squeeze %dma_start3A_183 : memref<1x1x100xi32, #tpu.memory_space<vmem>> -> memref<100xi32, #tpu.memory_space<vmem>>
        %dma_start3A_185 = arith.constant 0 : i32
        %dma_start3A_186 = arith.constant 0 : i32
        %dma_start3A_187 = tpu.memref_slice %arg2[%dma_start3A_185, %dma_start3A_186] : memref<10240x128xf32, #tpu.memory_space<hbm>> -> memref<10240x128xf32, #tpu.memory_space<hbm>>
        tpu.enqueue_indirect_dma source(%dma_start3A_187 : memref<10240x128xf32, #tpu.memory_space<hbm>>) target(%dma_start3A_181 : memref<100x128xf32, #tpu.memory_space<vmem>>) offsets(%dma_start3A_184 : memref<100xi32, #tpu.memory_space<vmem>>) semaphore(%arg8 : memref<!tpu.dma_semaphore, #tpu.memory_space<semaphore_mem>>)
      } else {
      }
      %add3A_150 = arith.constant 1 : i32
      %add3A_151 = arith.addi %mul3A_70, %add3A_150 : i32
      %mul3A_152 = arith.constant 200 : i32
      %mul3A_153 = arith.muli %add3A_151, %mul3A_152 : i32
      %add3A_154 = arith.addi %mul3A_2, %mul3A_153 : i32
      %dma_start3A_155 = arith.constant 0 : i32
      %dma_start3A_156 = tpu.memref_slice %arg4[%add3A_154, %dma_start3A_155] : memref<160000x128xf32, #tpu.memory_space<hbm>> -> memref<200x128xf32, #tpu.memory_space<hbm>>
      %dma_start3A_157 = arith.constant 0 : i32
      %dma_start3A_158 = tpu.memref_slice %arg4[%add3A_154, %dma_start3A_157] : memref<160000x128xf32, #tpu.memory_space<hbm>> -> memref<200x128xf32, #tpu.memory_space<hbm>>
      tpu.enqueue_dma source(%arg7 : memref<200x128xf32, #tpu.memory_space<vmem>>) target(%dma_start3A_158 : memref<200x128xf32, #tpu.memory_space<hbm>>) target_semaphore(%arg11 : memref<!tpu.dma_semaphore, #tpu.memory_space<semaphore_mem>>)
    }
    %scan3A_28 = arith.constant 12 : i32
    %dma_wait3A = arith.constant 24 : i32
    %dma_wait3A_29 = arith.constant 0 : i32
    %dma_wait3A_30 = arith.constant 0 : i32
    %dma_wait3A_31 = arith.constant 0 : i32
    %dma_wait3A_32 = tpu.memref_slice %arg6[%dma_wait3A_30, %dma_wait3A_31] : memref<200x128xf32, #tpu.memory_space<vmem>> -> memref<100x128xf32, #tpu.memory_space<vmem>>
    %dma_wait3A_33 = arith.constant 0 : i32
    %dma_wait3A_34 = tpu.memref_slice %arg5[%dma_wait3A, %dma_wait3A_29, %dma_wait3A_33] : memref<25x2x100xi32, #tpu.memory_space<vmem>> -> memref<1x1x100xi32, #tpu.memory_space<vmem>>
    %dma_wait3A_35 = tpu.memref_squeeze %dma_wait3A_34 : memref<1x1x100xi32, #tpu.memory_space<vmem>> -> memref<100xi32, #tpu.memory_space<vmem>>
    %dma_wait3A_36 = arith.constant 0 : i32
    %dma_wait3A_37 = arith.constant 0 : i32
    %dma_wait3A_38 = tpu.memref_slice %arg2[%dma_wait3A_36, %dma_wait3A_37] : memref<10240x128xf32, #tpu.memory_space<hbm>> -> memref<10240x128xf32, #tpu.memory_space<hbm>>
    tpu.wait_indirect_dma semaphore(%arg8 : memref<!tpu.dma_semaphore, #tpu.memory_space<semaphore_mem>>) src(%dma_wait3A_38 : memref<10240x128xf32, #tpu.memory_space<hbm>>) dst(%dma_wait3A_32 : memref<100x128xf32, #tpu.memory_space<vmem>>)
    %dma_wait3A_39 = arith.constant 24 : i32
    %dma_wait3A_40 = arith.constant 1 : i32
    %dma_wait3A_41 = arith.constant 100 : i32
    %dma_wait3A_42 = arith.constant 0 : i32
    %dma_wait3A_43 = tpu.memref_slice %arg6[%dma_wait3A_41, %dma_wait3A_42] : memref<200x128xf32, #tpu.memory_space<vmem>> -> memref<100x128xf32, #tpu.memory_space<vmem>>
    %dma_wait3A_44 = arith.constant 0 : i32
    %dma_wait3A_45 = tpu.memref_slice %arg5[%dma_wait3A_39, %dma_wait3A_40, %dma_wait3A_44] : memref<25x2x100xi32, #tpu.memory_space<vmem>> -> memref<1x1x100xi32, #tpu.memory_space<vmem>>
    %dma_wait3A_46 = tpu.memref_squeeze %dma_wait3A_45 : memref<1x1x100xi32, #tpu.memory_space<vmem>> -> memref<100xi32, #tpu.memory_space<vmem>>
    %dma_wait3A_47 = arith.constant 0 : i32
    %dma_wait3A_48 = arith.constant 0 : i32
    %dma_wait3A_49 = tpu.memref_slice %arg2[%dma_wait3A_47, %dma_wait3A_48] : memref<10240x128xf32, #tpu.memory_space<hbm>> -> memref<10240x128xf32, #tpu.memory_space<hbm>>
    tpu.wait_indirect_dma semaphore(%arg8 : memref<!tpu.dma_semaphore, #tpu.memory_space<semaphore_mem>>) src(%dma_wait3A_49 : memref<10240x128xf32, #tpu.memory_space<hbm>>) dst(%dma_wait3A_43 : memref<100x128xf32, #tpu.memory_space<vmem>>)
    %add3A_50 = arith.constant 4800 : i32
    %add3A_51 = arith.addi %mul3A_2, %add3A_50 : i32
    %dma_start3A_52 = arith.constant 0 : i32
    %dma_start3A_53 = tpu.memref_slice %arg4[%add3A_51, %dma_start3A_52] : memref<160000x128xf32, #tpu.memory_space<hbm>> -> memref<200x128xf32, #tpu.memory_space<hbm>>
    %dma_start3A_54 = arith.constant 0 : i32
    %dma_start3A_55 = tpu.memref_slice %arg4[%add3A_51, %dma_start3A_54] : memref<160000x128xf32, #tpu.memory_space<hbm>> -> memref<200x128xf32, #tpu.memory_space<hbm>>
    tpu.enqueue_dma source(%arg6 : memref<200x128xf32, #tpu.memory_space<vmem>>) target(%dma_start3A_55 : memref<200x128xf32, #tpu.memory_space<hbm>>) target_semaphore(%arg10 : memref<!tpu.dma_semaphore, #tpu.memory_space<semaphore_mem>>)
    %add3A_56 = arith.constant 4600 : i32
    %add3A_57 = arith.addi %mul3A_2, %add3A_56 : i32
    %dma_wait3A_58 = arith.constant 0 : i32
    %dma_wait3A_59 = tpu.memref_slice %arg4[%add3A_57, %dma_wait3A_58] : memref<160000x128xf32, #tpu.memory_space<hbm>> -> memref<200x128xf32, #tpu.memory_space<hbm>>
    %dma_wait3A_60 = arith.constant 0 : i32
    %dma_wait3A_61 = tpu.memref_slice %arg4[%add3A_57, %dma_wait3A_60] : memref<160000x128xf32, #tpu.memory_space<hbm>> -> memref<200x128xf32, #tpu.memory_space<hbm>>
    tpu.wait_dma2 semaphore(%arg11 : memref<!tpu.dma_semaphore, #tpu.memory_space<semaphore_mem>>) src(%arg7 : memref<200x128xf32, #tpu.memory_space<vmem>>) dst(%dma_wait3A_61 : memref<200x128xf32, #tpu.memory_space<hbm>>)
    %add3A_62 = arith.constant 4800 : i32
    %add3A_63 = arith.addi %mul3A_2, %add3A_62 : i32
    %dma_wait3A_64 = arith.constant 0 : i32
    %dma_wait3A_65 = tpu.memref_slice %arg4[%add3A_63, %dma_wait3A_64] : memref<160000x128xf32, #tpu.memory_space<hbm>> -> memref<200x128xf32, #tpu.memory_space<hbm>>
    %dma_wait3A_66 = arith.constant 0 : i32
    %dma_wait3A_67 = tpu.memref_slice %arg4[%add3A_63, %dma_wait3A_66] : memref<160000x128xf32, #tpu.memory_space<hbm>> -> memref<200x128xf32, #tpu.memory_space<hbm>>
    tpu.wait_dma2 semaphore(%arg10 : memref<!tpu.dma_semaphore, #tpu.memory_space<semaphore_mem>>) src(%arg6 : memref<200x128xf32, #tpu.memory_space<vmem>>) dst(%dma_wait3A_67 : memref<200x128xf32, #tpu.memory_space<hbm>>)
    return
  }
}

#map = affine_map<(d0, d1) -> (0, 0, 0)>
#map1 = affine_map<(d0, d1) -> (0, 0)>
module attributes {stable_mosaic.version = 14 : i64} {
  func.func @body(%arg0: i32, %arg1: i32, %arg2: memref<1600x100x128xf32, #tpu.memory_space<hbm>>, %arg3: memref<32x50x100xi32, #tpu.memory_space<hbm>>, %arg4: memref<10240x128xf32, #tpu.memory_space<hbm>>, %arg5: memref<20480x128xf32, #tpu.memory_space<hbm>>, %arg6: memref<50x100xi32, #tpu.memory_space<vmem>>, %arg7: memref<100x128xf32, #tpu.memory_space<vmem>>, %arg8: memref<100x128xf32, #tpu.memory_space<vmem>>, %arg9: memref<!tpu.dma_semaphore, #tpu.memory_space<semaphore_mem>>, %arg10: memref<!tpu.dma_semaphore, #tpu.memory_space<semaphore_mem>>, %arg11: memref<!tpu.dma_semaphore, #tpu.memory_space<semaphore_mem>>, %arg12: memref<!tpu.dma_semaphore, #tpu.memory_space<semaphore_mem>>, %arg13: memref<10240x128xf32, #tpu.memory_space<vmem_shared>>) attributes {dimension_semantics = [#tpu.dimension_semantics<core_parallel>, #tpu.dimension_semantics<subcore_parallel>], iteration_bounds = array<i64: 2, 16>, scalar_prefetch = 0 : i64, scratch_operands = 8 : i64, tpu.core_type = #tpu.core_type<sc_vector_subcore>, window_params = [{transform_indices = #map}, {transform_indices = #map}, {transform_indices = #map1}, {transform_indices = #map1}]} {
    %mul3A = arith.constant 16 : i32
    %mul3A_0 = arith.muli %arg0, %mul3A : i32
    %add3A = arith.addi %mul3A_0, %arg1 : i32
    %mul3A_1 = arith.constant 50 : i32
    %mul3A_2 = arith.muli %add3A, %mul3A_1 : i32
    %mul3A_3 = arith.constant 640 : i32
    %mul3A_4 = arith.muli %arg1, %mul3A_3 : i32
    "tpu.region"() ({
      %run_scoped3A = tpu.sem_alloc : memref<!tpu.dma_semaphore, #tpu.memory_space<semaphore_mem>>
      %dma_start3A_38 = arith.constant 0 : i32
      %dma_start3A_39 = tpu.memref_slice %arg13[%mul3A_4, %dma_start3A_38] : memref<10240x128xf32, #tpu.memory_space<vmem_shared>> -> memref<640x128xf32, #tpu.memory_space<vmem_shared>>
      %dma_start3A_40 = arith.constant 0 : i32
      %dma_start3A_41 = tpu.memref_slice %arg4[%mul3A_4, %dma_start3A_40] : memref<10240x128xf32, #tpu.memory_space<hbm>> -> memref<640x128xf32, #tpu.memory_space<hbm>>
      tpu.enqueue_dma source(%dma_start3A_41 : memref<640x128xf32, #tpu.memory_space<hbm>>) target(%dma_start3A_39 : memref<640x128xf32, #tpu.memory_space<vmem_shared>>) target_semaphore(%run_scoped3A : memref<!tpu.dma_semaphore, #tpu.memory_space<semaphore_mem>>)
      %dma_wait3A_42 = arith.constant 0 : i32
      %dma_wait3A_43 = tpu.memref_slice %arg13[%mul3A_4, %dma_wait3A_42] : memref<10240x128xf32, #tpu.memory_space<vmem_shared>> -> memref<640x128xf32, #tpu.memory_space<vmem_shared>>
      %dma_wait3A_44 = arith.constant 0 : i32
      %dma_wait3A_45 = tpu.memref_slice %arg4[%mul3A_4, %dma_wait3A_44] : memref<10240x128xf32, #tpu.memory_space<hbm>> -> memref<640x128xf32, #tpu.memory_space<hbm>>
      tpu.wait_dma2 semaphore(%run_scoped3A : memref<!tpu.dma_semaphore, #tpu.memory_space<semaphore_mem>>) src(%dma_wait3A_45 : memref<640x128xf32, #tpu.memory_space<hbm>>) dst(%dma_wait3A_43 : memref<640x128xf32, #tpu.memory_space<vmem_shared>>)
      tpu.yield
    }) : () -> ()
    "tpu.region"() ({
      %run_scoped3A = tpu.sem_alloc : memref<!tpu.dma_semaphore, #tpu.memory_space<semaphore_mem>>
      %dma_start3A_38 = arith.constant 0 : i32
      %dma_start3A_39 = arith.constant 0 : i32
      %dma_start3A_40 = tpu.memref_slice %arg3[%add3A, %dma_start3A_38, %dma_start3A_39] : memref<32x50x100xi32, #tpu.memory_space<hbm>> -> memref<1x50x100xi32, #tpu.memory_space<hbm>>
      %dma_start3A_41 = tpu.memref_squeeze %dma_start3A_40 : memref<1x50x100xi32, #tpu.memory_space<hbm>> -> memref<50x100xi32, #tpu.memory_space<hbm>>
      %dma_start3A_42 = arith.constant 0 : i32
      %dma_start3A_43 = arith.constant 0 : i32
      %dma_start3A_44 = tpu.memref_slice %arg3[%add3A, %dma_start3A_42, %dma_start3A_43] : memref<32x50x100xi32, #tpu.memory_space<hbm>> -> memref<1x50x100xi32, #tpu.memory_space<hbm>>
      %dma_start3A_45 = tpu.memref_squeeze %dma_start3A_44 : memref<1x50x100xi32, #tpu.memory_space<hbm>> -> memref<50x100xi32, #tpu.memory_space<hbm>>
      tpu.enqueue_dma source(%dma_start3A_45 : memref<50x100xi32, #tpu.memory_space<hbm>>) target(%arg6 : memref<50x100xi32, #tpu.memory_space<vmem>>) target_semaphore(%run_scoped3A : memref<!tpu.dma_semaphore, #tpu.memory_space<semaphore_mem>>)
      %dma_wait3A_46 = arith.constant 0 : i32
      %dma_wait3A_47 = arith.constant 0 : i32
      %dma_wait3A_48 = tpu.memref_slice %arg3[%add3A, %dma_wait3A_46, %dma_wait3A_47] : memref<32x50x100xi32, #tpu.memory_space<hbm>> -> memref<1x50x100xi32, #tpu.memory_space<hbm>>
      %dma_wait3A_49 = tpu.memref_squeeze %dma_wait3A_48 : memref<1x50x100xi32, #tpu.memory_space<hbm>> -> memref<50x100xi32, #tpu.memory_space<hbm>>
      %dma_wait3A_50 = arith.constant 0 : i32
      %dma_wait3A_51 = arith.constant 0 : i32
      %dma_wait3A_52 = tpu.memref_slice %arg3[%add3A, %dma_wait3A_50, %dma_wait3A_51] : memref<32x50x100xi32, #tpu.memory_space<hbm>> -> memref<1x50x100xi32, #tpu.memory_space<hbm>>
      %dma_wait3A_53 = tpu.memref_squeeze %dma_wait3A_52 : memref<1x50x100xi32, #tpu.memory_space<hbm>> -> memref<50x100xi32, #tpu.memory_space<hbm>>
      tpu.wait_dma2 semaphore(%run_scoped3A : memref<!tpu.dma_semaphore, #tpu.memory_space<semaphore_mem>>) src(%dma_wait3A_53 : memref<50x100xi32, #tpu.memory_space<hbm>>) dst(%arg6 : memref<50x100xi32, #tpu.memory_space<vmem>>)
      tpu.yield
    }) : () -> ()
    %barrier3A = arith.constant 0 : index
    tpu.barrier barrier_id(%barrier3A)
    %add3A_5 = arith.constant 0 : i32
    %add3A_6 = arith.addi %mul3A_2, %add3A_5 : i32
    %dma_start3A = arith.constant 0 : i32
    %dma_start3A_7 = arith.constant 0 : i32
    %dma_start3A_8 = tpu.memref_slice %arg2[%add3A_6, %dma_start3A, %dma_start3A_7] : memref<1600x100x128xf32, #tpu.memory_space<hbm>> -> memref<1x100x128xf32, #tpu.memory_space<hbm>>
    %dma_start3A_9 = tpu.memref_squeeze %dma_start3A_8 : memref<1x100x128xf32, #tpu.memory_space<hbm>> -> memref<100x128xf32, #tpu.memory_space<hbm>>
    %dma_start3A_10 = arith.constant 0 : i32
    %dma_start3A_11 = arith.constant 0 : i32
    %dma_start3A_12 = tpu.memref_slice %arg2[%add3A_6, %dma_start3A_10, %dma_start3A_11] : memref<1600x100x128xf32, #tpu.memory_space<hbm>> -> memref<1x100x128xf32, #tpu.memory_space<hbm>>
    %dma_start3A_13 = tpu.memref_squeeze %dma_start3A_12 : memref<1x100x128xf32, #tpu.memory_space<hbm>> -> memref<100x128xf32, #tpu.memory_space<hbm>>
    tpu.enqueue_dma source(%dma_start3A_13 : memref<100x128xf32, #tpu.memory_space<hbm>>) target(%arg7 : memref<100x128xf32, #tpu.memory_space<vmem>>) target_semaphore(%arg9 : memref<!tpu.dma_semaphore, #tpu.memory_space<semaphore_mem>>)
    %scan3A = arith.constant 0 : i32
    %scan3A_14 = arith.constant 0 : i32
    %scan3A_15 = arith.constant 25 : i32
    %scan3A_16 = arith.addi %scan3A_14, %scan3A_15 : i32
    %scan3A_17 = arith.constant 1 : i32
    scf.for %scan3A_38 = %scan3A_14 to %scan3A_16 step %scan3A_17  : i32 {
      %mul3A_39 = arith.constant 2 : i32
      %mul3A_40 = arith.muli %scan3A_38, %mul3A_39 : i32
      %add3A_41 = arith.constant 0 : i32
      %add3A_42 = arith.addi %mul3A_40, %add3A_41 : i32
      %add3A_43 = arith.addi %mul3A_2, %add3A_42 : i32
      %dma_wait3A_44 = arith.constant 0 : i32
      %dma_wait3A_45 = arith.constant 0 : i32
      %dma_wait3A_46 = tpu.memref_slice %arg2[%add3A_43, %dma_wait3A_44, %dma_wait3A_45] : memref<1600x100x128xf32, #tpu.memory_space<hbm>> -> memref<1x100x128xf32, #tpu.memory_space<hbm>>
      %dma_wait3A_47 = tpu.memref_squeeze %dma_wait3A_46 : memref<1x100x128xf32, #tpu.memory_space<hbm>> -> memref<100x128xf32, #tpu.memory_space<hbm>>
      %dma_wait3A_48 = arith.constant 0 : i32
      %dma_wait3A_49 = arith.constant 0 : i32
      %dma_wait3A_50 = tpu.memref_slice %arg2[%add3A_43, %dma_wait3A_48, %dma_wait3A_49] : memref<1600x100x128xf32, #tpu.memory_space<hbm>> -> memref<1x100x128xf32, #tpu.memory_space<hbm>>
      %dma_wait3A_51 = tpu.memref_squeeze %dma_wait3A_50 : memref<1x100x128xf32, #tpu.memory_space<hbm>> -> memref<100x128xf32, #tpu.memory_space<hbm>>
      tpu.wait_dma2 semaphore(%arg9 : memref<!tpu.dma_semaphore, #tpu.memory_space<semaphore_mem>>) src(%dma_wait3A_51 : memref<100x128xf32, #tpu.memory_space<hbm>>) dst(%arg7 : memref<100x128xf32, #tpu.memory_space<vmem>>)
      %dma_start3A_52 = arith.constant 0 : i32
      %dma_start3A_53 = tpu.memref_slice %arg6[%add3A_42, %dma_start3A_52] : memref<50x100xi32, #tpu.memory_space<vmem>> -> memref<1x100xi32, #tpu.memory_space<vmem>>
      %dma_start3A_54 = tpu.memref_squeeze %dma_start3A_53 : memref<1x100xi32, #tpu.memory_space<vmem>> -> memref<100xi32, #tpu.memory_space<vmem>>
      %dma_start3A_55 = arith.constant 0 : i32
      %dma_start3A_56 = arith.constant 0 : i32
      %dma_start3A_57 = tpu.memref_slice %arg13[%dma_start3A_55, %dma_start3A_56] : memref<10240x128xf32, #tpu.memory_space<vmem_shared>> -> memref<10240x128xf32, #tpu.memory_space<vmem_shared>>
      tpu.enqueue_indirect_dma source(%arg7 : memref<100x128xf32, #tpu.memory_space<vmem>>) target(%dma_start3A_57 : memref<10240x128xf32, #tpu.memory_space<vmem_shared>>) offsets(%dma_start3A_54 : memref<100xi32, #tpu.memory_space<vmem>>) semaphore(%arg11 : memref<!tpu.dma_semaphore, #tpu.memory_space<semaphore_mem>>) {add = true}
      %add3A_58 = arith.constant 2 : i32
      %add3A_59 = arith.addi %add3A_42, %add3A_58 : i32
      %sub3A = arith.constant 1 : i32
      %sub3A_60 = arith.subi %add3A_59, %sub3A : i32
      %lt3A = arith.constant 50 : i32
      %lt3A_61 = arith.cmpi slt, %sub3A_60, %lt3A : i32
      %convert_element_type3A = arith.extui %lt3A_61 : i1 to i32
      %cond3A = arith.constant 0 : i32
      %cond3A_62 = arith.cmpi ne, %convert_element_type3A, %cond3A : i32
      scf.if %cond3A_62 {
        %ge3A = arith.constant 1 : i32
        %ge3A_89 = arith.cmpi sge, %add3A_42, %ge3A : i32
        %convert_element_type3A_90 = arith.extui %ge3A_89 : i1 to i32
        %cond3A_91 = arith.constant 0 : i32
        %cond3A_92 = arith.cmpi ne, %convert_element_type3A_90, %cond3A_91 : i32
        scf.if %cond3A_92 {
          %sub3A_102 = arith.constant 1 : i32
          %sub3A_103 = arith.subi %add3A_42, %sub3A_102 : i32
          %dma_wait3A_104 = arith.constant 0 : i32
          %dma_wait3A_105 = tpu.memref_slice %arg6[%sub3A_103, %dma_wait3A_104] : memref<50x100xi32, #tpu.memory_space<vmem>> -> memref<1x100xi32, #tpu.memory_space<vmem>>
          %dma_wait3A_106 = tpu.memref_squeeze %dma_wait3A_105 : memref<1x100xi32, #tpu.memory_space<vmem>> -> memref<100xi32, #tpu.memory_space<vmem>>
          %dma_wait3A_107 = arith.constant 0 : i32
          %dma_wait3A_108 = arith.constant 0 : i32
          %dma_wait3A_109 = tpu.memref_slice %arg13[%dma_wait3A_107, %dma_wait3A_108] : memref<10240x128xf32, #tpu.memory_space<vmem_shared>> -> memref<10240x128xf32, #tpu.memory_space<vmem_shared>>
          tpu.wait_indirect_dma semaphore(%arg12 : memref<!tpu.dma_semaphore, #tpu.memory_space<semaphore_mem>>) src(%arg8 : memref<100x128xf32, #tpu.memory_space<vmem>>) dst(%dma_wait3A_109 : memref<10240x128xf32, #tpu.memory_space<vmem_shared>>)
        } else {
        }
        %add3A_93 = arith.addi %mul3A_2, %sub3A_60 : i32
        %dma_start3A_94 = arith.constant 0 : i32
        %dma_start3A_95 = arith.constant 0 : i32
        %dma_start3A_96 = tpu.memref_slice %arg2[%add3A_93, %dma_start3A_94, %dma_start3A_95] : memref<1600x100x128xf32, #tpu.memory_space<hbm>> -> memref<1x100x128xf32, #tpu.memory_space<hbm>>
        %dma_start3A_97 = tpu.memref_squeeze %dma_start3A_96 : memref<1x100x128xf32, #tpu.memory_space<hbm>> -> memref<100x128xf32, #tpu.memory_space<hbm>>
        %dma_start3A_98 = arith.constant 0 : i32
        %dma_start3A_99 = arith.constant 0 : i32
        %dma_start3A_100 = tpu.memref_slice %arg2[%add3A_93, %dma_start3A_98, %dma_start3A_99] : memref<1600x100x128xf32, #tpu.memory_space<hbm>> -> memref<1x100x128xf32, #tpu.memory_space<hbm>>
        %dma_start3A_101 = tpu.memref_squeeze %dma_start3A_100 : memref<1x100x128xf32, #tpu.memory_space<hbm>> -> memref<100x128xf32, #tpu.memory_space<hbm>>
        tpu.enqueue_dma source(%dma_start3A_101 : memref<100x128xf32, #tpu.memory_space<hbm>>) target(%arg8 : memref<100x128xf32, #tpu.memory_space<vmem>>) target_semaphore(%arg10 : memref<!tpu.dma_semaphore, #tpu.memory_space<semaphore_mem>>)
      } else {
      }
      %add3A_63 = arith.constant 1 : i32
      %add3A_64 = arith.addi %mul3A_40, %add3A_63 : i32
      %add3A_65 = arith.addi %mul3A_2, %add3A_64 : i32
      %dma_wait3A_66 = arith.constant 0 : i32
      %dma_wait3A_67 = arith.constant 0 : i32
      %dma_wait3A_68 = tpu.memref_slice %arg2[%add3A_65, %dma_wait3A_66, %dma_wait3A_67] : memref<1600x100x128xf32, #tpu.memory_space<hbm>> -> memref<1x100x128xf32, #tpu.memory_space<hbm>>
      %dma_wait3A_69 = tpu.memref_squeeze %dma_wait3A_68 : memref<1x100x128xf32, #tpu.memory_space<hbm>> -> memref<100x128xf32, #tpu.memory_space<hbm>>
      %dma_wait3A_70 = arith.constant 0 : i32
      %dma_wait3A_71 = arith.constant 0 : i32
      %dma_wait3A_72 = tpu.memref_slice %arg2[%add3A_65, %dma_wait3A_70, %dma_wait3A_71] : memref<1600x100x128xf32, #tpu.memory_space<hbm>> -> memref<1x100x128xf32, #tpu.memory_space<hbm>>
      %dma_wait3A_73 = tpu.memref_squeeze %dma_wait3A_72 : memref<1x100x128xf32, #tpu.memory_space<hbm>> -> memref<100x128xf32, #tpu.memory_space<hbm>>
      tpu.wait_dma2 semaphore(%arg10 : memref<!tpu.dma_semaphore, #tpu.memory_space<semaphore_mem>>) src(%dma_wait3A_73 : memref<100x128xf32, #tpu.memory_space<hbm>>) dst(%arg8 : memref<100x128xf32, #tpu.memory_space<vmem>>)
      %dma_start3A_74 = arith.constant 0 : i32
      %dma_start3A_75 = tpu.memref_slice %arg6[%add3A_64, %dma_start3A_74] : memref<50x100xi32, #tpu.memory_space<vmem>> -> memref<1x100xi32, #tpu.memory_space<vmem>>
      %dma_start3A_76 = tpu.memref_squeeze %dma_start3A_75 : memref<1x100xi32, #tpu.memory_space<vmem>> -> memref<100xi32, #tpu.memory_space<vmem>>
      %dma_start3A_77 = arith.constant 0 : i32
      %dma_start3A_78 = arith.constant 0 : i32
      %dma_start3A_79 = tpu.memref_slice %arg13[%dma_start3A_77, %dma_start3A_78] : memref<10240x128xf32, #tpu.memory_space<vmem_shared>> -> memref<10240x128xf32, #tpu.memory_space<vmem_shared>>
      tpu.enqueue_indirect_dma source(%arg8 : memref<100x128xf32, #tpu.memory_space<vmem>>) target(%dma_start3A_79 : memref<10240x128xf32, #tpu.memory_space<vmem_shared>>) offsets(%dma_start3A_76 : memref<100xi32, #tpu.memory_space<vmem>>) semaphore(%arg12 : memref<!tpu.dma_semaphore, #tpu.memory_space<semaphore_mem>>) {add = true}
      %add3A_80 = arith.constant 2 : i32
      %add3A_81 = arith.addi %add3A_64, %add3A_80 : i32
      %sub3A_82 = arith.constant 1 : i32
      %sub3A_83 = arith.subi %add3A_81, %sub3A_82 : i32
      %lt3A_84 = arith.constant 50 : i32
      %lt3A_85 = arith.cmpi slt, %sub3A_83, %lt3A_84 : i32
      %convert_element_type3A_86 = arith.extui %lt3A_85 : i1 to i32
      %cond3A_87 = arith.constant 0 : i32
      %cond3A_88 = arith.cmpi ne, %convert_element_type3A_86, %cond3A_87 : i32
      scf.if %cond3A_88 {
        %ge3A = arith.constant 1 : i32
        %ge3A_89 = arith.cmpi sge, %add3A_64, %ge3A : i32
        %convert_element_type3A_90 = arith.extui %ge3A_89 : i1 to i32
        %cond3A_91 = arith.constant 0 : i32
        %cond3A_92 = arith.cmpi ne, %convert_element_type3A_90, %cond3A_91 : i32
        scf.if %cond3A_92 {
          %sub3A_102 = arith.constant 1 : i32
          %sub3A_103 = arith.subi %add3A_64, %sub3A_102 : i32
          %dma_wait3A_104 = arith.constant 0 : i32
          %dma_wait3A_105 = tpu.memref_slice %arg6[%sub3A_103, %dma_wait3A_104] : memref<50x100xi32, #tpu.memory_space<vmem>> -> memref<1x100xi32, #tpu.memory_space<vmem>>
          %dma_wait3A_106 = tpu.memref_squeeze %dma_wait3A_105 : memref<1x100xi32, #tpu.memory_space<vmem>> -> memref<100xi32, #tpu.memory_space<vmem>>
          %dma_wait3A_107 = arith.constant 0 : i32
          %dma_wait3A_108 = arith.constant 0 : i32
          %dma_wait3A_109 = tpu.memref_slice %arg13[%dma_wait3A_107, %dma_wait3A_108] : memref<10240x128xf32, #tpu.memory_space<vmem_shared>> -> memref<10240x128xf32, #tpu.memory_space<vmem_shared>>
          tpu.wait_indirect_dma semaphore(%arg11 : memref<!tpu.dma_semaphore, #tpu.memory_space<semaphore_mem>>) src(%arg7 : memref<100x128xf32, #tpu.memory_space<vmem>>) dst(%dma_wait3A_109 : memref<10240x128xf32, #tpu.memory_space<vmem_shared>>)
        } else {
        }
        %add3A_93 = arith.addi %mul3A_2, %sub3A_83 : i32
        %dma_start3A_94 = arith.constant 0 : i32
        %dma_start3A_95 = arith.constant 0 : i32
        %dma_start3A_96 = tpu.memref_slice %arg2[%add3A_93, %dma_start3A_94, %dma_start3A_95] : memref<1600x100x128xf32, #tpu.memory_space<hbm>> -> memref<1x100x128xf32, #tpu.memory_space<hbm>>
        %dma_start3A_97 = tpu.memref_squeeze %dma_start3A_96 : memref<1x100x128xf32, #tpu.memory_space<hbm>> -> memref<100x128xf32, #tpu.memory_space<hbm>>
        %dma_start3A_98 = arith.constant 0 : i32
        %dma_start3A_99 = arith.constant 0 : i32
        %dma_start3A_100 = tpu.memref_slice %arg2[%add3A_93, %dma_start3A_98, %dma_start3A_99] : memref<1600x100x128xf32, #tpu.memory_space<hbm>> -> memref<1x100x128xf32, #tpu.memory_space<hbm>>
        %dma_start3A_101 = tpu.memref_squeeze %dma_start3A_100 : memref<1x100x128xf32, #tpu.memory_space<hbm>> -> memref<100x128xf32, #tpu.memory_space<hbm>>
        tpu.enqueue_dma source(%dma_start3A_101 : memref<100x128xf32, #tpu.memory_space<hbm>>) target(%arg7 : memref<100x128xf32, #tpu.memory_space<vmem>>) target_semaphore(%arg9 : memref<!tpu.dma_semaphore, #tpu.memory_space<semaphore_mem>>)
      } else {
      }
    }
    %scan3A_18 = arith.constant 25 : i32
    %dma_wait3A = arith.constant 48 : i32
    %dma_wait3A_19 = arith.constant 0 : i32
    %dma_wait3A_20 = tpu.memref_slice %arg6[%dma_wait3A, %dma_wait3A_19] : memref<50x100xi32, #tpu.memory_space<vmem>> -> memref<1x100xi32, #tpu.memory_space<vmem>>
    %dma_wait3A_21 = tpu.memref_squeeze %dma_wait3A_20 : memref<1x100xi32, #tpu.memory_space<vmem>> -> memref<100xi32, #tpu.memory_space<vmem>>
    %dma_wait3A_22 = arith.constant 0 : i32
    %dma_wait3A_23 = arith.constant 0 : i32
    %dma_wait3A_24 = tpu.memref_slice %arg13[%dma_wait3A_22, %dma_wait3A_23] : memref<10240x128xf32, #tpu.memory_space<vmem_shared>> -> memref<10240x128xf32, #tpu.memory_space<vmem_shared>>
    tpu.wait_indirect_dma semaphore(%arg11 : memref<!tpu.dma_semaphore, #tpu.memory_space<semaphore_mem>>) src(%arg7 : memref<100x128xf32, #tpu.memory_space<vmem>>) dst(%dma_wait3A_24 : memref<10240x128xf32, #tpu.memory_space<vmem_shared>>)
    %dma_wait3A_25 = arith.constant 49 : i32
    %dma_wait3A_26 = arith.constant 0 : i32
    %dma_wait3A_27 = tpu.memref_slice %arg6[%dma_wait3A_25, %dma_wait3A_26] : memref<50x100xi32, #tpu.memory_space<vmem>> -> memref<1x100xi32, #tpu.memory_space<vmem>>
    %dma_wait3A_28 = tpu.memref_squeeze %dma_wait3A_27 : memref<1x100xi32, #tpu.memory_space<vmem>> -> memref<100xi32, #tpu.memory_space<vmem>>
    %dma_wait3A_29 = arith.constant 0 : i32
    %dma_wait3A_30 = arith.constant 0 : i32
    %dma_wait3A_31 = tpu.memref_slice %arg13[%dma_wait3A_29, %dma_wait3A_30] : memref<10240x128xf32, #tpu.memory_space<vmem_shared>> -> memref<10240x128xf32, #tpu.memory_space<vmem_shared>>
    tpu.wait_indirect_dma semaphore(%arg12 : memref<!tpu.dma_semaphore, #tpu.memory_space<semaphore_mem>>) src(%arg8 : memref<100x128xf32, #tpu.memory_space<vmem>>) dst(%dma_wait3A_31 : memref<10240x128xf32, #tpu.memory_space<vmem_shared>>)
    %barrier3A_32 = arith.constant 0 : index
    tpu.barrier barrier_id(%barrier3A_32)
    %mul3A_33 = arith.constant 10240 : i32
    %mul3A_34 = arith.muli %arg0, %mul3A_33 : i32
    %mul3A_35 = arith.constant 640 : i32
    %mul3A_36 = arith.muli %arg1, %mul3A_35 : i32
    %add3A_37 = arith.addi %mul3A_34, %mul3A_36 : i32
    "tpu.region"() ({
      %run_scoped3A = tpu.sem_alloc : memref<!tpu.dma_semaphore, #tpu.memory_space<semaphore_mem>>
      %dma_start3A_38 = arith.constant 0 : i32
      %dma_start3A_39 = tpu.memref_slice %arg5[%add3A_37, %dma_start3A_38] : memref<20480x128xf32, #tpu.memory_space<hbm>> -> memref<640x128xf32, #tpu.memory_space<hbm>>
      %dma_start3A_40 = arith.constant 0 : i32
      %dma_start3A_41 = tpu.memref_slice %arg13[%mul3A_4, %dma_start3A_40] : memref<10240x128xf32, #tpu.memory_space<vmem_shared>> -> memref<640x128xf32, #tpu.memory_space<vmem_shared>>
      tpu.enqueue_dma source(%dma_start3A_41 : memref<640x128xf32, #tpu.memory_space<vmem_shared>>) target(%dma_start3A_39 : memref<640x128xf32, #tpu.memory_space<hbm>>) target_semaphore(%run_scoped3A : memref<!tpu.dma_semaphore, #tpu.memory_space<semaphore_mem>>)
      %dma_wait3A_42 = arith.constant 0 : i32
      %dma_wait3A_43 = tpu.memref_slice %arg5[%add3A_37, %dma_wait3A_42] : memref<20480x128xf32, #tpu.memory_space<hbm>> -> memref<640x128xf32, #tpu.memory_space<hbm>>
      %dma_wait3A_44 = arith.constant 0 : i32
      %dma_wait3A_45 = tpu.memref_slice %arg13[%mul3A_4, %dma_wait3A_44] : memref<10240x128xf32, #tpu.memory_space<vmem_shared>> -> memref<640x128xf32, #tpu.memory_space<vmem_shared>>
      tpu.wait_dma2 semaphore(%run_scoped3A : memref<!tpu.dma_semaphore, #tpu.memory_space<semaphore_mem>>) src(%dma_wait3A_45 : memref<640x128xf32, #tpu.memory_space<vmem_shared>>) dst(%dma_wait3A_43 : memref<640x128xf32, #tpu.memory_space<hbm>>)
      tpu.yield
    }) : () -> ()
    return
  }
}

#map = affine_map<(d0, d1) -> (0, 0)>
#map1 = affine_map<(d0, d1) -> (0, 0, 0, 0)>
module attributes {stable_mosaic.version = 14 : i64} {
  func.func @body(%arg0: i32, %arg1: i32, %arg2: memref<10240x128xf32, #tpu.memory_space<hbm>>, %arg3: memref<32x25x2x100xi32, #tpu.memory_space<hbm>>, %arg4: memref<160000x128xf32, #tpu.memory_space<hbm>>, %arg5: memref<25x2x100xi32, #tpu.memory_space<vmem>>, %arg6: memref<200x128xf32, #tpu.memory_space<vmem>>, %arg7: memref<200x128xf32, #tpu.memory_space<vmem>>, %arg8: memref<!tpu.dma_semaphore, #tpu.memory_space<semaphore_mem>>, %arg9: memref<!tpu.dma_semaphore, #tpu.memory_space<semaphore_mem>>, %arg10: memref<!tpu.dma_semaphore, #tpu.memory_space<semaphore_mem>>, %arg11: memref<!tpu.dma_semaphore, #tpu.memory_space<semaphore_mem>>) attributes {dimension_semantics = [#tpu.dimension_semantics<core_parallel>, #tpu.dimension_semantics<subcore_parallel>], iteration_bounds = array<i64: 2, 16>, scalar_prefetch = 0 : i64, scratch_operands = 7 : i64, tpu.core_type = #tpu.core_type<sc_vector_subcore>, window_params = [{transform_indices = #map}, {transform_indices = #map1}, {transform_indices = #map}]} {
    %mul3A = arith.constant 16 : i32
    %mul3A_0 = arith.muli %arg0, %mul3A : i32
    %add3A = arith.addi %mul3A_0, %arg1 : i32
    %mul3A_1 = arith.constant 5000 : i32
    %mul3A_2 = arith.muli %add3A, %mul3A_1 : i32
    "tpu.region"() ({
      %run_scoped3A = tpu.sem_alloc : memref<!tpu.dma_semaphore, #tpu.memory_space<semaphore_mem>>
      %dma_start3A_68 = arith.constant 0 : i32
      %dma_start3A_69 = arith.constant 0 : i32
      %dma_start3A_70 = arith.constant 0 : i32
      %dma_start3A_71 = tpu.memref_slice %arg3[%add3A, %dma_start3A_68, %dma_start3A_69, %dma_start3A_70] : memref<32x25x2x100xi32, #tpu.memory_space<hbm>> -> memref<1x25x2x100xi32, #tpu.memory_space<hbm>>
      %dma_start3A_72 = tpu.memref_squeeze %dma_start3A_71 : memref<1x25x2x100xi32, #tpu.memory_space<hbm>> -> memref<25x2x100xi32, #tpu.memory_space<hbm>>
      %dma_start3A_73 = arith.constant 0 : i32
      %dma_start3A_74 = arith.constant 0 : i32
      %dma_start3A_75 = arith.constant 0 : i32
      %dma_start3A_76 = tpu.memref_slice %arg3[%add3A, %dma_start3A_73, %dma_start3A_74, %dma_start3A_75] : memref<32x25x2x100xi32, #tpu.memory_space<hbm>> -> memref<1x25x2x100xi32, #tpu.memory_space<hbm>>
      %dma_start3A_77 = tpu.memref_squeeze %dma_start3A_76 : memref<1x25x2x100xi32, #tpu.memory_space<hbm>> -> memref<25x2x100xi32, #tpu.memory_space<hbm>>
      tpu.enqueue_dma source(%dma_start3A_77 : memref<25x2x100xi32, #tpu.memory_space<hbm>>) target(%arg5 : memref<25x2x100xi32, #tpu.memory_space<vmem>>) target_semaphore(%run_scoped3A : memref<!tpu.dma_semaphore, #tpu.memory_space<semaphore_mem>>)
      %dma_wait3A_78 = arith.constant 0 : i32
      %dma_wait3A_79 = arith.constant 0 : i32
      %dma_wait3A_80 = arith.constant 0 : i32
      %dma_wait3A_81 = tpu.memref_slice %arg3[%add3A, %dma_wait3A_78, %dma_wait3A_79, %dma_wait3A_80] : memref<32x25x2x100xi32, #tpu.memory_space<hbm>> -> memref<1x25x2x100xi32, #tpu.memory_space<hbm>>
      %dma_wait3A_82 = tpu.memref_squeeze %dma_wait3A_81 : memref<1x25x2x100xi32, #tpu.memory_space<hbm>> -> memref<25x2x100xi32, #tpu.memory_space<hbm>>
      %dma_wait3A_83 = arith.constant 0 : i32
      %dma_wait3A_84 = arith.constant 0 : i32
      %dma_wait3A_85 = arith.constant 0 : i32
      %dma_wait3A_86 = tpu.memref_slice %arg3[%add3A, %dma_wait3A_83, %dma_wait3A_84, %dma_wait3A_85] : memref<32x25x2x100xi32, #tpu.memory_space<hbm>> -> memref<1x25x2x100xi32, #tpu.memory_space<hbm>>
      %dma_wait3A_87 = tpu.memref_squeeze %dma_wait3A_86 : memref<1x25x2x100xi32, #tpu.memory_space<hbm>> -> memref<25x2x100xi32, #tpu.memory_space<hbm>>
      tpu.wait_dma2 semaphore(%run_scoped3A : memref<!tpu.dma_semaphore, #tpu.memory_space<semaphore_mem>>) src(%dma_wait3A_87 : memref<25x2x100xi32, #tpu.memory_space<hbm>>) dst(%arg5 : memref<25x2x100xi32, #tpu.memory_space<vmem>>)
      tpu.yield
    }) : () -> ()
    %dma_start3A = arith.constant 0 : i32
    %dma_start3A_3 = arith.constant 0 : i32
    %dma_start3A_4 = arith.constant 0 : i32
    %dma_start3A_5 = arith.constant 0 : i32
    %dma_start3A_6 = tpu.memref_slice %arg6[%dma_start3A_4, %dma_start3A_5] : memref<200x128xf32, #tpu.memory_space<vmem>> -> memref<100x128xf32, #tpu.memory_space<vmem>>
    %dma_start3A_7 = arith.constant 0 : i32
    %dma_start3A_8 = tpu.memref_slice %arg5[%dma_start3A, %dma_start3A_3, %dma_start3A_7] : memref<25x2x100xi32, #tpu.memory_space<vmem>> -> memref<1x1x100xi32, #tpu.memory_space<vmem>>
    %dma_start3A_9 = tpu.memref_squeeze %dma_start3A_8 : memref<1x1x100xi32, #tpu.memory_space<vmem>> -> memref<100xi32, #tpu.memory_space<vmem>>
    %dma_start3A_10 = arith.constant 0 : i32
    %dma_start3A_11 = arith.constant 0 : i32
    %dma_start3A_12 = tpu.memref_slice %arg2[%dma_start3A_10, %dma_start3A_11] : memref<10240x128xf32, #tpu.memory_space<hbm>> -> memref<10240x128xf32, #tpu.memory_space<hbm>>
    tpu.enqueue_indirect_dma source(%dma_start3A_12 : memref<10240x128xf32, #tpu.memory_space<hbm>>) target(%dma_start3A_6 : memref<100x128xf32, #tpu.memory_space<vmem>>) offsets(%dma_start3A_9 : memref<100xi32, #tpu.memory_space<vmem>>) semaphore(%arg8 : memref<!tpu.dma_semaphore, #tpu.memory_space<semaphore_mem>>)
    %dma_start3A_13 = arith.constant 0 : i32
    %dma_start3A_14 = arith.constant 1 : i32
    %dma_start3A_15 = arith.constant 100 : i32
    %dma_start3A_16 = arith.constant 0 : i32
    %dma_start3A_17 = tpu.memref_slice %arg6[%dma_start3A_15, %dma_start3A_16] : memref<200x128xf32, #tpu.memory_space<vmem>> -> memref<100x128xf32, #tpu.memory_space<vmem>>
    %dma_start3A_18 = arith.constant 0 : i32
    %dma_start3A_19 = tpu.memref_slice %arg5[%dma_start3A_13, %dma_start3A_14, %dma_start3A_18] : memref<25x2x100xi32, #tpu.memory_space<vmem>> -> memref<1x1x100xi32, #tpu.memory_space<vmem>>
    %dma_start3A_20 = tpu.memref_squeeze %dma_start3A_19 : memref<1x1x100xi32, #tpu.memory_space<vmem>> -> memref<100xi32, #tpu.memory_space<vmem>>
    %dma_start3A_21 = arith.constant 0 : i32
    %dma_start3A_22 = arith.constant 0 : i32
    %dma_start3A_23 = tpu.memref_slice %arg2[%dma_start3A_21, %dma_start3A_22] : memref<10240x128xf32, #tpu.memory_space<hbm>> -> memref<10240x128xf32, #tpu.memory_space<hbm>>
    tpu.enqueue_indirect_dma source(%dma_start3A_23 : memref<10240x128xf32, #tpu.memory_space<hbm>>) target(%dma_start3A_17 : memref<100x128xf32, #tpu.memory_space<vmem>>) offsets(%dma_start3A_20 : memref<100xi32, #tpu.memory_space<vmem>>) semaphore(%arg8 : memref<!tpu.dma_semaphore, #tpu.memory_space<semaphore_mem>>)
    %scan3A = arith.constant 0 : i32
    %scan3A_24 = arith.constant 0 : i32
    %scan3A_25 = arith.constant 12 : i32
    %scan3A_26 = arith.addi %scan3A_24, %scan3A_25 : i32
    %scan3A_27 = arith.constant 1 : i32
    scf.for %scan3A_68 = %scan3A_24 to %scan3A_26 step %scan3A_27  : i32 {
      %mul3A_69 = arith.constant 2 : i32
      %mul3A_70 = arith.muli %mul3A_69, %scan3A_68 : i32
      %dma_wait3A_71 = arith.constant 0 : i32
      %dma_wait3A_72 = arith.constant 0 : i32
      %dma_wait3A_73 = arith.constant 0 : i32
      %dma_wait3A_74 = tpu.memref_slice %arg6[%dma_wait3A_72, %dma_wait3A_73] : memref<200x128xf32, #tpu.memory_space<vmem>> -> memref<100x128xf32, #tpu.memory_space<vmem>>
      %dma_wait3A_75 = arith.constant 0 : i32
      %dma_wait3A_76 = tpu.memref_slice %arg5[%mul3A_70, %dma_wait3A_71, %dma_wait3A_75] : memref<25x2x100xi32, #tpu.memory_space<vmem>> -> memref<1x1x100xi32, #tpu.memory_space<vmem>>
      %dma_wait3A_77 = tpu.memref_squeeze %dma_wait3A_76 : memref<1x1x100xi32, #tpu.memory_space<vmem>> -> memref<100xi32, #tpu.memory_space<vmem>>
      %dma_wait3A_78 = arith.constant 0 : i32
      %dma_wait3A_79 = arith.constant 0 : i32
      %dma_wait3A_80 = tpu.memref_slice %arg2[%dma_wait3A_78, %dma_wait3A_79] : memref<10240x128xf32, #tpu.memory_space<hbm>> -> memref<10240x128xf32, #tpu.memory_space<hbm>>
      tpu.wait_indirect_dma semaphore(%arg8 : memref<!tpu.dma_semaphore, #tpu.memory_space<semaphore_mem>>) src(%dma_wait3A_80 : memref<10240x128xf32, #tpu.memory_space<hbm>>) dst(%dma_wait3A_74 : memref<100x128xf32, #tpu.memory_space<vmem>>)
      %dma_wait3A_81 = arith.constant 1 : i32
      %dma_wait3A_82 = arith.constant 100 : i32
      %dma_wait3A_83 = arith.constant 0 : i32
      %dma_wait3A_84 = tpu.memref_slice %arg6[%dma_wait3A_82, %dma_wait3A_83] : memref<200x128xf32, #tpu.memory_space<vmem>> -> memref<100x128xf32, #tpu.memory_space<vmem>>
      %dma_wait3A_85 = arith.constant 0 : i32
      %dma_wait3A_86 = tpu.memref_slice %arg5[%mul3A_70, %dma_wait3A_81, %dma_wait3A_85] : memref<25x2x100xi32, #tpu.memory_space<vmem>> -> memref<1x1x100xi32, #tpu.memory_space<vmem>>
      %dma_wait3A_87 = tpu.memref_squeeze %dma_wait3A_86 : memref<1x1x100xi32, #tpu.memory_space<vmem>> -> memref<100xi32, #tpu.memory_space<vmem>>
      %dma_wait3A_88 = arith.constant 0 : i32
      %dma_wait3A_89 = arith.constant 0 : i32
      %dma_wait3A_90 = tpu.memref_slice %arg2[%dma_wait3A_88, %dma_wait3A_89] : memref<10240x128xf32, #tpu.memory_space<hbm>> -> memref<10240x128xf32, #tpu.memory_space<hbm>>
      tpu.wait_indirect_dma semaphore(%arg8 : memref<!tpu.dma_semaphore, #tpu.memory_space<semaphore_mem>>) src(%dma_wait3A_90 : memref<10240x128xf32, #tpu.memory_space<hbm>>) dst(%dma_wait3A_84 : memref<100x128xf32, #tpu.memory_space<vmem>>)
      %ge3A = arith.constant 1 : i32
      %ge3A_91 = arith.cmpi sge, %scan3A_68, %ge3A : i32
      %convert_element_type3A = arith.extui %ge3A_91 : i1 to i32
      %cond3A = arith.constant 0 : i32
      %cond3A_92 = arith.cmpi ne, %convert_element_type3A, %cond3A : i32
      scf.if %cond3A_92 {
        %sub3A = arith.constant 1 : i32
        %sub3A_159 = arith.subi %mul3A_70, %sub3A : i32
        %mul3A_160 = arith.constant 200 : i32
        %mul3A_161 = arith.muli %sub3A_159, %mul3A_160 : i32
        %add3A_162 = arith.addi %mul3A_2, %mul3A_161 : i32
        %dma_wait3A_163 = arith.constant 0 : i32
        %dma_wait3A_164 = tpu.memref_slice %arg4[%add3A_162, %dma_wait3A_163] : memref<160000x128xf32, #tpu.memory_space<hbm>> -> memref<200x128xf32, #tpu.memory_space<hbm>>
        %dma_wait3A_165 = arith.constant 0 : i32
        %dma_wait3A_166 = tpu.memref_slice %arg4[%add3A_162, %dma_wait3A_165] : memref<160000x128xf32, #tpu.memory_space<hbm>> -> memref<200x128xf32, #tpu.memory_space<hbm>>
        tpu.wait_dma2 semaphore(%arg11 : memref<!tpu.dma_semaphore, #tpu.memory_space<semaphore_mem>>) src(%arg7 : memref<200x128xf32, #tpu.memory_space<vmem>>) dst(%dma_wait3A_166 : memref<200x128xf32, #tpu.memory_space<hbm>>)
      } else {
      }
      %add3A_93 = arith.constant 1 : i32
      %add3A_94 = arith.addi %mul3A_70, %add3A_93 : i32
      %dma_start3A_95 = arith.constant 0 : i32
      %dma_start3A_96 = arith.constant 0 : i32
      %dma_start3A_97 = arith.constant 0 : i32
      %dma_start3A_98 = tpu.memref_slice %arg7[%dma_start3A_96, %dma_start3A_97] : memref<200x128xf32, #tpu.memory_space<vmem>> -> memref<100x128xf32, #tpu.memory_space<vmem>>
      %dma_start3A_99 = arith.constant 0 : i32
      %dma_start3A_100 = tpu.memref_slice %arg5[%add3A_94, %dma_start3A_95, %dma_start3A_99] : memref<25x2x100xi32, #tpu.memory_space<vmem>> -> memref<1x1x100xi32, #tpu.memory_space<vmem>>
      %dma_start3A_101 = tpu.memref_squeeze %dma_start3A_100 : memref<1x1x100xi32, #tpu.memory_space<vmem>> -> memref<100xi32, #tpu.memory_space<vmem>>
      %dma_start3A_102 = arith.constant 0 : i32
      %dma_start3A_103 = arith.constant 0 : i32
      %dma_start3A_104 = tpu.memref_slice %arg2[%dma_start3A_102, %dma_start3A_103] : memref<10240x128xf32, #tpu.memory_space<hbm>> -> memref<10240x128xf32, #tpu.memory_space<hbm>>
      tpu.enqueue_indirect_dma source(%dma_start3A_104 : memref<10240x128xf32, #tpu.memory_space<hbm>>) target(%dma_start3A_98 : memref<100x128xf32, #tpu.memory_space<vmem>>) offsets(%dma_start3A_101 : memref<100xi32, #tpu.memory_space<vmem>>) semaphore(%arg9 : memref<!tpu.dma_semaphore, #tpu.memory_space<semaphore_mem>>)
      %dma_start3A_105 = arith.constant 1 : i32
      %dma_start3A_106 = arith.constant 100 : i32
      %dma_start3A_107 = arith.constant 0 : i32
      %dma_start3A_108 = tpu.memref_slice %arg7[%dma_start3A_106, %dma_start3A_107] : memref<200x128xf32, #tpu.memory_space<vmem>> -> memref<100x128xf32, #tpu.memory_space<vmem>>
      %dma_start3A_109 = arith.constant 0 : i32
      %dma_start3A_110 = tpu.memref_slice %arg5[%add3A_94, %dma_start3A_105, %dma_start3A_109] : memref<25x2x100xi32, #tpu.memory_space<vmem>> -> memref<1x1x100xi32, #tpu.memory_space<vmem>>
      %dma_start3A_111 = tpu.memref_squeeze %dma_start3A_110 : memref<1x1x100xi32, #tpu.memory_space<vmem>> -> memref<100xi32, #tpu.memory_space<vmem>>
      %dma_start3A_112 = arith.constant 0 : i32
      %dma_start3A_113 = arith.constant 0 : i32
      %dma_start3A_114 = tpu.memref_slice %arg2[%dma_start3A_112, %dma_start3A_113] : memref<10240x128xf32, #tpu.memory_space<hbm>> -> memref<10240x128xf32, #tpu.memory_space<hbm>>
      tpu.enqueue_indirect_dma source(%dma_start3A_114 : memref<10240x128xf32, #tpu.memory_space<hbm>>) target(%dma_start3A_108 : memref<100x128xf32, #tpu.memory_space<vmem>>) offsets(%dma_start3A_111 : memref<100xi32, #tpu.memory_space<vmem>>) semaphore(%arg9 : memref<!tpu.dma_semaphore, #tpu.memory_space<semaphore_mem>>)
      %mul3A_115 = arith.constant 200 : i32
      %mul3A_116 = arith.muli %mul3A_70, %mul3A_115 : i32
      %add3A_117 = arith.addi %mul3A_2, %mul3A_116 : i32
      %dma_start3A_118 = arith.constant 0 : i32
      %dma_start3A_119 = tpu.memref_slice %arg4[%add3A_117, %dma_start3A_118] : memref<160000x128xf32, #tpu.memory_space<hbm>> -> memref<200x128xf32, #tpu.memory_space<hbm>>
      %dma_start3A_120 = arith.constant 0 : i32
      %dma_start3A_121 = tpu.memref_slice %arg4[%add3A_117, %dma_start3A_120] : memref<160000x128xf32, #tpu.memory_space<hbm>> -> memref<200x128xf32, #tpu.memory_space<hbm>>
      tpu.enqueue_dma source(%arg6 : memref<200x128xf32, #tpu.memory_space<vmem>>) target(%dma_start3A_121 : memref<200x128xf32, #tpu.memory_space<hbm>>) target_semaphore(%arg10 : memref<!tpu.dma_semaphore, #tpu.memory_space<semaphore_mem>>)
      %add3A_122 = arith.constant 1 : i32
      %add3A_123 = arith.addi %mul3A_70, %add3A_122 : i32
      %dma_wait3A_124 = arith.constant 0 : i32
      %dma_wait3A_125 = arith.constant 0 : i32
      %dma_wait3A_126 = arith.constant 0 : i32
      %dma_wait3A_127 = tpu.memref_slice %arg7[%dma_wait3A_125, %dma_wait3A_126] : memref<200x128xf32, #tpu.memory_space<vmem>> -> memref<100x128xf32, #tpu.memory_space<vmem>>
      %dma_wait3A_128 = arith.constant 0 : i32
      %dma_wait3A_129 = tpu.memref_slice %arg5[%add3A_123, %dma_wait3A_124, %dma_wait3A_128] : memref<25x2x100xi32, #tpu.memory_space<vmem>> -> memref<1x1x100xi32, #tpu.memory_space<vmem>>
      %dma_wait3A_130 = tpu.memref_squeeze %dma_wait3A_129 : memref<1x1x100xi32, #tpu.memory_space<vmem>> -> memref<100xi32, #tpu.memory_space<vmem>>
      %dma_wait3A_131 = arith.constant 0 : i32
      %dma_wait3A_132 = arith.constant 0 : i32
      %dma_wait3A_133 = tpu.memref_slice %arg2[%dma_wait3A_131, %dma_wait3A_132] : memref<10240x128xf32, #tpu.memory_space<hbm>> -> memref<10240x128xf32, #tpu.memory_space<hbm>>
      tpu.wait_indirect_dma semaphore(%arg9 : memref<!tpu.dma_semaphore, #tpu.memory_space<semaphore_mem>>) src(%dma_wait3A_133 : memref<10240x128xf32, #tpu.memory_space<hbm>>) dst(%dma_wait3A_127 : memref<100x128xf32, #tpu.memory_space<vmem>>)
      %dma_wait3A_134 = arith.constant 1 : i32
      %dma_wait3A_135 = arith.constant 100 : i32
      %dma_wait3A_136 = arith.constant 0 : i32
      %dma_wait3A_137 = tpu.memref_slice %arg7[%dma_wait3A_135, %dma_wait3A_136] : memref<200x128xf32, #tpu.memory_space<vmem>> -> memref<100x128xf32, #tpu.memory_space<vmem>>
      %dma_wait3A_138 = arith.constant 0 : i32
      %dma_wait3A_139 = tpu.memref_slice %arg5[%add3A_123, %dma_wait3A_134, %dma_wait3A_138] : memref<25x2x100xi32, #tpu.memory_space<vmem>> -> memref<1x1x100xi32, #tpu.memory_space<vmem>>
      %dma_wait3A_140 = tpu.memref_squeeze %dma_wait3A_139 : memref<1x1x100xi32, #tpu.memory_space<vmem>> -> memref<100xi32, #tpu.memory_space<vmem>>
      %dma_wait3A_141 = arith.constant 0 : i32
      %dma_wait3A_142 = arith.constant 0 : i32
      %dma_wait3A_143 = tpu.memref_slice %arg2[%dma_wait3A_141, %dma_wait3A_142] : memref<10240x128xf32, #tpu.memory_space<hbm>> -> memref<10240x128xf32, #tpu.memory_space<hbm>>
      tpu.wait_indirect_dma semaphore(%arg9 : memref<!tpu.dma_semaphore, #tpu.memory_space<semaphore_mem>>) src(%dma_wait3A_143 : memref<10240x128xf32, #tpu.memory_space<hbm>>) dst(%dma_wait3A_137 : memref<100x128xf32, #tpu.memory_space<vmem>>)
      %add3A_144 = arith.constant 2 : i32
      %add3A_145 = arith.addi %mul3A_70, %add3A_144 : i32
      %lt3A = arith.constant 25 : i32
      %lt3A_146 = arith.cmpi slt, %add3A_145, %lt3A : i32
      %convert_element_type3A_147 = arith.extui %lt3A_146 : i1 to i32
      %cond3A_148 = arith.constant 0 : i32
      %cond3A_149 = arith.cmpi ne, %convert_element_type3A_147, %cond3A_148 : i32
      scf.if %cond3A_149 {
        %mul3A_159 = arith.constant 200 : i32
        %mul3A_160 = arith.muli %mul3A_70, %mul3A_159 : i32
        %add3A_161 = arith.addi %mul3A_2, %mul3A_160 : i32
        %dma_wait3A_162 = arith.constant 0 : i32
        %dma_wait3A_163 = tpu.memref_slice %arg4[%add3A_161, %dma_wait3A_162] : memref<160000x128xf32, #tpu.memory_space<hbm>> -> memref<200x128xf32, #tpu.memory_space<hbm>>
        %dma_wait3A_164 = arith.constant 0 : i32
        %dma_wait3A_165 = tpu.memref_slice %arg4[%add3A_161, %dma_wait3A_164] : memref<160000x128xf32, #tpu.memory_space<hbm>> -> memref<200x128xf32, #tpu.memory_space<hbm>>
        tpu.wait_dma2 semaphore(%arg10 : memref<!tpu.dma_semaphore, #tpu.memory_space<semaphore_mem>>) src(%arg6 : memref<200x128xf32, #tpu.memory_space<vmem>>) dst(%dma_wait3A_165 : memref<200x128xf32, #tpu.memory_space<hbm>>)
        %add3A_166 = arith.constant 2 : i32
        %add3A_167 = arith.addi %mul3A_70, %add3A_166 : i32
        %dma_start3A_168 = arith.constant 0 : i32
        %dma_start3A_169 = arith.constant 0 : i32
        %dma_start3A_170 = arith.constant 0 : i32
        %dma_start3A_171 = tpu.memref_slice %arg6[%dma_start3A_169, %dma_start3A_170] : memref<200x128xf32, #tpu.memory_space<vmem>> -> memref<100x128xf32, #tpu.memory_space<vmem>>
        %dma_start3A_172 = arith.constant 0 : i32
        %dma_start3A_173 = tpu.memref_slice %arg5[%add3A_167, %dma_start3A_168, %dma_start3A_172] : memref<25x2x100xi32, #tpu.memory_space<vmem>> -> memref<1x1x100xi32, #tpu.memory_space<vmem>>
        %dma_start3A_174 = tpu.memref_squeeze %dma_start3A_173 : memref<1x1x100xi32, #tpu.memory_space<vmem>> -> memref<100xi32, #tpu.memory_space<vmem>>
        %dma_start3A_175 = arith.constant 0 : i32
        %dma_start3A_176 = arith.constant 0 : i32
        %dma_start3A_177 = tpu.memref_slice %arg2[%dma_start3A_175, %dma_start3A_176] : memref<10240x128xf32, #tpu.memory_space<hbm>> -> memref<10240x128xf32, #tpu.memory_space<hbm>>
        tpu.enqueue_indirect_dma source(%dma_start3A_177 : memref<10240x128xf32, #tpu.memory_space<hbm>>) target(%dma_start3A_171 : memref<100x128xf32, #tpu.memory_space<vmem>>) offsets(%dma_start3A_174 : memref<100xi32, #tpu.memory_space<vmem>>) semaphore(%arg8 : memref<!tpu.dma_semaphore, #tpu.memory_space<semaphore_mem>>)
        %dma_start3A_178 = arith.constant 1 : i32
        %dma_start3A_179 = arith.constant 100 : i32
        %dma_start3A_180 = arith.constant 0 : i32
        %dma_start3A_181 = tpu.memref_slice %arg6[%dma_start3A_179, %dma_start3A_180] : memref<200x128xf32, #tpu.memory_space<vmem>> -> memref<100x128xf32, #tpu.memory_space<vmem>>
        %dma_start3A_182 = arith.constant 0 : i32
        %dma_start3A_183 = tpu.memref_slice %arg5[%add3A_167, %dma_start3A_178, %dma_start3A_182] : memref<25x2x100xi32, #tpu.memory_space<vmem>> -> memref<1x1x100xi32, #tpu.memory_space<vmem>>
        %dma_start3A_184 = tpu.memref_squeeze %dma_start3A_183 : memref<1x1x100xi32, #tpu.memory_space<vmem>> -> memref<100xi32, #tpu.memory_space<vmem>>
        %dma_start3A_185 = arith.constant 0 : i32
        %dma_start3A_186 = arith.constant 0 : i32
        %dma_start3A_187 = tpu.memref_slice %arg2[%dma_start3A_185, %dma_start3A_186] : memref<10240x128xf32, #tpu.memory_space<hbm>> -> memref<10240x128xf32, #tpu.memory_space<hbm>>
        tpu.enqueue_indirect_dma source(%dma_start3A_187 : memref<10240x128xf32, #tpu.memory_space<hbm>>) target(%dma_start3A_181 : memref<100x128xf32, #tpu.memory_space<vmem>>) offsets(%dma_start3A_184 : memref<100xi32, #tpu.memory_space<vmem>>) semaphore(%arg8 : memref<!tpu.dma_semaphore, #tpu.memory_space<semaphore_mem>>)
      } else {
      }
      %add3A_150 = arith.constant 1 : i32
      %add3A_151 = arith.addi %mul3A_70, %add3A_150 : i32
      %mul3A_152 = arith.constant 200 : i32
      %mul3A_153 = arith.muli %add3A_151, %mul3A_152 : i32
      %add3A_154 = arith.addi %mul3A_2, %mul3A_153 : i32
      %dma_start3A_155 = arith.constant 0 : i32
      %dma_start3A_156 = tpu.memref_slice %arg4[%add3A_154, %dma_start3A_155] : memref<160000x128xf32, #tpu.memory_space<hbm>> -> memref<200x128xf32, #tpu.memory_space<hbm>>
      %dma_start3A_157 = arith.constant 0 : i32
      %dma_start3A_158 = tpu.memref_slice %arg4[%add3A_154, %dma_start3A_157] : memref<160000x128xf32, #tpu.memory_space<hbm>> -> memref<200x128xf32, #tpu.memory_space<hbm>>
      tpu.enqueue_dma source(%arg7 : memref<200x128xf32, #tpu.memory_space<vmem>>) target(%dma_start3A_158 : memref<200x128xf32, #tpu.memory_space<hbm>>) target_semaphore(%arg11 : memref<!tpu.dma_semaphore, #tpu.memory_space<semaphore_mem>>)
    }
    %scan3A_28 = arith.constant 12 : i32
    %dma_wait3A = arith.constant 24 : i32
    %dma_wait3A_29 = arith.constant 0 : i32
    %dma_wait3A_30 = arith.constant 0 : i32
    %dma_wait3A_31 = arith.constant 0 : i32
    %dma_wait3A_32 = tpu.memref_slice %arg6[%dma_wait3A_30, %dma_wait3A_31] : memref<200x128xf32, #tpu.memory_space<vmem>> -> memref<100x128xf32, #tpu.memory_space<vmem>>
    %dma_wait3A_33 = arith.constant 0 : i32
    %dma_wait3A_34 = tpu.memref_slice %arg5[%dma_wait3A, %dma_wait3A_29, %dma_wait3A_33] : memref<25x2x100xi32, #tpu.memory_space<vmem>> -> memref<1x1x100xi32, #tpu.memory_space<vmem>>
    %dma_wait3A_35 = tpu.memref_squeeze %dma_wait3A_34 : memref<1x1x100xi32, #tpu.memory_space<vmem>> -> memref<100xi32, #tpu.memory_space<vmem>>
    %dma_wait3A_36 = arith.constant 0 : i32
    %dma_wait3A_37 = arith.constant 0 : i32
    %dma_wait3A_38 = tpu.memref_slice %arg2[%dma_wait3A_36, %dma_wait3A_37] : memref<10240x128xf32, #tpu.memory_space<hbm>> -> memref<10240x128xf32, #tpu.memory_space<hbm>>
    tpu.wait_indirect_dma semaphore(%arg8 : memref<!tpu.dma_semaphore, #tpu.memory_space<semaphore_mem>>) src(%dma_wait3A_38 : memref<10240x128xf32, #tpu.memory_space<hbm>>) dst(%dma_wait3A_32 : memref<100x128xf32, #tpu.memory_space<vmem>>)
    %dma_wait3A_39 = arith.constant 24 : i32
    %dma_wait3A_40 = arith.constant 1 : i32
    %dma_wait3A_41 = arith.constant 100 : i32
    %dma_wait3A_42 = arith.constant 0 : i32
    %dma_wait3A_43 = tpu.memref_slice %arg6[%dma_wait3A_41, %dma_wait3A_42] : memref<200x128xf32, #tpu.memory_space<vmem>> -> memref<100x128xf32, #tpu.memory_space<vmem>>
    %dma_wait3A_44 = arith.constant 0 : i32
    %dma_wait3A_45 = tpu.memref_slice %arg5[%dma_wait3A_39, %dma_wait3A_40, %dma_wait3A_44] : memref<25x2x100xi32, #tpu.memory_space<vmem>> -> memref<1x1x100xi32, #tpu.memory_space<vmem>>
    %dma_wait3A_46 = tpu.memref_squeeze %dma_wait3A_45 : memref<1x1x100xi32, #tpu.memory_space<vmem>> -> memref<100xi32, #tpu.memory_space<vmem>>
    %dma_wait3A_47 = arith.constant 0 : i32
    %dma_wait3A_48 = arith.constant 0 : i32
    %dma_wait3A_49 = tpu.memref_slice %arg2[%dma_wait3A_47, %dma_wait3A_48] : memref<10240x128xf32, #tpu.memory_space<hbm>> -> memref<10240x128xf32, #tpu.memory_space<hbm>>
    tpu.wait_indirect_dma semaphore(%arg8 : memref<!tpu.dma_semaphore, #tpu.memory_space<semaphore_mem>>) src(%dma_wait3A_49 : memref<10240x128xf32, #tpu.memory_space<hbm>>) dst(%dma_wait3A_43 : memref<100x128xf32, #tpu.memory_space<vmem>>)
    %add3A_50 = arith.constant 4800 : i32
    %add3A_51 = arith.addi %mul3A_2, %add3A_50 : i32
    %dma_start3A_52 = arith.constant 0 : i32
    %dma_start3A_53 = tpu.memref_slice %arg4[%add3A_51, %dma_start3A_52] : memref<160000x128xf32, #tpu.memory_space<hbm>> -> memref<200x128xf32, #tpu.memory_space<hbm>>
    %dma_start3A_54 = arith.constant 0 : i32
    %dma_start3A_55 = tpu.memref_slice %arg4[%add3A_51, %dma_start3A_54] : memref<160000x128xf32, #tpu.memory_space<hbm>> -> memref<200x128xf32, #tpu.memory_space<hbm>>
    tpu.enqueue_dma source(%arg6 : memref<200x128xf32, #tpu.memory_space<vmem>>) target(%dma_start3A_55 : memref<200x128xf32, #tpu.memory_space<hbm>>) target_semaphore(%arg10 : memref<!tpu.dma_semaphore, #tpu.memory_space<semaphore_mem>>)
    %add3A_56 = arith.constant 4600 : i32
    %add3A_57 = arith.addi %mul3A_2, %add3A_56 : i32
    %dma_wait3A_58 = arith.constant 0 : i32
    %dma_wait3A_59 = tpu.memref_slice %arg4[%add3A_57, %dma_wait3A_58] : memref<160000x128xf32, #tpu.memory_space<hbm>> -> memref<200x128xf32, #tpu.memory_space<hbm>>
    %dma_wait3A_60 = arith.constant 0 : i32
    %dma_wait3A_61 = tpu.memref_slice %arg4[%add3A_57, %dma_wait3A_60] : memref<160000x128xf32, #tpu.memory_space<hbm>> -> memref<200x128xf32, #tpu.memory_space<hbm>>
    tpu.wait_dma2 semaphore(%arg11 : memref<!tpu.dma_semaphore, #tpu.memory_space<semaphore_mem>>) src(%arg7 : memref<200x128xf32, #tpu.memory_space<vmem>>) dst(%dma_wait3A_61 : memref<200x128xf32, #tpu.memory_space<hbm>>)
    %add3A_62 = arith.constant 4800 : i32
    %add3A_63 = arith.addi %mul3A_2, %add3A_62 : i32
    %dma_wait3A_64 = arith.constant 0 : i32
    %dma_wait3A_65 = tpu.memref_slice %arg4[%add3A_63, %dma_wait3A_64] : memref<160000x128xf32, #tpu.memory_space<hbm>> -> memref<200x128xf32, #tpu.memory_space<hbm>>
    %dma_wait3A_66 = arith.constant 0 : i32
    %dma_wait3A_67 = tpu.memref_slice %arg4[%add3A_63, %dma_wait3A_66] : memref<160000x128xf32, #tpu.memory_space<hbm>> -> memref<200x128xf32, #tpu.memory_space<hbm>>
    tpu.wait_dma2 semaphore(%arg10 : memref<!tpu.dma_semaphore, #tpu.memory_space<semaphore_mem>>) src(%arg6 : memref<200x128xf32, #tpu.memory_space<vmem>>) dst(%dma_wait3A_67 : memref<200x128xf32, #tpu.memory_space<hbm>>)
    return
  }
}

#map = affine_map<(d0, d1) -> (0, 0, 0)>
#map1 = affine_map<(d0, d1) -> (0, 0)>
module attributes {stable_mosaic.version = 14 : i64} {
  func.func @body(%arg0: i32, %arg1: i32, %arg2: memref<1600x100x128xf32, #tpu.memory_space<hbm>>, %arg3: memref<32x50x100xi32, #tpu.memory_space<hbm>>, %arg4: memref<10240x128xf32, #tpu.memory_space<hbm>>, %arg5: memref<20480x128xf32, #tpu.memory_space<hbm>>, %arg6: memref<50x100xi32, #tpu.memory_space<vmem>>, %arg7: memref<100x128xf32, #tpu.memory_space<vmem>>, %arg8: memref<100x128xf32, #tpu.memory_space<vmem>>, %arg9: memref<!tpu.dma_semaphore, #tpu.memory_space<semaphore_mem>>, %arg10: memref<!tpu.dma_semaphore, #tpu.memory_space<semaphore_mem>>, %arg11: memref<!tpu.dma_semaphore, #tpu.memory_space<semaphore_mem>>, %arg12: memref<!tpu.dma_semaphore, #tpu.memory_space<semaphore_mem>>, %arg13: memref<10240x128xf32, #tpu.memory_space<vmem_shared>>) attributes {dimension_semantics = [#tpu.dimension_semantics<core_parallel>, #tpu.dimension_semantics<subcore_parallel>], iteration_bounds = array<i64: 2, 16>, scalar_prefetch = 0 : i64, scratch_operands = 8 : i64, tpu.core_type = #tpu.core_type<sc_vector_subcore>, window_params = [{transform_indices = #map}, {transform_indices = #map}, {transform_indices = #map1}, {transform_indices = #map1}]} {
    %mul3A = arith.constant 16 : i32
    %mul3A_0 = arith.muli %arg0, %mul3A : i32
    %add3A = arith.addi %mul3A_0, %arg1 : i32
    %mul3A_1 = arith.constant 50 : i32
    %mul3A_2 = arith.muli %add3A, %mul3A_1 : i32
    %mul3A_3 = arith.constant 640 : i32
    %mul3A_4 = arith.muli %arg1, %mul3A_3 : i32
    "tpu.region"() ({
      %run_scoped3A = tpu.sem_alloc : memref<!tpu.dma_semaphore, #tpu.memory_space<semaphore_mem>>
      %dma_start3A_38 = arith.constant 0 : i32
      %dma_start3A_39 = tpu.memref_slice %arg13[%mul3A_4, %dma_start3A_38] : memref<10240x128xf32, #tpu.memory_space<vmem_shared>> -> memref<640x128xf32, #tpu.memory_space<vmem_shared>>
      %dma_start3A_40 = arith.constant 0 : i32
      %dma_start3A_41 = tpu.memref_slice %arg4[%mul3A_4, %dma_start3A_40] : memref<10240x128xf32, #tpu.memory_space<hbm>> -> memref<640x128xf32, #tpu.memory_space<hbm>>
      tpu.enqueue_dma source(%dma_start3A_41 : memref<640x128xf32, #tpu.memory_space<hbm>>) target(%dma_start3A_39 : memref<640x128xf32, #tpu.memory_space<vmem_shared>>) target_semaphore(%run_scoped3A : memref<!tpu.dma_semaphore, #tpu.memory_space<semaphore_mem>>)
      %dma_wait3A_42 = arith.constant 0 : i32
      %dma_wait3A_43 = tpu.memref_slice %arg13[%mul3A_4, %dma_wait3A_42] : memref<10240x128xf32, #tpu.memory_space<vmem_shared>> -> memref<640x128xf32, #tpu.memory_space<vmem_shared>>
      %dma_wait3A_44 = arith.constant 0 : i32
      %dma_wait3A_45 = tpu.memref_slice %arg4[%mul3A_4, %dma_wait3A_44] : memref<10240x128xf32, #tpu.memory_space<hbm>> -> memref<640x128xf32, #tpu.memory_space<hbm>>
      tpu.wait_dma2 semaphore(%run_scoped3A : memref<!tpu.dma_semaphore, #tpu.memory_space<semaphore_mem>>) src(%dma_wait3A_45 : memref<640x128xf32, #tpu.memory_space<hbm>>) dst(%dma_wait3A_43 : memref<640x128xf32, #tpu.memory_space<vmem_shared>>)
      tpu.yield
    }) : () -> ()
    "tpu.region"() ({
      %run_scoped3A = tpu.sem_alloc : memref<!tpu.dma_semaphore, #tpu.memory_space<semaphore_mem>>
      %dma_start3A_38 = arith.constant 0 : i32
      %dma_start3A_39 = arith.constant 0 : i32
      %dma_start3A_40 = tpu.memref_slice %arg3[%add3A, %dma_start3A_38, %dma_start3A_39] : memref<32x50x100xi32, #tpu.memory_space<hbm>> -> memref<1x50x100xi32, #tpu.memory_space<hbm>>
      %dma_start3A_41 = tpu.memref_squeeze %dma_start3A_40 : memref<1x50x100xi32, #tpu.memory_space<hbm>> -> memref<50x100xi32, #tpu.memory_space<hbm>>
      %dma_start3A_42 = arith.constant 0 : i32
      %dma_start3A_43 = arith.constant 0 : i32
      %dma_start3A_44 = tpu.memref_slice %arg3[%add3A, %dma_start3A_42, %dma_start3A_43] : memref<32x50x100xi32, #tpu.memory_space<hbm>> -> memref<1x50x100xi32, #tpu.memory_space<hbm>>
      %dma_start3A_45 = tpu.memref_squeeze %dma_start3A_44 : memref<1x50x100xi32, #tpu.memory_space<hbm>> -> memref<50x100xi32, #tpu.memory_space<hbm>>
      tpu.enqueue_dma source(%dma_start3A_45 : memref<50x100xi32, #tpu.memory_space<hbm>>) target(%arg6 : memref<50x100xi32, #tpu.memory_space<vmem>>) target_semaphore(%run_scoped3A : memref<!tpu.dma_semaphore, #tpu.memory_space<semaphore_mem>>)
      %dma_wait3A_46 = arith.constant 0 : i32
      %dma_wait3A_47 = arith.constant 0 : i32
      %dma_wait3A_48 = tpu.memref_slice %arg3[%add3A, %dma_wait3A_46, %dma_wait3A_47] : memref<32x50x100xi32, #tpu.memory_space<hbm>> -> memref<1x50x100xi32, #tpu.memory_space<hbm>>
      %dma_wait3A_49 = tpu.memref_squeeze %dma_wait3A_48 : memref<1x50x100xi32, #tpu.memory_space<hbm>> -> memref<50x100xi32, #tpu.memory_space<hbm>>
      %dma_wait3A_50 = arith.constant 0 : i32
      %dma_wait3A_51 = arith.constant 0 : i32
      %dma_wait3A_52 = tpu.memref_slice %arg3[%add3A, %dma_wait3A_50, %dma_wait3A_51] : memref<32x50x100xi32, #tpu.memory_space<hbm>> -> memref<1x50x100xi32, #tpu.memory_space<hbm>>
      %dma_wait3A_53 = tpu.memref_squeeze %dma_wait3A_52 : memref<1x50x100xi32, #tpu.memory_space<hbm>> -> memref<50x100xi32, #tpu.memory_space<hbm>>
      tpu.wait_dma2 semaphore(%run_scoped3A : memref<!tpu.dma_semaphore, #tpu.memory_space<semaphore_mem>>) src(%dma_wait3A_53 : memref<50x100xi32, #tpu.memory_space<hbm>>) dst(%arg6 : memref<50x100xi32, #tpu.memory_space<vmem>>)
      tpu.yield
    }) : () -> ()
    %barrier3A = arith.constant 0 : index
    tpu.barrier barrier_id(%barrier3A)
    %add3A_5 = arith.constant 0 : i32
    %add3A_6 = arith.addi %mul3A_2, %add3A_5 : i32
    %dma_start3A = arith.constant 0 : i32
    %dma_start3A_7 = arith.constant 0 : i32
    %dma_start3A_8 = tpu.memref_slice %arg2[%add3A_6, %dma_start3A, %dma_start3A_7] : memref<1600x100x128xf32, #tpu.memory_space<hbm>> -> memref<1x100x128xf32, #tpu.memory_space<hbm>>
    %dma_start3A_9 = tpu.memref_squeeze %dma_start3A_8 : memref<1x100x128xf32, #tpu.memory_space<hbm>> -> memref<100x128xf32, #tpu.memory_space<hbm>>
    %dma_start3A_10 = arith.constant 0 : i32
    %dma_start3A_11 = arith.constant 0 : i32
    %dma_start3A_12 = tpu.memref_slice %arg2[%add3A_6, %dma_start3A_10, %dma_start3A_11] : memref<1600x100x128xf32, #tpu.memory_space<hbm>> -> memref<1x100x128xf32, #tpu.memory_space<hbm>>
    %dma_start3A_13 = tpu.memref_squeeze %dma_start3A_12 : memref<1x100x128xf32, #tpu.memory_space<hbm>> -> memref<100x128xf32, #tpu.memory_space<hbm>>
    tpu.enqueue_dma source(%dma_start3A_13 : memref<100x128xf32, #tpu.memory_space<hbm>>) target(%arg7 : memref<100x128xf32, #tpu.memory_space<vmem>>) target_semaphore(%arg9 : memref<!tpu.dma_semaphore, #tpu.memory_space<semaphore_mem>>)
    %scan3A = arith.constant 0 : i32
    %scan3A_14 = arith.constant 0 : i32
    %scan3A_15 = arith.constant 25 : i32
    %scan3A_16 = arith.addi %scan3A_14, %scan3A_15 : i32
    %scan3A_17 = arith.constant 1 : i32
    scf.for %scan3A_38 = %scan3A_14 to %scan3A_16 step %scan3A_17  : i32 {
      %mul3A_39 = arith.constant 2 : i32
      %mul3A_40 = arith.muli %scan3A_38, %mul3A_39 : i32
      %add3A_41 = arith.constant 0 : i32
      %add3A_42 = arith.addi %mul3A_40, %add3A_41 : i32
      %add3A_43 = arith.addi %mul3A_2, %add3A_42 : i32
      %dma_wait3A_44 = arith.constant 0 : i32
      %dma_wait3A_45 = arith.constant 0 : i32
      %dma_wait3A_46 = tpu.memref_slice %arg2[%add3A_43, %dma_wait3A_44, %dma_wait3A_45] : memref<1600x100x128xf32, #tpu.memory_space<hbm>> -> memref<1x100x128xf32, #tpu.memory_space<hbm>>
      %dma_wait3A_47 = tpu.memref_squeeze %dma_wait3A_46 : memref<1x100x128xf32, #tpu.memory_space<hbm>> -> memref<100x128xf32, #tpu.memory_space<hbm>>
      %dma_wait3A_48 = arith.constant 0 : i32
      %dma_wait3A_49 = arith.constant 0 : i32
      %dma_wait3A_50 = tpu.memref_slice %arg2[%add3A_43, %dma_wait3A_48, %dma_wait3A_49] : memref<1600x100x128xf32, #tpu.memory_space<hbm>> -> memref<1x100x128xf32, #tpu.memory_space<hbm>>
      %dma_wait3A_51 = tpu.memref_squeeze %dma_wait3A_50 : memref<1x100x128xf32, #tpu.memory_space<hbm>> -> memref<100x128xf32, #tpu.memory_space<hbm>>
      tpu.wait_dma2 semaphore(%arg9 : memref<!tpu.dma_semaphore, #tpu.memory_space<semaphore_mem>>) src(%dma_wait3A_51 : memref<100x128xf32, #tpu.memory_space<hbm>>) dst(%arg7 : memref<100x128xf32, #tpu.memory_space<vmem>>)
      %dma_start3A_52 = arith.constant 0 : i32
      %dma_start3A_53 = tpu.memref_slice %arg6[%add3A_42, %dma_start3A_52] : memref<50x100xi32, #tpu.memory_space<vmem>> -> memref<1x100xi32, #tpu.memory_space<vmem>>
      %dma_start3A_54 = tpu.memref_squeeze %dma_start3A_53 : memref<1x100xi32, #tpu.memory_space<vmem>> -> memref<100xi32, #tpu.memory_space<vmem>>
      %dma_start3A_55 = arith.constant 0 : i32
      %dma_start3A_56 = arith.constant 0 : i32
      %dma_start3A_57 = tpu.memref_slice %arg13[%dma_start3A_55, %dma_start3A_56] : memref<10240x128xf32, #tpu.memory_space<vmem_shared>> -> memref<10240x128xf32, #tpu.memory_space<vmem_shared>>
      tpu.enqueue_indirect_dma source(%arg7 : memref<100x128xf32, #tpu.memory_space<vmem>>) target(%dma_start3A_57 : memref<10240x128xf32, #tpu.memory_space<vmem_shared>>) offsets(%dma_start3A_54 : memref<100xi32, #tpu.memory_space<vmem>>) semaphore(%arg11 : memref<!tpu.dma_semaphore, #tpu.memory_space<semaphore_mem>>) {add = true}
      %add3A_58 = arith.constant 2 : i32
      %add3A_59 = arith.addi %add3A_42, %add3A_58 : i32
      %sub3A = arith.constant 1 : i32
      %sub3A_60 = arith.subi %add3A_59, %sub3A : i32
      %lt3A = arith.constant 50 : i32
      %lt3A_61 = arith.cmpi slt, %sub3A_60, %lt3A : i32
      %convert_element_type3A = arith.extui %lt3A_61 : i1 to i32
      %cond3A = arith.constant 0 : i32
      %cond3A_62 = arith.cmpi ne, %convert_element_type3A, %cond3A : i32
      scf.if %cond3A_62 {
        %ge3A = arith.constant 1 : i32
        %ge3A_89 = arith.cmpi sge, %add3A_42, %ge3A : i32
        %convert_element_type3A_90 = arith.extui %ge3A_89 : i1 to i32
        %cond3A_91 = arith.constant 0 : i32
        %cond3A_92 = arith.cmpi ne, %convert_element_type3A_90, %cond3A_91 : i32
        scf.if %cond3A_92 {
          %sub3A_102 = arith.constant 1 : i32
          %sub3A_103 = arith.subi %add3A_42, %sub3A_102 : i32
          %dma_wait3A_104 = arith.constant 0 : i32
          %dma_wait3A_105 = tpu.memref_slice %arg6[%sub3A_103, %dma_wait3A_104] : memref<50x100xi32, #tpu.memory_space<vmem>> -> memref<1x100xi32, #tpu.memory_space<vmem>>
          %dma_wait3A_106 = tpu.memref_squeeze %dma_wait3A_105 : memref<1x100xi32, #tpu.memory_space<vmem>> -> memref<100xi32, #tpu.memory_space<vmem>>
          %dma_wait3A_107 = arith.constant 0 : i32
          %dma_wait3A_108 = arith.constant 0 : i32
          %dma_wait3A_109 = tpu.memref_slice %arg13[%dma_wait3A_107, %dma_wait3A_108] : memref<10240x128xf32, #tpu.memory_space<vmem_shared>> -> memref<10240x128xf32, #tpu.memory_space<vmem_shared>>
          tpu.wait_indirect_dma semaphore(%arg12 : memref<!tpu.dma_semaphore, #tpu.memory_space<semaphore_mem>>) src(%arg8 : memref<100x128xf32, #tpu.memory_space<vmem>>) dst(%dma_wait3A_109 : memref<10240x128xf32, #tpu.memory_space<vmem_shared>>)
        } else {
        }
        %add3A_93 = arith.addi %mul3A_2, %sub3A_60 : i32
        %dma_start3A_94 = arith.constant 0 : i32
        %dma_start3A_95 = arith.constant 0 : i32
        %dma_start3A_96 = tpu.memref_slice %arg2[%add3A_93, %dma_start3A_94, %dma_start3A_95] : memref<1600x100x128xf32, #tpu.memory_space<hbm>> -> memref<1x100x128xf32, #tpu.memory_space<hbm>>
        %dma_start3A_97 = tpu.memref_squeeze %dma_start3A_96 : memref<1x100x128xf32, #tpu.memory_space<hbm>> -> memref<100x128xf32, #tpu.memory_space<hbm>>
        %dma_start3A_98 = arith.constant 0 : i32
        %dma_start3A_99 = arith.constant 0 : i32
        %dma_start3A_100 = tpu.memref_slice %arg2[%add3A_93, %dma_start3A_98, %dma_start3A_99] : memref<1600x100x128xf32, #tpu.memory_space<hbm>> -> memref<1x100x128xf32, #tpu.memory_space<hbm>>
        %dma_start3A_101 = tpu.memref_squeeze %dma_start3A_100 : memref<1x100x128xf32, #tpu.memory_space<hbm>> -> memref<100x128xf32, #tpu.memory_space<hbm>>
        tpu.enqueue_dma source(%dma_start3A_101 : memref<100x128xf32, #tpu.memory_space<hbm>>) target(%arg8 : memref<100x128xf32, #tpu.memory_space<vmem>>) target_semaphore(%arg10 : memref<!tpu.dma_semaphore, #tpu.memory_space<semaphore_mem>>)
      } else {
      }
      %add3A_63 = arith.constant 1 : i32
      %add3A_64 = arith.addi %mul3A_40, %add3A_63 : i32
      %add3A_65 = arith.addi %mul3A_2, %add3A_64 : i32
      %dma_wait3A_66 = arith.constant 0 : i32
      %dma_wait3A_67 = arith.constant 0 : i32
      %dma_wait3A_68 = tpu.memref_slice %arg2[%add3A_65, %dma_wait3A_66, %dma_wait3A_67] : memref<1600x100x128xf32, #tpu.memory_space<hbm>> -> memref<1x100x128xf32, #tpu.memory_space<hbm>>
      %dma_wait3A_69 = tpu.memref_squeeze %dma_wait3A_68 : memref<1x100x128xf32, #tpu.memory_space<hbm>> -> memref<100x128xf32, #tpu.memory_space<hbm>>
      %dma_wait3A_70 = arith.constant 0 : i32
      %dma_wait3A_71 = arith.constant 0 : i32
      %dma_wait3A_72 = tpu.memref_slice %arg2[%add3A_65, %dma_wait3A_70, %dma_wait3A_71] : memref<1600x100x128xf32, #tpu.memory_space<hbm>> -> memref<1x100x128xf32, #tpu.memory_space<hbm>>
      %dma_wait3A_73 = tpu.memref_squeeze %dma_wait3A_72 : memref<1x100x128xf32, #tpu.memory_space<hbm>> -> memref<100x128xf32, #tpu.memory_space<hbm>>
      tpu.wait_dma2 semaphore(%arg10 : memref<!tpu.dma_semaphore, #tpu.memory_space<semaphore_mem>>) src(%dma_wait3A_73 : memref<100x128xf32, #tpu.memory_space<hbm>>) dst(%arg8 : memref<100x128xf32, #tpu.memory_space<vmem>>)
      %dma_start3A_74 = arith.constant 0 : i32
      %dma_start3A_75 = tpu.memref_slice %arg6[%add3A_64, %dma_start3A_74] : memref<50x100xi32, #tpu.memory_space<vmem>> -> memref<1x100xi32, #tpu.memory_space<vmem>>
      %dma_start3A_76 = tpu.memref_squeeze %dma_start3A_75 : memref<1x100xi32, #tpu.memory_space<vmem>> -> memref<100xi32, #tpu.memory_space<vmem>>
      %dma_start3A_77 = arith.constant 0 : i32
      %dma_start3A_78 = arith.constant 0 : i32
      %dma_start3A_79 = tpu.memref_slice %arg13[%dma_start3A_77, %dma_start3A_78] : memref<10240x128xf32, #tpu.memory_space<vmem_shared>> -> memref<10240x128xf32, #tpu.memory_space<vmem_shared>>
      tpu.enqueue_indirect_dma source(%arg8 : memref<100x128xf32, #tpu.memory_space<vmem>>) target(%dma_start3A_79 : memref<10240x128xf32, #tpu.memory_space<vmem_shared>>) offsets(%dma_start3A_76 : memref<100xi32, #tpu.memory_space<vmem>>) semaphore(%arg12 : memref<!tpu.dma_semaphore, #tpu.memory_space<semaphore_mem>>) {add = true}
      %add3A_80 = arith.constant 2 : i32
      %add3A_81 = arith.addi %add3A_64, %add3A_80 : i32
      %sub3A_82 = arith.constant 1 : i32
      %sub3A_83 = arith.subi %add3A_81, %sub3A_82 : i32
      %lt3A_84 = arith.constant 50 : i32
      %lt3A_85 = arith.cmpi slt, %sub3A_83, %lt3A_84 : i32
      %convert_element_type3A_86 = arith.extui %lt3A_85 : i1 to i32
      %cond3A_87 = arith.constant 0 : i32
      %cond3A_88 = arith.cmpi ne, %convert_element_type3A_86, %cond3A_87 : i32
      scf.if %cond3A_88 {
        %ge3A = arith.constant 1 : i32
        %ge3A_89 = arith.cmpi sge, %add3A_64, %ge3A : i32
        %convert_element_type3A_90 = arith.extui %ge3A_89 : i1 to i32
        %cond3A_91 = arith.constant 0 : i32
        %cond3A_92 = arith.cmpi ne, %convert_element_type3A_90, %cond3A_91 : i32
        scf.if %cond3A_92 {
          %sub3A_102 = arith.constant 1 : i32
          %sub3A_103 = arith.subi %add3A_64, %sub3A_102 : i32
          %dma_wait3A_104 = arith.constant 0 : i32
          %dma_wait3A_105 = tpu.memref_slice %arg6[%sub3A_103, %dma_wait3A_104] : memref<50x100xi32, #tpu.memory_space<vmem>> -> memref<1x100xi32, #tpu.memory_space<vmem>>
          %dma_wait3A_106 = tpu.memref_squeeze %dma_wait3A_105 : memref<1x100xi32, #tpu.memory_space<vmem>> -> memref<100xi32, #tpu.memory_space<vmem>>
          %dma_wait3A_107 = arith.constant 0 : i32
          %dma_wait3A_108 = arith.constant 0 : i32
          %dma_wait3A_109 = tpu.memref_slice %arg13[%dma_wait3A_107, %dma_wait3A_108] : memref<10240x128xf32, #tpu.memory_space<vmem_shared>> -> memref<10240x128xf32, #tpu.memory_space<vmem_shared>>
          tpu.wait_indirect_dma semaphore(%arg11 : memref<!tpu.dma_semaphore, #tpu.memory_space<semaphore_mem>>) src(%arg7 : memref<100x128xf32, #tpu.memory_space<vmem>>) dst(%dma_wait3A_109 : memref<10240x128xf32, #tpu.memory_space<vmem_shared>>)
        } else {
        }
        %add3A_93 = arith.addi %mul3A_2, %sub3A_83 : i32
        %dma_start3A_94 = arith.constant 0 : i32
        %dma_start3A_95 = arith.constant 0 : i32
        %dma_start3A_96 = tpu.memref_slice %arg2[%add3A_93, %dma_start3A_94, %dma_start3A_95] : memref<1600x100x128xf32, #tpu.memory_space<hbm>> -> memref<1x100x128xf32, #tpu.memory_space<hbm>>
        %dma_start3A_97 = tpu.memref_squeeze %dma_start3A_96 : memref<1x100x128xf32, #tpu.memory_space<hbm>> -> memref<100x128xf32, #tpu.memory_space<hbm>>
        %dma_start3A_98 = arith.constant 0 : i32
        %dma_start3A_99 = arith.constant 0 : i32
        %dma_start3A_100 = tpu.memref_slice %arg2[%add3A_93, %dma_start3A_98, %dma_start3A_99] : memref<1600x100x128xf32, #tpu.memory_space<hbm>> -> memref<1x100x128xf32, #tpu.memory_space<hbm>>
        %dma_start3A_101 = tpu.memref_squeeze %dma_start3A_100 : memref<1x100x128xf32, #tpu.memory_space<hbm>> -> memref<100x128xf32, #tpu.memory_space<hbm>>
        tpu.enqueue_dma source(%dma_start3A_101 : memref<100x128xf32, #tpu.memory_space<hbm>>) target(%arg7 : memref<100x128xf32, #tpu.memory_space<vmem>>) target_semaphore(%arg9 : memref<!tpu.dma_semaphore, #tpu.memory_space<semaphore_mem>>)
      } else {
      }
    }
    %scan3A_18 = arith.constant 25 : i32
    %dma_wait3A = arith.constant 48 : i32
    %dma_wait3A_19 = arith.constant 0 : i32
    %dma_wait3A_20 = tpu.memref_slice %arg6[%dma_wait3A, %dma_wait3A_19] : memref<50x100xi32, #tpu.memory_space<vmem>> -> memref<1x100xi32, #tpu.memory_space<vmem>>
    %dma_wait3A_21 = tpu.memref_squeeze %dma_wait3A_20 : memref<1x100xi32, #tpu.memory_space<vmem>> -> memref<100xi32, #tpu.memory_space<vmem>>
    %dma_wait3A_22 = arith.constant 0 : i32
    %dma_wait3A_23 = arith.constant 0 : i32
    %dma_wait3A_24 = tpu.memref_slice %arg13[%dma_wait3A_22, %dma_wait3A_23] : memref<10240x128xf32, #tpu.memory_space<vmem_shared>> -> memref<10240x128xf32, #tpu.memory_space<vmem_shared>>
    tpu.wait_indirect_dma semaphore(%arg11 : memref<!tpu.dma_semaphore, #tpu.memory_space<semaphore_mem>>) src(%arg7 : memref<100x128xf32, #tpu.memory_space<vmem>>) dst(%dma_wait3A_24 : memref<10240x128xf32, #tpu.memory_space<vmem_shared>>)
    %dma_wait3A_25 = arith.constant 49 : i32
    %dma_wait3A_26 = arith.constant 0 : i32
    %dma_wait3A_27 = tpu.memref_slice %arg6[%dma_wait3A_25, %dma_wait3A_26] : memref<50x100xi32, #tpu.memory_space<vmem>> -> memref<1x100xi32, #tpu.memory_space<vmem>>
    %dma_wait3A_28 = tpu.memref_squeeze %dma_wait3A_27 : memref<1x100xi32, #tpu.memory_space<vmem>> -> memref<100xi32, #tpu.memory_space<vmem>>
    %dma_wait3A_29 = arith.constant 0 : i32
    %dma_wait3A_30 = arith.constant 0 : i32
    %dma_wait3A_31 = tpu.memref_slice %arg13[%dma_wait3A_29, %dma_wait3A_30] : memref<10240x128xf32, #tpu.memory_space<vmem_shared>> -> memref<10240x128xf32, #tpu.memory_space<vmem_shared>>
    tpu.wait_indirect_dma semaphore(%arg12 : memref<!tpu.dma_semaphore, #tpu.memory_space<semaphore_mem>>) src(%arg8 : memref<100x128xf32, #tpu.memory_space<vmem>>) dst(%dma_wait3A_31 : memref<10240x128xf32, #tpu.memory_space<vmem_shared>>)
    %barrier3A_32 = arith.constant 0 : index
    tpu.barrier barrier_id(%barrier3A_32)
    %mul3A_33 = arith.constant 10240 : i32
    %mul3A_34 = arith.muli %arg0, %mul3A_33 : i32
    %mul3A_35 = arith.constant 640 : i32
    %mul3A_36 = arith.muli %arg1, %mul3A_35 : i32
    %add3A_37 = arith.addi %mul3A_34, %mul3A_36 : i32
    "tpu.region"() ({
      %run_scoped3A = tpu.sem_alloc : memref<!tpu.dma_semaphore, #tpu.memory_space<semaphore_mem>>
      %dma_start3A_38 = arith.constant 0 : i32
      %dma_start3A_39 = tpu.memref_slice %arg5[%add3A_37, %dma_start3A_38] : memref<20480x128xf32, #tpu.memory_space<hbm>> -> memref<640x128xf32, #tpu.memory_space<hbm>>
      %dma_start3A_40 = arith.constant 0 : i32
      %dma_start3A_41 = tpu.memref_slice %arg13[%mul3A_4, %dma_start3A_40] : memref<10240x128xf32, #tpu.memory_space<vmem_shared>> -> memref<640x128xf32, #tpu.memory_space<vmem_shared>>
      tpu.enqueue_dma source(%dma_start3A_41 : memref<640x128xf32, #tpu.memory_space<vmem_shared>>) target(%dma_start3A_39 : memref<640x128xf32, #tpu.memory_space<hbm>>) target_semaphore(%run_scoped3A : memref<!tpu.dma_semaphore, #tpu.memory_space<semaphore_mem>>)
      %dma_wait3A_42 = arith.constant 0 : i32
      %dma_wait3A_43 = tpu.memref_slice %arg5[%add3A_37, %dma_wait3A_42] : memref<20480x128xf32, #tpu.memory_space<hbm>> -> memref<640x128xf32, #tpu.memory_space<hbm>>
      %dma_wait3A_44 = arith.constant 0 : i32
      %dma_wait3A_45 = tpu.memref_slice %arg13[%mul3A_4, %dma_wait3A_44] : memref<10240x128xf32, #tpu.memory_space<vmem_shared>> -> memref<640x128xf32, #tpu.memory_space<vmem_shared>>
      tpu.wait_dma2 semaphore(%run_scoped3A : memref<!tpu.dma_semaphore, #tpu.memory_space<semaphore_mem>>) src(%dma_wait3A_45 : memref<640x128xf32, #tpu.memory_space<vmem_shared>>) dst(%dma_wait3A_43 : memref<640x128xf32, #tpu.memory_space<hbm>>)
      tpu.yield
    }) : () -> ()
    return
  }
}

module attributes {stable_mosaic.version = 14 : i64} {
  func.func @body(%arg0: i32, %arg1: memref<1000x128xf32, #tpu.memory_space<vmem>>, %arg2: memref<128x16xf32, #tpu.memory_space<vmem>>, %arg3: memref<1000x128xf32, #tpu.memory_space<vmem>>) attributes {dimension_semantics = [#tpu.dimension_semantics<arbitrary>], iteration_bounds = array<i64: 10>, scalar_prefetch = 0 : i64, scratch_operands = 0 : i64, tpu.core_type = #tpu.core_type<tc>, window_params = [{transform_indices = @transform_0, window_bounds = array<i64: 1000, 128>}, {pipeline_mode = #tpu.pipeline_mode<synchronous>, transform_indices = @transform_1, window_bounds = array<i64: 128, 16>}, {transform_indices = @transform_2, window_bounds = array<i64: 1000, 128>}]} {
    %get3A = arith.constant 0 : index
    %get3A_0 = arith.constant 0 : index
    %get3A_1 = vector.load %arg1[%get3A, %get3A_0] : memref<1000x128xf32, #tpu.memory_space<vmem>>, vector<1000x128xf32>
    %get3A_2 = arith.constant 0 : index
    %get3A_3 = arith.constant 0 : index
    %get3A_4 = vector.load %arg2[%get3A_2, %get3A_3] : memref<128x16xf32, #tpu.memory_space<vmem>>, vector<128x16xf32>
    %dot_general3A = arith.constant dense<0.000000e+00> : vector<1000x16xf32>
    %dot_general3A_5 = tpu.matmul %get3A_1, %get3A_4, %dot_general3A {dimension_numbers = #tpu.dot_dimension_numbers<[1], [0], [0], [1], [0, 0, 1, 1], [], []>, transpose_lhs_hint = false} : vector<1000x128xf32>, vector<128x16xf32>, vector<1000x16xf32> -> vector<1000x16xf32>
    %broadcast_in_dim3A = arith.constant 0.000000e+00 : f32
    %broadcast_in_dim3A_6 = vector.broadcast %broadcast_in_dim3A : f32 to vector<1000x112xf32>
    %concatenate3A = tpu.concatenate %dot_general3A_5, %broadcast_in_dim3A_6 in 1 : vector<1000x16xf32>, vector<1000x112xf32> -> vector<1000x128xf32>
    %swap3A = arith.constant 0 : index
    %swap3A_7 = arith.constant 0 : index
    %swap3A_8 = vector.load %arg3[%swap3A, %swap3A_7] : memref<1000x128xf32, #tpu.memory_space<vmem>>, vector<1000x128xf32>
    tpu.vector_store %arg3[%swap3A, %swap3A_7], %concatenate3A {strides = array<i32>} : memref<1000x128xf32, #tpu.memory_space<vmem>>, vector<1000x128xf32>,
    return
  }
  func.func @transform_0(%arg0: i32) -> (i32, i32) {
    %c0_i32 = arith.constant 0 : i32
    %c0_i32_0 = arith.constant 0 : i32
    return %arg0, %c0_i32 : i32, i32
  }
  func.func @transform_1(%arg0: i32) -> (i32, i32) {
    %c0_i32 = arith.constant 0 : i32
    %c0_i32_0 = arith.constant 0 : i32
    %c0_i32_1 = arith.constant 0 : i32
    return %c0_i32, %c0_i32_0 : i32, i32
  }
  func.func @transform_2(%arg0: i32) -> (i32, i32) {
    %c0_i32 = arith.constant 0 : i32
    %c0_i32_0 = arith.constant 0 : i32
    return %arg0, %c0_i32 : i32, i32
  }
}

module attributes {stable_mosaic.version = 14 : i64} {
  func.func @body(%arg0: i32, %arg1: memref<2000x128xf32, #tpu.memory_space<vmem>>, %arg2: memref<2000x128xf32, #tpu.memory_space<vmem>>, %arg3: memref<2000x16xf32, #tpu.memory_space<vmem>>, %arg4: memref<16x8xf32, #tpu.memory_space<vmem>>, %arg5: memref<2000x16xf32, #tpu.memory_space<vmem>>) attributes {dimension_semantics = [#tpu.dimension_semantics<arbitrary>], iteration_bounds = array<i64: 80>, scalar_prefetch = 0 : i64, scratch_operands = 0 : i64, tpu.core_type = #tpu.core_type<tc>, window_params = [{transform_indices = @transform_0, window_bounds = array<i64: 2000, 128>}, {transform_indices = @transform_1, window_bounds = array<i64: 2000, 128>}, {transform_indices = @transform_2, window_bounds = array<i64: 2000, 16>}, {pipeline_mode = #tpu.pipeline_mode<synchronous>, transform_indices = @transform_3, window_bounds = array<i64: 16, 8>}, {transform_indices = @transform_4, window_bounds = array<i64: 2000, 16>}]} {
    %get3A = arith.constant 0 : index
    %get3A_0 = arith.constant 0 : index
    %get3A_1 = vector.load %arg1[%get3A, %get3A_0] : memref<2000x128xf32, #tpu.memory_space<vmem>>, vector<2000x128xf32>
    %slice3A = vector.extract_strided_slice %get3A_1 {offsets = [0, 0], sizes = [2000, 8], strides = [1, 1]} : vector<2000x128xf32> to vector<2000x8xf32>
    %get3A_2 = arith.constant 0 : index
    %get3A_3 = arith.constant 0 : index
    %get3A_4 = vector.load %arg2[%get3A_2, %get3A_3] : memref<2000x128xf32, #tpu.memory_space<vmem>>, vector<2000x128xf32>
    %slice3A_5 = vector.extract_strided_slice %get3A_4 {offsets = [0, 8], sizes = [2000, 8], strides = [1, 1]} : vector<2000x128xf32> to vector<2000x8xf32>
    %add3A = arith.addf %slice3A, %slice3A_5 : vector<2000x8xf32>
    %get3A_6 = arith.constant 0 : index
    %get3A_7 = arith.constant 0 : index
    %get3A_8 = vector.load %arg3[%get3A_6, %get3A_7] : memref<2000x16xf32, #tpu.memory_space<vmem>>, vector<2000x16xf32>
    %get3A_9 = arith.constant 0 : index
    %get3A_10 = arith.constant 0 : index
    %get3A_11 = vector.load %arg4[%get3A_9, %get3A_10] : memref<16x8xf32, #tpu.memory_space<vmem>>, vector<16x8xf32>
    %dot_general3A = arith.constant dense<0.000000e+00> : vector<2000x8xf32>
    %dot_general3A_12 = tpu.matmul %get3A_8, %get3A_11, %dot_general3A {dimension_numbers = #tpu.dot_dimension_numbers<[1], [0], [0], [1], [0, 0, 1, 1], [], []>, transpose_lhs_hint = false} : vector<2000x16xf32>, vector<16x8xf32>, vector<2000x8xf32> -> vector<2000x8xf32>
    %add3A_13 = arith.addf %add3A, %dot_general3A_12 : vector<2000x8xf32>
    %max3A = arith.constant 0.000000e+00 : f32
    %max3A_14 = vector.broadcast %max3A : f32 to vector<2000x8xf32>
    %max3A_15 = arith.maximumf %add3A_13, %max3A_14 : vector<2000x8xf32>
    %broadcast_in_dim3A = arith.constant 0.000000e+00 : f32
    %broadcast_in_dim3A_16 = vector.broadcast %broadcast_in_dim3A : f32 to vector<2000x8xf32>
    %concatenate3A = tpu.concatenate %max3A_15, %broadcast_in_dim3A_16 in 1 : vector<2000x8xf32>, vector<2000x8xf32> -> vector<2000x16xf32>
    %swap3A = arith.constant 0 : index
    %swap3A_17 = arith.constant 0 : index
    %swap3A_18 = vector.load %arg5[%swap3A, %swap3A_17] : memref<2000x16xf32, #tpu.memory_space<vmem>>, vector<2000x16xf32>
    tpu.vector_store %arg5[%swap3A, %swap3A_17], %concatenate3A {strides = array<i32>} : memref<2000x16xf32, #tpu.memory_space<vmem>>, vector<2000x16xf32>,
    return
  }
  func.func @transform_0(%arg0: i32) -> (i32, i32) {
    %c0_i32 = arith.constant 0 : i32
    %c0_i32_0 = arith.constant 0 : i32
    return %arg0, %c0_i32 : i32, i32
  }
  func.func @transform_1(%arg0: i32) -> (i32, i32) {
    %c0_i32 = arith.constant 0 : i32
    %c0_i32_0 = arith.constant 0 : i32
    return %arg0, %c0_i32 : i32, i32
  }
  func.func @transform_2(%arg0: i32) -> (i32, i32) {
    %c0_i32 = arith.constant 0 : i32
    %c0_i32_0 = arith.constant 0 : i32
    return %arg0, %c0_i32 : i32, i32
  }
  func.func @transform_3(%arg0: i32) -> (i32, i32) {
    %c0_i32 = arith.constant 0 : i32
    %c0_i32_0 = arith.constant 0 : i32
    %c0_i32_1 = arith.constant 0 : i32
    return %c0_i32, %c0_i32_0 : i32, i32
  }
  func.func @transform_4(%arg0: i32) -> (i32, i32) {
    %c0_i32 = arith.constant 0 : i32
    %c0_i32_0 = arith.constant 0 : i32
    return %arg0, %c0_i32 : i32, i32
  }
}

module attributes {stable_mosaic.version = 14 : i64} {
  func.func @body(%arg0: i32, %arg1: memref<2000x16xf32, #tpu.memory_space<vmem>>, %arg2: memref<16x16xf32, #tpu.memory_space<vmem>>, %arg3: memref<1x16xf32, #tpu.memory_space<vmem>>, %arg4: memref<16x128xf32, #tpu.memory_space<vmem>>, %arg5: memref<1x128xf32, #tpu.memory_space<vmem>>, %arg6: memref<16x128xf32, #tpu.memory_space<vmem>>, %arg7: memref<20x100x128xf32, #tpu.memory_space<vmem>>) attributes {dimension_semantics = [#tpu.dimension_semantics<arbitrary>], iteration_bounds = array<i64: 80>, scalar_prefetch = 0 : i64, scratch_operands = 0 : i64, tpu.core_type = #tpu.core_type<tc>, window_params = [{transform_indices = @transform_0, window_bounds = array<i64: 2000, 16>}, {pipeline_mode = #tpu.pipeline_mode<synchronous>, transform_indices = @transform_1, window_bounds = array<i64: 16, 16>}, {pipeline_mode = #tpu.pipeline_mode<synchronous>, transform_indices = @transform_2, window_bounds = array<i64: 1, 16>}, {pipeline_mode = #tpu.pipeline_mode<synchronous>, transform_indices = @transform_3, window_bounds = array<i64: 16, 128>}, {pipeline_mode = #tpu.pipeline_mode<synchronous>, transform_indices = @transform_4, window_bounds = array<i64: 1, 128>}, {pipeline_mode = #tpu.pipeline_mode<synchronous>, transform_indices = @transform_5, window_bounds = array<i64: 16, 128>}, {transform_indices = @transform_6, window_bounds = array<i64: 20, 100, 128>}]} {
    %get3A = arith.constant 0 : index
    %get3A_0 = arith.constant 0 : index
    %get3A_1 = vector.load %arg1[%get3A, %get3A_0] : memref<2000x16xf32, #tpu.memory_space<vmem>>, vector<2000x16xf32>
    %get3A_2 = arith.constant 0 : index
    %get3A_3 = arith.constant 0 : index
    %get3A_4 = vector.load %arg2[%get3A_2, %get3A_3] : memref<16x16xf32, #tpu.memory_space<vmem>>, vector<16x16xf32>
    %get3A_5 = arith.constant 0 : index
    %get3A_6 = arith.constant 0 : index
    %get3A_7 = vector.load %arg3[%get3A_5, %get3A_6] : memref<1x16xf32, #tpu.memory_space<vmem>>, vector<1x16xf32>
    %get3A_8 = arith.constant 0 : index
    %get3A_9 = arith.constant 0 : index
    %get3A_10 = vector.load %arg4[%get3A_8, %get3A_9] : memref<16x128xf32, #tpu.memory_space<vmem>>, vector<16x128xf32>
    %get3A_11 = arith.constant 0 : index
    %get3A_12 = arith.constant 0 : index
    %get3A_13 = vector.load %arg5[%get3A_11, %get3A_12] : memref<1x128xf32, #tpu.memory_space<vmem>>, vector<1x128xf32>
    %get3A_14 = arith.constant 0 : index
    %get3A_15 = arith.constant 0 : index
    %get3A_16 = vector.load %arg6[%get3A_14, %get3A_15] : memref<16x128xf32, #tpu.memory_space<vmem>>, vector<16x128xf32>
    %dot_general3A = arith.constant dense<0.000000e+00> : vector<2000x16xf32>
    %dot_general3A_17 = tpu.matmul %get3A_1, %get3A_4, %dot_general3A {dimension_numbers = #tpu.dot_dimension_numbers<[1], [0], [0], [1], [0, 0, 1, 1], [], []>, transpose_lhs_hint = false} : vector<2000x16xf32>, vector<16x16xf32>, vector<2000x16xf32> -> vector<2000x16xf32>
    %add3A = vector.broadcast %get3A_7 : vector<1x16xf32> to vector<2000x16xf32>
    %add3A_18 = arith.addf %dot_general3A_17, %add3A : vector<2000x16xf32>
    %max3A = arith.constant 0.000000e+00 : f32
    %max3A_19 = vector.broadcast %max3A : f32 to vector<2000x16xf32>
    %max3A_20 = arith.maximumf %add3A_18, %max3A_19 : vector<2000x16xf32>
    %dot_general3A_21 = arith.constant dense<0.000000e+00> : vector<2000x128xf32>
    %dot_general3A_22 = tpu.matmul %max3A_20, %get3A_10, %dot_general3A_21 {dimension_numbers = #tpu.dot_dimension_numbers<[1], [0], [0], [1], [0, 0, 1, 1], [], []>, transpose_lhs_hint = false} : vector<2000x16xf32>, vector<16x128xf32>, vector<2000x128xf32> -> vector<2000x128xf32>
    %add3A_23 = vector.broadcast %get3A_13 : vector<1x128xf32> to vector<2000x128xf32>
    %add3A_24 = arith.addf %dot_general3A_22, %add3A_23 : vector<2000x128xf32>
    %dot_general3A_25 = arith.constant dense<0.000000e+00> : vector<2000x128xf32>
    %dot_general3A_26 = tpu.matmul %get3A_1, %get3A_16, %dot_general3A_25 {dimension_numbers = #tpu.dot_dimension_numbers<[1], [0], [0], [1], [0, 0, 1, 1], [], []>, transpose_lhs_hint = false} : vector<2000x16xf32>, vector<16x128xf32>, vector<2000x128xf32> -> vector<2000x128xf32>
    %mul3A = arith.mulf %add3A_24, %dot_general3A_26 : vector<2000x128xf32>
    %slice3A = vector.extract_strided_slice %mul3A {offsets = [0, 64], sizes = [2000, 64], strides = [1, 1]} : vector<2000x128xf32> to vector<2000x64xf32>
    %exp3A = math.exp %slice3A : vector<2000x64xf32>
    %slice3A_27 = vector.extract_strided_slice %mul3A {offsets = [0, 0], sizes = [2000, 64], strides = [1, 1]} : vector<2000x128xf32> to vector<2000x64xf32>
    %mul3A_28 = arith.mulf %exp3A, %slice3A_27 : vector<2000x64xf32>
    %concatenate3A = tpu.concatenate %exp3A, %mul3A_28 in 1 : vector<2000x64xf32>, vector<2000x64xf32> -> vector<2000x128xf32>
    %reshape3A = vector.shape_cast %concatenate3A : vector<2000x128xf32> to vector<20x100x128xf32>
    %swap3A = arith.constant 0 : index
    %swap3A_29 = arith.constant 0 : index
    %swap3A_30 = arith.constant 0 : index
    %swap3A_31 = vector.load %arg7[%swap3A, %swap3A_29, %swap3A_30] : memref<20x100x128xf32, #tpu.memory_space<vmem>>, vector<20x100x128xf32>
    tpu.vector_store %arg7[%swap3A, %swap3A_29, %swap3A_30], %reshape3A {strides = array<i32>} : memref<20x100x128xf32, #tpu.memory_space<vmem>>, vector<20x100x128xf32>,
    return
  }
  func.func @transform_0(%arg0: i32) -> (i32, i32) {
    %c0_i32 = arith.constant 0 : i32
    %c0_i32_0 = arith.constant 0 : i32
    return %arg0, %c0_i32 : i32, i32
  }
  func.func @transform_1(%arg0: i32) -> (i32, i32) {
    %c0_i32 = arith.constant 0 : i32
    %c0_i32_0 = arith.constant 0 : i32
    %c0_i32_1 = arith.constant 0 : i32
    return %c0_i32, %c0_i32_0 : i32, i32
  }
  func.func @transform_2(%arg0: i32) -> (i32, i32) {
    %c0_i32 = arith.constant 0 : i32
    %c0_i32_0 = arith.constant 0 : i32
    %c0_i32_1 = arith.constant 0 : i32
    return %c0_i32, %c0_i32_0 : i32, i32
  }
  func.func @transform_3(%arg0: i32) -> (i32, i32) {
    %c0_i32 = arith.constant 0 : i32
    %c0_i32_0 = arith.constant 0 : i32
    %c0_i32_1 = arith.constant 0 : i32
    return %c0_i32, %c0_i32_0 : i32, i32
  }
  func.func @transform_4(%arg0: i32) -> (i32, i32) {
    %c0_i32 = arith.constant 0 : i32
    %c0_i32_0 = arith.constant 0 : i32
    %c0_i32_1 = arith.constant 0 : i32
    return %c0_i32, %c0_i32_0 : i32, i32
  }
  func.func @transform_5(%arg0: i32) -> (i32, i32) {
    %c0_i32 = arith.constant 0 : i32
    %c0_i32_0 = arith.constant 0 : i32
    %c0_i32_1 = arith.constant 0 : i32
    return %c0_i32, %c0_i32_0 : i32, i32
  }
  func.func @transform_6(%arg0: i32) -> (i32, i32, i32) {
    %c0_i32 = arith.constant 0 : i32
    %c0_i32_0 = arith.constant 0 : i32
    %c0_i32_1 = arith.constant 0 : i32
    return %arg0, %c0_i32, %c0_i32_0 : i32, i32, i32
  }
}

module attributes {stable_mosaic.version = 14 : i64} {
  func.func @body(%arg0: i32, %arg1: memref<1024x128xf32, #tpu.memory_space<vmem>>, %arg2: memref<1024x128xf32, #tpu.memory_space<vmem>>, %arg3: memref<1024x128xf32, #tpu.memory_space<vmem>>) attributes {dimension_semantics = [#tpu.dimension_semantics<arbitrary>], iteration_bounds = array<i64: 10>, scalar_prefetch = 0 : i64, scratch_operands = 0 : i64, tpu.core_type = #tpu.core_type<tc>, window_params = [{transform_indices = @transform_0, window_bounds = array<i64: 1024, 128>}, {transform_indices = @transform_1, window_bounds = array<i64: 1024, 128>}, {transform_indices = @transform_2, window_bounds = array<i64: 1024, 128>}]} {
    %get3A = arith.constant 0 : index
    %get3A_0 = arith.constant 0 : index
    %get3A_1 = vector.load %arg1[%get3A, %get3A_0] : memref<1024x128xf32, #tpu.memory_space<vmem>>, vector<1024x128xf32>
    %get3A_2 = arith.constant 0 : index
    %get3A_3 = arith.constant 0 : index
    %get3A_4 = vector.load %arg2[%get3A_2, %get3A_3] : memref<1024x128xf32, #tpu.memory_space<vmem>>, vector<1024x128xf32>
    %add3A = arith.addf %get3A_1, %get3A_4 : vector<1024x128xf32>
    %swap3A = arith.constant 0 : index
    %swap3A_5 = arith.constant 0 : index
    %swap3A_6 = vector.load %arg3[%swap3A, %swap3A_5] : memref<1024x128xf32, #tpu.memory_space<vmem>>, vector<1024x128xf32>
    tpu.vector_store %arg3[%swap3A, %swap3A_5], %add3A {strides = array<i32>} : memref<1024x128xf32, #tpu.memory_space<vmem>>, vector<1024x128xf32>,
    return
  }
  func.func @transform_0(%arg0: i32) -> (i32, i32) {
    %c0_i32 = arith.constant 0 : i32
    %c0_i32_0 = arith.constant 0 : i32
    return %arg0, %c0_i32 : i32, i32
  }
  func.func @transform_1(%arg0: i32) -> (i32, i32) {
    %add3A = arith.constant 10 : i32
    %add3A_0 = arith.addi %arg0, %add3A : i32
    %c0_i32 = arith.constant 0 : i32
    %c0_i32_1 = arith.constant 0 : i32
    return %add3A_0, %c0_i32 : i32, i32
  }
  func.func @transform_2(%arg0: i32) -> (i32, i32) {
    %c0_i32 = arith.constant 0 : i32
    %c0_i32_0 = arith.constant 0 : i32
    return %arg0, %c0_i32 : i32, i32
  }
}

module attributes {stable_mosaic.version = 14 : i64} {
  func.func @body(%arg0: i32, %arg1: memref<2000x128xf32, #tpu.memory_space<vmem>>, %arg2: memref<2000x16xf32, #tpu.memory_space<vmem>>, %arg3: memref<2000x16xf32, #tpu.memory_space<vmem>>, %arg4: memref<16x16xf32, #tpu.memory_space<vmem>>, %arg5: memref<1x16xf32, #tpu.memory_space<vmem>>, %arg6: memref<16x128xf32, #tpu.memory_space<vmem>>, %arg7: memref<1x128xf32, #tpu.memory_space<vmem>>, %arg8: memref<16x128xf32, #tpu.memory_space<vmem>>, %arg9: memref<64x8xf32, #tpu.memory_space<vmem>>, %arg10: memref<8x8xf32, #tpu.memory_space<vmem>>, %arg11: memref<8x8xf32, #tpu.memory_space<vmem>>, %arg12: memref<8x8xf32, #tpu.memory_space<vmem>>, %arg13: memref<16x8xf32, #tpu.memory_space<vmem>>, %arg14: memref<16x8xf32, #tpu.memory_space<vmem>>, %arg15: memref<16x8xf32, #tpu.memory_space<vmem>>, %arg16: memref<1x32xf32, #tpu.memory_space<vmem>>, %arg17: memref<2000x16xf32, #tpu.memory_space<vmem>>) attributes {dimension_semantics = [#tpu.dimension_semantics<arbitrary>], iteration_bounds = array<i64: 80>, scalar_prefetch = 0 : i64, scratch_operands = 0 : i64, tpu.core_type = #tpu.core_type<tc>, window_params = [{transform_indices = @transform_0, window_bounds = array<i64: 2000, 128>}, {transform_indices = @transform_1, window_bounds = array<i64: 2000, 16>}, {transform_indices = @transform_2, window_bounds = array<i64: 2000, 16>}, {pipeline_mode = #tpu.pipeline_mode<synchronous>, transform_indices = @transform_3, window_bounds = array<i64: 16, 16>}, {pipeline_mode = #tpu.pipeline_mode<synchronous>, transform_indices = @transform_4, window_bounds = array<i64: 1, 16>}, {pipeline_mode = #tpu.pipeline_mode<synchronous>, transform_indices = @transform_5, window_bounds = array<i64: 16, 128>}, {pipeline_mode = #tpu.pipeline_mode<synchronous>, transform_indices = @transform_6, window_bounds = array<i64: 1, 128>}, {pipeline_mode = #tpu.pipeline_mode<synchronous>, transform_indices = @transform_7, window_bounds = array<i64: 16, 128>}, {pipeline_mode = #tpu.pipeline_mode<synchronous>, transform_indices = @transform_8, window_bounds = array<i64: 64, 8>}, {pipeline_mode = #tpu.pipeline_mode<synchronous>, transform_indices = @transform_9, window_bounds = array<i64: 8, 8>}, {pipeline_mode = #tpu.pipeline_mode<synchronous>, transform_indices = @transform_10, window_bounds = array<i64: 8, 8>}, {pipeline_mode = #tpu.pipeline_mode<synchronous>, transform_indices = @transform_11, window_bounds = array<i64: 8, 8>}, {pipeline_mode = #tpu.pipeline_mode<synchronous>, transform_indices = @transform_12, window_bounds = array<i64: 16, 8>}, {pipeline_mode = #tpu.pipeline_mode<synchronous>, transform_indices = @transform_13, window_bounds = array<i64: 16, 8>}, {pipeline_mode = #tpu.pipeline_mode<synchronous>, transform_indices = @transform_14, window_bounds = array<i64: 16, 8>}, {pipeline_mode = #tpu.pipeline_mode<synchronous>, transform_indices = @transform_15, window_bounds = array<i64: 1, 32>}, {transform_indices = @transform_16, window_bounds = array<i64: 2000, 16>}]} {
    %get3A = arith.constant 0 : index
    %get3A_0 = arith.constant 0 : index
    %get3A_1 = vector.load %arg2[%get3A, %get3A_0] : memref<2000x16xf32, #tpu.memory_space<vmem>>, vector<2000x16xf32>
    %get3A_2 = arith.constant 0 : index
    %get3A_3 = arith.constant 0 : index
    %get3A_4 = vector.load %arg4[%get3A_2, %get3A_3] : memref<16x16xf32, #tpu.memory_space<vmem>>, vector<16x16xf32>
    %get3A_5 = arith.constant 0 : index
    %get3A_6 = arith.constant 0 : index
    %get3A_7 = vector.load %arg5[%get3A_5, %get3A_6] : memref<1x16xf32, #tpu.memory_space<vmem>>, vector<1x16xf32>
    %get3A_8 = arith.constant 0 : index
    %get3A_9 = arith.constant 0 : index
    %get3A_10 = vector.load %arg6[%get3A_8, %get3A_9] : memref<16x128xf32, #tpu.memory_space<vmem>>, vector<16x128xf32>
    %get3A_11 = arith.constant 0 : index
    %get3A_12 = arith.constant 0 : index
    %get3A_13 = vector.load %arg7[%get3A_11, %get3A_12] : memref<1x128xf32, #tpu.memory_space<vmem>>, vector<1x128xf32>
    %get3A_14 = arith.constant 0 : index
    %get3A_15 = arith.constant 0 : index
    %get3A_16 = vector.load %arg8[%get3A_14, %get3A_15] : memref<16x128xf32, #tpu.memory_space<vmem>>, vector<16x128xf32>
    %dot_general3A = arith.constant dense<0.000000e+00> : vector<2000x16xf32>
    %dot_general3A_17 = tpu.matmul %get3A_1, %get3A_4, %dot_general3A {dimension_numbers = #tpu.dot_dimension_numbers<[1], [0], [0], [1], [0, 0, 1, 1], [], []>, transpose_lhs_hint = false} : vector<2000x16xf32>, vector<16x16xf32>, vector<2000x16xf32> -> vector<2000x16xf32>
    %add3A = vector.broadcast %get3A_7 : vector<1x16xf32> to vector<2000x16xf32>
    %add3A_18 = arith.addf %dot_general3A_17, %add3A : vector<2000x16xf32>
    %max3A = arith.constant 0.000000e+00 : f32
    %max3A_19 = vector.broadcast %max3A : f32 to vector<2000x16xf32>
    %max3A_20 = arith.maximumf %add3A_18, %max3A_19 : vector<2000x16xf32>
    %dot_general3A_21 = arith.constant dense<0.000000e+00> : vector<2000x128xf32>
    %dot_general3A_22 = tpu.matmul %max3A_20, %get3A_10, %dot_general3A_21 {dimension_numbers = #tpu.dot_dimension_numbers<[1], [0], [0], [1], [0, 0, 1, 1], [], []>, transpose_lhs_hint = false} : vector<2000x16xf32>, vector<16x128xf32>, vector<2000x128xf32> -> vector<2000x128xf32>
    %add3A_23 = vector.broadcast %get3A_13 : vector<1x128xf32> to vector<2000x128xf32>
    %add3A_24 = arith.addf %dot_general3A_22, %add3A_23 : vector<2000x128xf32>
    %dot_general3A_25 = arith.constant dense<0.000000e+00> : vector<2000x128xf32>
    %dot_general3A_26 = tpu.matmul %get3A_1, %get3A_16, %dot_general3A_25 {dimension_numbers = #tpu.dot_dimension_numbers<[1], [0], [0], [1], [0, 0, 1, 1], [], []>, transpose_lhs_hint = false} : vector<2000x16xf32>, vector<16x128xf32>, vector<2000x128xf32> -> vector<2000x128xf32>
    %mul3A = arith.mulf %add3A_24, %dot_general3A_26 : vector<2000x128xf32>
    %get3A_27 = arith.constant 0 : index
    %get3A_28 = arith.constant 0 : index
    %get3A_29 = vector.load %arg3[%get3A_27, %get3A_28] : memref<2000x16xf32, #tpu.memory_space<vmem>>, vector<2000x16xf32>
    %get3A_30 = arith.constant 0 : index
    %get3A_31 = arith.constant 0 : index
    %get3A_32 = vector.load %arg8[%get3A_30, %get3A_31] : memref<16x128xf32, #tpu.memory_space<vmem>>, vector<16x128xf32>
    %dot_general3A_33 = arith.constant dense<0.000000e+00> : vector<2000x128xf32>
    %dot_general3A_34 = tpu.matmul %get3A_29, %get3A_32, %dot_general3A_33 {dimension_numbers = #tpu.dot_dimension_numbers<[1], [0], [0], [1], [0, 0, 1, 1], [], []>, transpose_lhs_hint = false} : vector<2000x16xf32>, vector<16x128xf32>, vector<2000x128xf32> -> vector<2000x128xf32>
    %mul3A_35 = arith.mulf %add3A_24, %dot_general3A_34 : vector<2000x128xf32>
    %slice3A = vector.extract_strided_slice %mul3A {offsets = [0, 64], sizes = [2000, 64], strides = [1, 1]} : vector<2000x128xf32> to vector<2000x64xf32>
    %exp3A = math.exp %slice3A : vector<2000x64xf32>
    %slice3A_36 = vector.extract_strided_slice %mul3A {offsets = [0, 0], sizes = [2000, 64], strides = [1, 1]} : vector<2000x128xf32> to vector<2000x64xf32>
    %mul3A_37 = arith.mulf %exp3A, %slice3A_36 : vector<2000x64xf32>
    %slice3A_38 = vector.extract_strided_slice %mul3A_35 {offsets = [0, 64], sizes = [2000, 64], strides = [1, 1]} : vector<2000x128xf32> to vector<2000x64xf32>
    %exp3A_39 = math.exp %slice3A_38 : vector<2000x64xf32>
    %slice3A_40 = vector.extract_strided_slice %mul3A_35 {offsets = [0, 0], sizes = [2000, 64], strides = [1, 1]} : vector<2000x128xf32> to vector<2000x64xf32>
    %mul3A_41 = arith.mulf %exp3A_39, %slice3A_40 : vector<2000x64xf32>
    %get3A_42 = arith.constant 0 : index
    %get3A_43 = arith.constant 0 : index
    %get3A_44 = vector.load %arg1[%get3A_42, %get3A_43] : memref<2000x128xf32, #tpu.memory_space<vmem>>, vector<2000x128xf32>
    %slice3A_45 = vector.extract_strided_slice %get3A_44 {offsets = [0, 0], sizes = [2000, 64], strides = [1, 1]} : vector<2000x128xf32> to vector<2000x64xf32>
    %slice3A_46 = vector.extract_strided_slice %get3A_44 {offsets = [0, 64], sizes = [2000, 64], strides = [1, 1]} : vector<2000x128xf32> to vector<2000x64xf32>
    %sub3A = arith.subf %slice3A_46, %mul3A_37 : vector<2000x64xf32>
    %add3A_47 = arith.addf %sub3A, %mul3A_41 : vector<2000x64xf32>
    %sub3A_48 = arith.subf %slice3A_45, %exp3A : vector<2000x64xf32>
    %add3A_49 = arith.addf %sub3A_48, %exp3A_39 : vector<2000x64xf32>
    %div3A = arith.divf %add3A_47, %add3A_49 : vector<2000x64xf32>
    %get3A_50 = arith.constant 0 : index
    %get3A_51 = arith.constant 0 : index
    %get3A_52 = vector.load %arg9[%get3A_50, %get3A_51] : memref<64x8xf32, #tpu.memory_space<vmem>>, vector<64x8xf32>
    %dot_general3A_53 = arith.constant dense<0.000000e+00> : vector<2000x8xf32>
    %dot_general3A_54 = tpu.matmul %div3A, %get3A_52, %dot_general3A_53 {dimension_numbers = #tpu.dot_dimension_numbers<[1], [0], [0], [1], [0, 0, 1, 1], [], []>, transpose_lhs_hint = false} : vector<2000x64xf32>, vector<64x8xf32>, vector<2000x8xf32> -> vector<2000x8xf32>
    %max3A_55 = arith.constant 0.000000e+00 : f32
    %max3A_56 = vector.broadcast %max3A_55 : f32 to vector<2000x8xf32>
    %max3A_57 = arith.maximumf %dot_general3A_54, %max3A_56 : vector<2000x8xf32>
    %get3A_58 = arith.constant 0 : index
    %get3A_59 = arith.constant 0 : index
    %get3A_60 = vector.load %arg16[%get3A_58, %get3A_59] : memref<1x32xf32, #tpu.memory_space<vmem>>, vector<1x32xf32>
    %get3A_61 = arith.constant 0 : index
    %get3A_62 = arith.constant 0 : index
    %get3A_63 = vector.load %arg10[%get3A_61, %get3A_62] : memref<8x8xf32, #tpu.memory_space<vmem>>, vector<8x8xf32>
    %dot_general3A_64 = arith.constant dense<0.000000e+00> : vector<2000x8xf32>
    %dot_general3A_65 = tpu.matmul %max3A_57, %get3A_63, %dot_general3A_64 {dimension_numbers = #tpu.dot_dimension_numbers<[1], [0], [0], [1], [0, 0, 1, 1], [], []>, transpose_lhs_hint = false} : vector<2000x8xf32>, vector<8x8xf32>, vector<2000x8xf32> -> vector<2000x8xf32>
    %get3A_66 = arith.constant 0 : index
    %get3A_67 = arith.constant 0 : index
    %get3A_68 = vector.load %arg13[%get3A_66, %get3A_67] : memref<16x8xf32, #tpu.memory_space<vmem>>, vector<16x8xf32>
    %dot_general3A_69 = arith.constant dense<0.000000e+00> : vector<2000x8xf32>
    %dot_general3A_70 = tpu.matmul %get3A_1, %get3A_68, %dot_general3A_69 {dimension_numbers = #tpu.dot_dimension_numbers<[1], [0], [0], [1], [0, 0, 1, 1], [], []>, transpose_lhs_hint = false} : vector<2000x16xf32>, vector<16x8xf32>, vector<2000x8xf32> -> vector<2000x8xf32>
    %add3A_71 = arith.addf %dot_general3A_65, %dot_general3A_70 : vector<2000x8xf32>
    %slice3A_72 = vector.extract_strided_slice %get3A_60 {offsets = [0, 0], sizes = [1, 8], strides = [1, 1]} : vector<1x32xf32> to vector<1x8xf32>
    %add3A_73 = vector.broadcast %slice3A_72 : vector<1x8xf32> to vector<2000x8xf32>
    %add3A_74 = arith.addf %add3A_71, %add3A_73 : vector<2000x8xf32>
    %logistic3A = arith.negf %add3A_74 : vector<2000x8xf32>
    %logistic3A_75 = math.exp %logistic3A : vector<2000x8xf32>
    %logistic3A_76 = arith.constant 1.000000e+00 : f32
    %logistic3A_77 = vector.broadcast %logistic3A_76 : f32 to vector<2000x8xf32>
    %logistic3A_78 = arith.addf %logistic3A_77, %logistic3A_75 : vector<2000x8xf32>
    %logistic3A_79 = arith.divf %logistic3A_77, %logistic3A_78 : vector<2000x8xf32>
    %get3A_80 = arith.constant 0 : index
    %get3A_81 = arith.constant 0 : index
    %get3A_82 = vector.load %arg11[%get3A_80, %get3A_81] : memref<8x8xf32, #tpu.memory_space<vmem>>, vector<8x8xf32>
    %dot_general3A_83 = arith.constant dense<0.000000e+00> : vector<2000x8xf32>
    %dot_general3A_84 = tpu.matmul %max3A_57, %get3A_82, %dot_general3A_83 {dimension_numbers = #tpu.dot_dimension_numbers<[1], [0], [0], [1], [0, 0, 1, 1], [], []>, transpose_lhs_hint = false} : vector<2000x8xf32>, vector<8x8xf32>, vector<2000x8xf32> -> vector<2000x8xf32>
    %get3A_85 = arith.constant 0 : index
    %get3A_86 = arith.constant 0 : index
    %get3A_87 = vector.load %arg14[%get3A_85, %get3A_86] : memref<16x8xf32, #tpu.memory_space<vmem>>, vector<16x8xf32>
    %dot_general3A_88 = arith.constant dense<0.000000e+00> : vector<2000x8xf32>
    %dot_general3A_89 = tpu.matmul %get3A_1, %get3A_87, %dot_general3A_88 {dimension_numbers = #tpu.dot_dimension_numbers<[1], [0], [0], [1], [0, 0, 1, 1], [], []>, transpose_lhs_hint = false} : vector<2000x16xf32>, vector<16x8xf32>, vector<2000x8xf32> -> vector<2000x8xf32>
    %add3A_90 = arith.addf %dot_general3A_84, %dot_general3A_89 : vector<2000x8xf32>
    %slice3A_91 = vector.extract_strided_slice %get3A_60 {offsets = [0, 8], sizes = [1, 8], strides = [1, 1]} : vector<1x32xf32> to vector<1x8xf32>
    %add3A_92 = vector.broadcast %slice3A_91 : vector<1x8xf32> to vector<2000x8xf32>
    %add3A_93 = arith.addf %add3A_90, %add3A_92 : vector<2000x8xf32>
    %logistic3A_94 = arith.negf %add3A_93 : vector<2000x8xf32>
    %logistic3A_95 = math.exp %logistic3A_94 : vector<2000x8xf32>
    %logistic3A_96 = arith.constant 1.000000e+00 : f32
    %logistic3A_97 = vector.broadcast %logistic3A_96 : f32 to vector<2000x8xf32>
    %logistic3A_98 = arith.addf %logistic3A_97, %logistic3A_95 : vector<2000x8xf32>
    %logistic3A_99 = arith.divf %logistic3A_97, %logistic3A_98 : vector<2000x8xf32>
    %get3A_100 = arith.constant 0 : index
    %get3A_101 = arith.constant 0 : index
    %get3A_102 = vector.load %arg12[%get3A_100, %get3A_101] : memref<8x8xf32, #tpu.memory_space<vmem>>, vector<8x8xf32>
    %dot_general3A_103 = arith.constant dense<0.000000e+00> : vector<2000x8xf32>
    %dot_general3A_104 = tpu.matmul %max3A_57, %get3A_102, %dot_general3A_103 {dimension_numbers = #tpu.dot_dimension_numbers<[1], [0], [0], [1], [0, 0, 1, 1], [], []>, transpose_lhs_hint = false} : vector<2000x8xf32>, vector<8x8xf32>, vector<2000x8xf32> -> vector<2000x8xf32>
    %slice3A_105 = vector.extract_strided_slice %get3A_60 {offsets = [0, 16], sizes = [1, 8], strides = [1, 1]} : vector<1x32xf32> to vector<1x8xf32>
    %add3A_106 = vector.broadcast %slice3A_105 : vector<1x8xf32> to vector<2000x8xf32>
    %add3A_107 = arith.addf %dot_general3A_104, %add3A_106 : vector<2000x8xf32>
    %get3A_108 = arith.constant 0 : index
    %get3A_109 = arith.constant 0 : index
    %get3A_110 = vector.load %arg15[%get3A_108, %get3A_109] : memref<16x8xf32, #tpu.memory_space<vmem>>, vector<16x8xf32>
    %dot_general3A_111 = arith.constant dense<0.000000e+00> : vector<2000x8xf32>
    %dot_general3A_112 = tpu.matmul %get3A_1, %get3A_110, %dot_general3A_111 {dimension_numbers = #tpu.dot_dimension_numbers<[1], [0], [0], [1], [0, 0, 1, 1], [], []>, transpose_lhs_hint = false} : vector<2000x16xf32>, vector<16x8xf32>, vector<2000x8xf32> -> vector<2000x8xf32>
    %slice3A_113 = vector.extract_strided_slice %get3A_60 {offsets = [0, 24], sizes = [1, 8], strides = [1, 1]} : vector<1x32xf32> to vector<1x8xf32>
    %add3A_114 = vector.broadcast %slice3A_113 : vector<1x8xf32> to vector<2000x8xf32>
    %add3A_115 = arith.addf %dot_general3A_112, %add3A_114 : vector<2000x8xf32>
    %mul3A_116 = arith.mulf %logistic3A_79, %add3A_115 : vector<2000x8xf32>
    %add3A_117 = arith.addf %add3A_107, %mul3A_116 : vector<2000x8xf32>
    %tanh3A = math.tanh %add3A_117 : vector<2000x8xf32>
    %sub3A_118 = arith.constant 1.000000e+00 : f32
    %sub3A_119 = vector.broadcast %sub3A_118 : f32 to vector<2000x8xf32>
    %sub3A_120 = arith.subf %sub3A_119, %logistic3A_99 : vector<2000x8xf32>
    %mul3A_121 = arith.mulf %sub3A_120, %tanh3A : vector<2000x8xf32>
    %slice3A_122 = vector.extract_strided_slice %get3A_1 {offsets = [0, 0], sizes = [2000, 8], strides = [1, 1]} : vector<2000x16xf32> to vector<2000x8xf32>
    %mul3A_123 = arith.mulf %logistic3A_99, %slice3A_122 : vector<2000x8xf32>
    %add3A_124 = arith.addf %mul3A_121, %mul3A_123 : vector<2000x8xf32>
    %broadcast_in_dim3A = arith.constant 0.000000e+00 : f32
    %broadcast_in_dim3A_125 = vector.broadcast %broadcast_in_dim3A : f32 to vector<2000x8xf32>
    %concatenate3A = tpu.concatenate %add3A_124, %broadcast_in_dim3A_125 in 1 : vector<2000x8xf32>, vector<2000x8xf32> -> vector<2000x16xf32>
    %swap3A = arith.constant 0 : index
    %swap3A_126 = arith.constant 0 : index
    %swap3A_127 = vector.load %arg17[%swap3A, %swap3A_126] : memref<2000x16xf32, #tpu.memory_space<vmem>>, vector<2000x16xf32>
    tpu.vector_store %arg17[%swap3A, %swap3A_126], %concatenate3A {strides = array<i32>} : memref<2000x16xf32, #tpu.memory_space<vmem>>, vector<2000x16xf32>,
    return
  }
  func.func @transform_0(%arg0: i32) -> (i32, i32) {
    %c0_i32 = arith.constant 0 : i32
    %c0_i32_0 = arith.constant 0 : i32
    return %arg0, %c0_i32 : i32, i32
  }
  func.func @transform_1(%arg0: i32) -> (i32, i32) {
    %c0_i32 = arith.constant 0 : i32
    %c0_i32_0 = arith.constant 0 : i32
    return %arg0, %c0_i32 : i32, i32
  }
  func.func @transform_2(%arg0: i32) -> (i32, i32) {
    %c0_i32 = arith.constant 0 : i32
    %c0_i32_0 = arith.constant 0 : i32
    return %arg0, %c0_i32 : i32, i32
  }
  func.func @transform_3(%arg0: i32) -> (i32, i32) {
    %c0_i32 = arith.constant 0 : i32
    %c0_i32_0 = arith.constant 0 : i32
    %c0_i32_1 = arith.constant 0 : i32
    return %c0_i32, %c0_i32_0 : i32, i32
  }
  func.func @transform_4(%arg0: i32) -> (i32, i32) {
    %c0_i32 = arith.constant 0 : i32
    %c0_i32_0 = arith.constant 0 : i32
    %c0_i32_1 = arith.constant 0 : i32
    return %c0_i32, %c0_i32_0 : i32, i32
  }
  func.func @transform_5(%arg0: i32) -> (i32, i32) {
    %c0_i32 = arith.constant 0 : i32
    %c0_i32_0 = arith.constant 0 : i32
    %c0_i32_1 = arith.constant 0 : i32
    return %c0_i32, %c0_i32_0 : i32, i32
  }
  func.func @transform_6(%arg0: i32) -> (i32, i32) {
    %c0_i32 = arith.constant 0 : i32
    %c0_i32_0 = arith.constant 0 : i32
    %c0_i32_1 = arith.constant 0 : i32
    return %c0_i32, %c0_i32_0 : i32, i32
  }
  func.func @transform_7(%arg0: i32) -> (i32, i32) {
    %c0_i32 = arith.constant 0 : i32
    %c0_i32_0 = arith.constant 0 : i32
    %c0_i32_1 = arith.constant 0 : i32
    return %c0_i32, %c0_i32_0 : i32, i32
  }
  func.func @transform_8(%arg0: i32) -> (i32, i32) {
    %c0_i32 = arith.constant 0 : i32
    %c0_i32_0 = arith.constant 0 : i32
    %c0_i32_1 = arith.constant 0 : i32
    return %c0_i32, %c0_i32_0 : i32, i32
  }
  func.func @transform_9(%arg0: i32) -> (i32, i32) {
    %c0_i32 = arith.constant 0 : i32
    %c0_i32_0 = arith.constant 0 : i32
    %c0_i32_1 = arith.constant 0 : i32
    return %c0_i32, %c0_i32_0 : i32, i32
  }
  func.func @transform_10(%arg0: i32) -> (i32, i32) {
    %c0_i32 = arith.constant 0 : i32
    %c0_i32_0 = arith.constant 0 : i32
    %c0_i32_1 = arith.constant 0 : i32
    return %c0_i32, %c0_i32_0 : i32, i32
  }
  func.func @transform_11(%arg0: i32) -> (i32, i32) {
    %c0_i32 = arith.constant 0 : i32
    %c0_i32_0 = arith.constant 0 : i32
    %c0_i32_1 = arith.constant 0 : i32
    return %c0_i32, %c0_i32_0 : i32, i32
  }
  func.func @transform_12(%arg0: i32) -> (i32, i32) {
    %c0_i32 = arith.constant 0 : i32
    %c0_i32_0 = arith.constant 0 : i32
    %c0_i32_1 = arith.constant 0 : i32
    return %c0_i32, %c0_i32_0 : i32, i32
  }
  func.func @transform_13(%arg0: i32) -> (i32, i32) {
    %c0_i32 = arith.constant 0 : i32
    %c0_i32_0 = arith.constant 0 : i32
    %c0_i32_1 = arith.constant 0 : i32
    return %c0_i32, %c0_i32_0 : i32, i32
  }
  func.func @transform_14(%arg0: i32) -> (i32, i32) {
    %c0_i32 = arith.constant 0 : i32
    %c0_i32_0 = arith.constant 0 : i32
    %c0_i32_1 = arith.constant 0 : i32
    return %c0_i32, %c0_i32_0 : i32, i32
  }
  func.func @transform_15(%arg0: i32) -> (i32, i32) {
    %c0_i32 = arith.constant 0 : i32
    %c0_i32_0 = arith.constant 0 : i32
    %c0_i32_1 = arith.constant 0 : i32
    return %c0_i32, %c0_i32_0 : i32, i32
  }
  func.func @transform_16(%arg0: i32) -> (i32, i32) {
    %c0_i32 = arith.constant 0 : i32
    %c0_i32_0 = arith.constant 0 : i32
    return %arg0, %c0_i32 : i32, i32
  }
}

module attributes {stable_mosaic.version = 14 : i64} {
  func.func @body(%arg0: i32, %arg1: memref<2000x128xf32, #tpu.memory_space<vmem>>, %arg2: memref<2000x16xf32, #tpu.memory_space<vmem>>, %arg3: memref<2000x16xf32, #tpu.memory_space<vmem>>, %arg4: memref<16x16xf32, #tpu.memory_space<vmem>>, %arg5: memref<1x16xf32, #tpu.memory_space<vmem>>, %arg6: memref<16x128xf32, #tpu.memory_space<vmem>>, %arg7: memref<1x128xf32, #tpu.memory_space<vmem>>, %arg8: memref<16x128xf32, #tpu.memory_space<vmem>>, %arg9: memref<64x8xf32, #tpu.memory_space<vmem>>, %arg10: memref<8x8xf32, #tpu.memory_space<vmem>>, %arg11: memref<8x8xf32, #tpu.memory_space<vmem>>, %arg12: memref<8x8xf32, #tpu.memory_space<vmem>>, %arg13: memref<16x8xf32, #tpu.memory_space<vmem>>, %arg14: memref<16x8xf32, #tpu.memory_space<vmem>>, %arg15: memref<16x8xf32, #tpu.memory_space<vmem>>, %arg16: memref<1x32xf32, #tpu.memory_space<vmem>>, %arg17: memref<20x100x128xf32, #tpu.memory_space<vmem>>) attributes {dimension_semantics = [#tpu.dimension_semantics<arbitrary>], iteration_bounds = array<i64: 80>, scalar_prefetch = 0 : i64, scratch_operands = 0 : i64, tpu.core_type = #tpu.core_type<tc>, window_params = [{transform_indices = @transform_0, window_bounds = array<i64: 2000, 128>}, {transform_indices = @transform_1, window_bounds = array<i64: 2000, 16>}, {transform_indices = @transform_2, window_bounds = array<i64: 2000, 16>}, {pipeline_mode = #tpu.pipeline_mode<synchronous>, transform_indices = @transform_3, window_bounds = array<i64: 16, 16>}, {pipeline_mode = #tpu.pipeline_mode<synchronous>, transform_indices = @transform_4, window_bounds = array<i64: 1, 16>}, {pipeline_mode = #tpu.pipeline_mode<synchronous>, transform_indices = @transform_5, window_bounds = array<i64: 16, 128>}, {pipeline_mode = #tpu.pipeline_mode<synchronous>, transform_indices = @transform_6, window_bounds = array<i64: 1, 128>}, {pipeline_mode = #tpu.pipeline_mode<synchronous>, transform_indices = @transform_7, window_bounds = array<i64: 16, 128>}, {pipeline_mode = #tpu.pipeline_mode<synchronous>, transform_indices = @transform_8, window_bounds = array<i64: 64, 8>}, {pipeline_mode = #tpu.pipeline_mode<synchronous>, transform_indices = @transform_9, window_bounds = array<i64: 8, 8>}, {pipeline_mode = #tpu.pipeline_mode<synchronous>, transform_indices = @transform_10, window_bounds = array<i64: 8, 8>}, {pipeline_mode = #tpu.pipeline_mode<synchronous>, transform_indices = @transform_11, window_bounds = array<i64: 8, 8>}, {pipeline_mode = #tpu.pipeline_mode<synchronous>, transform_indices = @transform_12, window_bounds = array<i64: 16, 8>}, {pipeline_mode = #tpu.pipeline_mode<synchronous>, transform_indices = @transform_13, window_bounds = array<i64: 16, 8>}, {pipeline_mode = #tpu.pipeline_mode<synchronous>, transform_indices = @transform_14, window_bounds = array<i64: 16, 8>}, {pipeline_mode = #tpu.pipeline_mode<synchronous>, transform_indices = @transform_15, window_bounds = array<i64: 1, 32>}, {transform_indices = @transform_16, window_bounds = array<i64: 20, 100, 128>}]} {
    %get3A = arith.constant 0 : index
    %get3A_0 = arith.constant 0 : index
    %get3A_1 = vector.load %arg2[%get3A, %get3A_0] : memref<2000x16xf32, #tpu.memory_space<vmem>>, vector<2000x16xf32>
    %get3A_2 = arith.constant 0 : index
    %get3A_3 = arith.constant 0 : index
    %get3A_4 = vector.load %arg4[%get3A_2, %get3A_3] : memref<16x16xf32, #tpu.memory_space<vmem>>, vector<16x16xf32>
    %get3A_5 = arith.constant 0 : index
    %get3A_6 = arith.constant 0 : index
    %get3A_7 = vector.load %arg5[%get3A_5, %get3A_6] : memref<1x16xf32, #tpu.memory_space<vmem>>, vector<1x16xf32>
    %get3A_8 = arith.constant 0 : index
    %get3A_9 = arith.constant 0 : index
    %get3A_10 = vector.load %arg6[%get3A_8, %get3A_9] : memref<16x128xf32, #tpu.memory_space<vmem>>, vector<16x128xf32>
    %get3A_11 = arith.constant 0 : index
    %get3A_12 = arith.constant 0 : index
    %get3A_13 = vector.load %arg7[%get3A_11, %get3A_12] : memref<1x128xf32, #tpu.memory_space<vmem>>, vector<1x128xf32>
    %get3A_14 = arith.constant 0 : index
    %get3A_15 = arith.constant 0 : index
    %get3A_16 = vector.load %arg8[%get3A_14, %get3A_15] : memref<16x128xf32, #tpu.memory_space<vmem>>, vector<16x128xf32>
    %dot_general3A = arith.constant dense<0.000000e+00> : vector<2000x16xf32>
    %dot_general3A_17 = tpu.matmul %get3A_1, %get3A_4, %dot_general3A {dimension_numbers = #tpu.dot_dimension_numbers<[1], [0], [0], [1], [0, 0, 1, 1], [], []>, transpose_lhs_hint = false} : vector<2000x16xf32>, vector<16x16xf32>, vector<2000x16xf32> -> vector<2000x16xf32>
    %add3A = vector.broadcast %get3A_7 : vector<1x16xf32> to vector<2000x16xf32>
    %add3A_18 = arith.addf %dot_general3A_17, %add3A : vector<2000x16xf32>
    %max3A = arith.constant 0.000000e+00 : f32
    %max3A_19 = vector.broadcast %max3A : f32 to vector<2000x16xf32>
    %max3A_20 = arith.maximumf %add3A_18, %max3A_19 : vector<2000x16xf32>
    %dot_general3A_21 = arith.constant dense<0.000000e+00> : vector<2000x128xf32>
    %dot_general3A_22 = tpu.matmul %max3A_20, %get3A_10, %dot_general3A_21 {dimension_numbers = #tpu.dot_dimension_numbers<[1], [0], [0], [1], [0, 0, 1, 1], [], []>, transpose_lhs_hint = false} : vector<2000x16xf32>, vector<16x128xf32>, vector<2000x128xf32> -> vector<2000x128xf32>
    %add3A_23 = vector.broadcast %get3A_13 : vector<1x128xf32> to vector<2000x128xf32>
    %add3A_24 = arith.addf %dot_general3A_22, %add3A_23 : vector<2000x128xf32>
    %dot_general3A_25 = arith.constant dense<0.000000e+00> : vector<2000x128xf32>
    %dot_general3A_26 = tpu.matmul %get3A_1, %get3A_16, %dot_general3A_25 {dimension_numbers = #tpu.dot_dimension_numbers<[1], [0], [0], [1], [0, 0, 1, 1], [], []>, transpose_lhs_hint = false} : vector<2000x16xf32>, vector<16x128xf32>, vector<2000x128xf32> -> vector<2000x128xf32>
    %mul3A = arith.mulf %add3A_24, %dot_general3A_26 : vector<2000x128xf32>
    %get3A_27 = arith.constant 0 : index
    %get3A_28 = arith.constant 0 : index
    %get3A_29 = vector.load %arg3[%get3A_27, %get3A_28] : memref<2000x16xf32, #tpu.memory_space<vmem>>, vector<2000x16xf32>
    %get3A_30 = arith.constant 0 : index
    %get3A_31 = arith.constant 0 : index
    %get3A_32 = vector.load %arg8[%get3A_30, %get3A_31] : memref<16x128xf32, #tpu.memory_space<vmem>>, vector<16x128xf32>
    %dot_general3A_33 = arith.constant dense<0.000000e+00> : vector<2000x128xf32>
    %dot_general3A_34 = tpu.matmul %get3A_29, %get3A_32, %dot_general3A_33 {dimension_numbers = #tpu.dot_dimension_numbers<[1], [0], [0], [1], [0, 0, 1, 1], [], []>, transpose_lhs_hint = false} : vector<2000x16xf32>, vector<16x128xf32>, vector<2000x128xf32> -> vector<2000x128xf32>
    %mul3A_35 = arith.mulf %add3A_24, %dot_general3A_34 : vector<2000x128xf32>
    %slice3A = vector.extract_strided_slice %mul3A {offsets = [0, 64], sizes = [2000, 64], strides = [1, 1]} : vector<2000x128xf32> to vector<2000x64xf32>
    %exp3A = math.exp %slice3A : vector<2000x64xf32>
    %slice3A_36 = vector.extract_strided_slice %mul3A {offsets = [0, 0], sizes = [2000, 64], strides = [1, 1]} : vector<2000x128xf32> to vector<2000x64xf32>
    %mul3A_37 = arith.mulf %exp3A, %slice3A_36 : vector<2000x64xf32>
    %slice3A_38 = vector.extract_strided_slice %mul3A_35 {offsets = [0, 64], sizes = [2000, 64], strides = [1, 1]} : vector<2000x128xf32> to vector<2000x64xf32>
    %exp3A_39 = math.exp %slice3A_38 : vector<2000x64xf32>
    %slice3A_40 = vector.extract_strided_slice %mul3A_35 {offsets = [0, 0], sizes = [2000, 64], strides = [1, 1]} : vector<2000x128xf32> to vector<2000x64xf32>
    %mul3A_41 = arith.mulf %exp3A_39, %slice3A_40 : vector<2000x64xf32>
    %get3A_42 = arith.constant 0 : index
    %get3A_43 = arith.constant 0 : index
    %get3A_44 = vector.load %arg1[%get3A_42, %get3A_43] : memref<2000x128xf32, #tpu.memory_space<vmem>>, vector<2000x128xf32>
    %slice3A_45 = vector.extract_strided_slice %get3A_44 {offsets = [0, 0], sizes = [2000, 64], strides = [1, 1]} : vector<2000x128xf32> to vector<2000x64xf32>
    %slice3A_46 = vector.extract_strided_slice %get3A_44 {offsets = [0, 64], sizes = [2000, 64], strides = [1, 1]} : vector<2000x128xf32> to vector<2000x64xf32>
    %sub3A = arith.subf %slice3A_46, %mul3A_37 : vector<2000x64xf32>
    %add3A_47 = arith.addf %sub3A, %mul3A_41 : vector<2000x64xf32>
    %sub3A_48 = arith.subf %slice3A_45, %exp3A : vector<2000x64xf32>
    %add3A_49 = arith.addf %sub3A_48, %exp3A_39 : vector<2000x64xf32>
    %div3A = arith.divf %add3A_47, %add3A_49 : vector<2000x64xf32>
    %get3A_50 = arith.constant 0 : index
    %get3A_51 = arith.constant 0 : index
    %get3A_52 = vector.load %arg9[%get3A_50, %get3A_51] : memref<64x8xf32, #tpu.memory_space<vmem>>, vector<64x8xf32>
    %dot_general3A_53 = arith.constant dense<0.000000e+00> : vector<2000x8xf32>
    %dot_general3A_54 = tpu.matmul %div3A, %get3A_52, %dot_general3A_53 {dimension_numbers = #tpu.dot_dimension_numbers<[1], [0], [0], [1], [0, 0, 1, 1], [], []>, transpose_lhs_hint = false} : vector<2000x64xf32>, vector<64x8xf32>, vector<2000x8xf32> -> vector<2000x8xf32>
    %max3A_55 = arith.constant 0.000000e+00 : f32
    %max3A_56 = vector.broadcast %max3A_55 : f32 to vector<2000x8xf32>
    %max3A_57 = arith.maximumf %dot_general3A_54, %max3A_56 : vector<2000x8xf32>
    %get3A_58 = arith.constant 0 : index
    %get3A_59 = arith.constant 0 : index
    %get3A_60 = vector.load %arg16[%get3A_58, %get3A_59] : memref<1x32xf32, #tpu.memory_space<vmem>>, vector<1x32xf32>
    %get3A_61 = arith.constant 0 : index
    %get3A_62 = arith.constant 0 : index
    %get3A_63 = vector.load %arg10[%get3A_61, %get3A_62] : memref<8x8xf32, #tpu.memory_space<vmem>>, vector<8x8xf32>
    %dot_general3A_64 = arith.constant dense<0.000000e+00> : vector<2000x8xf32>
    %dot_general3A_65 = tpu.matmul %max3A_57, %get3A_63, %dot_general3A_64 {dimension_numbers = #tpu.dot_dimension_numbers<[1], [0], [0], [1], [0, 0, 1, 1], [], []>, transpose_lhs_hint = false} : vector<2000x8xf32>, vector<8x8xf32>, vector<2000x8xf32> -> vector<2000x8xf32>
    %get3A_66 = arith.constant 0 : index
    %get3A_67 = arith.constant 0 : index
    %get3A_68 = vector.load %arg13[%get3A_66, %get3A_67] : memref<16x8xf32, #tpu.memory_space<vmem>>, vector<16x8xf32>
    %dot_general3A_69 = arith.constant dense<0.000000e+00> : vector<2000x8xf32>
    %dot_general3A_70 = tpu.matmul %get3A_1, %get3A_68, %dot_general3A_69 {dimension_numbers = #tpu.dot_dimension_numbers<[1], [0], [0], [1], [0, 0, 1, 1], [], []>, transpose_lhs_hint = false} : vector<2000x16xf32>, vector<16x8xf32>, vector<2000x8xf32> -> vector<2000x8xf32>
    %add3A_71 = arith.addf %dot_general3A_65, %dot_general3A_70 : vector<2000x8xf32>
    %slice3A_72 = vector.extract_strided_slice %get3A_60 {offsets = [0, 0], sizes = [1, 8], strides = [1, 1]} : vector<1x32xf32> to vector<1x8xf32>
    %add3A_73 = vector.broadcast %slice3A_72 : vector<1x8xf32> to vector<2000x8xf32>
    %add3A_74 = arith.addf %add3A_71, %add3A_73 : vector<2000x8xf32>
    %logistic3A = arith.negf %add3A_74 : vector<2000x8xf32>
    %logistic3A_75 = math.exp %logistic3A : vector<2000x8xf32>
    %logistic3A_76 = arith.constant 1.000000e+00 : f32
    %logistic3A_77 = vector.broadcast %logistic3A_76 : f32 to vector<2000x8xf32>
    %logistic3A_78 = arith.addf %logistic3A_77, %logistic3A_75 : vector<2000x8xf32>
    %logistic3A_79 = arith.divf %logistic3A_77, %logistic3A_78 : vector<2000x8xf32>
    %get3A_80 = arith.constant 0 : index
    %get3A_81 = arith.constant 0 : index
    %get3A_82 = vector.load %arg11[%get3A_80, %get3A_81] : memref<8x8xf32, #tpu.memory_space<vmem>>, vector<8x8xf32>
    %dot_general3A_83 = arith.constant dense<0.000000e+00> : vector<2000x8xf32>
    %dot_general3A_84 = tpu.matmul %max3A_57, %get3A_82, %dot_general3A_83 {dimension_numbers = #tpu.dot_dimension_numbers<[1], [0], [0], [1], [0, 0, 1, 1], [], []>, transpose_lhs_hint = false} : vector<2000x8xf32>, vector<8x8xf32>, vector<2000x8xf32> -> vector<2000x8xf32>
    %get3A_85 = arith.constant 0 : index
    %get3A_86 = arith.constant 0 : index
    %get3A_87 = vector.load %arg14[%get3A_85, %get3A_86] : memref<16x8xf32, #tpu.memory_space<vmem>>, vector<16x8xf32>
    %dot_general3A_88 = arith.constant dense<0.000000e+00> : vector<2000x8xf32>
    %dot_general3A_89 = tpu.matmul %get3A_1, %get3A_87, %dot_general3A_88 {dimension_numbers = #tpu.dot_dimension_numbers<[1], [0], [0], [1], [0, 0, 1, 1], [], []>, transpose_lhs_hint = false} : vector<2000x16xf32>, vector<16x8xf32>, vector<2000x8xf32> -> vector<2000x8xf32>
    %add3A_90 = arith.addf %dot_general3A_84, %dot_general3A_89 : vector<2000x8xf32>
    %slice3A_91 = vector.extract_strided_slice %get3A_60 {offsets = [0, 8], sizes = [1, 8], strides = [1, 1]} : vector<1x32xf32> to vector<1x8xf32>
    %add3A_92 = vector.broadcast %slice3A_91 : vector<1x8xf32> to vector<2000x8xf32>
    %add3A_93 = arith.addf %add3A_90, %add3A_92 : vector<2000x8xf32>
    %logistic3A_94 = arith.negf %add3A_93 : vector<2000x8xf32>
    %logistic3A_95 = math.exp %logistic3A_94 : vector<2000x8xf32>
    %logistic3A_96 = arith.constant 1.000000e+00 : f32
    %logistic3A_97 = vector.broadcast %logistic3A_96 : f32 to vector<2000x8xf32>
    %logistic3A_98 = arith.addf %logistic3A_97, %logistic3A_95 : vector<2000x8xf32>
    %logistic3A_99 = arith.divf %logistic3A_97, %logistic3A_98 : vector<2000x8xf32>
    %get3A_100 = arith.constant 0 : index
    %get3A_101 = arith.constant 0 : index
    %get3A_102 = vector.load %arg12[%get3A_100, %get3A_101] : memref<8x8xf32, #tpu.memory_space<vmem>>, vector<8x8xf32>
    %dot_general3A_103 = arith.constant dense<0.000000e+00> : vector<2000x8xf32>
    %dot_general3A_104 = tpu.matmul %max3A_57, %get3A_102, %dot_general3A_103 {dimension_numbers = #tpu.dot_dimension_numbers<[1], [0], [0], [1], [0, 0, 1, 1], [], []>, transpose_lhs_hint = false} : vector<2000x8xf32>, vector<8x8xf32>, vector<2000x8xf32> -> vector<2000x8xf32>
    %slice3A_105 = vector.extract_strided_slice %get3A_60 {offsets = [0, 16], sizes = [1, 8], strides = [1, 1]} : vector<1x32xf32> to vector<1x8xf32>
    %add3A_106 = vector.broadcast %slice3A_105 : vector<1x8xf32> to vector<2000x8xf32>
    %add3A_107 = arith.addf %dot_general3A_104, %add3A_106 : vector<2000x8xf32>
    %get3A_108 = arith.constant 0 : index
    %get3A_109 = arith.constant 0 : index
    %get3A_110 = vector.load %arg15[%get3A_108, %get3A_109] : memref<16x8xf32, #tpu.memory_space<vmem>>, vector<16x8xf32>
    %dot_general3A_111 = arith.constant dense<0.000000e+00> : vector<2000x8xf32>
    %dot_general3A_112 = tpu.matmul %get3A_1, %get3A_110, %dot_general3A_111 {dimension_numbers = #tpu.dot_dimension_numbers<[1], [0], [0], [1], [0, 0, 1, 1], [], []>, transpose_lhs_hint = false} : vector<2000x16xf32>, vector<16x8xf32>, vector<2000x8xf32> -> vector<2000x8xf32>
    %slice3A_113 = vector.extract_strided_slice %get3A_60 {offsets = [0, 24], sizes = [1, 8], strides = [1, 1]} : vector<1x32xf32> to vector<1x8xf32>
    %add3A_114 = vector.broadcast %slice3A_113 : vector<1x8xf32> to vector<2000x8xf32>
    %add3A_115 = arith.addf %dot_general3A_112, %add3A_114 : vector<2000x8xf32>
    %mul3A_116 = arith.mulf %logistic3A_79, %add3A_115 : vector<2000x8xf32>
    %add3A_117 = arith.addf %add3A_107, %mul3A_116 : vector<2000x8xf32>
    %tanh3A = math.tanh %add3A_117 : vector<2000x8xf32>
    %sub3A_118 = arith.constant 1.000000e+00 : f32
    %sub3A_119 = vector.broadcast %sub3A_118 : f32 to vector<2000x8xf32>
    %sub3A_120 = arith.subf %sub3A_119, %logistic3A_99 : vector<2000x8xf32>
    %mul3A_121 = arith.mulf %sub3A_120, %tanh3A : vector<2000x8xf32>
    %slice3A_122 = vector.extract_strided_slice %get3A_1 {offsets = [0, 0], sizes = [2000, 8], strides = [1, 1]} : vector<2000x16xf32> to vector<2000x8xf32>
    %mul3A_123 = arith.mulf %logistic3A_99, %slice3A_122 : vector<2000x8xf32>
    %add3A_124 = arith.addf %mul3A_121, %mul3A_123 : vector<2000x8xf32>
    %broadcast_in_dim3A = arith.constant 0.000000e+00 : f32
    %broadcast_in_dim3A_125 = vector.broadcast %broadcast_in_dim3A : f32 to vector<2000x120xf32>
    %concatenate3A = tpu.concatenate %add3A_124, %broadcast_in_dim3A_125 in 1 : vector<2000x8xf32>, vector<2000x120xf32> -> vector<2000x128xf32>
    %reshape3A = vector.shape_cast %concatenate3A : vector<2000x128xf32> to vector<20x100x128xf32>
    %swap3A = arith.constant 0 : index
    %swap3A_126 = arith.constant 0 : index
    %swap3A_127 = arith.constant 0 : index
    %swap3A_128 = vector.load %arg17[%swap3A, %swap3A_126, %swap3A_127] : memref<20x100x128xf32, #tpu.memory_space<vmem>>, vector<20x100x128xf32>
    tpu.vector_store %arg17[%swap3A, %swap3A_126, %swap3A_127], %reshape3A {strides = array<i32>} : memref<20x100x128xf32, #tpu.memory_space<vmem>>, vector<20x100x128xf32>,
    return
  }
  func.func @transform_0(%arg0: i32) -> (i32, i32) {
    %c0_i32 = arith.constant 0 : i32
    %c0_i32_0 = arith.constant 0 : i32
    return %arg0, %c0_i32 : i32, i32
  }
  func.func @transform_1(%arg0: i32) -> (i32, i32) {
    %c0_i32 = arith.constant 0 : i32
    %c0_i32_0 = arith.constant 0 : i32
    return %arg0, %c0_i32 : i32, i32
  }
  func.func @transform_2(%arg0: i32) -> (i32, i32) {
    %c0_i32 = arith.constant 0 : i32
    %c0_i32_0 = arith.constant 0 : i32
    return %arg0, %c0_i32 : i32, i32
  }
  func.func @transform_3(%arg0: i32) -> (i32, i32) {
    %c0_i32 = arith.constant 0 : i32
    %c0_i32_0 = arith.constant 0 : i32
    %c0_i32_1 = arith.constant 0 : i32
    return %c0_i32, %c0_i32_0 : i32, i32
  }
  func.func @transform_4(%arg0: i32) -> (i32, i32) {
    %c0_i32 = arith.constant 0 : i32
    %c0_i32_0 = arith.constant 0 : i32
    %c0_i32_1 = arith.constant 0 : i32
    return %c0_i32, %c0_i32_0 : i32, i32
  }
  func.func @transform_5(%arg0: i32) -> (i32, i32) {
    %c0_i32 = arith.constant 0 : i32
    %c0_i32_0 = arith.constant 0 : i32
    %c0_i32_1 = arith.constant 0 : i32
    return %c0_i32, %c0_i32_0 : i32, i32
  }
  func.func @transform_6(%arg0: i32) -> (i32, i32) {
    %c0_i32 = arith.constant 0 : i32
    %c0_i32_0 = arith.constant 0 : i32
    %c0_i32_1 = arith.constant 0 : i32
    return %c0_i32, %c0_i32_0 : i32, i32
  }
  func.func @transform_7(%arg0: i32) -> (i32, i32) {
    %c0_i32 = arith.constant 0 : i32
    %c0_i32_0 = arith.constant 0 : i32
    %c0_i32_1 = arith.constant 0 : i32
    return %c0_i32, %c0_i32_0 : i32, i32
  }
  func.func @transform_8(%arg0: i32) -> (i32, i32) {
    %c0_i32 = arith.constant 0 : i32
    %c0_i32_0 = arith.constant 0 : i32
    %c0_i32_1 = arith.constant 0 : i32
    return %c0_i32, %c0_i32_0 : i32, i32
  }
  func.func @transform_9(%arg0: i32) -> (i32, i32) {
    %c0_i32 = arith.constant 0 : i32
    %c0_i32_0 = arith.constant 0 : i32
    %c0_i32_1 = arith.constant 0 : i32
    return %c0_i32, %c0_i32_0 : i32, i32
  }
  func.func @transform_10(%arg0: i32) -> (i32, i32) {
    %c0_i32 = arith.constant 0 : i32
    %c0_i32_0 = arith.constant 0 : i32
    %c0_i32_1 = arith.constant 0 : i32
    return %c0_i32, %c0_i32_0 : i32, i32
  }
  func.func @transform_11(%arg0: i32) -> (i32, i32) {
    %c0_i32 = arith.constant 0 : i32
    %c0_i32_0 = arith.constant 0 : i32
    %c0_i32_1 = arith.constant 0 : i32
    return %c0_i32, %c0_i32_0 : i32, i32
  }
  func.func @transform_12(%arg0: i32) -> (i32, i32) {
    %c0_i32 = arith.constant 0 : i32
    %c0_i32_0 = arith.constant 0 : i32
    %c0_i32_1 = arith.constant 0 : i32
    return %c0_i32, %c0_i32_0 : i32, i32
  }
  func.func @transform_13(%arg0: i32) -> (i32, i32) {
    %c0_i32 = arith.constant 0 : i32
    %c0_i32_0 = arith.constant 0 : i32
    %c0_i32_1 = arith.constant 0 : i32
    return %c0_i32, %c0_i32_0 : i32, i32
  }
  func.func @transform_14(%arg0: i32) -> (i32, i32) {
    %c0_i32 = arith.constant 0 : i32
    %c0_i32_0 = arith.constant 0 : i32
    %c0_i32_1 = arith.constant 0 : i32
    return %c0_i32, %c0_i32_0 : i32, i32
  }
  func.func @transform_15(%arg0: i32) -> (i32, i32) {
    %c0_i32 = arith.constant 0 : i32
    %c0_i32_0 = arith.constant 0 : i32
    %c0_i32_1 = arith.constant 0 : i32
    return %c0_i32, %c0_i32_0 : i32, i32
  }
  func.func @transform_16(%arg0: i32) -> (i32, i32, i32) {
    %c0_i32 = arith.constant 0 : i32
    %c0_i32_0 = arith.constant 0 : i32
    %c0_i32_1 = arith.constant 0 : i32
    return %arg0, %c0_i32, %c0_i32_0 : i32, i32, i32
  }
}

module attributes {stable_mosaic.version = 14 : i64} {
  func.func @body(%arg0: i32, %arg1: memref<1024x128xf32, #tpu.memory_space<vmem>>, %arg2: memref<1024x128xf32, #tpu.memory_space<vmem>>, %arg3: memref<1024x8xf32, #tpu.memory_space<vmem>>) attributes {dimension_semantics = [#tpu.dimension_semantics<arbitrary>], iteration_bounds = array<i64: 10>, scalar_prefetch = 0 : i64, scratch_operands = 0 : i64, tpu.core_type = #tpu.core_type<tc>, window_params = [{transform_indices = @transform_0, window_bounds = array<i64: 1024, 128>}, {transform_indices = @transform_1, window_bounds = array<i64: 1024, 128>}, {transform_indices = @transform_2, window_bounds = array<i64: 1024, 8>}]} {
    %get3A = arith.constant 0 : index
    %get3A_0 = arith.constant 0 : index
    %get3A_1 = vector.load %arg1[%get3A, %get3A_0] : memref<1024x128xf32, #tpu.memory_space<vmem>>, vector<1024x128xf32>
    %get3A_2 = arith.constant 0 : index
    %get3A_3 = arith.constant 0 : index
    %get3A_4 = vector.load %arg2[%get3A_2, %get3A_3] : memref<1024x128xf32, #tpu.memory_space<vmem>>, vector<1024x128xf32>
    %add3A = arith.addf %get3A_1, %get3A_4 : vector<1024x128xf32>
    %slice3A = vector.extract_strided_slice %add3A {offsets = [0, 0], sizes = [1024, 8], strides = [1, 1]} : vector<1024x128xf32> to vector<1024x8xf32>
    %swap3A = arith.constant 0 : index
    %swap3A_5 = arith.constant 0 : index
    %swap3A_6 = vector.load %arg3[%swap3A, %swap3A_5] : memref<1024x8xf32, #tpu.memory_space<vmem>>, vector<1024x8xf32>
    tpu.vector_store %arg3[%swap3A, %swap3A_5], %slice3A {strides = array<i32>} : memref<1024x8xf32, #tpu.memory_space<vmem>>, vector<1024x8xf32>,
    return
  }
  func.func @transform_0(%arg0: i32) -> (i32, i32) {
    %c0_i32 = arith.constant 0 : i32
    %c0_i32_0 = arith.constant 0 : i32
    return %arg0, %c0_i32 : i32, i32
  }
  func.func @transform_1(%arg0: i32) -> (i32, i32) {
    %add3A = arith.constant 10 : i32
    %add3A_0 = arith.addi %arg0, %add3A : i32
    %c0_i32 = arith.constant 0 : i32
    %c0_i32_1 = arith.constant 0 : i32
    return %add3A_0, %c0_i32 : i32, i32
  }
  func.func @transform_2(%arg0: i32) -> (i32, i32) {
    %c0_i32 = arith.constant 0 : i32
    %c0_i32_0 = arith.constant 0 : i32
    return %arg0, %c0_i32 : i32, i32
  }
}

</mosaic_0001>

<sc_bundles>
// kernel: kernel.23.cloned.1.call-start
scs
__scs_entry_jumppad:
0x0: {  	(pc) =	sbr.rel $0x88, $3  }
0x1: {  	(tag) =	ssettag $0x0;
	lr =	simm.s32 $0x1  }
0x2: {  	[smem:$0x3F91] =	sst lr;
	_ =	strace $0xD0000000  }
0x3: {  	_ = 	snop  }
0x4: {  	_ = 	snop  }
0x5: {  	_ = 	snop  }
0x6: {  	_ = 	snop  }
0x7: {  	_ = 	snop  }
__scs_overlays_trampoline_lowered:
0x8: {  	[smem:$0x3FA0] =	sst s0  }
0x9: {  	[smem:$0x3FA1] =	sst s1  }
0xa: {  	[smem:$0x3FA2] =	sst s2  }
0xb: {  	[smem:$0x3FA3] =	sst s3  }
0xc: {  	[smem:$0x3FA4] =	sst s4  }
0xd: {  	[smem:$0x3FA5] =	sst s5  }
0xe: {  	[smem:$0x3FA6] =	sst s6  }
0xf: {  	[smem:$0x3FA7] =	sst s7  }
0x10: {  	[smem:$0x3FA8] =	sst s8  }
0x11: {  	[smem:$0x3FA9] =	sst s9;
	s0 =	simm.s32 @!p0 $0x0  }
0x12: {  	s1 =	sld [smem:$0x3F8F];
	s0 =	simm.s32 @p0 $0x1  }
0x13: {  	[smem:$0x3FAA] =	sst s0;
	s0 =	simm.s32 @!p1 $0x0  }
0x14: {  	s2 =	sld [smem:$0x3F8E];
	s0 =	simm.s32 @p1 $0x1  }
0x15: {  	[smem:$0x3FAB] =	sst s0;
	s0 =	simm.s32 @!p2 $0x0  }
0x16: {  	s3 =	sld [smem:$0x3FDB];
	s0 =	simm.s32 @p2 $0x1  }
0x17: {  	s4 =	simm.s32 $0x1BF5;
	[smem:$0x3FAD] =	sst s0  }
0x18: {  	s0 =	sld [smem:$0x3F90];
	_ =	swait.ge [sflag:s4], $0x0  }
0x19: {  	s7 =	sld [smem:$0x3F91]  }
0x1a: {  	s8 =	sadd.s32 $0xFFFFE003, lr  }
0x1b: {  	s9 =	sadd.s32 $0xFFFFFEF7, lr;
	s5 =	simm.s32 $0xFFFFFFFF;
	p2 =	slt.u32 s8, $0xFFFFF086  }
0x1c: {  	p1 =	slt.u32 s9, $0xF7A;
	s5 =	simm.s32 @!p2 $0x0  }
0x1d: {  	s5 =	simm.s32 @p1 $0x1;
	p0 =	seq.s32 s7, s2  }
0x1e: {  	s7 =	smul.u32 @!p0 $0xF7A, s2;
	p2 =	seq.s32 @!p0 s5, $0x0  }
0x1f: {  	s9 =	smul.u32 $0xF7A, s1;
	s8 =	simm.s32 @!p0 $0x1BF5;
	p2 =	por !p2, p0  }
0x20: {  	[sflag:s8] =	ssyncset.s32 @!p0 $0xFFFFF086;
	s6 =	sadd.s32 @!p0 s3, s7;
	s7 =	simm.s32 @!p0 $0x108  }
0x21: {  	s3 =	sadd.s32 s3, s9;
	s6 =	sadd.s32 @!p0 $0x88, s6;
	s7 =	simm.s32 @p2 $0x1082  }
0x22: {  	[simem:s7], [sflag:s8] =	dma.local @!p0 [hbm:s6], $0xF7A  }
0x23: {  	s9 =	sor.u32 $0xD0000000, s2;
	s6 =	simm.s32 $0x108;
	_ =	swait.ge @!p0 [sflag:s8], $0x0  }
0x24: {  	s3 =	sadd.s32 $0x88, s3;
	s6 =	simm.s32 @!p1 $0x1082;
	[sflag:s4] =	ssyncset.s32 $0xFFFFF086  }
0x25: {  	[simem:s6], [sflag:s4] =	dma.local [hbm:s3], $0xF7A  }
0x26: {  	[smem:$0x3F91] =	sst s1;
	(tag) =	ssettag s2;
	_ =	strace s9  }
0x27: {  	s1 =	sld [smem:$0x3FA1]  }
0x28: {  	s2 =	sld [smem:$0x3FA2]  }
0x29: {  	s4 =	sld [smem:$0x3FA4]  }
0x2a: {  	p0 =	seq.s32 s5, $0x0;
	s5 =	sld [smem:$0x3FA5]  }
0x2b: {  	s6 =	sld [smem:$0x3FA6]  }
0x2c: {  	s7 =	sld [smem:$0x3FA7]  }
0x2d: {  	s3 =	simm.s32 $0x108;
	s8 =	sld [smem:$0x3FA8]  }
0x2e: {  	s3 =	simm.s32 @!p0 $0x1082;
	s9 =	sld [smem:$0x3FA9]  }
0x2f: {  	lr =	sadd.s32 s0, s3;
	s0 =	sld [smem:$0x3FA0]  }
0x30: {  	s3 =	sld [smem:$0x3FA3]  }
0x31: {  	[smem:$0x3FAC] =	sst s10  }
0x32: {  	s10 =	sld [smem:$0x3FAA];
	_ =	sdelay $0x3  }
0x33: {  	p0 =	seq.s32 s10, $0x1;
	s10 =	sld [smem:$0x3FAC];
	_ =	sdelay $0x3  }
0x34: {  	[smem:$0x3FAC] =	sst s10  }
0x35: {  	s10 =	sld [smem:$0x3FAB];
	_ =	sdelay $0x3  }
0x36: {  	p1 =	seq.s32 s10, $0x1;
	s10 =	sld [smem:$0x3FAC];
	_ =	sdelay $0x3  }
0x37: {  	[smem:$0x3FAC] =	sst s10  }
0x38: {  	s10 =	sld [smem:$0x3FAD]  }
0x39: {  	_ = 	snop;
	(pc) =	sbr.ind lr, $3  }
0x3a: {  	_ = 	snop  }
0x3b: {  	_ = 	snop  }
0x3c: {  	p2 =	seq.s32 s10, $0x1;
	s10 =	sld [smem:$0x3FAC]  }
0x3d: {  	_ =	shalt  }
0x3e: {  	_ =	shalt  }
0x3f: {  	_ =	shalt  }
0x40: {  	_ =	shalt  }
0x41: {  	_ =	shalt  }
0x42: {  	_ =	shalt  }
0x43: {  	_ =	shalt  }
0x44: {  	_ =	shalt  }
0x45: {  	_ =	shalt  }
0x46: {  	_ =	shalt  }
0x47: {  	_ =	shalt  }
0x48: {  	_ =	shalt  }
0x49: {  	_ =	shalt  }
0x4a: {  	_ =	shalt  }
0x4b: {  	_ =	shalt  }
0x4c: {  	_ =	shalt  }
0x4d: {  	_ =	shalt  }
0x4e: {  	_ =	shalt  }
0x4f: {  	_ =	shalt  }
0x50: {  	_ =	shalt  }
0x51: {  	_ =	shalt  }
0x52: {  	_ =	shalt  }
0x53: {  	_ =	shalt  }
0x54: {  	_ =	shalt  }
0x55: {  	_ =	shalt  }
0x56: {  	_ =	shalt  }
0x57: {  	_ =	shalt  }
0x58: {  	_ =	shalt  }
0x59: {  	_ =	shalt  }
0x5a: {  	_ =	shalt  }
0x5b: {  	_ =	shalt  }
0x5c: {  	_ =	shalt  }
0x5d: {  	_ =	shalt  }
0x5e: {  	_ =	shalt  }
0x5f: {  	_ =	shalt  }
0x60: {  	_ =	shalt  }
0x61: {  	_ =	shalt  }
0x62: {  	_ =	shalt  }
0x63: {  	_ =	shalt  }
0x64: {  	_ =	shalt  }
0x65: {  	_ =	shalt  }
0x66: {  	_ =	shalt  }
0x67: {  	_ =	shalt  }
0x68: {  	_ =	shalt  }
0x69: {  	_ =	shalt  }
0x6a: {  	_ =	shalt  }
0x6b: {  	_ =	shalt  }
0x6c: {  	_ =	shalt  }
0x6d: {  	_ =	shalt  }
0x6e: {  	_ =	shalt  }
0x6f: {  	_ =	shalt  }
0x70: {  	_ =	shalt  }
0x71: {  	_ =	shalt  }
0x72: {  	_ =	shalt  }
0x73: {  	_ =	shalt  }
0x74: {  	_ =	shalt  }
0x75: {  	_ =	shalt  }
0x76: {  	_ =	shalt  }
0x77: {  	_ =	shalt  }
0x78: {  	_ =	shalt  }
0x79: {  	_ =	shalt  }
0x7a: {  	_ =	shalt  }
0x7b: {  	_ =	shalt  }
0x7c: {  	_ =	shalt  }
0x7d: {  	_ =	shalt  }
0x7e: {  	_ =	shalt  }
0x7f: {  	_ =	shalt  }
0x80: {  	_ =	shalt  }
0x81: {  	_ =	shalt  }
0x82: {  	_ =	shalt  }
0x83: {  	_ =	shalt  }
0x84: {  	_ =	shalt  }
0x85: {  	_ =	shalt  }
0x86: {  	_ =	shalt  }
0x87: {  	_ =	shalt  }
.Lfunc_end0:
.L_simem_size_0:
called_computation_lowered:
.L_overlay_start_0:
0x88: {  	s2 =	sld [smem:$0x3FD9]  }
0x89: {  	s3 =	sld [smem:$0x3FFE];
	_ =	sdelay $0x1  }
0x8a: {  	s1 =	srdreg.scid  }
0x8b: {  	s0 =	sand.u32 $0x1, s1  }
0x8c: {  	s17 =	sshll.u32 s0, $0xA;
	s2 =	sadd.s32 s3, s2  }
0x8d: {  	s2 =	sadd.s32 s2, s17  }
0x8e: {  	[smem:$0x3FB8] =	sst s2  }
0x8f: {  	_ = 	snop  }
0x90: {  	(tm) =	ssettm $0x1  }
0x91: {  	s18 =	sld [smem:$0x3FFB];
	_ =	sdelay $0x3  }
0x92: {  	_ =	strace s18  }
0x93: {  	s2 =	sld [smem:$0x3FFC];
	_ =	sdelay $0x3  }
0x94: {  	_ =	strace s2  }
0x95: {  	s2 =	sld [smem:$0x3FFD];
	_ =	sdelay $0x3  }
0x96: {  	_ =	strace s2  }
0x97: {  	_ =	strace $0x8FFFFFFF  }
0x98: {  	s19 =	sld [smem:$0x3FDB];
	_ =	sdelay $0x1  }
0x99: {  	s20 =	simm.s32 $_scs_section_size  }
0x9a: {  	s4 =	simm.s32 $_size__tile_overlayer_lowered;
	s5 =	simm.s32 $_tile_overlayer_lowered  }
0x9b: {  	s6 =	simm.s32 $0x1BFF;
	s21 =	sshll.u32 s5, $0x1;
	s3 =	sadd.s32 s20, s19  }
0x9c: {  	s22 =	simm.s32 $0x0;
	s4 =	sshll.u32 s4, $0x1;
	s5 =	sadd.s32 s21, s3  }
0x9d: {  	[timem:s22], [sflag:s6] =	dma.local [hbm:s5], s4  }
0x9e: {  	_ =	swait.ge [sflag:s6], s4  }
0x9f: {  	s4 =	ssub.s32 $0x0, s4;
	[sflag:s6] =	ssyncset.done $0x0  }
0xa0: {  	[sflag:s6] =	ssyncadd.s32 s4;
	_ =	sdelay $0x1  }
0xa1: {  	s23 =	simm.s32 $0x1B8B  }
0xa2: {  	_ =	swait.ge [sflag:s23], $0x1  }
0xa3: {  	[sflag:s23] =	ssyncset.done $0x0  }
0xa4: {  	[sflag:s23] =	ssyncadd.s32 $0xFFFFFFFF  }
0xa5: {  	s4 =	sld [smem:$0x0]  }
0xa6: {  	s5 =	sand.u32 $0xFFFFFFFE, s1  }
0xa7: {  	p0 =	sne.s32 s1, s5  }
0xa8: {  	s5 =	sshll.u32 @p0 s5, $0xE  }
0xa9: {  	s5 =	sadd.s32 @p0 $0x11B8D, s5;
	s6 =	sshll.u32 @p0 s4, $0x11  }
0xaa: {  	s5 =	sor.u32 @p0 s6, s5  }
0xab: {  	[sflag:s5] =	ssyncadd.remote.s32 @p0 $0x1;
	_ =	sdelay $0x1  }
0xac: {  	s5 =	simm.s32 @p0 $0x1B8D  }
0xad: {  	_ =	swait.eq @p0 [sflag:s5], $0x1  }
0xae: {  	[sflag:s5] =	ssyncadd.s32 @p0 $0xFFFFFFFF  }
0xaf: {  	s6 =	sshll.u32 @!p0 s1, $0xE  }
0xb0: {  	s6 =	sor.u32 @!p0 $0x4000, s6;
	s5 =	simm.s32 @!p0 $0x1B8D  }
0xb1: {  	s4 =	sshll.u32 @!p0 s4, $0x11;
	s6 =	sadd.s32 @!p0 $0x11B8D, s6;
	_ =	swait.eq @!p0 [sflag:s5], $0x1  }
0xb2: {  	s4 =	sor.u32 @!p0 s4, s6;
	[sflag:s5] =	ssyncadd.s32 @!p0 $0xFFFFFFFF  }
0xb3: {  	s25 =	simm.s32 $0x1B8E;
	s24 =	sld [smem:$0x3FFE];
	[sflag:s4] =	ssyncadd.remote.s32 @!p0 $0x1  }
0xb4: {  	s26 =	simm.s32 $execute0_lowered;
	[smem:$0x3FD2] =	sst s25  }
0xb5: {  	s5 =	sshll.u32 s26, $0x1;
	_ =	strace $0x80000049;
	[dreg:$0x1] =	wrdreg $0xFFFFFFFF  }
0xb6: {  	s28 =	simm.s32 $_size_execute0_lowered;
	s3 =	sadd.s32 s3, s5;
	[dreg:$0x0] =	wrdreg $0x0  }
0xb7: {  	s5 =	sshll.u32 s28, $0x1;
	[dreg:$0x2] =	wrdreg s3  }
0xb8: {  	[dreg:$0x3] =	wrdreg s5  }
0xb9: {  	[dreg:$0x4] =	wrdreg $0xC0  }
0xba: {  	_ =	task [dreg:s22], $0x5FFFF  }
0xbb: {  	[dreg:$0x1] =	wrdreg $0xFFFFFFFF  }
0xbc: {  	[dreg:$0x0] =	wrdreg $0x60  }
0xbd: {  	[dreg:$0x2] =	wrdreg s24  }
0xbe: {  	[dreg:$0x3] =	wrdreg $0x9  }
0xbf: {  	_ =	task.clear_ibuf [dreg:s22], $0x4FFFF;
	_ =	strace $0x90000049  }
0xc0: {  	s29 =	simm.s32 $0x9;
	_ =	strace $0x8000004B  }
0xc1: {  	_ =	swait.ge [sflag:s29], $0x1  }
0xc2: {  	[sflag:s29] =	ssyncadd.s32 $0xFFFFFFFF  }
0xc3: {  	_ =	strace $0x9000004B  }
0xc4: {  	_ =	sfence  }
0xc5: {  	s30 =	sld [smem:$0x0];
	_ =	sdelay $0x2  }
0xc6: {  	s31 =	sshll.u32 s1, $0xD;
	s1 =	sshrl.u32 s1, $0x2  }
0xc7: {  	s4 =	sand.u32 $0x4000, s31;
	s1 =	sadd.s32 s1, s30  }
0xc8: {  	s0 =	sor.u32 s4, s0;
	s1 =	sshll.u32 s1, $0x11  }
0xc9: {  	s0 =	sor.u32 s1, s0  }
0xca: {  	s0 =	sadd.s32 $0x8F2B, s0  }
0xcb: {  	[sflag:s0] =	ssyncadd.remote.s32 $0x1  }
0xcc: {  	_ =	sfence.sel $0xFFFF  }
0xcd: {  	[dreg:$0x0] =	wrdreg $0xFFFFFFFF;
	(pc) =	sbr.abs _section_cstart, $3  }
0xce: {  	[dreg:$0x1] =	wrdreg $0xFFFFFFFF  }
0xcf: {  	_ =	task.clear_ibuf [dreg:s22], $0x2FFFF;
	_ =	strace $0x9FFFFFFF  }
0xd0: {  	(tm) =	ssettm $0x7FFFFFFF  }
0xd1: {  	_ =	shalt  }
tec
execute0_lowered:
.L_overlay_start_1:
0x0: {  	(tag) =	ssettag $0x1  }
0x1: {  	s0 =	srdreg.scid;
	s5 =	rddreg [dreg:$0x0]  }
0x2: {  	s1 =	stileid.u32;
	s2 =	simm.s32 $0x0;
	s12 =	simm.s32 $0x1900  }
0x3: {  	s13 =	simm.s32 $0x80;
	s14 =	simm.s32 $0x4B00;
	s15 =	simm.s32 $0x1  }
0x4: {  	s16 =	simm.s32 $0x100;
	s17 =	simm.s32 $0x7D00;
	s18 =	simm.s32 $0x180  }
0x5: {  	s19 =	simm.s32 $0xAF00;
	s20 =	simm.s32 $0x2;
	s21 =	simm.s32 $0x3  }
0x6: {  	s22 =	simm.s32 $0x200;
	s23 =	simm.s32 $0x280;
	s24 =	simm.s32 $0x4  }
0x7: {  	s25 =	simm.s32 $0x0;
	s4 =	sand.u32 $0x1, s0;
	s0 =	rddreg [dreg:$0x1]  }
0x8: {  	[smem:$0x7FF] =	sst s2;
	s30 =	smul.u32 $0x13880, s1;
	s3 =	sshll.u32 s4, $0x4  }
0x9: {  	s9 =	sadd.s32 $0x2B5C00, s5;
	s11 =	smul.u32 $0x138800, s4;
	s6 =	sor.u32 s1, s3  }
0xa: {  	_ =	strace $0x8000004A;
	s26 =	ssub.s32 $0x2, s4;
	s7 =	smul.u32 $0x320, s6  }
0xb: {  	s3 =	sadd.s32 $0x16800, s5;
	s28 =	sshrl.u32 s26, $0x1;
	s8 =	smul.u32 $0x9C400, s6  }
0xc: {  	s10 =	smul.u32 $0x13880, s6;
	s6 =	ssub.s32 s26, s28;
	s11 =	sadd.s32 s11, s9  }
0xd: {  	s6 =	smax.u32 s6, $0x1;
	s31 =	sadd.s32 s30, s11;
	s8 =	sshrl.u32 s8, $0x3  }
0xe: {  	s11 =	simm.s32 $0x64;
	s7 =	sadd.s32 s7, s5;
	s29 =	sadd.s32 s9, s8  }
0xf: {  	s4 =	sadd.s32 $0x2AF800, s7;
	s7 =	sadd.s32 s9, s10;
	s9 =	sadd.s32 $0x1900, s31  }
0x10: {  	s10 =	simm.s32 $0x5;
	s5 =	sadd.s32 $0x12C00, s29;
	s8 =	sadd.s32 $0xC80, s7  }
.LBB2_1:
0x11: {  	[tilespmem:s2], [sflag:$0x5] =	stream.linear.gather [hbm4b:s4+s2], $0x1900, $0x38;
	[tilespmem:$0xE100] =	vst v63  }
0x12: {  	_ =	swait.ge [sflag:s10], $0x1900  }
0x13: {  	[sflag:s10] =	ssyncset.done $0x0  }
0x14: {  	[sflag:s10] =	ssyncadd.s32 $0xFFFFE700  }
0x15: {  	[tilespmem:s12], [sflag:$0x1] =	stream.indirect.gather [hbm4b:s3+s11], $0x80, s2, s11, $0xb8;
	[tilespmem:$0xE100] =	vst v63  }
0x16: {  	_ = 	snop  }
0x17: {  	[tilespmem:s14], [sflag:$0x1] =	stream.indirect.gather [hbm4b:s3+s11], $0x80, s13, s11, $0xb8;
	[tilespmem:$0xE100] =	vst v63  }
0x18: {  	_ =	swait.ge [sflag:s15], $0x3200  }
0x19: {  	[sflag:s15] =	ssyncset.done $0x0  }
0x1a: {  	[sflag:s15] =	ssyncadd.s32 $0xFFFFCE00  }
0x1b: {  	_ =	swait.ge [sflag:s15], $0x3200  }
0x1c: {  	[sflag:s15] =	ssyncset.done $0x0  }
0x1d: {  	[sflag:s15] =	ssyncadd.s32 $0xFFFFCE00  }
0x1e: {  	[tilespmem:s17], [sflag:$0x2] =	stream.indirect.gather [hbm4b:s3+s11], $0x80, s16, s11, $0xb8;
	[tilespmem:$0xE100] =	vst v63  }
0x1f: {  	_ = 	snop  }
0x20: {  	[tilespmem:s19], [sflag:$0x2] =	stream.indirect.gather [hbm4b:s3+s11], $0x80, s18, s11, $0xb8;
	[tilespmem:$0xE100] =	vst v63  }
0x21: {  	_ = 	snop  }
0x22: {  	[hbm4b:s7+s2] =	stream.linear.scatter [tilespmem:s12], [sflag:$0x3], $0x6400, $0x38;
	[tilespmem:$0xE100] =	vst v63  }
0x23: {  	_ =	swait.ge [sflag:s20], $0x3200  }
0x24: {  	[sflag:s20] =	ssyncset.done $0x0  }
0x25: {  	[sflag:s20] =	ssyncadd.s32 $0xFFFFCE00  }
0x26: {  	_ =	swait.ge [sflag:s20], $0x3200  }
0x27: {  	[sflag:s20] =	ssyncset.done $0x0  }
0x28: {  	[sflag:s20] =	ssyncadd.s32 $0xFFFFCE00  }
0x29: {  	_ =	swait.ge [sflag:s21], $0x6400  }
0x2a: {  	[sflag:s21] =	ssyncset.done $0x0  }
0x2b: {  	[sflag:s21] =	ssyncadd.s32 $0xFFFF9C00  }
0x2c: {  	[tilespmem:s12], [sflag:$0x1] =	stream.indirect.gather [hbm4b:s3+s11], $0x80, s22, s11, $0xb8;
	[tilespmem:$0xE100] =	vst v63  }
0x2d: {  	_ = 	snop  }
0x2e: {  	[tilespmem:s14], [sflag:$0x1] =	stream.indirect.gather [hbm4b:s3+s11], $0x80, s23, s11, $0xb8;
	[tilespmem:$0xE100] =	vst v63  }
0x2f: {  	_ = 	snop  }
0x30: {  	[hbm4b:s8+s2] =	stream.linear.scatter [tilespmem:s17], [sflag:$0x4], $0x6400, $0x38;
	[tilespmem:$0xE100] =	vst v63  }
0x31: {  	_ =	swait.ge [sflag:s15], $0x3200  }
0x32: {  	[sflag:s15] =	ssyncset.done $0x0  }
0x33: {  	[sflag:s15] =	ssyncadd.s32 $0xFFFFCE00  }
0x34: {  	_ =	swait.ge [sflag:s15], $0x3200  }
0x35: {  	[sflag:s15] =	ssyncset.done $0x0  }
0x36: {  	[sflag:s15] =	ssyncadd.s32 $0xFFFFCE00  }
0x37: {  	_ =	swait.ge [sflag:s24], $0x6400  }
0x38: {  	[sflag:s24] =	ssyncset.done $0x0  }
0x39: {  	s26 =	simm.s32 $0x300;
	[sflag:s24] =	ssyncadd.s32 $0xFFFF9C00  }
0x3a: {  	[tilespmem:s17], [sflag:$0x2] =	stream.indirect.gather [hbm4b:s3+s11], $0x80, s26, s11, $0xb8;
	[tilespmem:$0xE100] =	vst v63  }
0x3b: {  	s31 =	simm.s32 $0x380  }
0x3c: {  	[tilespmem:s19], [sflag:$0x2] =	stream.indirect.gather [hbm4b:s3+s11], $0x80, s31, s11, $0xb8;
	[tilespmem:$0xE100] =	vst v63  }
0x3d: {  	_ = 	snop  }
0x3e: {  	[hbm4b:s9+s2] =	stream.linear.scatter [tilespmem:s12], [sflag:$0x3], $0x6400, $0x38;
	[tilespmem:$0xE100] =	vst v63  }
0x3f: {  	_ =	swait.ge [sflag:s20], $0x3200  }
0x40: {  	[sflag:s20] =	ssyncset.done $0x0  }
0x41: {  	[sflag:s20] =	ssyncadd.s32 $0xFFFFCE00  }
0x42: {  	_ =	swait.ge [sflag:s20], $0x3200  }
0x43: {  	[sflag:s20] =	ssyncset.done $0x0  }
0x44: {  	[sflag:s20] =	ssyncadd.s32 $0xFFFFCE00  }
0x45: {  	_ =	swait.ge [sflag:s21], $0x6400  }
0x46: {  	[sflag:s21] =	ssyncset.done $0x0  }
0x47: {  	s30 =	simm.s32 $0x400;
	s29 =	sadd.s32 $0xC80, s9;
	[sflag:s21] =	ssyncadd.s32 $0xFFFF9C00  }
0x48: {  	[tilespmem:s12], [sflag:$0x1] =	stream.indirect.gather [hbm4b:s3+s11], $0x80, s30, s11, $0xb8;
	[tilespmem:$0xE100] =	vst v63  }
0x49: {  	s28 =	sadd.s32 $0x1900, s9;
	s26 =	simm.s32 $0x800;
	s31 =	simm.s32 $0x480  }
0x4a: {  	[tilespmem:s14], [sflag:$0x1] =	stream.indirect.gather [hbm4b:s3+s11], $0x80, s31, s11, $0xb8;
	[tilespmem:$0xE100] =	vst v63  }
.LBB2_2:
0x4b: {  	[hbm4b:s29+s2] =	stream.linear.scatter [tilespmem:s17], [sflag:$0x4], $0x6400, $0x38;
	[tilespmem:$0xE100] =	vst v63  }
0x4c: {  	s29 =	smov.u32 s26  }
0x4d: {  	p0 =	sne.s32 s26, $0x5000;
	s26 =	sadd.s32 $0x800, s26;
	_ =	swait.ge [sflag:s15], $0x3200  }
0x4e: {  	[sflag:s15] =	ssyncset.done $0x0  }
0x4f: {  	[sflag:s15] =	ssyncadd.s32 $0xFFFFCE00  }
0x50: {  	_ =	swait.ge [sflag:s15], $0x3200  }
0x51: {  	[sflag:s15] =	ssyncset.done $0x0  }
0x52: {  	[sflag:s15] =	ssyncadd.s32 $0xFFFFCE00  }
0x53: {  	_ =	swait.ge [sflag:s24], $0x6400  }
0x54: {  	s29 =	sshra.s32 s29, $0x2;
	[sflag:s24] =	ssyncset.done $0x0  }
0x55: {  	s30 =	sadd.s32 $0x300, s29;
	[sflag:s24] =	ssyncadd.s32 $0xFFFF9C00  }
0x56: {  	[tilespmem:s17], [sflag:$0x2] =	stream.indirect.gather [hbm4b:s3+s11], $0x80, s30, s11, $0xb8;
	[tilespmem:$0xE100] =	vst v63  }
0x57: {  	s30 =	sadd.s32 $0x380, s29  }
0x58: {  	[tilespmem:s19], [sflag:$0x2] =	stream.indirect.gather [hbm4b:s3+s11], $0x80, s30, s11, $0xb8;
	[tilespmem:$0xE100] =	vst v63  }
0x59: {  	_ = 	snop  }
0x5a: {  	[hbm4b:s28+s2] =	stream.linear.scatter [tilespmem:s12], [sflag:$0x3], $0x6400, $0x38;
	[tilespmem:$0xE100] =	vst v63  }
0x5b: {  	_ =	swait.ge [sflag:s20], $0x3200  }
0x5c: {  	[sflag:s20] =	ssyncset.done $0x0  }
0x5d: {  	[sflag:s20] =	ssyncadd.s32 $0xFFFFCE00  }
0x5e: {  	_ =	swait.ge [sflag:s20], $0x3200  }
0x5f: {  	[sflag:s20] =	ssyncset.done $0x0  }
0x60: {  	[sflag:s20] =	ssyncadd.s32 $0xFFFFCE00  }
0x61: {  	_ =	swait.ge [sflag:s21], $0x6400  }
0x62: {  	[sflag:s21] =	ssyncset.done $0x0  }
.Ltmp0:
0x63: {  	s30 =	sadd.s32 $0x400, s29;
	[sflag:s21] =	ssyncadd.s32 $0xFFFF9C00;
	(pc) =	sbr.rel @p0 .LBB2_2-.Ltmp0, $4  }
0x64: {  	[tilespmem:s12], [sflag:$0x1] =	stream.indirect.gather [hbm4b:s3+s11], $0x80, s30, s11, $0xb8;
	[tilespmem:$0xE100] =	vst v63  }
0x65: {  	s29 =	sadd.s32 $0x480, s29  }
0x66: {  	[tilespmem:s14], [sflag:$0x1] =	stream.indirect.gather [hbm4b:s3+s11], $0x80, s29, s11, $0xb8;
	[tilespmem:$0xE100] =	vst v63  }
0x67: {  	s29 =	sadd.s32 $0xC80, s28;
	s28 =	sadd.s32 $0x1900, s28  }
0x68: {  	[hbm4b:s29+s2] =	stream.linear.scatter [tilespmem:s17], [sflag:$0x4], $0x6400, $0x38;
	[tilespmem:$0xE100] =	vst v63  }
0x69: {  	_ =	swait.ge [sflag:s15], $0x3200  }
0x6a: {  	[sflag:s15] =	ssyncset.done $0x0  }
0x6b: {  	[sflag:s15] =	ssyncadd.s32 $0xFFFFCE00  }
0x6c: {  	_ =	swait.ge [sflag:s15], $0x3200  }
0x6d: {  	[sflag:s15] =	ssyncset.done $0x0  }
0x6e: {  	s25 =	sadd.s32 $0x1, s25;
	[sflag:s15] =	ssyncadd.s32 $0xFFFFCE00  }
0x6f: {  	[hbm4b:s5+s2] =	stream.linear.scatter [tilespmem:s12], [sflag:$0x3], $0x6400, $0x38;
	[tilespmem:$0xE100] =	vst v63  }
0x70: {  	p0 =	sne.s32 s25, s6;
	_ =	swait.ge [sflag:s24], $0x6400  }
.Ltmp1:
0x71: {  	[sflag:s24] =	ssyncset.done $0x0;
	(pc) =	sbr.rel @p0 .LBB2_1-.Ltmp1, $4  }
0x72: {  	[sflag:s24] =	ssyncadd.s32 $0xFFFF9C00  }
0x73: {  	_ =	swait.ge [sflag:s21], $0x6400  }
0x74: {  	[sflag:s21] =	ssyncset.done $0x0  }
0x75: {  	[sflag:s21] =	ssyncadd.s32 $0xFFFF9C00  }
0x76: {  	_ =	sfence.sel $0x180000  }
0x77: {  	[bflag:$0x0] =	sbarrier.arrive $0xFFFF  }
0x78: {  	p0 =	sne.s32 s1, $0x0;
	_ =	strace $0x9000004A  }
0x79: {  	s0 =	sadd.s32 @!p0 $0x100000, s0;
	[bflag:$0x2] =	sbarrier.arrive $0xFFFF  }
0x7a: {  	[sflag:s0] =	ssyncadd.tile.s32 @!p0 $0x1;
	_ =	shalt  }
.Lfunc_end2:
_tile_overlayer_lowered:
.L_overlay_start_2:
0x7b: {  	(tag) =	ssettag $0x2  }
0x7c: {  	s0 =	rddreg [dreg:$0x0];
	s2 =	stileid.u32  }
0x7d: {  	s1 =	rddreg [dreg:$0x1];
	p0 =	sne.s32 s2, $0x0  }
0x7e: {  	s3 =	rddreg [dreg:$0x2];
	[bflag:$0x3] =	sbarrier.arrive $0xFFFF;
	s2 =	simm.s32 @!p0 $0x1C05  }
0x7f: {  	[timem:s3], [sflag:s2] =	dma.local @!p0 [hbm:s0], s1  }
0x80: {  	s0 =	simm.s32 @!p0 $0x5  }
0x81: {  	_ =	swait.ge @!p0 [sflag:s0], s1  }
0x82: {  	s1 =	ssub.s32 @!p0 $0x0, s1;
	[sflag:s0] =	ssyncset.done @!p0 $0x0  }
0x83: {  	[sflag:s0] =	ssyncadd.s32 @!p0 s1  }
0x84: {  	[bflag:$0x3] =	sbarrier.arrive $0xFFFF  }
0x85: {  	_ =	shalt  }

// kernel: kernel.26.cloned.1.call-start
scs
__scs_entry_jumppad:
0x0: {  	(pc) =	sbr.rel $0x88, $3  }
0x1: {  	(tag) =	ssettag $0x0;
	lr =	simm.s32 $0x1  }
0x2: {  	[smem:$0x3F91] =	sst lr;
	_ =	strace $0xD0000000  }
0x3: {  	_ = 	snop  }
0x4: {  	_ = 	snop  }
0x5: {  	_ = 	snop  }
0x6: {  	_ = 	snop  }
0x7: {  	_ = 	snop  }
__scs_overlays_trampoline_lowered:
0x8: {  	[smem:$0x3FA0] =	sst s0  }
0x9: {  	[smem:$0x3FA1] =	sst s1  }
0xa: {  	[smem:$0x3FA2] =	sst s2  }
0xb: {  	[smem:$0x3FA3] =	sst s3  }
0xc: {  	[smem:$0x3FA4] =	sst s4  }
0xd: {  	[smem:$0x3FA5] =	sst s5  }
0xe: {  	[smem:$0x3FA6] =	sst s6  }
0xf: {  	[smem:$0x3FA7] =	sst s7  }
0x10: {  	[smem:$0x3FA8] =	sst s8  }
0x11: {  	[smem:$0x3FA9] =	sst s9;
	s0 =	simm.s32 @!p0 $0x0  }
0x12: {  	s1 =	sld [smem:$0x3F8F];
	s0 =	simm.s32 @p0 $0x1  }
0x13: {  	[smem:$0x3FAA] =	sst s0;
	s0 =	simm.s32 @!p1 $0x0  }
0x14: {  	s2 =	sld [smem:$0x3F8E];
	s0 =	simm.s32 @p1 $0x1  }
0x15: {  	[smem:$0x3FAB] =	sst s0;
	s0 =	simm.s32 @!p2 $0x0  }
0x16: {  	s3 =	sld [smem:$0x3FDB];
	s0 =	simm.s32 @p2 $0x1  }
0x17: {  	s4 =	simm.s32 $0x1BF5;
	[smem:$0x3FAD] =	sst s0  }
0x18: {  	s0 =	sld [smem:$0x3F90];
	_ =	swait.ge [sflag:s4], $0x0  }
0x19: {  	s7 =	sld [smem:$0x3F91]  }
0x1a: {  	s8 =	sadd.s32 $0xFFFFE003, lr  }
0x1b: {  	s9 =	sadd.s32 $0xFFFFFEF7, lr;
	s5 =	simm.s32 $0xFFFFFFFF;
	p2 =	slt.u32 s8, $0xFFFFF086  }
0x1c: {  	p1 =	slt.u32 s9, $0xF7A;
	s5 =	simm.s32 @!p2 $0x0  }
0x1d: {  	s5 =	simm.s32 @p1 $0x1;
	p0 =	seq.s32 s7, s2  }
0x1e: {  	s7 =	smul.u32 @!p0 $0xF7A, s2;
	p2 =	seq.s32 @!p0 s5, $0x0  }
0x1f: {  	s9 =	smul.u32 $0xF7A, s1;
	s8 =	simm.s32 @!p0 $0x1BF5;
	p2 =	por !p2, p0  }
0x20: {  	[sflag:s8] =	ssyncset.s32 @!p0 $0xFFFFF086;
	s6 =	sadd.s32 @!p0 s3, s7;
	s7 =	simm.s32 @!p0 $0x108  }
0x21: {  	s3 =	sadd.s32 s3, s9;
	s6 =	sadd.s32 @!p0 $0x88, s6;
	s7 =	simm.s32 @p2 $0x1082  }
0x22: {  	[simem:s7], [sflag:s8] =	dma.local @!p0 [hbm:s6], $0xF7A  }
0x23: {  	s9 =	sor.u32 $0xD0000000, s2;
	s6 =	simm.s32 $0x108;
	_ =	swait.ge @!p0 [sflag:s8], $0x0  }
0x24: {  	s3 =	sadd.s32 $0x88, s3;
	s6 =	simm.s32 @!p1 $0x1082;
	[sflag:s4] =	ssyncset.s32 $0xFFFFF086  }
0x25: {  	[simem:s6], [sflag:s4] =	dma.local [hbm:s3], $0xF7A  }
0x26: {  	[smem:$0x3F91] =	sst s1;
	(tag) =	ssettag s2;
	_ =	strace s9  }
0x27: {  	s1 =	sld [smem:$0x3FA1]  }
0x28: {  	s2 =	sld [smem:$0x3FA2]  }
0x29: {  	s4 =	sld [smem:$0x3FA4]  }
0x2a: {  	p0 =	seq.s32 s5, $0x0;
	s5 =	sld [smem:$0x3FA5]  }
0x2b: {  	s6 =	sld [smem:$0x3FA6]  }
0x2c: {  	s7 =	sld [smem:$0x3FA7]  }
0x2d: {  	s3 =	simm.s32 $0x108;
	s8 =	sld [smem:$0x3FA8]  }
0x2e: {  	s3 =	simm.s32 @!p0 $0x1082;
	s9 =	sld [smem:$0x3FA9]  }
0x2f: {  	lr =	sadd.s32 s0, s3;
	s0 =	sld [smem:$0x3FA0]  }
0x30: {  	s3 =	sld [smem:$0x3FA3]  }
0x31: {  	[smem:$0x3FAC] =	sst s10  }
0x32: {  	s10 =	sld [smem:$0x3FAA];
	_ =	sdelay $0x3  }
0x33: {  	p0 =	seq.s32 s10, $0x1;
	s10 =	sld [smem:$0x3FAC];
	_ =	sdelay $0x3  }
0x34: {  	[smem:$0x3FAC] =	sst s10  }
0x35: {  	s10 =	sld [smem:$0x3FAB];
	_ =	sdelay $0x3  }
0x36: {  	p1 =	seq.s32 s10, $0x1;
	s10 =	sld [smem:$0x3FAC];
	_ =	sdelay $0x3  }
0x37: {  	[smem:$0x3FAC] =	sst s10  }
0x38: {  	s10 =	sld [smem:$0x3FAD]  }
0x39: {  	_ = 	snop;
	(pc) =	sbr.ind lr, $3  }
0x3a: {  	_ = 	snop  }
0x3b: {  	_ = 	snop  }
0x3c: {  	p2 =	seq.s32 s10, $0x1;
	s10 =	sld [smem:$0x3FAC]  }
0x3d: {  	_ =	shalt  }
0x3e: {  	_ =	shalt  }
0x3f: {  	_ =	shalt  }
0x40: {  	_ =	shalt  }
0x41: {  	_ =	shalt  }
0x42: {  	_ =	shalt  }
0x43: {  	_ =	shalt  }
0x44: {  	_ =	shalt  }
0x45: {  	_ =	shalt  }
0x46: {  	_ =	shalt  }
0x47: {  	_ =	shalt  }
0x48: {  	_ =	shalt  }
0x49: {  	_ =	shalt  }
0x4a: {  	_ =	shalt  }
0x4b: {  	_ =	shalt  }
0x4c: {  	_ =	shalt  }
0x4d: {  	_ =	shalt  }
0x4e: {  	_ =	shalt  }
0x4f: {  	_ =	shalt  }
0x50: {  	_ =	shalt  }
0x51: {  	_ =	shalt  }
0x52: {  	_ =	shalt  }
0x53: {  	_ =	shalt  }
0x54: {  	_ =	shalt  }
0x55: {  	_ =	shalt  }
0x56: {  	_ =	shalt  }
0x57: {  	_ =	shalt  }
0x58: {  	_ =	shalt  }
0x59: {  	_ =	shalt  }
0x5a: {  	_ =	shalt  }
0x5b: {  	_ =	shalt  }
0x5c: {  	_ =	shalt  }
0x5d: {  	_ =	shalt  }
0x5e: {  	_ =	shalt  }
0x5f: {  	_ =	shalt  }
0x60: {  	_ =	shalt  }
0x61: {  	_ =	shalt  }
0x62: {  	_ =	shalt  }
0x63: {  	_ =	shalt  }
0x64: {  	_ =	shalt  }
0x65: {  	_ =	shalt  }
0x66: {  	_ =	shalt  }
0x67: {  	_ =	shalt  }
0x68: {  	_ =	shalt  }
0x69: {  	_ =	shalt  }
0x6a: {  	_ =	shalt  }
0x6b: {  	_ =	shalt  }
0x6c: {  	_ =	shalt  }
0x6d: {  	_ =	shalt  }
0x6e: {  	_ =	shalt  }
0x6f: {  	_ =	shalt  }
0x70: {  	_ =	shalt  }
0x71: {  	_ =	shalt  }
0x72: {  	_ =	shalt  }
0x73: {  	_ =	shalt  }
0x74: {  	_ =	shalt  }
0x75: {  	_ =	shalt  }
0x76: {  	_ =	shalt  }
0x77: {  	_ =	shalt  }
0x78: {  	_ =	shalt  }
0x79: {  	_ =	shalt  }
0x7a: {  	_ =	shalt  }
0x7b: {  	_ =	shalt  }
0x7c: {  	_ =	shalt  }
0x7d: {  	_ =	shalt  }
0x7e: {  	_ =	shalt  }
0x7f: {  	_ =	shalt  }
0x80: {  	_ =	shalt  }
0x81: {  	_ =	shalt  }
0x82: {  	_ =	shalt  }
0x83: {  	_ =	shalt  }
0x84: {  	_ =	shalt  }
0x85: {  	_ =	shalt  }
0x86: {  	_ =	shalt  }
0x87: {  	_ =	shalt  }
.Lfunc_end0:
.L_simem_size_0:
called_computation.1_lowered:
.L_overlay_start_0:
0x88: {  	s2 =	sld [smem:$0x3FD9]  }
0x89: {  	s3 =	sld [smem:$0x3FFE];
	_ =	sdelay $0x1  }
0x8a: {  	s1 =	srdreg.scid  }
0x8b: {  	s0 =	sand.u32 $0x1, s1  }
0x8c: {  	s16 =	sshll.u32 s0, $0xA;
	s2 =	sadd.s32 s3, s2  }
0x8d: {  	s2 =	sadd.s32 s2, s16  }
0x8e: {  	[smem:$0x3FB8] =	sst s2  }
0x8f: {  	_ = 	snop  }
0x90: {  	(tm) =	ssettm $0x1  }
0x91: {  	s17 =	sld [smem:$0x3FFB];
	_ =	sdelay $0x3  }
0x92: {  	_ =	strace s17  }
0x93: {  	s2 =	sld [smem:$0x3FFC];
	_ =	sdelay $0x3  }
0x94: {  	_ =	strace s2  }
0x95: {  	s2 =	sld [smem:$0x3FFD];
	_ =	sdelay $0x3  }
0x96: {  	_ =	strace s2  }
0x97: {  	_ =	strace $0x8FFFFFFF  }
0x98: {  	s18 =	sld [smem:$0x3FDB];
	_ =	sdelay $0x1  }
0x99: {  	s19 =	simm.s32 $_scs_section_size  }
0x9a: {  	s4 =	simm.s32 $_size__tile_overlayer_lowered;
	s5 =	simm.s32 $_tile_overlayer_lowered  }
0x9b: {  	s22 =	simm.s32 $0x1BFF;
	s21 =	sshll.u32 s5, $0x1;
	s2 =	sadd.s32 s19, s18  }
0x9c: {  	s6 =	simm.s32 $0x0;
	s20 =	sshll.u32 s4, $0x1;
	s4 =	sadd.s32 s21, s2  }
0x9d: {  	[timem:s6], [sflag:s22] =	dma.local [hbm:s4], s20  }
0x9e: {  	_ =	swait.ge [sflag:s22], s20  }
0x9f: {  	s3 =	ssub.s32 $0x0, s20;
	[sflag:s22] =	ssyncset.done $0x0  }
0xa0: {  	[sflag:s22] =	ssyncadd.s32 s3;
	_ =	sdelay $0x1  }
0xa1: {  	s23 =	simm.s32 $0x1B8B  }
0xa2: {  	_ =	swait.ge [sflag:s23], $0x1  }
0xa3: {  	[sflag:s23] =	ssyncset.done $0x0  }
0xa4: {  	s25 =	simm.s32 $0x1B8E;
	s24 =	sld [smem:$0x3FFE];
	[sflag:s23] =	ssyncadd.s32 $0xFFFFFFFF  }
0xa5: {  	s26 =	simm.s32 $execute0_lowered;
	[smem:$0x3FD2] =	sst s25  }
0xa6: {  	s4 =	sshll.u32 s26, $0x1;
	_ =	strace $0x80000046;
	[dreg:$0x1] =	wrdreg $0xFFFFFFFF  }
0xa7: {  	s28 =	simm.s32 $_size_execute0_lowered;
	s2 =	sadd.s32 s2, s4;
	[dreg:$0x0] =	wrdreg $0x0  }
0xa8: {  	s4 =	sshll.u32 s28, $0x1;
	[dreg:$0x2] =	wrdreg s2  }
0xa9: {  	[dreg:$0x3] =	wrdreg s4  }
0xaa: {  	[dreg:$0x4] =	wrdreg $0xC0  }
0xab: {  	_ =	task [dreg:s6], $0x5FFFF  }
0xac: {  	[dreg:$0x1] =	wrdreg $0xFFFFFFFF  }
0xad: {  	[dreg:$0x0] =	wrdreg $0x60  }
0xae: {  	[dreg:$0x2] =	wrdreg s24  }
0xaf: {  	[dreg:$0x3] =	wrdreg $0xA  }
0xb0: {  	_ =	task.clear_ibuf [dreg:s6], $0x4FFFF;
	_ =	strace $0x90000046  }
0xb1: {  	s29 =	simm.s32 $0xA;
	_ =	strace $0x80000048  }
0xb2: {  	_ =	swait.ge [sflag:s29], $0x1  }
0xb3: {  	[sflag:s29] =	ssyncadd.s32 $0xFFFFFFFF  }
0xb4: {  	_ =	strace $0x90000048  }
0xb5: {  	_ =	sfence  }
0xb6: {  	s30 =	sld [smem:$0x0];
	_ =	sdelay $0x2  }
0xb7: {  	s31 =	sshll.u32 s1, $0xD;
	s1 =	sshrl.u32 s1, $0x2  }
0xb8: {  	s3 =	sand.u32 $0x4000, s31;
	s1 =	sadd.s32 s1, s30  }
0xb9: {  	s0 =	sor.u32 s3, s0;
	s1 =	sshll.u32 s1, $0x11  }
0xba: {  	s0 =	sor.u32 s1, s0  }
0xbb: {  	s0 =	sadd.s32 $0x8F2B, s0  }
0xbc: {  	[sflag:s0] =	ssyncadd.remote.s32 $0x1  }
0xbd: {  	_ =	sfence.sel $0xFFFF  }
0xbe: {  	[dreg:$0x0] =	wrdreg $0xFFFFFFFF;
	(pc) =	sbr.abs _section_cstart, $3  }
0xbf: {  	[dreg:$0x1] =	wrdreg $0xFFFFFFFF  }
0xc0: {  	_ =	task.clear_ibuf [dreg:s6], $0x2FFFF;
	_ =	strace $0x9FFFFFFF  }
0xc1: {  	(tm) =	ssettm $0x7FFFFFFF  }
tec
execute0_lowered:
.L_overlay_start_1:
0x0: {  	(tag) =	ssettag $0x1  }
0x1: {  	s0 =	srdreg.scid;
	s5 =	rddreg [dreg:$0x0]  }
0x2: {  	s1 =	stileid.u32;
	s2 =	simm.s32 $0x0;
	s12 =	simm.s32 $0x1900  }
0x3: {  	s13 =	simm.s32 $0x80;
	s14 =	simm.s32 $0x4B00;
	s15 =	simm.s32 $0x1  }
0x4: {  	s16 =	simm.s32 $0x100;
	s17 =	simm.s32 $0x7D00;
	s18 =	simm.s32 $0x180  }
0x5: {  	s19 =	simm.s32 $0xAF00;
	s20 =	simm.s32 $0x2;
	s21 =	simm.s32 $0x3  }
0x6: {  	s22 =	simm.s32 $0x200;
	s23 =	simm.s32 $0x280;
	s24 =	simm.s32 $0x4  }
0x7: {  	s25 =	simm.s32 $0x0;
	s4 =	sand.u32 $0x1, s0;
	s0 =	rddreg [dreg:$0x1]  }
0x8: {  	[smem:$0x7FF] =	sst s2;
	s30 =	smul.u32 $0x13880, s1;
	s3 =	sshll.u32 s4, $0x4  }
0x9: {  	s9 =	sadd.s32 $0x3E800, s5;
	s11 =	smul.u32 $0x138800, s4;
	s6 =	sor.u32 s1, s3  }
0xa: {  	_ =	strace $0x80000047;
	s26 =	ssub.s32 $0x2, s4;
	s7 =	smul.u32 $0x320, s6  }
0xb: {  	s3 =	sadd.s32 $0x16800, s5;
	s28 =	sshrl.u32 s26, $0x1;
	s8 =	smul.u32 $0x9C400, s6  }
0xc: {  	s10 =	smul.u32 $0x13880, s6;
	s6 =	ssub.s32 s26, s28;
	s11 =	sadd.s32 s11, s9  }
0xd: {  	s6 =	smax.u32 s6, $0x1;
	s31 =	sadd.s32 s30, s11;
	s8 =	sshrl.u32 s8, $0x3  }
0xe: {  	s11 =	simm.s32 $0x64;
	s7 =	sadd.s32 s7, s5;
	s29 =	sadd.s32 s9, s8  }
0xf: {  	s4 =	sadd.s32 $0x10400, s7;
	s7 =	sadd.s32 s9, s10;
	s9 =	sadd.s32 $0x1900, s31  }
0x10: {  	s10 =	simm.s32 $0x5;
	s5 =	sadd.s32 $0x12C00, s29;
	s8 =	sadd.s32 $0xC80, s7  }
.LBB2_1:
0x11: {  	[tilespmem:s2], [sflag:$0x5] =	stream.linear.gather [hbm4b:s4+s2], $0x1900, $0x38;
	[tilespmem:$0xE100] =	vst v63  }
0x12: {  	_ =	swait.ge [sflag:s10], $0x1900  }
0x13: {  	[sflag:s10] =	ssyncset.done $0x0  }
0x14: {  	[sflag:s10] =	ssyncadd.s32 $0xFFFFE700  }
0x15: {  	[tilespmem:s12], [sflag:$0x1] =	stream.indirect.gather [hbm4b:s3+s11], $0x80, s2, s11, $0xb8;
	[tilespmem:$0xE100] =	vst v63  }
0x16: {  	_ = 	snop  }
0x17: {  	[tilespmem:s14], [sflag:$0x1] =	stream.indirect.gather [hbm4b:s3+s11], $0x80, s13, s11, $0xb8;
	[tilespmem:$0xE100] =	vst v63  }
0x18: {  	_ =	swait.ge [sflag:s15], $0x3200  }
0x19: {  	[sflag:s15] =	ssyncset.done $0x0  }
0x1a: {  	[sflag:s15] =	ssyncadd.s32 $0xFFFFCE00  }
0x1b: {  	_ =	swait.ge [sflag:s15], $0x3200  }
0x1c: {  	[sflag:s15] =	ssyncset.done $0x0  }
0x1d: {  	[sflag:s15] =	ssyncadd.s32 $0xFFFFCE00  }
0x1e: {  	[tilespmem:s17], [sflag:$0x2] =	stream.indirect.gather [hbm4b:s3+s11], $0x80, s16, s11, $0xb8;
	[tilespmem:$0xE100] =	vst v63  }
0x1f: {  	_ = 	snop  }
0x20: {  	[tilespmem:s19], [sflag:$0x2] =	stream.indirect.gather [hbm4b:s3+s11], $0x80, s18, s11, $0xb8;
	[tilespmem:$0xE100] =	vst v63  }
0x21: {  	_ = 	snop  }
0x22: {  	[hbm4b:s7+s2] =	stream.linear.scatter [tilespmem:s12], [sflag:$0x3], $0x6400, $0x38;
	[tilespmem:$0xE100] =	vst v63  }
0x23: {  	_ =	swait.ge [sflag:s20], $0x3200  }
0x24: {  	[sflag:s20] =	ssyncset.done $0x0  }
0x25: {  	[sflag:s20] =	ssyncadd.s32 $0xFFFFCE00  }
0x26: {  	_ =	swait.ge [sflag:s20], $0x3200  }
0x27: {  	[sflag:s20] =	ssyncset.done $0x0  }
0x28: {  	[sflag:s20] =	ssyncadd.s32 $0xFFFFCE00  }
0x29: {  	_ =	swait.ge [sflag:s21], $0x6400  }
0x2a: {  	[sflag:s21] =	ssyncset.done $0x0  }
0x2b: {  	[sflag:s21] =	ssyncadd.s32 $0xFFFF9C00  }
0x2c: {  	[tilespmem:s12], [sflag:$0x1] =	stream.indirect.gather [hbm4b:s3+s11], $0x80, s22, s11, $0xb8;
	[tilespmem:$0xE100] =	vst v63  }
0x2d: {  	_ = 	snop  }
0x2e: {  	[tilespmem:s14], [sflag:$0x1] =	stream.indirect.gather [hbm4b:s3+s11], $0x80, s23, s11, $0xb8;
	[tilespmem:$0xE100] =	vst v63  }
0x2f: {  	_ = 	snop  }
0x30: {  	[hbm4b:s8+s2] =	stream.linear.scatter [tilespmem:s17], [sflag:$0x4], $0x6400, $0x38;
	[tilespmem:$0xE100] =	vst v63  }
0x31: {  	_ =	swait.ge [sflag:s15], $0x3200  }
0x32: {  	[sflag:s15] =	ssyncset.done $0x0  }
0x33: {  	[sflag:s15] =	ssyncadd.s32 $0xFFFFCE00  }
0x34: {  	_ =	swait.ge [sflag:s15], $0x3200  }
0x35: {  	[sflag:s15] =	ssyncset.done $0x0  }
0x36: {  	[sflag:s15] =	ssyncadd.s32 $0xFFFFCE00  }
0x37: {  	_ =	swait.ge [sflag:s24], $0x6400  }
0x38: {  	[sflag:s24] =	ssyncset.done $0x0  }
0x39: {  	s26 =	simm.s32 $0x300;
	[sflag:s24] =	ssyncadd.s32 $0xFFFF9C00  }
0x3a: {  	[tilespmem:s17], [sflag:$0x2] =	stream.indirect.gather [hbm4b:s3+s11], $0x80, s26, s11, $0xb8;
	[tilespmem:$0xE100] =	vst v63  }
0x3b: {  	s31 =	simm.s32 $0x380  }
0x3c: {  	[tilespmem:s19], [sflag:$0x2] =	stream.indirect.gather [hbm4b:s3+s11], $0x80, s31, s11, $0xb8;
	[tilespmem:$0xE100] =	vst v63  }
0x3d: {  	_ = 	snop  }
0x3e: {  	[hbm4b:s9+s2] =	stream.linear.scatter [tilespmem:s12], [sflag:$0x3], $0x6400, $0x38;
	[tilespmem:$0xE100] =	vst v63  }
0x3f: {  	_ =	swait.ge [sflag:s20], $0x3200  }
0x40: {  	[sflag:s20] =	ssyncset.done $0x0  }
0x41: {  	[sflag:s20] =	ssyncadd.s32 $0xFFFFCE00  }
0x42: {  	_ =	swait.ge [sflag:s20], $0x3200  }
0x43: {  	[sflag:s20] =	ssyncset.done $0x0  }
0x44: {  	[sflag:s20] =	ssyncadd.s32 $0xFFFFCE00  }
0x45: {  	_ =	swait.ge [sflag:s21], $0x6400  }
0x46: {  	[sflag:s21] =	ssyncset.done $0x0  }
0x47: {  	s30 =	simm.s32 $0x400;
	s29 =	sadd.s32 $0xC80, s9;
	[sflag:s21] =	ssyncadd.s32 $0xFFFF9C00  }
0x48: {  	[tilespmem:s12], [sflag:$0x1] =	stream.indirect.gather [hbm4b:s3+s11], $0x80, s30, s11, $0xb8;
	[tilespmem:$0xE100] =	vst v63  }
0x49: {  	s28 =	sadd.s32 $0x1900, s9;
	s26 =	simm.s32 $0x800;
	s31 =	simm.s32 $0x480  }
0x4a: {  	[tilespmem:s14], [sflag:$0x1] =	stream.indirect.gather [hbm4b:s3+s11], $0x80, s31, s11, $0xb8;
	[tilespmem:$0xE100] =	vst v63  }
.LBB2_2:
0x4b: {  	[hbm4b:s29+s2] =	stream.linear.scatter [tilespmem:s17], [sflag:$0x4], $0x6400, $0x38;
	[tilespmem:$0xE100] =	vst v63  }
0x4c: {  	s29 =	smov.u32 s26  }
0x4d: {  	p0 =	sne.s32 s26, $0x5000;
	s26 =	sadd.s32 $0x800, s26;
	_ =	swait.ge [sflag:s15], $0x3200  }
0x4e: {  	[sflag:s15] =	ssyncset.done $0x0  }
0x4f: {  	[sflag:s15] =	ssyncadd.s32 $0xFFFFCE00  }
0x50: {  	_ =	swait.ge [sflag:s15], $0x3200  }
0x51: {  	[sflag:s15] =	ssyncset.done $0x0  }
0x52: {  	[sflag:s15] =	ssyncadd.s32 $0xFFFFCE00  }
0x53: {  	_ =	swait.ge [sflag:s24], $0x6400  }
0x54: {  	s29 =	sshra.s32 s29, $0x2;
	[sflag:s24] =	ssyncset.done $0x0  }
0x55: {  	s30 =	sadd.s32 $0x300, s29;
	[sflag:s24] =	ssyncadd.s32 $0xFFFF9C00  }
0x56: {  	[tilespmem:s17], [sflag:$0x2] =	stream.indirect.gather [hbm4b:s3+s11], $0x80, s30, s11, $0xb8;
	[tilespmem:$0xE100] =	vst v63  }
0x57: {  	s30 =	sadd.s32 $0x380, s29  }
0x58: {  	[tilespmem:s19], [sflag:$0x2] =	stream.indirect.gather [hbm4b:s3+s11], $0x80, s30, s11, $0xb8;
	[tilespmem:$0xE100] =	vst v63  }
0x59: {  	_ = 	snop  }
0x5a: {  	[hbm4b:s28+s2] =	stream.linear.scatter [tilespmem:s12], [sflag:$0x3], $0x6400, $0x38;
	[tilespmem:$0xE100] =	vst v63  }
0x5b: {  	_ =	swait.ge [sflag:s20], $0x3200  }
0x5c: {  	[sflag:s20] =	ssyncset.done $0x0  }
0x5d: {  	[sflag:s20] =	ssyncadd.s32 $0xFFFFCE00  }
0x5e: {  	_ =	swait.ge [sflag:s20], $0x3200  }
0x5f: {  	[sflag:s20] =	ssyncset.done $0x0  }
0x60: {  	[sflag:s20] =	ssyncadd.s32 $0xFFFFCE00  }
0x61: {  	_ =	swait.ge [sflag:s21], $0x6400  }
0x62: {  	[sflag:s21] =	ssyncset.done $0x0  }
.Ltmp0:
0x63: {  	s30 =	sadd.s32 $0x400, s29;
	[sflag:s21] =	ssyncadd.s32 $0xFFFF9C00;
	(pc) =	sbr.rel @p0 .LBB2_2-.Ltmp0, $4  }
0x64: {  	[tilespmem:s12], [sflag:$0x1] =	stream.indirect.gather [hbm4b:s3+s11], $0x80, s30, s11, $0xb8;
	[tilespmem:$0xE100] =	vst v63  }
0x65: {  	s29 =	sadd.s32 $0x480, s29  }
0x66: {  	[tilespmem:s14], [sflag:$0x1] =	stream.indirect.gather [hbm4b:s3+s11], $0x80, s29, s11, $0xb8;
	[tilespmem:$0xE100] =	vst v63  }
0x67: {  	s29 =	sadd.s32 $0xC80, s28;
	s28 =	sadd.s32 $0x1900, s28  }
0x68: {  	[hbm4b:s29+s2] =	stream.linear.scatter [tilespmem:s17], [sflag:$0x4], $0x6400, $0x38;
	[tilespmem:$0xE100] =	vst v63  }
0x69: {  	_ =	swait.ge [sflag:s15], $0x3200  }
0x6a: {  	[sflag:s15] =	ssyncset.done $0x0  }
0x6b: {  	[sflag:s15] =	ssyncadd.s32 $0xFFFFCE00  }
0x6c: {  	_ =	swait.ge [sflag:s15], $0x3200  }
0x6d: {  	[sflag:s15] =	ssyncset.done $0x0  }
0x6e: {  	s25 =	sadd.s32 $0x1, s25;
	[sflag:s15] =	ssyncadd.s32 $0xFFFFCE00  }
0x6f: {  	[hbm4b:s5+s2] =	stream.linear.scatter [tilespmem:s12], [sflag:$0x3], $0x6400, $0x38;
	[tilespmem:$0xE100] =	vst v63  }
0x70: {  	p0 =	sne.s32 s25, s6;
	_ =	swait.ge [sflag:s24], $0x6400  }
.Ltmp1:
0x71: {  	[sflag:s24] =	ssyncset.done $0x0;
	(pc) =	sbr.rel @p0 .LBB2_1-.Ltmp1, $4  }
0x72: {  	[sflag:s24] =	ssyncadd.s32 $0xFFFF9C00  }
0x73: {  	_ =	swait.ge [sflag:s21], $0x6400  }
0x74: {  	[sflag:s21] =	ssyncset.done $0x0  }
0x75: {  	[sflag:s21] =	ssyncadd.s32 $0xFFFF9C00  }
0x76: {  	_ =	sfence.sel $0x180000  }
0x77: {  	[bflag:$0x0] =	sbarrier.arrive $0xFFFF  }
0x78: {  	p0 =	sne.s32 s1, $0x0;
	_ =	strace $0x90000047  }
0x79: {  	s0 =	sadd.s32 @!p0 $0x100000, s0;
	[bflag:$0x2] =	sbarrier.arrive $0xFFFF  }
0x7a: {  	[sflag:s0] =	ssyncadd.tile.s32 @!p0 $0x1;
	_ =	shalt  }
.Lfunc_end2:
_tile_overlayer_lowered:
.L_overlay_start_2:
0x7b: {  	(tag) =	ssettag $0x2  }
0x7c: {  	s0 =	rddreg [dreg:$0x0];
	s2 =	stileid.u32  }
0x7d: {  	s1 =	rddreg [dreg:$0x1];
	p0 =	sne.s32 s2, $0x0  }
0x7e: {  	s3 =	rddreg [dreg:$0x2];
	[bflag:$0x3] =	sbarrier.arrive $0xFFFF;
	s2 =	simm.s32 @!p0 $0x1C05  }
0x7f: {  	[timem:s3], [sflag:s2] =	dma.local @!p0 [hbm:s0], s1  }
0x80: {  	s0 =	simm.s32 @!p0 $0x5  }
0x81: {  	_ =	swait.ge @!p0 [sflag:s0], s1  }
0x82: {  	s1 =	ssub.s32 @!p0 $0x0, s1;
	[sflag:s0] =	ssyncset.done @!p0 $0x0  }
0x83: {  	[sflag:s0] =	ssyncadd.s32 @!p0 s1  }
0x84: {  	[bflag:$0x3] =	sbarrier.arrive $0xFFFF  }
0x85: {  	_ =	shalt  }

// kernel: kernel.29.cloned.1.call-start
scs
__scs_entry_jumppad:
0x0: {  	(pc) =	sbr.rel $0x88, $3  }
0x1: {  	(tag) =	ssettag $0x0;
	lr =	simm.s32 $0x1  }
0x2: {  	[smem:$0x3F91] =	sst lr;
	_ =	strace $0xD0000000  }
0x3: {  	_ = 	snop  }
0x4: {  	_ = 	snop  }
0x5: {  	_ = 	snop  }
0x6: {  	_ = 	snop  }
0x7: {  	_ = 	snop  }
__scs_overlays_trampoline_lowered:
0x8: {  	[smem:$0x3FA0] =	sst s0  }
0x9: {  	[smem:$0x3FA1] =	sst s1  }
0xa: {  	[smem:$0x3FA2] =	sst s2  }
0xb: {  	[smem:$0x3FA3] =	sst s3  }
0xc: {  	[smem:$0x3FA4] =	sst s4  }
0xd: {  	[smem:$0x3FA5] =	sst s5  }
0xe: {  	[smem:$0x3FA6] =	sst s6  }
0xf: {  	[smem:$0x3FA7] =	sst s7  }
0x10: {  	[smem:$0x3FA8] =	sst s8  }
0x11: {  	[smem:$0x3FA9] =	sst s9;
	s0 =	simm.s32 @!p0 $0x0  }
0x12: {  	s1 =	sld [smem:$0x3F8F];
	s0 =	simm.s32 @p0 $0x1  }
0x13: {  	[smem:$0x3FAA] =	sst s0;
	s0 =	simm.s32 @!p1 $0x0  }
0x14: {  	s2 =	sld [smem:$0x3F8E];
	s0 =	simm.s32 @p1 $0x1  }
0x15: {  	[smem:$0x3FAB] =	sst s0;
	s0 =	simm.s32 @!p2 $0x0  }
0x16: {  	s3 =	sld [smem:$0x3FDB];
	s0 =	simm.s32 @p2 $0x1  }
0x17: {  	s4 =	simm.s32 $0x1BF5;
	[smem:$0x3FAD] =	sst s0  }
0x18: {  	s0 =	sld [smem:$0x3F90];
	_ =	swait.ge [sflag:s4], $0x0  }
0x19: {  	s7 =	sld [smem:$0x3F91]  }
0x1a: {  	s8 =	sadd.s32 $0xFFFFE003, lr  }
0x1b: {  	s9 =	sadd.s32 $0xFFFFFEF7, lr;
	s5 =	simm.s32 $0xFFFFFFFF;
	p2 =	slt.u32 s8, $0xFFFFF086  }
0x1c: {  	p1 =	slt.u32 s9, $0xF7A;
	s5 =	simm.s32 @!p2 $0x0  }
0x1d: {  	s5 =	simm.s32 @p1 $0x1;
	p0 =	seq.s32 s7, s2  }
0x1e: {  	s7 =	smul.u32 @!p0 $0xF7A, s2;
	p2 =	seq.s32 @!p0 s5, $0x0  }
0x1f: {  	s9 =	smul.u32 $0xF7A, s1;
	s8 =	simm.s32 @!p0 $0x1BF5;
	p2 =	por !p2, p0  }
0x20: {  	[sflag:s8] =	ssyncset.s32 @!p0 $0xFFFFF086;
	s6 =	sadd.s32 @!p0 s3, s7;
	s7 =	simm.s32 @!p0 $0x108  }
0x21: {  	s3 =	sadd.s32 s3, s9;
	s6 =	sadd.s32 @!p0 $0x88, s6;
	s7 =	simm.s32 @p2 $0x1082  }
0x22: {  	[simem:s7], [sflag:s8] =	dma.local @!p0 [hbm:s6], $0xF7A  }
0x23: {  	s9 =	sor.u32 $0xD0000000, s2;
	s6 =	simm.s32 $0x108;
	_ =	swait.ge @!p0 [sflag:s8], $0x0  }
0x24: {  	s3 =	sadd.s32 $0x88, s3;
	s6 =	simm.s32 @!p1 $0x1082;
	[sflag:s4] =	ssyncset.s32 $0xFFFFF086  }
0x25: {  	[simem:s6], [sflag:s4] =	dma.local [hbm:s3], $0xF7A  }
0x26: {  	[smem:$0x3F91] =	sst s1;
	(tag) =	ssettag s2;
	_ =	strace s9  }
0x27: {  	s1 =	sld [smem:$0x3FA1]  }
0x28: {  	s2 =	sld [smem:$0x3FA2]  }
0x29: {  	s4 =	sld [smem:$0x3FA4]  }
0x2a: {  	p0 =	seq.s32 s5, $0x0;
	s5 =	sld [smem:$0x3FA5]  }
0x2b: {  	s6 =	sld [smem:$0x3FA6]  }
0x2c: {  	s7 =	sld [smem:$0x3FA7]  }
0x2d: {  	s3 =	simm.s32 $0x108;
	s8 =	sld [smem:$0x3FA8]  }
0x2e: {  	s3 =	simm.s32 @!p0 $0x1082;
	s9 =	sld [smem:$0x3FA9]  }
0x2f: {  	lr =	sadd.s32 s0, s3;
	s0 =	sld [smem:$0x3FA0]  }
0x30: {  	s3 =	sld [smem:$0x3FA3]  }
0x31: {  	[smem:$0x3FAC] =	sst s10  }
0x32: {  	s10 =	sld [smem:$0x3FAA];
	_ =	sdelay $0x3  }
0x33: {  	p0 =	seq.s32 s10, $0x1;
	s10 =	sld [smem:$0x3FAC];
	_ =	sdelay $0x3  }
0x34: {  	[smem:$0x3FAC] =	sst s10  }
0x35: {  	s10 =	sld [smem:$0x3FAB];
	_ =	sdelay $0x3  }
0x36: {  	p1 =	seq.s32 s10, $0x1;
	s10 =	sld [smem:$0x3FAC];
	_ =	sdelay $0x3  }
0x37: {  	[smem:$0x3FAC] =	sst s10  }
0x38: {  	s10 =	sld [smem:$0x3FAD]  }
0x39: {  	_ = 	snop;
	(pc) =	sbr.ind lr, $3  }
0x3a: {  	_ = 	snop  }
0x3b: {  	_ = 	snop  }
0x3c: {  	p2 =	seq.s32 s10, $0x1;
	s10 =	sld [smem:$0x3FAC]  }
0x3d: {  	_ =	shalt  }
0x3e: {  	_ =	shalt  }
0x3f: {  	_ =	shalt  }
0x40: {  	_ =	shalt  }
0x41: {  	_ =	shalt  }
0x42: {  	_ =	shalt  }
0x43: {  	_ =	shalt  }
0x44: {  	_ =	shalt  }
0x45: {  	_ =	shalt  }
0x46: {  	_ =	shalt  }
0x47: {  	_ =	shalt  }
0x48: {  	_ =	shalt  }
0x49: {  	_ =	shalt  }
0x4a: {  	_ =	shalt  }
0x4b: {  	_ =	shalt  }
0x4c: {  	_ =	shalt  }
0x4d: {  	_ =	shalt  }
0x4e: {  	_ =	shalt  }
0x4f: {  	_ =	shalt  }
0x50: {  	_ =	shalt  }
0x51: {  	_ =	shalt  }
0x52: {  	_ =	shalt  }
0x53: {  	_ =	shalt  }
0x54: {  	_ =	shalt  }
0x55: {  	_ =	shalt  }
0x56: {  	_ =	shalt  }
0x57: {  	_ =	shalt  }
0x58: {  	_ =	shalt  }
0x59: {  	_ =	shalt  }
0x5a: {  	_ =	shalt  }
0x5b: {  	_ =	shalt  }
0x5c: {  	_ =	shalt  }
0x5d: {  	_ =	shalt  }
0x5e: {  	_ =	shalt  }
0x5f: {  	_ =	shalt  }
0x60: {  	_ =	shalt  }
0x61: {  	_ =	shalt  }
0x62: {  	_ =	shalt  }
0x63: {  	_ =	shalt  }
0x64: {  	_ =	shalt  }
0x65: {  	_ =	shalt  }
0x66: {  	_ =	shalt  }
0x67: {  	_ =	shalt  }
0x68: {  	_ =	shalt  }
0x69: {  	_ =	shalt  }
0x6a: {  	_ =	shalt  }
0x6b: {  	_ =	shalt  }
0x6c: {  	_ =	shalt  }
0x6d: {  	_ =	shalt  }
0x6e: {  	_ =	shalt  }
0x6f: {  	_ =	shalt  }
0x70: {  	_ =	shalt  }
0x71: {  	_ =	shalt  }
0x72: {  	_ =	shalt  }
0x73: {  	_ =	shalt  }
0x74: {  	_ =	shalt  }
0x75: {  	_ =	shalt  }
0x76: {  	_ =	shalt  }
0x77: {  	_ =	shalt  }
0x78: {  	_ =	shalt  }
0x79: {  	_ =	shalt  }
0x7a: {  	_ =	shalt  }
0x7b: {  	_ =	shalt  }
0x7c: {  	_ =	shalt  }
0x7d: {  	_ =	shalt  }
0x7e: {  	_ =	shalt  }
0x7f: {  	_ =	shalt  }
0x80: {  	_ =	shalt  }
0x81: {  	_ =	shalt  }
0x82: {  	_ =	shalt  }
0x83: {  	_ =	shalt  }
0x84: {  	_ =	shalt  }
0x85: {  	_ =	shalt  }
0x86: {  	_ =	shalt  }
0x87: {  	_ =	shalt  }
.Lfunc_end0:
.L_simem_size_0:
called_computation.2_lowered:
.L_overlay_start_0:
0x88: {  	s2 =	sld [smem:$0x3FD9]  }
0x89: {  	s3 =	sld [smem:$0x3FFE];
	_ =	sdelay $0x1  }
0x8a: {  	s1 =	srdreg.scid  }
0x8b: {  	s0 =	sand.u32 $0x1, s1  }
0x8c: {  	s16 =	sshll.u32 s0, $0xA;
	s2 =	sadd.s32 s3, s2  }
0x8d: {  	s2 =	sadd.s32 s2, s16  }
0x8e: {  	[smem:$0x3FB8] =	sst s2  }
0x8f: {  	_ = 	snop  }
0x90: {  	(tm) =	ssettm $0x1  }
0x91: {  	s17 =	sld [smem:$0x3FFB];
	_ =	sdelay $0x3  }
0x92: {  	_ =	strace s17  }
0x93: {  	s2 =	sld [smem:$0x3FFC];
	_ =	sdelay $0x3  }
0x94: {  	_ =	strace s2  }
0x95: {  	s2 =	sld [smem:$0x3FFD];
	_ =	sdelay $0x3  }
0x96: {  	_ =	strace s2  }
0x97: {  	_ =	strace $0x8FFFFFFF  }
0x98: {  	s18 =	sld [smem:$0x3FDB];
	_ =	sdelay $0x1  }
0x99: {  	s19 =	simm.s32 $_scs_section_size  }
0x9a: {  	s4 =	simm.s32 $_size__tile_overlayer_lowered;
	s5 =	simm.s32 $_tile_overlayer_lowered  }
0x9b: {  	s22 =	simm.s32 $0x1BFF;
	s21 =	sshll.u32 s5, $0x1;
	s2 =	sadd.s32 s19, s18  }
0x9c: {  	s6 =	simm.s32 $0x0;
	s20 =	sshll.u32 s4, $0x1;
	s4 =	sadd.s32 s21, s2  }
0x9d: {  	[timem:s6], [sflag:s22] =	dma.local [hbm:s4], s20  }
0x9e: {  	_ =	swait.ge [sflag:s22], s20  }
0x9f: {  	s3 =	ssub.s32 $0x0, s20;
	[sflag:s22] =	ssyncset.done $0x0  }
0xa0: {  	[sflag:s22] =	ssyncadd.s32 s3;
	_ =	sdelay $0x1  }
0xa1: {  	s23 =	simm.s32 $0x1B8B  }
0xa2: {  	_ =	swait.ge [sflag:s23], $0x1  }
0xa3: {  	[sflag:s23] =	ssyncset.done $0x0  }
0xa4: {  	s25 =	simm.s32 $0x1B8E;
	s24 =	sld [smem:$0x3FFE];
	[sflag:s23] =	ssyncadd.s32 $0xFFFFFFFF  }
0xa5: {  	s26 =	simm.s32 $execute0_lowered;
	[smem:$0x3FD2] =	sst s25  }
0xa6: {  	s4 =	sshll.u32 s26, $0x1;
	_ =	strace $0x8000004C;
	[dreg:$0x1] =	wrdreg $0xFFFFFFFF  }
0xa7: {  	s28 =	simm.s32 $_size_execute0_lowered;
	s2 =	sadd.s32 s2, s4;
	[dreg:$0x0] =	wrdreg $0x0  }
0xa8: {  	s4 =	sshll.u32 s28, $0x1;
	[dreg:$0x2] =	wrdreg s2  }
0xa9: {  	[dreg:$0x3] =	wrdreg s4  }
0xaa: {  	[dreg:$0x4] =	wrdreg $0xC0  }
0xab: {  	_ =	task [dreg:s6], $0x5FFFF  }
0xac: {  	[dreg:$0x1] =	wrdreg $0xFFFFFFFF  }
0xad: {  	[dreg:$0x0] =	wrdreg $0x60  }
0xae: {  	[dreg:$0x2] =	wrdreg s24  }
0xaf: {  	[dreg:$0x3] =	wrdreg $0x84000  }
0xb0: {  	[dreg:$0x4] =	wrdreg $0x9  }
0xb1: {  	_ =	task.clear_ibuf [dreg:s6], $0x5FFFF;
	_ =	strace $0x9000004C  }
0xb2: {  	s29 =	simm.s32 $0x9;
	_ =	strace $0x8000004E  }
0xb3: {  	_ =	swait.ge [sflag:s29], $0x1  }
0xb4: {  	[sflag:s29] =	ssyncadd.s32 $0xFFFFFFFF  }
0xb5: {  	_ =	strace $0x9000004E  }
0xb6: {  	_ =	sfence  }
0xb7: {  	s30 =	sld [smem:$0x0];
	_ =	sdelay $0x2  }
0xb8: {  	s31 =	sshll.u32 s1, $0xD;
	s1 =	sshrl.u32 s1, $0x2  }
0xb9: {  	s3 =	sand.u32 $0x4000, s31;
	s1 =	sadd.s32 s1, s30  }
0xba: {  	s0 =	sor.u32 s3, s0;
	s1 =	sshll.u32 s1, $0x11  }
0xbb: {  	s0 =	sor.u32 s1, s0  }
0xbc: {  	s0 =	sadd.s32 $0x8F2B, s0  }
0xbd: {  	[sflag:s0] =	ssyncadd.remote.s32 $0x1  }
0xbe: {  	_ =	sfence.sel $0xFFFF  }
0xbf: {  	[dreg:$0x0] =	wrdreg $0xFFFFFFFF;
	(pc) =	sbr.abs _section_cstart, $3  }
0xc0: {  	[dreg:$0x1] =	wrdreg $0xFFFFFFFF  }
0xc1: {  	_ =	task.clear_ibuf [dreg:s6], $0x2FFFF;
	_ =	strace $0x9FFFFFFF  }
0xc2: {  	(tm) =	ssettm $0x7FFFFFFF  }
0xc3: {  	_ =	shalt  }
tec
execute0_lowered:
.L_overlay_start_1:
0x0: {  	(tag) =	ssettag $0x1  }
0x1: {  	s4 =	rddreg [dreg:$0x0]  }
0x2: {  	s0 =	srdreg.scid;
	s2 =	rddreg [dreg:$0x1];
	s3 =	simm.s32 $0x0  }
0x3: {  	s15 =	simm.s32 $0x1C00;
	s16 =	simm.s32 $0x1;
	s17 =	simm.s32 $0x64  }
0x4: {  	s18 =	simm.s32 $0x5000;
	s6 =	sand.u32 $0x1, s0;
	s0 =	stileid.u32  }
0x5: {  	s19 =	simm.s32 $0x2;
	s20 =	simm.s32 $0x80;
	s8 =	smul.u32 $0x2800, s0  }
0x6: {  	s21 =	simm.s32 $0x3;
	s22 =	simm.s32 $0x4;
	s9 =	smul.u32 $0x28000, s6  }
0x7: {  	s23 =	simm.s32 $0x0;
	[smem:$0x7FF] =	sst s3;
	s12 =	smul.u32 $0x50000, s0  }
0x8: {  	s10 =	sadd.s32 $0xBE00, s4;
	s1 =	sshll.u32 s6, $0x4;
	s29 =	smul.u32 $0x145000, s6  }
0x9: {  	s11 =	ssub.s32 $0x2, s6;
	s26 =	sshll.u32 s0, $0x6;
	s30 =	smul.u32 $0x14500, s0  }
0xa: {  	s5 =	sor.u32 s0, s1;
	s1 =	rddreg [dreg:$0x2];
	_ =	strace $0x8000004D  }
0xb: {  	s24 =	sshrl.u32 s11, $0x1;
	s7 =	smul.u32 $0x380, s5;
	s13 =	sadd.s32 s8, s4  }
0xc: {  	s8 =	sadd.s32 s8, s9;
	s9 =	ssub.s32 s11, s24;
	s25 =	sshrl.u32 s12, $0x2  }
0xd: {  	s28 =	smul.u32 $0x14500, s5;
	s5 =	sor.u32 $0x1C05, s26;
	s31 =	sadd.s32 s29, s10  }
.Ltmp0:
0xe: {  	s8 =	sadd.s32 s8, s4;
	s14 =	sadd.s32 s25, s2;
	(pc) =	sbr.rel .LBB2_1-.Ltmp0, $4  }
0xf: {  	s12 =	sadd.s32 s30, s31;
	s7 =	sadd.s32 s7, s4;
	s4 =	sadd.s32 $0x2B5C00, s13  }
0x10: {  	s9 =	smax.u32 s9, $0x1;
	s8 =	sadd.s32 $0x2DDC00, s8;
	s12 =	sadd.s32 $0x1A00, s12  }
0x11: {  	s13 =	sshrl.u32 s14, $0x3;
	s6 =	sadd.s32 $0x526C00, s7;
	s7 =	sadd.s32 s10, s28  }
0x12: {  	s14 =	simm.s32 $0x5;
	s10 =	sadd.s32 $0x680, s7;
	s11 =	sadd.s32 $0xD00, s7  }
.LBB2_4:
0x13: {  	_ =	swait.ge [sflag:s22], $0x3200  }
0x14: {  	s23 =	sadd.s32 $0x1, s23;
	[sflag:s22] =	ssyncset.done $0x0  }
0x15: {  	p0 =	sne.s32 s23, s9;
	[sflag:s22] =	ssyncadd.s32 $0xFFFFCE00  }
.Ltmp1:
0x16: {  	[bflag:$0x0] =	sbarrier.arrive $0xFFFF;
	(pc) =	sbr.rel @!p0 .LBB2_5-.Ltmp1, $4  }
0x17: {  	[hbm:s8], [sflag:s5] =	dma.local [spmem:s13], $0x2800  }
0x18: {  	_ =	swait.ge [sflag:s14], $0x2800  }
0x19: {  	[sflag:s14] =	ssyncset.done $0x0  }
0x1a: {  	[sflag:s14] =	ssyncadd.s32 $0xFFFFD800  }
.LBB2_1:
0x1b: {  	[spmem:s13], [sflag:s5] =	dma.local [hbm:s4], $0x2800  }
0x1c: {  	_ =	swait.ge [sflag:s14], $0x2800  }
0x1d: {  	[sflag:s14] =	ssyncset.done $0x0  }
0x1e: {  	[sflag:s14] =	ssyncadd.s32 $0xFFFFD800  }
0x1f: {  	[tilespmem:s3], [sflag:$0x5] =	stream.linear.gather [hbm4b:s6+s3], $0x1900, $0x38;
	[tilespmem:$0x1C400] =	vst v63  }
0x20: {  	_ =	swait.ge [sflag:s14], $0x1900  }
0x21: {  	[sflag:s14] =	ssyncset.done $0x0  }
0x22: {  	[sflag:s14] =	ssyncadd.s32 $0xFFFFE700  }
0x23: {  	[bflag:$0x0] =	sbarrier.arrive $0xFFFF  }
0x24: {  	[tilespmem:s15], [sflag:$0x1] =	stream.linear.gather [hbm4b:s7+s3], $0x3200, $0x38;
	[tilespmem:$0x1C400] =	vst v63  }
0x25: {  	_ =	swait.ge [sflag:s16], $0x3200  }
0x26: {  	[sflag:s16] =	ssyncset.done $0x0  }
0x27: {  	[sflag:s16] =	ssyncadd.s32 $0xFFFFCE00  }
0x28: {  	[spmem:s2] =	stream.indirect.scatter.add.f32 [tilespmem:s15], [sflag:$0x3], $0x80, s3, s17, $0xb8;
	[tilespmem:$0x1C400] =	vst v63  }
0x29: {  	_ = 	snop  }
0x2a: {  	[tilespmem:s18], [sflag:$0x2] =	stream.linear.gather [hbm4b:s10+s3], $0x3200, $0x38;
	[tilespmem:$0x1C400] =	vst v63  }
0x2b: {  	_ =	swait.ge [sflag:s19], $0x3200  }
0x2c: {  	[sflag:s19] =	ssyncset.done $0x0  }
0x2d: {  	[sflag:s19] =	ssyncadd.s32 $0xFFFFCE00  }
0x2e: {  	[spmem:s2] =	stream.indirect.scatter.add.f32 [tilespmem:s18], [sflag:$0x4], $0x80, s20, s17, $0xb8;
	[tilespmem:$0x1C400] =	vst v63  }
0x2f: {  	_ =	swait.ge [sflag:s21], $0x3200  }
0x30: {  	[sflag:s21] =	ssyncset.done $0x0  }
0x31: {  	s24 =	smov.u32 s12;
	s25 =	simm.s32 $0x0;
	[sflag:s21] =	ssyncadd.s32 $0xFFFFCE00  }
0x32: {  	[tilespmem:s15], [sflag:$0x1] =	stream.linear.gather [hbm4b:s11+s3], $0x3200, $0x38;
	[tilespmem:$0x1C400] =	vst v63  }
.LBB2_2:
0x33: {  	_ =	swait.ge [sflag:s16], $0x3200  }
0x34: {  	s26 =	sshra.s32 s25, $0x2;
	[sflag:s16] =	ssyncset.done $0x0  }
0x35: {  	s28 =	sadd.s32 $0x100, s26;
	[sflag:s16] =	ssyncadd.s32 $0xFFFFCE00  }
0x36: {  	[spmem:s2] =	stream.indirect.scatter.add.f32 [tilespmem:s15], [sflag:$0x3], $0x80, s28, s17, $0xb8;
	[tilespmem:$0x1C400] =	vst v63  }
0x37: {  	_ =	swait.ge [sflag:s22], $0x3200  }
0x38: {  	[sflag:s22] =	ssyncset.done $0x0  }
0x39: {  	s31 =	sadd.s32 $0xFFFFF980, s24;
	[sflag:s22] =	ssyncadd.s32 $0xFFFFCE00  }
0x3a: {  	[tilespmem:s18], [sflag:$0x2] =	stream.linear.gather [hbm4b:s31+s3], $0x3200, $0x38;
	[tilespmem:$0x1C400] =	vst v63  }
0x3b: {  	_ =	swait.ge [sflag:s19], $0x3200  }
0x3c: {  	p0 =	seq.s32 s25, $0x5C00;
	[sflag:s19] =	ssyncset.done $0x0  }
.Ltmp2:
0x3d: {  	s26 =	sadd.s32 $0x180, s26;
	[sflag:s19] =	ssyncadd.s32 $0xFFFFCE00;
	(pc) =	sbr.rel @p0 .LBB2_4-.Ltmp2, $4  }
0x3e: {  	[spmem:s2] =	stream.indirect.scatter.add.f32 [tilespmem:s18], [sflag:$0x4], $0x80, s26, s17, $0xb8;
	[tilespmem:$0x1C400] =	vst v63  }
0x3f: {  	_ =	swait.ge [sflag:s21], $0x3200  }
0x40: {  	[sflag:s21] =	ssyncset.done $0x0  }
0x41: {  	[sflag:s21] =	ssyncadd.s32 $0xFFFFCE00  }
.Ltmp3:
0x42: {  	(pc) =	sbr.rel .LBB2_2-.Ltmp3, $3  }
0x43: {  	_ =	sdelay $0x1  }
0x44: {  	[tilespmem:s15], [sflag:$0x1] =	stream.linear.gather [hbm4b:s24+s3], $0x3200, $0x38;
	[tilespmem:$0x1C400] =	vst v63  }
0x45: {  	s25 =	sadd.s32 $0x400, s25;
	s24 =	sadd.s32 $0xD00, s24  }
.LBB2_5:
0x46: {  	_ =	sfence.sel $0x180000  }
0x47: {  	[bflag:$0x0] =	sbarrier.arrive $0xFFFF  }
0x48: {  	p0 =	sne.s32 s0, $0x0;
	_ =	strace $0x9000004D  }
0x49: {  	s0 =	sadd.s32 @!p0 $0x100000, s1;
	[bflag:$0x2] =	sbarrier.arrive $0xFFFF  }
0x4a: {  	[sflag:s0] =	ssyncadd.tile.s32 @!p0 $0x1;
	_ =	shalt  }
.Lfunc_end2:
_tile_overlayer_lowered:
.L_overlay_start_2:
0x4b: {  	(tag) =	ssettag $0x2  }
0x4c: {  	s0 =	rddreg [dreg:$0x0];
	s2 =	stileid.u32  }
0x4d: {  	s1 =	rddreg [dreg:$0x1];
	p0 =	sne.s32 s2, $0x0  }
0x4e: {  	s3 =	rddreg [dreg:$0x2];
	[bflag:$0x3] =	sbarrier.arrive $0xFFFF;
	s2 =	simm.s32 @!p0 $0x1C05  }
0x4f: {  	[timem:s3], [sflag:s2] =	dma.local @!p0 [hbm:s0], s1  }
0x50: {  	s0 =	simm.s32 @!p0 $0x5  }
0x51: {  	_ =	swait.ge @!p0 [sflag:s0], s1  }
0x52: {  	s1 =	ssub.s32 @!p0 $0x0, s1;
	[sflag:s0] =	ssyncset.done @!p0 $0x0  }
0x53: {  	[sflag:s0] =	ssyncadd.s32 @!p0 s1  }
0x54: {  	[bflag:$0x3] =	sbarrier.arrive $0xFFFF  }
0x55: {  	_ =	shalt  }

// kernel: kernel.32.cloned.1.call-start
scs
__scs_entry_jumppad:
0x0: {  	(pc) =	sbr.rel $0x88, $3  }
0x1: {  	(tag) =	ssettag $0x0;
	lr =	simm.s32 $0x1  }
0x2: {  	[smem:$0x3F91] =	sst lr;
	_ =	strace $0xD0000000  }
0x3: {  	_ = 	snop  }
0x4: {  	_ = 	snop  }
0x5: {  	_ = 	snop  }
0x6: {  	_ = 	snop  }
0x7: {  	_ = 	snop  }
__scs_overlays_trampoline_lowered:
0x8: {  	[smem:$0x3FA0] =	sst s0  }
0x9: {  	[smem:$0x3FA1] =	sst s1  }
0xa: {  	[smem:$0x3FA2] =	sst s2  }
0xb: {  	[smem:$0x3FA3] =	sst s3  }
0xc: {  	[smem:$0x3FA4] =	sst s4  }
0xd: {  	[smem:$0x3FA5] =	sst s5  }
0xe: {  	[smem:$0x3FA6] =	sst s6  }
0xf: {  	[smem:$0x3FA7] =	sst s7  }
0x10: {  	[smem:$0x3FA8] =	sst s8  }
0x11: {  	[smem:$0x3FA9] =	sst s9;
	s0 =	simm.s32 @!p0 $0x0  }
0x12: {  	s1 =	sld [smem:$0x3F8F];
	s0 =	simm.s32 @p0 $0x1  }
0x13: {  	[smem:$0x3FAA] =	sst s0;
	s0 =	simm.s32 @!p1 $0x0  }
0x14: {  	s2 =	sld [smem:$0x3F8E];
	s0 =	simm.s32 @p1 $0x1  }
0x15: {  	[smem:$0x3FAB] =	sst s0;
	s0 =	simm.s32 @!p2 $0x0  }
0x16: {  	s3 =	sld [smem:$0x3FDB];
	s0 =	simm.s32 @p2 $0x1  }
0x17: {  	s4 =	simm.s32 $0x1BF5;
	[smem:$0x3FAD] =	sst s0  }
0x18: {  	s0 =	sld [smem:$0x3F90];
	_ =	swait.ge [sflag:s4], $0x0  }
0x19: {  	s7 =	sld [smem:$0x3F91]  }
0x1a: {  	s8 =	sadd.s32 $0xFFFFE003, lr  }
0x1b: {  	s9 =	sadd.s32 $0xFFFFFEF7, lr;
	s5 =	simm.s32 $0xFFFFFFFF;
	p2 =	slt.u32 s8, $0xFFFFF086  }
0x1c: {  	p1 =	slt.u32 s9, $0xF7A;
	s5 =	simm.s32 @!p2 $0x0  }
0x1d: {  	s5 =	simm.s32 @p1 $0x1;
	p0 =	seq.s32 s7, s2  }
0x1e: {  	s7 =	smul.u32 @!p0 $0xF7A, s2;
	p2 =	seq.s32 @!p0 s5, $0x0  }
0x1f: {  	s9 =	smul.u32 $0xF7A, s1;
	s8 =	simm.s32 @!p0 $0x1BF5;
	p2 =	por !p2, p0  }
0x20: {  	[sflag:s8] =	ssyncset.s32 @!p0 $0xFFFFF086;
	s6 =	sadd.s32 @!p0 s3, s7;
	s7 =	simm.s32 @!p0 $0x108  }
0x21: {  	s3 =	sadd.s32 s3, s9;
	s6 =	sadd.s32 @!p0 $0x88, s6;
	s7 =	simm.s32 @p2 $0x1082  }
0x22: {  	[simem:s7], [sflag:s8] =	dma.local @!p0 [hbm:s6], $0xF7A  }
0x23: {  	s9 =	sor.u32 $0xD0000000, s2;
	s6 =	simm.s32 $0x108;
	_ =	swait.ge @!p0 [sflag:s8], $0x0  }
0x24: {  	s3 =	sadd.s32 $0x88, s3;
	s6 =	simm.s32 @!p1 $0x1082;
	[sflag:s4] =	ssyncset.s32 $0xFFFFF086  }
0x25: {  	[simem:s6], [sflag:s4] =	dma.local [hbm:s3], $0xF7A  }
0x26: {  	[smem:$0x3F91] =	sst s1;
	(tag) =	ssettag s2;
	_ =	strace s9  }
0x27: {  	s1 =	sld [smem:$0x3FA1]  }
0x28: {  	s2 =	sld [smem:$0x3FA2]  }
0x29: {  	s4 =	sld [smem:$0x3FA4]  }
0x2a: {  	p0 =	seq.s32 s5, $0x0;
	s5 =	sld [smem:$0x3FA5]  }
0x2b: {  	s6 =	sld [smem:$0x3FA6]  }
0x2c: {  	s7 =	sld [smem:$0x3FA7]  }
0x2d: {  	s3 =	simm.s32 $0x108;
	s8 =	sld [smem:$0x3FA8]  }
0x2e: {  	s3 =	simm.s32 @!p0 $0x1082;
	s9 =	sld [smem:$0x3FA9]  }
0x2f: {  	lr =	sadd.s32 s0, s3;
	s0 =	sld [smem:$0x3FA0]  }
0x30: {  	s3 =	sld [smem:$0x3FA3]  }
0x31: {  	[smem:$0x3FAC] =	sst s10  }
0x32: {  	s10 =	sld [smem:$0x3FAA];
	_ =	sdelay $0x3  }
0x33: {  	p0 =	seq.s32 s10, $0x1;
	s10 =	sld [smem:$0x3FAC];
	_ =	sdelay $0x3  }
0x34: {  	[smem:$0x3FAC] =	sst s10  }
0x35: {  	s10 =	sld [smem:$0x3FAB];
	_ =	sdelay $0x3  }
0x36: {  	p1 =	seq.s32 s10, $0x1;
	s10 =	sld [smem:$0x3FAC];
	_ =	sdelay $0x3  }
0x37: {  	[smem:$0x3FAC] =	sst s10  }
0x38: {  	s10 =	sld [smem:$0x3FAD]  }
0x39: {  	_ = 	snop;
	(pc) =	sbr.ind lr, $3  }
0x3a: {  	_ = 	snop  }
0x3b: {  	_ = 	snop  }
0x3c: {  	p2 =	seq.s32 s10, $0x1;
	s10 =	sld [smem:$0x3FAC]  }
0x3d: {  	_ =	shalt  }
0x3e: {  	_ =	shalt  }
0x3f: {  	_ =	shalt  }
0x40: {  	_ =	shalt  }
0x41: {  	_ =	shalt  }
0x42: {  	_ =	shalt  }
0x43: {  	_ =	shalt  }
0x44: {  	_ =	shalt  }
0x45: {  	_ =	shalt  }
0x46: {  	_ =	shalt  }
0x47: {  	_ =	shalt  }
0x48: {  	_ =	shalt  }
0x49: {  	_ =	shalt  }
0x4a: {  	_ =	shalt  }
0x4b: {  	_ =	shalt  }
0x4c: {  	_ =	shalt  }
0x4d: {  	_ =	shalt  }
0x4e: {  	_ =	shalt  }
0x4f: {  	_ =	shalt  }
0x50: {  	_ =	shalt  }
0x51: {  	_ =	shalt  }
0x52: {  	_ =	shalt  }
0x53: {  	_ =	shalt  }
0x54: {  	_ =	shalt  }
0x55: {  	_ =	shalt  }
0x56: {  	_ =	shalt  }
0x57: {  	_ =	shalt  }
0x58: {  	_ =	shalt  }
0x59: {  	_ =	shalt  }
0x5a: {  	_ =	shalt  }
0x5b: {  	_ =	shalt  }
0x5c: {  	_ =	shalt  }
0x5d: {  	_ =	shalt  }
0x5e: {  	_ =	shalt  }
0x5f: {  	_ =	shalt  }
0x60: {  	_ =	shalt  }
0x61: {  	_ =	shalt  }
0x62: {  	_ =	shalt  }
0x63: {  	_ =	shalt  }
0x64: {  	_ =	shalt  }
0x65: {  	_ =	shalt  }
0x66: {  	_ =	shalt  }
0x67: {  	_ =	shalt  }
0x68: {  	_ =	shalt  }
0x69: {  	_ =	shalt  }
0x6a: {  	_ =	shalt  }
0x6b: {  	_ =	shalt  }
0x6c: {  	_ =	shalt  }
0x6d: {  	_ =	shalt  }
0x6e: {  	_ =	shalt  }
0x6f: {  	_ =	shalt  }
0x70: {  	_ =	shalt  }
0x71: {  	_ =	shalt  }
0x72: {  	_ =	shalt  }
0x73: {  	_ =	shalt  }
0x74: {  	_ =	shalt  }
0x75: {  	_ =	shalt  }
0x76: {  	_ =	shalt  }
0x77: {  	_ =	shalt  }
0x78: {  	_ =	shalt  }
0x79: {  	_ =	shalt  }
0x7a: {  	_ =	shalt  }
0x7b: {  	_ =	shalt  }
0x7c: {  	_ =	shalt  }
0x7d: {  	_ =	shalt  }
0x7e: {  	_ =	shalt  }
0x7f: {  	_ =	shalt  }
0x80: {  	_ =	shalt  }
0x81: {  	_ =	shalt  }
0x82: {  	_ =	shalt  }
0x83: {  	_ =	shalt  }
0x84: {  	_ =	shalt  }
0x85: {  	_ =	shalt  }
0x86: {  	_ =	shalt  }
0x87: {  	_ =	shalt  }
.Lfunc_end0:
.L_simem_size_0:
called_computation.3_lowered:
.L_overlay_start_0:
0x88: {  	s2 =	sld [smem:$0x3FD9]  }
0x89: {  	s3 =	sld [smem:$0x3FFE];
	_ =	sdelay $0x1  }
0x8a: {  	s1 =	srdreg.scid  }
0x8b: {  	s0 =	sand.u32 $0x1, s1  }
0x8c: {  	s16 =	sshll.u32 s0, $0xA;
	s2 =	sadd.s32 s3, s2  }
0x8d: {  	s2 =	sadd.s32 s2, s16  }
0x8e: {  	[smem:$0x3FB8] =	sst s2  }
0x8f: {  	_ = 	snop  }
0x90: {  	(tm) =	ssettm $0x1  }
0x91: {  	s17 =	sld [smem:$0x3FFB];
	_ =	sdelay $0x3  }
0x92: {  	_ =	strace s17  }
0x93: {  	s2 =	sld [smem:$0x3FFC];
	_ =	sdelay $0x3  }
0x94: {  	_ =	strace s2  }
0x95: {  	s2 =	sld [smem:$0x3FFD];
	_ =	sdelay $0x3  }
0x96: {  	_ =	strace s2  }
0x97: {  	_ =	strace $0x8FFFFFFF  }
0x98: {  	s18 =	sld [smem:$0x3FDB];
	_ =	sdelay $0x1  }
0x99: {  	s19 =	simm.s32 $_scs_section_size  }
0x9a: {  	s4 =	simm.s32 $_size__tile_overlayer_lowered;
	s5 =	simm.s32 $_tile_overlayer_lowered  }
0x9b: {  	s22 =	simm.s32 $0x1BFF;
	s21 =	sshll.u32 s5, $0x1;
	s2 =	sadd.s32 s19, s18  }
0x9c: {  	s6 =	simm.s32 $0x0;
	s20 =	sshll.u32 s4, $0x1;
	s4 =	sadd.s32 s21, s2  }
0x9d: {  	[timem:s6], [sflag:s22] =	dma.local [hbm:s4], s20  }
0x9e: {  	_ =	swait.ge [sflag:s22], s20  }
0x9f: {  	s3 =	ssub.s32 $0x0, s20;
	[sflag:s22] =	ssyncset.done $0x0  }
0xa0: {  	[sflag:s22] =	ssyncadd.s32 s3;
	_ =	sdelay $0x1  }
0xa1: {  	s23 =	simm.s32 $0x1B8B  }
0xa2: {  	_ =	swait.ge [sflag:s23], $0x1  }
0xa3: {  	[sflag:s23] =	ssyncset.done $0x0  }
0xa4: {  	s25 =	simm.s32 $0x1B8E;
	s24 =	sld [smem:$0x3FFE];
	[sflag:s23] =	ssyncadd.s32 $0xFFFFFFFF  }
0xa5: {  	s26 =	simm.s32 $execute0_lowered;
	[smem:$0x3FD2] =	sst s25  }
0xa6: {  	s4 =	sshll.u32 s26, $0x1;
	_ =	strace $0x8000004F;
	[dreg:$0x1] =	wrdreg $0xFFFFFFFF  }
0xa7: {  	s28 =	simm.s32 $_size_execute0_lowered;
	s2 =	sadd.s32 s2, s4;
	[dreg:$0x0] =	wrdreg $0x0  }
0xa8: {  	s4 =	sshll.u32 s28, $0x1;
	[dreg:$0x2] =	wrdreg s2  }
0xa9: {  	[dreg:$0x3] =	wrdreg s4  }
0xaa: {  	[dreg:$0x4] =	wrdreg $0xC0  }
0xab: {  	_ =	task [dreg:s6], $0x5FFFF  }
0xac: {  	[dreg:$0x1] =	wrdreg $0xFFFFFFFF  }
0xad: {  	[dreg:$0x0] =	wrdreg $0x60  }
0xae: {  	[dreg:$0x2] =	wrdreg s24  }
0xaf: {  	[dreg:$0x3] =	wrdreg $0x9  }
0xb0: {  	_ =	task.clear_ibuf [dreg:s6], $0x4FFFF;
	_ =	strace $0x9000004F  }
0xb1: {  	s29 =	simm.s32 $0x9;
	_ =	strace $0x80000051  }
0xb2: {  	_ =	swait.ge [sflag:s29], $0x1  }
0xb3: {  	[sflag:s29] =	ssyncadd.s32 $0xFFFFFFFF  }
0xb4: {  	_ =	strace $0x90000051  }
0xb5: {  	_ =	sfence  }
0xb6: {  	s30 =	sld [smem:$0x0];
	_ =	sdelay $0x2  }
0xb7: {  	s31 =	sshll.u32 s1, $0xD;
	s1 =	sshrl.u32 s1, $0x2  }
0xb8: {  	s3 =	sand.u32 $0x4000, s31;
	s1 =	sadd.s32 s1, s30  }
0xb9: {  	s0 =	sor.u32 s3, s0;
	s1 =	sshll.u32 s1, $0x11  }
0xba: {  	s0 =	sor.u32 s1, s0  }
0xbb: {  	s0 =	sadd.s32 $0x8F2B, s0  }
0xbc: {  	[sflag:s0] =	ssyncadd.remote.s32 $0x1  }
0xbd: {  	_ =	sfence.sel $0xFFFF  }
0xbe: {  	[dreg:$0x0] =	wrdreg $0xFFFFFFFF;
	(pc) =	sbr.abs _section_cstart, $3  }
0xbf: {  	[dreg:$0x1] =	wrdreg $0xFFFFFFFF  }
0xc0: {  	_ =	task.clear_ibuf [dreg:s6], $0x2FFFF;
	_ =	strace $0x9FFFFFFF  }
0xc1: {  	(tm) =	ssettm $0x7FFFFFFF  }
tec
execute0_lowered:
.L_overlay_start_1:
0x0: {  	(tag) =	ssettag $0x1  }
0x1: {  	s0 =	srdreg.scid;
	s5 =	rddreg [dreg:$0x0]  }
0x2: {  	s1 =	stileid.u32;
	s2 =	simm.s32 $0x0;
	s12 =	simm.s32 $0x1900  }
0x3: {  	s13 =	simm.s32 $0x80;
	s14 =	simm.s32 $0x4B00;
	s15 =	simm.s32 $0x1  }
0x4: {  	s16 =	simm.s32 $0x100;
	s17 =	simm.s32 $0x7D00;
	s18 =	simm.s32 $0x180  }
0x5: {  	s19 =	simm.s32 $0xAF00;
	s20 =	simm.s32 $0x2;
	s21 =	simm.s32 $0x3  }
0x6: {  	s22 =	simm.s32 $0x200;
	s23 =	simm.s32 $0x280;
	s24 =	simm.s32 $0x4  }
0x7: {  	s25 =	simm.s32 $0x0;
	s4 =	sand.u32 $0x1, s0;
	s0 =	rddreg [dreg:$0x1]  }
0x8: {  	[smem:$0x7FF] =	sst s2;
	s30 =	smul.u32 $0x13880, s1;
	s3 =	sshll.u32 s4, $0x4  }
0x9: {  	s9 =	sadd.s32 $0x52DC00, s5;
	s11 =	smul.u32 $0x138800, s4;
	s6 =	sor.u32 s1, s3  }
0xa: {  	_ =	strace $0x80000050;
	s26 =	ssub.s32 $0x2, s4;
	s7 =	smul.u32 $0x320, s6  }
0xb: {  	s3 =	sadd.s32 $0x2DDC00, s5;
	s28 =	sshrl.u32 s26, $0x1;
	s8 =	smul.u32 $0x9C400, s6  }
0xc: {  	s10 =	smul.u32 $0x13880, s6;
	s6 =	ssub.s32 s26, s28;
	s11 =	sadd.s32 s11, s9  }
0xd: {  	s6 =	smax.u32 s6, $0x1;
	s31 =	sadd.s32 s30, s11;
	s8 =	sshrl.u32 s8, $0x3  }
0xe: {  	s11 =	simm.s32 $0x64;
	s7 =	sadd.s32 s7, s5;
	s29 =	sadd.s32 s9, s8  }
0xf: {  	s4 =	sadd.s32 $0x2AF800, s7;
	s7 =	sadd.s32 s9, s10;
	s9 =	sadd.s32 $0x1900, s31  }
0x10: {  	s10 =	simm.s32 $0x5;
	s5 =	sadd.s32 $0x12C00, s29;
	s8 =	sadd.s32 $0xC80, s7  }
.LBB2_1:
0x11: {  	[tilespmem:s2], [sflag:$0x5] =	stream.linear.gather [hbm4b:s4+s2], $0x1900, $0x38;
	[tilespmem:$0xE100] =	vst v63  }
0x12: {  	_ =	swait.ge [sflag:s10], $0x1900  }
0x13: {  	[sflag:s10] =	ssyncset.done $0x0  }
0x14: {  	[sflag:s10] =	ssyncadd.s32 $0xFFFFE700  }
0x15: {  	[tilespmem:s12], [sflag:$0x1] =	stream.indirect.gather [hbm4b:s3+s11], $0x80, s2, s11, $0xb8;
	[tilespmem:$0xE100] =	vst v63  }
0x16: {  	_ = 	snop  }
0x17: {  	[tilespmem:s14], [sflag:$0x1] =	stream.indirect.gather [hbm4b:s3+s11], $0x80, s13, s11, $0xb8;
	[tilespmem:$0xE100] =	vst v63  }
0x18: {  	_ =	swait.ge [sflag:s15], $0x3200  }
0x19: {  	[sflag:s15] =	ssyncset.done $0x0  }
0x1a: {  	[sflag:s15] =	ssyncadd.s32 $0xFFFFCE00  }
0x1b: {  	_ =	swait.ge [sflag:s15], $0x3200  }
0x1c: {  	[sflag:s15] =	ssyncset.done $0x0  }
0x1d: {  	[sflag:s15] =	ssyncadd.s32 $0xFFFFCE00  }
0x1e: {  	[tilespmem:s17], [sflag:$0x2] =	stream.indirect.gather [hbm4b:s3+s11], $0x80, s16, s11, $0xb8;
	[tilespmem:$0xE100] =	vst v63  }
0x1f: {  	_ = 	snop  }
0x20: {  	[tilespmem:s19], [sflag:$0x2] =	stream.indirect.gather [hbm4b:s3+s11], $0x80, s18, s11, $0xb8;
	[tilespmem:$0xE100] =	vst v63  }
0x21: {  	_ = 	snop  }
0x22: {  	[hbm4b:s7+s2] =	stream.linear.scatter [tilespmem:s12], [sflag:$0x3], $0x6400, $0x38;
	[tilespmem:$0xE100] =	vst v63  }
0x23: {  	_ =	swait.ge [sflag:s20], $0x3200  }
0x24: {  	[sflag:s20] =	ssyncset.done $0x0  }
0x25: {  	[sflag:s20] =	ssyncadd.s32 $0xFFFFCE00  }
0x26: {  	_ =	swait.ge [sflag:s20], $0x3200  }
0x27: {  	[sflag:s20] =	ssyncset.done $0x0  }
0x28: {  	[sflag:s20] =	ssyncadd.s32 $0xFFFFCE00  }
0x29: {  	_ =	swait.ge [sflag:s21], $0x6400  }
0x2a: {  	[sflag:s21] =	ssyncset.done $0x0  }
0x2b: {  	[sflag:s21] =	ssyncadd.s32 $0xFFFF9C00  }
0x2c: {  	[tilespmem:s12], [sflag:$0x1] =	stream.indirect.gather [hbm4b:s3+s11], $0x80, s22, s11, $0xb8;
	[tilespmem:$0xE100] =	vst v63  }
0x2d: {  	_ = 	snop  }
0x2e: {  	[tilespmem:s14], [sflag:$0x1] =	stream.indirect.gather [hbm4b:s3+s11], $0x80, s23, s11, $0xb8;
	[tilespmem:$0xE100] =	vst v63  }
0x2f: {  	_ = 	snop  }
0x30: {  	[hbm4b:s8+s2] =	stream.linear.scatter [tilespmem:s17], [sflag:$0x4], $0x6400, $0x38;
	[tilespmem:$0xE100] =	vst v63  }
0x31: {  	_ =	swait.ge [sflag:s15], $0x3200  }
0x32: {  	[sflag:s15] =	ssyncset.done $0x0  }
0x33: {  	[sflag:s15] =	ssyncadd.s32 $0xFFFFCE00  }
0x34: {  	_ =	swait.ge [sflag:s15], $0x3200  }
0x35: {  	[sflag:s15] =	ssyncset.done $0x0  }
0x36: {  	[sflag:s15] =	ssyncadd.s32 $0xFFFFCE00  }
0x37: {  	_ =	swait.ge [sflag:s24], $0x6400  }
0x38: {  	[sflag:s24] =	ssyncset.done $0x0  }
0x39: {  	s26 =	simm.s32 $0x300;
	[sflag:s24] =	ssyncadd.s32 $0xFFFF9C00  }
0x3a: {  	[tilespmem:s17], [sflag:$0x2] =	stream.indirect.gather [hbm4b:s3+s11], $0x80, s26, s11, $0xb8;
	[tilespmem:$0xE100] =	vst v63  }
0x3b: {  	s31 =	simm.s32 $0x380  }
0x3c: {  	[tilespmem:s19], [sflag:$0x2] =	stream.indirect.gather [hbm4b:s3+s11], $0x80, s31, s11, $0xb8;
	[tilespmem:$0xE100] =	vst v63  }
0x3d: {  	_ = 	snop  }
0x3e: {  	[hbm4b:s9+s2] =	stream.linear.scatter [tilespmem:s12], [sflag:$0x3], $0x6400, $0x38;
	[tilespmem:$0xE100] =	vst v63  }
0x3f: {  	_ =	swait.ge [sflag:s20], $0x3200  }
0x40: {  	[sflag:s20] =	ssyncset.done $0x0  }
0x41: {  	[sflag:s20] =	ssyncadd.s32 $0xFFFFCE00  }
0x42: {  	_ =	swait.ge [sflag:s20], $0x3200  }
0x43: {  	[sflag:s20] =	ssyncset.done $0x0  }
0x44: {  	[sflag:s20] =	ssyncadd.s32 $0xFFFFCE00  }
0x45: {  	_ =	swait.ge [sflag:s21], $0x6400  }
0x46: {  	[sflag:s21] =	ssyncset.done $0x0  }
0x47: {  	s30 =	simm.s32 $0x400;
	s29 =	sadd.s32 $0xC80, s9;
	[sflag:s21] =	ssyncadd.s32 $0xFFFF9C00  }
0x48: {  	[tilespmem:s12], [sflag:$0x1] =	stream.indirect.gather [hbm4b:s3+s11], $0x80, s30, s11, $0xb8;
	[tilespmem:$0xE100] =	vst v63  }
0x49: {  	s28 =	sadd.s32 $0x1900, s9;
	s26 =	simm.s32 $0x800;
	s31 =	simm.s32 $0x480  }
0x4a: {  	[tilespmem:s14], [sflag:$0x1] =	stream.indirect.gather [hbm4b:s3+s11], $0x80, s31, s11, $0xb8;
	[tilespmem:$0xE100] =	vst v63  }
.LBB2_2:
0x4b: {  	[hbm4b:s29+s2] =	stream.linear.scatter [tilespmem:s17], [sflag:$0x4], $0x6400, $0x38;
	[tilespmem:$0xE100] =	vst v63  }
0x4c: {  	s29 =	smov.u32 s26  }
0x4d: {  	p0 =	sne.s32 s26, $0x5000;
	s26 =	sadd.s32 $0x800, s26;
	_ =	swait.ge [sflag:s15], $0x3200  }
0x4e: {  	[sflag:s15] =	ssyncset.done $0x0  }
0x4f: {  	[sflag:s15] =	ssyncadd.s32 $0xFFFFCE00  }
0x50: {  	_ =	swait.ge [sflag:s15], $0x3200  }
0x51: {  	[sflag:s15] =	ssyncset.done $0x0  }
0x52: {  	[sflag:s15] =	ssyncadd.s32 $0xFFFFCE00  }
0x53: {  	_ =	swait.ge [sflag:s24], $0x6400  }
0x54: {  	s29 =	sshra.s32 s29, $0x2;
	[sflag:s24] =	ssyncset.done $0x0  }
0x55: {  	s30 =	sadd.s32 $0x300, s29;
	[sflag:s24] =	ssyncadd.s32 $0xFFFF9C00  }
0x56: {  	[tilespmem:s17], [sflag:$0x2] =	stream.indirect.gather [hbm4b:s3+s11], $0x80, s30, s11, $0xb8;
	[tilespmem:$0xE100] =	vst v63  }
0x57: {  	s30 =	sadd.s32 $0x380, s29  }
0x58: {  	[tilespmem:s19], [sflag:$0x2] =	stream.indirect.gather [hbm4b:s3+s11], $0x80, s30, s11, $0xb8;
	[tilespmem:$0xE100] =	vst v63  }
0x59: {  	_ = 	snop  }
0x5a: {  	[hbm4b:s28+s2] =	stream.linear.scatter [tilespmem:s12], [sflag:$0x3], $0x6400, $0x38;
	[tilespmem:$0xE100] =	vst v63  }
0x5b: {  	_ =	swait.ge [sflag:s20], $0x3200  }
0x5c: {  	[sflag:s20] =	ssyncset.done $0x0  }
0x5d: {  	[sflag:s20] =	ssyncadd.s32 $0xFFFFCE00  }
0x5e: {  	_ =	swait.ge [sflag:s20], $0x3200  }
0x5f: {  	[sflag:s20] =	ssyncset.done $0x0  }
0x60: {  	[sflag:s20] =	ssyncadd.s32 $0xFFFFCE00  }
0x61: {  	_ =	swait.ge [sflag:s21], $0x6400  }
0x62: {  	[sflag:s21] =	ssyncset.done $0x0  }
.Ltmp0:
0x63: {  	s30 =	sadd.s32 $0x400, s29;
	[sflag:s21] =	ssyncadd.s32 $0xFFFF9C00;
	(pc) =	sbr.rel @p0 .LBB2_2-.Ltmp0, $4  }
0x64: {  	[tilespmem:s12], [sflag:$0x1] =	stream.indirect.gather [hbm4b:s3+s11], $0x80, s30, s11, $0xb8;
	[tilespmem:$0xE100] =	vst v63  }
0x65: {  	s29 =	sadd.s32 $0x480, s29  }
0x66: {  	[tilespmem:s14], [sflag:$0x1] =	stream.indirect.gather [hbm4b:s3+s11], $0x80, s29, s11, $0xb8;
	[tilespmem:$0xE100] =	vst v63  }
0x67: {  	s29 =	sadd.s32 $0xC80, s28;
	s28 =	sadd.s32 $0x1900, s28  }
0x68: {  	[hbm4b:s29+s2] =	stream.linear.scatter [tilespmem:s17], [sflag:$0x4], $0x6400, $0x38;
	[tilespmem:$0xE100] =	vst v63  }
0x69: {  	_ =	swait.ge [sflag:s15], $0x3200  }
0x6a: {  	[sflag:s15] =	ssyncset.done $0x0  }
0x6b: {  	[sflag:s15] =	ssyncadd.s32 $0xFFFFCE00  }
0x6c: {  	_ =	swait.ge [sflag:s15], $0x3200  }
0x6d: {  	[sflag:s15] =	ssyncset.done $0x0  }
0x6e: {  	s25 =	sadd.s32 $0x1, s25;
	[sflag:s15] =	ssyncadd.s32 $0xFFFFCE00  }
0x6f: {  	[hbm4b:s5+s2] =	stream.linear.scatter [tilespmem:s12], [sflag:$0x3], $0x6400, $0x38;
	[tilespmem:$0xE100] =	vst v63  }
0x70: {  	p0 =	sne.s32 s25, s6;
	_ =	swait.ge [sflag:s24], $0x6400  }
.Ltmp1:
0x71: {  	[sflag:s24] =	ssyncset.done $0x0;
	(pc) =	sbr.rel @p0 .LBB2_1-.Ltmp1, $4  }
0x72: {  	[sflag:s24] =	ssyncadd.s32 $0xFFFF9C00  }
0x73: {  	_ =	swait.ge [sflag:s21], $0x6400  }
0x74: {  	[sflag:s21] =	ssyncset.done $0x0  }
0x75: {  	[sflag:s21] =	ssyncadd.s32 $0xFFFF9C00  }
0x76: {  	_ =	sfence.sel $0x180000  }
0x77: {  	[bflag:$0x0] =	sbarrier.arrive $0xFFFF  }
0x78: {  	p0 =	sne.s32 s1, $0x0;
	_ =	strace $0x90000050  }
0x79: {  	s0 =	sadd.s32 @!p0 $0x100000, s0;
	[bflag:$0x2] =	sbarrier.arrive $0xFFFF  }
0x7a: {  	[sflag:s0] =	ssyncadd.tile.s32 @!p0 $0x1;
	_ =	shalt  }
.Lfunc_end2:
_tile_overlayer_lowered:
.L_overlay_start_2:
0x7b: {  	(tag) =	ssettag $0x2  }
0x7c: {  	s0 =	rddreg [dreg:$0x0];
	s2 =	stileid.u32  }
0x7d: {  	s1 =	rddreg [dreg:$0x1];
	p0 =	sne.s32 s2, $0x0  }
0x7e: {  	s3 =	rddreg [dreg:$0x2];
	[bflag:$0x3] =	sbarrier.arrive $0xFFFF;
	s2 =	simm.s32 @!p0 $0x1C05  }
0x7f: {  	[timem:s3], [sflag:s2] =	dma.local @!p0 [hbm:s0], s1  }
0x80: {  	s0 =	simm.s32 @!p0 $0x5  }
0x81: {  	_ =	swait.ge @!p0 [sflag:s0], s1  }
0x82: {  	s1 =	ssub.s32 @!p0 $0x0, s1;
	[sflag:s0] =	ssyncset.done @!p0 $0x0  }
0x83: {  	[sflag:s0] =	ssyncadd.s32 @!p0 s1  }
0x84: {  	[bflag:$0x3] =	sbarrier.arrive $0xFFFF  }
0x85: {  	_ =	shalt  }

// kernel: kernel.35.cloned.1.call-start
scs
__scs_entry_jumppad:
0x0: {  	(pc) =	sbr.rel $0x88, $3  }
0x1: {  	(tag) =	ssettag $0x0;
	lr =	simm.s32 $0x1  }
0x2: {  	[smem:$0x3F91] =	sst lr;
	_ =	strace $0xD0000000  }
0x3: {  	_ = 	snop  }
0x4: {  	_ = 	snop  }
0x5: {  	_ = 	snop  }
0x6: {  	_ = 	snop  }
0x7: {  	_ = 	snop  }
__scs_overlays_trampoline_lowered:
0x8: {  	[smem:$0x3FA0] =	sst s0  }
0x9: {  	[smem:$0x3FA1] =	sst s1  }
0xa: {  	[smem:$0x3FA2] =	sst s2  }
0xb: {  	[smem:$0x3FA3] =	sst s3  }
0xc: {  	[smem:$0x3FA4] =	sst s4  }
0xd: {  	[smem:$0x3FA5] =	sst s5  }
0xe: {  	[smem:$0x3FA6] =	sst s6  }
0xf: {  	[smem:$0x3FA7] =	sst s7  }
0x10: {  	[smem:$0x3FA8] =	sst s8  }
0x11: {  	[smem:$0x3FA9] =	sst s9;
	s0 =	simm.s32 @!p0 $0x0  }
0x12: {  	s1 =	sld [smem:$0x3F8F];
	s0 =	simm.s32 @p0 $0x1  }
0x13: {  	[smem:$0x3FAA] =	sst s0;
	s0 =	simm.s32 @!p1 $0x0  }
0x14: {  	s2 =	sld [smem:$0x3F8E];
	s0 =	simm.s32 @p1 $0x1  }
0x15: {  	[smem:$0x3FAB] =	sst s0;
	s0 =	simm.s32 @!p2 $0x0  }
0x16: {  	s3 =	sld [smem:$0x3FDB];
	s0 =	simm.s32 @p2 $0x1  }
0x17: {  	s4 =	simm.s32 $0x1BF5;
	[smem:$0x3FAD] =	sst s0  }
0x18: {  	s0 =	sld [smem:$0x3F90];
	_ =	swait.ge [sflag:s4], $0x0  }
0x19: {  	s7 =	sld [smem:$0x3F91]  }
0x1a: {  	s8 =	sadd.s32 $0xFFFFE003, lr  }
0x1b: {  	s9 =	sadd.s32 $0xFFFFFEF7, lr;
	s5 =	simm.s32 $0xFFFFFFFF;
	p2 =	slt.u32 s8, $0xFFFFF086  }
0x1c: {  	p1 =	slt.u32 s9, $0xF7A;
	s5 =	simm.s32 @!p2 $0x0  }
0x1d: {  	s5 =	simm.s32 @p1 $0x1;
	p0 =	seq.s32 s7, s2  }
0x1e: {  	s7 =	smul.u32 @!p0 $0xF7A, s2;
	p2 =	seq.s32 @!p0 s5, $0x0  }
0x1f: {  	s9 =	smul.u32 $0xF7A, s1;
	s8 =	simm.s32 @!p0 $0x1BF5;
	p2 =	por !p2, p0  }
0x20: {  	[sflag:s8] =	ssyncset.s32 @!p0 $0xFFFFF086;
	s6 =	sadd.s32 @!p0 s3, s7;
	s7 =	simm.s32 @!p0 $0x108  }
0x21: {  	s3 =	sadd.s32 s3, s9;
	s6 =	sadd.s32 @!p0 $0x88, s6;
	s7 =	simm.s32 @p2 $0x1082  }
0x22: {  	[simem:s7], [sflag:s8] =	dma.local @!p0 [hbm:s6], $0xF7A  }
0x23: {  	s9 =	sor.u32 $0xD0000000, s2;
	s6 =	simm.s32 $0x108;
	_ =	swait.ge @!p0 [sflag:s8], $0x0  }
0x24: {  	s3 =	sadd.s32 $0x88, s3;
	s6 =	simm.s32 @!p1 $0x1082;
	[sflag:s4] =	ssyncset.s32 $0xFFFFF086  }
0x25: {  	[simem:s6], [sflag:s4] =	dma.local [hbm:s3], $0xF7A  }
0x26: {  	[smem:$0x3F91] =	sst s1;
	(tag) =	ssettag s2;
	_ =	strace s9  }
0x27: {  	s1 =	sld [smem:$0x3FA1]  }
0x28: {  	s2 =	sld [smem:$0x3FA2]  }
0x29: {  	s4 =	sld [smem:$0x3FA4]  }
0x2a: {  	p0 =	seq.s32 s5, $0x0;
	s5 =	sld [smem:$0x3FA5]  }
0x2b: {  	s6 =	sld [smem:$0x3FA6]  }
0x2c: {  	s7 =	sld [smem:$0x3FA7]  }
0x2d: {  	s3 =	simm.s32 $0x108;
	s8 =	sld [smem:$0x3FA8]  }
0x2e: {  	s3 =	simm.s32 @!p0 $0x1082;
	s9 =	sld [smem:$0x3FA9]  }
0x2f: {  	lr =	sadd.s32 s0, s3;
	s0 =	sld [smem:$0x3FA0]  }
0x30: {  	s3 =	sld [smem:$0x3FA3]  }
0x31: {  	[smem:$0x3FAC] =	sst s10  }
0x32: {  	s10 =	sld [smem:$0x3FAA];
	_ =	sdelay $0x3  }
0x33: {  	p0 =	seq.s32 s10, $0x1;
	s10 =	sld [smem:$0x3FAC];
	_ =	sdelay $0x3  }
0x34: {  	[smem:$0x3FAC] =	sst s10  }
0x35: {  	s10 =	sld [smem:$0x3FAB];
	_ =	sdelay $0x3  }
0x36: {  	p1 =	seq.s32 s10, $0x1;
	s10 =	sld [smem:$0x3FAC];
	_ =	sdelay $0x3  }
0x37: {  	[smem:$0x3FAC] =	sst s10  }
0x38: {  	s10 =	sld [smem:$0x3FAD]  }
0x39: {  	_ = 	snop;
	(pc) =	sbr.ind lr, $3  }
0x3a: {  	_ = 	snop  }
0x3b: {  	_ = 	snop  }
0x3c: {  	p2 =	seq.s32 s10, $0x1;
	s10 =	sld [smem:$0x3FAC]  }
0x3d: {  	_ =	shalt  }
0x3e: {  	_ =	shalt  }
0x3f: {  	_ =	shalt  }
0x40: {  	_ =	shalt  }
0x41: {  	_ =	shalt  }
0x42: {  	_ =	shalt  }
0x43: {  	_ =	shalt  }
0x44: {  	_ =	shalt  }
0x45: {  	_ =	shalt  }
0x46: {  	_ =	shalt  }
0x47: {  	_ =	shalt  }
0x48: {  	_ =	shalt  }
0x49: {  	_ =	shalt  }
0x4a: {  	_ =	shalt  }
0x4b: {  	_ =	shalt  }
0x4c: {  	_ =	shalt  }
0x4d: {  	_ =	shalt  }
0x4e: {  	_ =	shalt  }
0x4f: {  	_ =	shalt  }
0x50: {  	_ =	shalt  }
0x51: {  	_ =	shalt  }
0x52: {  	_ =	shalt  }
0x53: {  	_ =	shalt  }
0x54: {  	_ =	shalt  }
0x55: {  	_ =	shalt  }
0x56: {  	_ =	shalt  }
0x57: {  	_ =	shalt  }
0x58: {  	_ =	shalt  }
0x59: {  	_ =	shalt  }
0x5a: {  	_ =	shalt  }
0x5b: {  	_ =	shalt  }
0x5c: {  	_ =	shalt  }
0x5d: {  	_ =	shalt  }
0x5e: {  	_ =	shalt  }
0x5f: {  	_ =	shalt  }
0x60: {  	_ =	shalt  }
0x61: {  	_ =	shalt  }
0x62: {  	_ =	shalt  }
0x63: {  	_ =	shalt  }
0x64: {  	_ =	shalt  }
0x65: {  	_ =	shalt  }
0x66: {  	_ =	shalt  }
0x67: {  	_ =	shalt  }
0x68: {  	_ =	shalt  }
0x69: {  	_ =	shalt  }
0x6a: {  	_ =	shalt  }
0x6b: {  	_ =	shalt  }
0x6c: {  	_ =	shalt  }
0x6d: {  	_ =	shalt  }
0x6e: {  	_ =	shalt  }
0x6f: {  	_ =	shalt  }
0x70: {  	_ =	shalt  }
0x71: {  	_ =	shalt  }
0x72: {  	_ =	shalt  }
0x73: {  	_ =	shalt  }
0x74: {  	_ =	shalt  }
0x75: {  	_ =	shalt  }
0x76: {  	_ =	shalt  }
0x77: {  	_ =	shalt  }
0x78: {  	_ =	shalt  }
0x79: {  	_ =	shalt  }
0x7a: {  	_ =	shalt  }
0x7b: {  	_ =	shalt  }
0x7c: {  	_ =	shalt  }
0x7d: {  	_ =	shalt  }
0x7e: {  	_ =	shalt  }
0x7f: {  	_ =	shalt  }
0x80: {  	_ =	shalt  }
0x81: {  	_ =	shalt  }
0x82: {  	_ =	shalt  }
0x83: {  	_ =	shalt  }
0x84: {  	_ =	shalt  }
0x85: {  	_ =	shalt  }
0x86: {  	_ =	shalt  }
0x87: {  	_ =	shalt  }
.Lfunc_end0:
.L_simem_size_0:
called_computation.4_lowered:
.L_overlay_start_0:
0x88: {  	s2 =	sld [smem:$0x3FD9]  }
0x89: {  	s3 =	sld [smem:$0x3FFE];
	_ =	sdelay $0x1  }
0x8a: {  	s1 =	srdreg.scid  }
0x8b: {  	s0 =	sand.u32 $0x1, s1  }
0x8c: {  	s16 =	sshll.u32 s0, $0xA;
	s2 =	sadd.s32 s3, s2  }
0x8d: {  	s2 =	sadd.s32 s2, s16  }
0x8e: {  	[smem:$0x3FB8] =	sst s2  }
0x8f: {  	_ = 	snop  }
0x90: {  	(tm) =	ssettm $0x1  }
0x91: {  	s17 =	sld [smem:$0x3FFB];
	_ =	sdelay $0x3  }
0x92: {  	_ =	strace s17  }
0x93: {  	s2 =	sld [smem:$0x3FFC];
	_ =	sdelay $0x3  }
0x94: {  	_ =	strace s2  }
0x95: {  	s2 =	sld [smem:$0x3FFD];
	_ =	sdelay $0x3  }
0x96: {  	_ =	strace s2  }
0x97: {  	_ =	strace $0x8FFFFFFF  }
0x98: {  	s18 =	sld [smem:$0x3FDB];
	_ =	sdelay $0x1  }
0x99: {  	s19 =	simm.s32 $_scs_section_size  }
0x9a: {  	s4 =	simm.s32 $_size__tile_overlayer_lowered;
	s5 =	simm.s32 $_tile_overlayer_lowered  }
0x9b: {  	s22 =	simm.s32 $0x1BFF;
	s21 =	sshll.u32 s5, $0x1;
	s2 =	sadd.s32 s19, s18  }
0x9c: {  	s6 =	simm.s32 $0x0;
	s20 =	sshll.u32 s4, $0x1;
	s4 =	sadd.s32 s21, s2  }
0x9d: {  	[timem:s6], [sflag:s22] =	dma.local [hbm:s4], s20  }
0x9e: {  	_ =	swait.ge [sflag:s22], s20  }
0x9f: {  	s3 =	ssub.s32 $0x0, s20;
	[sflag:s22] =	ssyncset.done $0x0  }
0xa0: {  	[sflag:s22] =	ssyncadd.s32 s3;
	_ =	sdelay $0x1  }
0xa1: {  	s23 =	simm.s32 $0x1B8B  }
0xa2: {  	_ =	swait.ge [sflag:s23], $0x1  }
0xa3: {  	[sflag:s23] =	ssyncset.done $0x0  }
0xa4: {  	s25 =	simm.s32 $0x1B8E;
	s24 =	sld [smem:$0x3FFE];
	[sflag:s23] =	ssyncadd.s32 $0xFFFFFFFF  }
0xa5: {  	s26 =	simm.s32 $execute0_lowered;
	[smem:$0x3FD2] =	sst s25  }
0xa6: {  	s4 =	sshll.u32 s26, $0x1;
	_ =	strace $0x80000052;
	[dreg:$0x1] =	wrdreg $0xFFFFFFFF  }
0xa7: {  	s28 =	simm.s32 $_size_execute0_lowered;
	s2 =	sadd.s32 s2, s4;
	[dreg:$0x0] =	wrdreg $0x0  }
0xa8: {  	s4 =	sshll.u32 s28, $0x1;
	[dreg:$0x2] =	wrdreg s2  }
0xa9: {  	[dreg:$0x3] =	wrdreg s4  }
0xaa: {  	[dreg:$0x4] =	wrdreg $0xC0  }
0xab: {  	_ =	task [dreg:s6], $0x5FFFF  }
0xac: {  	[dreg:$0x1] =	wrdreg $0xFFFFFFFF  }
0xad: {  	[dreg:$0x0] =	wrdreg $0x60  }
0xae: {  	[dreg:$0x2] =	wrdreg s24  }
0xaf: {  	[dreg:$0x3] =	wrdreg $0x84000  }
0xb0: {  	[dreg:$0x4] =	wrdreg $0x9  }
0xb1: {  	_ =	task.clear_ibuf [dreg:s6], $0x5FFFF;
	_ =	strace $0x90000052  }
0xb2: {  	s29 =	simm.s32 $0x9;
	_ =	strace $0x80000054  }
0xb3: {  	_ =	swait.ge [sflag:s29], $0x1  }
0xb4: {  	[sflag:s29] =	ssyncadd.s32 $0xFFFFFFFF  }
0xb5: {  	_ =	strace $0x90000054  }
0xb6: {  	_ =	sfence  }
0xb7: {  	s30 =	sld [smem:$0x0];
	_ =	sdelay $0x2  }
0xb8: {  	s31 =	sshll.u32 s1, $0xD;
	s1 =	sshrl.u32 s1, $0x2  }
0xb9: {  	s3 =	sand.u32 $0x4000, s31;
	s1 =	sadd.s32 s1, s30  }
0xba: {  	s0 =	sor.u32 s3, s0;
	s1 =	sshll.u32 s1, $0x11  }
0xbb: {  	s0 =	sor.u32 s1, s0  }
0xbc: {  	s0 =	sadd.s32 $0x8F2B, s0  }
0xbd: {  	[sflag:s0] =	ssyncadd.remote.s32 $0x1  }
0xbe: {  	_ =	sfence.sel $0xFFFF  }
0xbf: {  	[dreg:$0x0] =	wrdreg $0xFFFFFFFF;
	(pc) =	sbr.abs _section_cstart, $3  }
0xc0: {  	[dreg:$0x1] =	wrdreg $0xFFFFFFFF  }
0xc1: {  	_ =	task.clear_ibuf [dreg:s6], $0x2FFFF;
	_ =	strace $0x9FFFFFFF  }
0xc2: {  	(tm) =	ssettm $0x7FFFFFFF  }
0xc3: {  	_ =	shalt  }
tec
execute0_lowered:
.L_overlay_start_1:
0x0: {  	(tag) =	ssettag $0x1  }
0x1: {  	s0 =	srdreg.scid;
	s4 =	rddreg [dreg:$0x0]  }
0x2: {  	s2 =	rddreg [dreg:$0x1];
	s1 =	stileid.u32  }
0x3: {  	s3 =	simm.s32 $0x0;
	s15 =	simm.s32 $0x1C00;
	s16 =	simm.s32 $0x1  }
0x4: {  	s17 =	simm.s32 $0x64;
	s18 =	simm.s32 $0x5000;
	s19 =	simm.s32 $0x2  }
0x5: {  	s20 =	simm.s32 $0x80;
	s21 =	simm.s32 $0x3;
	s22 =	simm.s32 $0x4  }
0x6: {  	s6 =	sand.u32 $0x1, s0;
	s0 =	rddreg [dreg:$0x2];
	s8 =	smul.u32 $0x2800, s1  }
0x7: {  	s23 =	simm.s32 $0x0;
	[smem:$0x7FF] =	sst s3;
	s12 =	smul.u32 $0x50000, s1  }
0x8: {  	s10 =	sadd.s32 $0xA0FC00, s4;
	s26 =	sshll.u32 s1, $0x6;
	s30 =	smul.u32 $0x14500, s1  }
0x9: {  	s5 =	sshll.u32 s6, $0x4;
	_ =	strace $0x80000053;
	s9 =	smul.u32 $0x28000, s6  }
0xa: {  	s11 =	ssub.s32 $0x2, s6;
	s29 =	smul.u32 $0x145000, s6;
	s5 =	sor.u32 s1, s5  }
0xb: {  	s13 =	sadd.s32 s8, s4;
	s24 =	sshrl.u32 s11, $0x1;
	s25 =	sshrl.u32 s12, $0x2  }
0xc: {  	s7 =	smul.u32 $0x380, s5;
	s8 =	sadd.s32 s8, s9;
	s9 =	ssub.s32 s11, s24  }
0xd: {  	s14 =	sadd.s32 s25, s2;
	s28 =	smul.u32 $0x14500, s5;
	s5 =	sor.u32 $0x1C05, s26  }
.Ltmp0:
0xe: {  	s31 =	sadd.s32 s29, s10;
	s8 =	sadd.s32 s8, s4;
	(pc) =	sbr.rel .LBB2_1-.Ltmp0, $4  }
0xf: {  	s12 =	sadd.s32 s30, s31;
	s7 =	sadd.s32 s7, s4;
	s4 =	sadd.s32 $0x2B5C00, s13  }
0x10: {  	s9 =	smax.u32 s9, $0x1;
	s8 =	sadd.s32 $0x306A00, s8;
	s12 =	sadd.s32 $0x1A00, s12  }
0x11: {  	s13 =	sshrl.u32 s14, $0x3;
	s6 =	sadd.s32 $0x526C00, s7;
	s7 =	sadd.s32 s10, s28  }
0x12: {  	s14 =	simm.s32 $0x5;
	s10 =	sadd.s32 $0x680, s7;
	s11 =	sadd.s32 $0xD00, s7  }
.LBB2_4:
0x13: {  	_ =	swait.ge [sflag:s22], $0x3200  }
0x14: {  	s23 =	sadd.s32 $0x1, s23;
	[sflag:s22] =	ssyncset.done $0x0  }
0x15: {  	p0 =	sne.s32 s23, s9;
	[sflag:s22] =	ssyncadd.s32 $0xFFFFCE00  }
.Ltmp1:
0x16: {  	[bflag:$0x0] =	sbarrier.arrive $0xFFFF;
	(pc) =	sbr.rel @!p0 .LBB2_5-.Ltmp1, $4  }
0x17: {  	[hbm:s8], [sflag:s5] =	dma.local [spmem:s13], $0x2800  }
0x18: {  	_ =	swait.ge [sflag:s14], $0x2800  }
0x19: {  	[sflag:s14] =	ssyncset.done $0x0  }
0x1a: {  	[sflag:s14] =	ssyncadd.s32 $0xFFFFD800  }
.LBB2_1:
0x1b: {  	[spmem:s13], [sflag:s5] =	dma.local [hbm:s4], $0x2800  }
0x1c: {  	_ =	swait.ge [sflag:s14], $0x2800  }
0x1d: {  	[sflag:s14] =	ssyncset.done $0x0  }
0x1e: {  	[sflag:s14] =	ssyncadd.s32 $0xFFFFD800  }
0x1f: {  	[tilespmem:s3], [sflag:$0x5] =	stream.linear.gather [hbm4b:s6+s3], $0x1900, $0x38;
	[tilespmem:$0x1C400] =	vst v63  }
0x20: {  	_ =	swait.ge [sflag:s14], $0x1900  }
0x21: {  	[sflag:s14] =	ssyncset.done $0x0  }
0x22: {  	[sflag:s14] =	ssyncadd.s32 $0xFFFFE700  }
0x23: {  	[bflag:$0x0] =	sbarrier.arrive $0xFFFF  }
0x24: {  	[tilespmem:s15], [sflag:$0x1] =	stream.linear.gather [hbm4b:s7+s3], $0x3200, $0x38;
	[tilespmem:$0x1C400] =	vst v63  }
0x25: {  	_ =	swait.ge [sflag:s16], $0x3200  }
0x26: {  	[sflag:s16] =	ssyncset.done $0x0  }
0x27: {  	[sflag:s16] =	ssyncadd.s32 $0xFFFFCE00  }
0x28: {  	[spmem:s2] =	stream.indirect.scatter.add.f32 [tilespmem:s15], [sflag:$0x3], $0x80, s3, s17, $0xb8;
	[tilespmem:$0x1C400] =	vst v63  }
0x29: {  	_ = 	snop  }
0x2a: {  	[tilespmem:s18], [sflag:$0x2] =	stream.linear.gather [hbm4b:s10+s3], $0x3200, $0x38;
	[tilespmem:$0x1C400] =	vst v63  }
0x2b: {  	_ =	swait.ge [sflag:s19], $0x3200  }
0x2c: {  	[sflag:s19] =	ssyncset.done $0x0  }
0x2d: {  	[sflag:s19] =	ssyncadd.s32 $0xFFFFCE00  }
0x2e: {  	[spmem:s2] =	stream.indirect.scatter.add.f32 [tilespmem:s18], [sflag:$0x4], $0x80, s20, s17, $0xb8;
	[tilespmem:$0x1C400] =	vst v63  }
0x2f: {  	_ =	swait.ge [sflag:s21], $0x3200  }
0x30: {  	[sflag:s21] =	ssyncset.done $0x0  }
0x31: {  	s24 =	smov.u32 s12;
	s25 =	simm.s32 $0x0;
	[sflag:s21] =	ssyncadd.s32 $0xFFFFCE00  }
0x32: {  	[tilespmem:s15], [sflag:$0x1] =	stream.linear.gather [hbm4b:s11+s3], $0x3200, $0x38;
	[tilespmem:$0x1C400] =	vst v63  }
.LBB2_2:
0x33: {  	_ =	swait.ge [sflag:s16], $0x3200  }
0x34: {  	s26 =	sshra.s32 s25, $0x2;
	[sflag:s16] =	ssyncset.done $0x0  }
0x35: {  	s28 =	sadd.s32 $0x100, s26;
	[sflag:s16] =	ssyncadd.s32 $0xFFFFCE00  }
0x36: {  	[spmem:s2] =	stream.indirect.scatter.add.f32 [tilespmem:s15], [sflag:$0x3], $0x80, s28, s17, $0xb8;
	[tilespmem:$0x1C400] =	vst v63  }
0x37: {  	_ =	swait.ge [sflag:s22], $0x3200  }
0x38: {  	[sflag:s22] =	ssyncset.done $0x0  }
0x39: {  	s31 =	sadd.s32 $0xFFFFF980, s24;
	[sflag:s22] =	ssyncadd.s32 $0xFFFFCE00  }
0x3a: {  	[tilespmem:s18], [sflag:$0x2] =	stream.linear.gather [hbm4b:s31+s3], $0x3200, $0x38;
	[tilespmem:$0x1C400] =	vst v63  }
0x3b: {  	_ =	swait.ge [sflag:s19], $0x3200  }
0x3c: {  	p0 =	seq.s32 s25, $0x5C00;
	[sflag:s19] =	ssyncset.done $0x0  }
.Ltmp2:
0x3d: {  	s26 =	sadd.s32 $0x180, s26;
	[sflag:s19] =	ssyncadd.s32 $0xFFFFCE00;
	(pc) =	sbr.rel @p0 .LBB2_4-.Ltmp2, $4  }
0x3e: {  	[spmem:s2] =	stream.indirect.scatter.add.f32 [tilespmem:s18], [sflag:$0x4], $0x80, s26, s17, $0xb8;
	[tilespmem:$0x1C400] =	vst v63  }
0x3f: {  	_ =	swait.ge [sflag:s21], $0x3200  }
0x40: {  	[sflag:s21] =	ssyncset.done $0x0  }
0x41: {  	[sflag:s21] =	ssyncadd.s32 $0xFFFFCE00  }
.Ltmp3:
0x42: {  	(pc) =	sbr.rel .LBB2_2-.Ltmp3, $3  }
0x43: {  	_ =	sdelay $0x1  }
0x44: {  	[tilespmem:s15], [sflag:$0x1] =	stream.linear.gather [hbm4b:s24+s3], $0x3200, $0x38;
	[tilespmem:$0x1C400] =	vst v63  }
0x45: {  	s25 =	sadd.s32 $0x400, s25;
	s24 =	sadd.s32 $0xD00, s24  }
.LBB2_5:
0x46: {  	_ =	sfence.sel $0x180000  }
0x47: {  	[bflag:$0x0] =	sbarrier.arrive $0xFFFF  }
0x48: {  	p0 =	sne.s32 s1, $0x0;
	_ =	strace $0x90000053  }
0x49: {  	s0 =	sadd.s32 @!p0 $0x100000, s0;
	[bflag:$0x2] =	sbarrier.arrive $0xFFFF  }
0x4a: {  	[sflag:s0] =	ssyncadd.tile.s32 @!p0 $0x1;
	_ =	shalt  }
.Lfunc_end2:
_tile_overlayer_lowered:
.L_overlay_start_2:
0x4b: {  	(tag) =	ssettag $0x2  }
0x4c: {  	s0 =	rddreg [dreg:$0x0];
	s2 =	stileid.u32  }
0x4d: {  	s1 =	rddreg [dreg:$0x1];
	p0 =	sne.s32 s2, $0x0  }
0x4e: {  	s3 =	rddreg [dreg:$0x2];
	[bflag:$0x3] =	sbarrier.arrive $0xFFFF;
	s2 =	simm.s32 @!p0 $0x1C05  }
0x4f: {  	[timem:s3], [sflag:s2] =	dma.local @!p0 [hbm:s0], s1  }
0x50: {  	s0 =	simm.s32 @!p0 $0x5  }
0x51: {  	_ =	swait.ge @!p0 [sflag:s0], s1  }
0x52: {  	s1 =	ssub.s32 @!p0 $0x0, s1;
	[sflag:s0] =	ssyncset.done @!p0 $0x0  }
0x53: {  	[sflag:s0] =	ssyncadd.s32 @!p0 s1  }
0x54: {  	[bflag:$0x3] =	sbarrier.arrive $0xFFFF  }
0x55: {  	_ =	shalt  }

// kernel: kernel.38.cloned.1.call-start
scs
__scs_entry_jumppad:
0x0: {  	(pc) =	sbr.rel $0x88, $3  }
0x1: {  	(tag) =	ssettag $0x0;
	lr =	simm.s32 $0x1  }
0x2: {  	[smem:$0x3F91] =	sst lr;
	_ =	strace $0xD0000000  }
0x3: {  	_ = 	snop  }
0x4: {  	_ = 	snop  }
0x5: {  	_ = 	snop  }
0x6: {  	_ = 	snop  }
0x7: {  	_ = 	snop  }
__scs_overlays_trampoline_lowered:
0x8: {  	[smem:$0x3FA0] =	sst s0  }
0x9: {  	[smem:$0x3FA1] =	sst s1  }
0xa: {  	[smem:$0x3FA2] =	sst s2  }
0xb: {  	[smem:$0x3FA3] =	sst s3  }
0xc: {  	[smem:$0x3FA4] =	sst s4  }
0xd: {  	[smem:$0x3FA5] =	sst s5  }
0xe: {  	[smem:$0x3FA6] =	sst s6  }
0xf: {  	[smem:$0x3FA7] =	sst s7  }
0x10: {  	[smem:$0x3FA8] =	sst s8  }
0x11: {  	[smem:$0x3FA9] =	sst s9;
	s0 =	simm.s32 @!p0 $0x0  }
0x12: {  	s1 =	sld [smem:$0x3F8F];
	s0 =	simm.s32 @p0 $0x1  }
0x13: {  	[smem:$0x3FAA] =	sst s0;
	s0 =	simm.s32 @!p1 $0x0  }
0x14: {  	s2 =	sld [smem:$0x3F8E];
	s0 =	simm.s32 @p1 $0x1  }
0x15: {  	[smem:$0x3FAB] =	sst s0;
	s0 =	simm.s32 @!p2 $0x0  }
0x16: {  	s3 =	sld [smem:$0x3FDB];
	s0 =	simm.s32 @p2 $0x1  }
0x17: {  	s4 =	simm.s32 $0x1BF5;
	[smem:$0x3FAD] =	sst s0  }
0x18: {  	s0 =	sld [smem:$0x3F90];
	_ =	swait.ge [sflag:s4], $0x0  }
0x19: {  	s7 =	sld [smem:$0x3F91]  }
0x1a: {  	s8 =	sadd.s32 $0xFFFFE003, lr  }
0x1b: {  	s9 =	sadd.s32 $0xFFFFFEF7, lr;
	s5 =	simm.s32 $0xFFFFFFFF;
	p2 =	slt.u32 s8, $0xFFFFF086  }
0x1c: {  	p1 =	slt.u32 s9, $0xF7A;
	s5 =	simm.s32 @!p2 $0x0  }
0x1d: {  	s5 =	simm.s32 @p1 $0x1;
	p0 =	seq.s32 s7, s2  }
0x1e: {  	s7 =	smul.u32 @!p0 $0xF7A, s2;
	p2 =	seq.s32 @!p0 s5, $0x0  }
0x1f: {  	s9 =	smul.u32 $0xF7A, s1;
	s8 =	simm.s32 @!p0 $0x1BF5;
	p2 =	por !p2, p0  }
0x20: {  	[sflag:s8] =	ssyncset.s32 @!p0 $0xFFFFF086;
	s6 =	sadd.s32 @!p0 s3, s7;
	s7 =	simm.s32 @!p0 $0x108  }
0x21: {  	s3 =	sadd.s32 s3, s9;
	s6 =	sadd.s32 @!p0 $0x88, s6;
	s7 =	simm.s32 @p2 $0x1082  }
0x22: {  	[simem:s7], [sflag:s8] =	dma.local @!p0 [hbm:s6], $0xF7A  }
0x23: {  	s9 =	sor.u32 $0xD0000000, s2;
	s6 =	simm.s32 $0x108;
	_ =	swait.ge @!p0 [sflag:s8], $0x0  }
0x24: {  	s3 =	sadd.s32 $0x88, s3;
	s6 =	simm.s32 @!p1 $0x1082;
	[sflag:s4] =	ssyncset.s32 $0xFFFFF086  }
0x25: {  	[simem:s6], [sflag:s4] =	dma.local [hbm:s3], $0xF7A  }
0x26: {  	[smem:$0x3F91] =	sst s1;
	(tag) =	ssettag s2;
	_ =	strace s9  }
0x27: {  	s1 =	sld [smem:$0x3FA1]  }
0x28: {  	s2 =	sld [smem:$0x3FA2]  }
0x29: {  	s4 =	sld [smem:$0x3FA4]  }
0x2a: {  	p0 =	seq.s32 s5, $0x0;
	s5 =	sld [smem:$0x3FA5]  }
0x2b: {  	s6 =	sld [smem:$0x3FA6]  }
0x2c: {  	s7 =	sld [smem:$0x3FA7]  }
0x2d: {  	s3 =	simm.s32 $0x108;
	s8 =	sld [smem:$0x3FA8]  }
0x2e: {  	s3 =	simm.s32 @!p0 $0x1082;
	s9 =	sld [smem:$0x3FA9]  }
0x2f: {  	lr =	sadd.s32 s0, s3;
	s0 =	sld [smem:$0x3FA0]  }
0x30: {  	s3 =	sld [smem:$0x3FA3]  }
0x31: {  	[smem:$0x3FAC] =	sst s10  }
0x32: {  	s10 =	sld [smem:$0x3FAA];
	_ =	sdelay $0x3  }
0x33: {  	p0 =	seq.s32 s10, $0x1;
	s10 =	sld [smem:$0x3FAC];
	_ =	sdelay $0x3  }
0x34: {  	[smem:$0x3FAC] =	sst s10  }
0x35: {  	s10 =	sld [smem:$0x3FAB];
	_ =	sdelay $0x3  }
0x36: {  	p1 =	seq.s32 s10, $0x1;
	s10 =	sld [smem:$0x3FAC];
	_ =	sdelay $0x3  }
0x37: {  	[smem:$0x3FAC] =	sst s10  }
0x38: {  	s10 =	sld [smem:$0x3FAD]  }
0x39: {  	_ = 	snop;
	(pc) =	sbr.ind lr, $3  }
0x3a: {  	_ = 	snop  }
0x3b: {  	_ = 	snop  }
0x3c: {  	p2 =	seq.s32 s10, $0x1;
	s10 =	sld [smem:$0x3FAC]  }
0x3d: {  	_ =	shalt  }
0x3e: {  	_ =	shalt  }
0x3f: {  	_ =	shalt  }
0x40: {  	_ =	shalt  }
0x41: {  	_ =	shalt  }
0x42: {  	_ =	shalt  }
0x43: {  	_ =	shalt  }
0x44: {  	_ =	shalt  }
0x45: {  	_ =	shalt  }
0x46: {  	_ =	shalt  }
0x47: {  	_ =	shalt  }
0x48: {  	_ =	shalt  }
0x49: {  	_ =	shalt  }
0x4a: {  	_ =	shalt  }
0x4b: {  	_ =	shalt  }
0x4c: {  	_ =	shalt  }
0x4d: {  	_ =	shalt  }
0x4e: {  	_ =	shalt  }
0x4f: {  	_ =	shalt  }
0x50: {  	_ =	shalt  }
0x51: {  	_ =	shalt  }
0x52: {  	_ =	shalt  }
0x53: {  	_ =	shalt  }
0x54: {  	_ =	shalt  }
0x55: {  	_ =	shalt  }
0x56: {  	_ =	shalt  }
0x57: {  	_ =	shalt  }
0x58: {  	_ =	shalt  }
0x59: {  	_ =	shalt  }
0x5a: {  	_ =	shalt  }
0x5b: {  	_ =	shalt  }
0x5c: {  	_ =	shalt  }
0x5d: {  	_ =	shalt  }
0x5e: {  	_ =	shalt  }
0x5f: {  	_ =	shalt  }
0x60: {  	_ =	shalt  }
0x61: {  	_ =	shalt  }
0x62: {  	_ =	shalt  }
0x63: {  	_ =	shalt  }
0x64: {  	_ =	shalt  }
0x65: {  	_ =	shalt  }
0x66: {  	_ =	shalt  }
0x67: {  	_ =	shalt  }
0x68: {  	_ =	shalt  }
0x69: {  	_ =	shalt  }
0x6a: {  	_ =	shalt  }
0x6b: {  	_ =	shalt  }
0x6c: {  	_ =	shalt  }
0x6d: {  	_ =	shalt  }
0x6e: {  	_ =	shalt  }
0x6f: {  	_ =	shalt  }
0x70: {  	_ =	shalt  }
0x71: {  	_ =	shalt  }
0x72: {  	_ =	shalt  }
0x73: {  	_ =	shalt  }
0x74: {  	_ =	shalt  }
0x75: {  	_ =	shalt  }
0x76: {  	_ =	shalt  }
0x77: {  	_ =	shalt  }
0x78: {  	_ =	shalt  }
0x79: {  	_ =	shalt  }
0x7a: {  	_ =	shalt  }
0x7b: {  	_ =	shalt  }
0x7c: {  	_ =	shalt  }
0x7d: {  	_ =	shalt  }
0x7e: {  	_ =	shalt  }
0x7f: {  	_ =	shalt  }
0x80: {  	_ =	shalt  }
0x81: {  	_ =	shalt  }
0x82: {  	_ =	shalt  }
0x83: {  	_ =	shalt  }
0x84: {  	_ =	shalt  }
0x85: {  	_ =	shalt  }
0x86: {  	_ =	shalt  }
0x87: {  	_ =	shalt  }
.Lfunc_end0:
.L_simem_size_0:
called_computation.5_lowered:
.L_overlay_start_0:
0x88: {  	s2 =	sld [smem:$0x3FD9]  }
0x89: {  	s3 =	sld [smem:$0x3FFE];
	_ =	sdelay $0x1  }
0x8a: {  	s1 =	srdreg.scid  }
0x8b: {  	s0 =	sand.u32 $0x1, s1  }
0x8c: {  	s16 =	sshll.u32 s0, $0xA;
	s2 =	sadd.s32 s3, s2  }
0x8d: {  	s2 =	sadd.s32 s2, s16  }
0x8e: {  	[smem:$0x3FB8] =	sst s2  }
0x8f: {  	_ = 	snop  }
0x90: {  	(tm) =	ssettm $0x1  }
0x91: {  	s17 =	sld [smem:$0x3FFB];
	_ =	sdelay $0x3  }
0x92: {  	_ =	strace s17  }
0x93: {  	s2 =	sld [smem:$0x3FFC];
	_ =	sdelay $0x3  }
0x94: {  	_ =	strace s2  }
0x95: {  	s2 =	sld [smem:$0x3FFD];
	_ =	sdelay $0x3  }
0x96: {  	_ =	strace s2  }
0x97: {  	_ =	strace $0x8FFFFFFF  }
0x98: {  	s18 =	sld [smem:$0x3FDB];
	_ =	sdelay $0x1  }
0x99: {  	s19 =	simm.s32 $_scs_section_size  }
0x9a: {  	s4 =	simm.s32 $_size__tile_overlayer_lowered;
	s5 =	simm.s32 $_tile_overlayer_lowered  }
0x9b: {  	s22 =	simm.s32 $0x1BFF;
	s21 =	sshll.u32 s5, $0x1;
	s2 =	sadd.s32 s19, s18  }
0x9c: {  	s6 =	simm.s32 $0x0;
	s20 =	sshll.u32 s4, $0x1;
	s4 =	sadd.s32 s21, s2  }
0x9d: {  	[timem:s6], [sflag:s22] =	dma.local [hbm:s4], s20  }
0x9e: {  	_ =	swait.ge [sflag:s22], s20  }
0x9f: {  	s3 =	ssub.s32 $0x0, s20;
	[sflag:s22] =	ssyncset.done $0x0  }
0xa0: {  	[sflag:s22] =	ssyncadd.s32 s3;
	_ =	sdelay $0x1  }
0xa1: {  	s23 =	simm.s32 $0x1B8B  }
0xa2: {  	_ =	swait.ge [sflag:s23], $0x1  }
0xa3: {  	[sflag:s23] =	ssyncset.done $0x0  }
0xa4: {  	s25 =	simm.s32 $0x1B8E;
	s24 =	sld [smem:$0x3FFE];
	[sflag:s23] =	ssyncadd.s32 $0xFFFFFFFF  }
0xa5: {  	s26 =	simm.s32 $execute0_lowered;
	[smem:$0x3FD2] =	sst s25  }
0xa6: {  	s4 =	sshll.u32 s26, $0x1;
	_ =	strace $0x80000055;
	[dreg:$0x1] =	wrdreg $0xFFFFFFFF  }
0xa7: {  	s28 =	simm.s32 $_size_execute0_lowered;
	s2 =	sadd.s32 s2, s4;
	[dreg:$0x0] =	wrdreg $0x0  }
0xa8: {  	s4 =	sshll.u32 s28, $0x1;
	[dreg:$0x2] =	wrdreg s2  }
0xa9: {  	[dreg:$0x3] =	wrdreg s4  }
0xaa: {  	[dreg:$0x4] =	wrdreg $0xC0  }
0xab: {  	_ =	task [dreg:s6], $0x5FFFF  }
0xac: {  	[dreg:$0x1] =	wrdreg $0xFFFFFFFF  }
0xad: {  	[dreg:$0x0] =	wrdreg $0x60  }
0xae: {  	[dreg:$0x2] =	wrdreg s24  }
0xaf: {  	[dreg:$0x3] =	wrdreg $0x9  }
0xb0: {  	_ =	task.clear_ibuf [dreg:s6], $0x4FFFF;
	_ =	strace $0x90000055  }
0xb1: {  	s29 =	simm.s32 $0x9;
	_ =	strace $0x80000057  }
0xb2: {  	_ =	swait.ge [sflag:s29], $0x1  }
0xb3: {  	[sflag:s29] =	ssyncadd.s32 $0xFFFFFFFF  }
0xb4: {  	_ =	strace $0x90000057  }
0xb5: {  	_ =	sfence  }
0xb6: {  	s30 =	sld [smem:$0x0];
	_ =	sdelay $0x2  }
0xb7: {  	s31 =	sshll.u32 s1, $0xD;
	s1 =	sshrl.u32 s1, $0x2  }
0xb8: {  	s3 =	sand.u32 $0x4000, s31;
	s1 =	sadd.s32 s1, s30  }
0xb9: {  	s0 =	sor.u32 s3, s0;
	s1 =	sshll.u32 s1, $0x11  }
0xba: {  	s0 =	sor.u32 s1, s0  }
0xbb: {  	s0 =	sadd.s32 $0x8F2B, s0  }
0xbc: {  	[sflag:s0] =	ssyncadd.remote.s32 $0x1  }
0xbd: {  	_ =	sfence.sel $0xFFFF  }
0xbe: {  	[dreg:$0x0] =	wrdreg $0xFFFFFFFF;
	(pc) =	sbr.abs _section_cstart, $3  }
0xbf: {  	[dreg:$0x1] =	wrdreg $0xFFFFFFFF  }
0xc0: {  	_ =	task.clear_ibuf [dreg:s6], $0x2FFFF;
	_ =	strace $0x9FFFFFFF  }
0xc1: {  	(tm) =	ssettm $0x7FFFFFFF  }
tec
execute0_lowered:
.L_overlay_start_1:
0x0: {  	(tag) =	ssettag $0x1  }
0x1: {  	s0 =	srdreg.scid;
	s5 =	rddreg [dreg:$0x0]  }
0x2: {  	s1 =	stileid.u32;
	s2 =	simm.s32 $0x0;
	s12 =	simm.s32 $0x1900  }
0x3: {  	s13 =	simm.s32 $0x80;
	s14 =	simm.s32 $0x4B00;
	s15 =	simm.s32 $0x1  }
0x4: {  	s16 =	simm.s32 $0x100;
	s17 =	simm.s32 $0x7D00;
	s18 =	simm.s32 $0x180  }
0x5: {  	s19 =	simm.s32 $0xAF00;
	s20 =	simm.s32 $0x2;
	s21 =	simm.s32 $0x3  }
0x6: {  	s22 =	simm.s32 $0x200;
	s23 =	simm.s32 $0x280;
	s24 =	simm.s32 $0x4  }
0x7: {  	s25 =	simm.s32 $0x0;
	s4 =	sand.u32 $0x1, s0;
	s0 =	rddreg [dreg:$0x1]  }
0x8: {  	[smem:$0x7FF] =	sst s2;
	s30 =	smul.u32 $0x13880, s1;
	s3 =	sshll.u32 s4, $0x4  }
0x9: {  	s9 =	sadd.s32 $0x52DC00, s5;
	s11 =	smul.u32 $0x138800, s4;
	s6 =	sor.u32 s1, s3  }
0xa: {  	_ =	strace $0x80000056;
	s26 =	ssub.s32 $0x2, s4;
	s7 =	smul.u32 $0x320, s6  }
0xb: {  	s3 =	sadd.s32 $0x2DDC00, s5;
	s28 =	sshrl.u32 s26, $0x1;
	s8 =	smul.u32 $0x9C400, s6  }
0xc: {  	s10 =	smul.u32 $0x13880, s6;
	s6 =	ssub.s32 s26, s28;
	s11 =	sadd.s32 s11, s9  }
0xd: {  	s6 =	smax.u32 s6, $0x1;
	s31 =	sadd.s32 s30, s11;
	s8 =	sshrl.u32 s8, $0x3  }
0xe: {  	s11 =	simm.s32 $0x64;
	s7 =	sadd.s32 s7, s5;
	s29 =	sadd.s32 s9, s8  }
0xf: {  	s4 =	sadd.s32 $0x2AF800, s7;
	s7 =	sadd.s32 s9, s10;
	s9 =	sadd.s32 $0x1900, s31  }
0x10: {  	s10 =	simm.s32 $0x5;
	s5 =	sadd.s32 $0x12C00, s29;
	s8 =	sadd.s32 $0xC80, s7  }
.LBB2_1:
0x11: {  	[tilespmem:s2], [sflag:$0x5] =	stream.linear.gather [hbm4b:s4+s2], $0x1900, $0x38;
	[tilespmem:$0xE100] =	vst v63  }
0x12: {  	_ =	swait.ge [sflag:s10], $0x1900  }
0x13: {  	[sflag:s10] =	ssyncset.done $0x0  }
0x14: {  	[sflag:s10] =	ssyncadd.s32 $0xFFFFE700  }
0x15: {  	[tilespmem:s12], [sflag:$0x1] =	stream.indirect.gather [hbm4b:s3+s11], $0x80, s2, s11, $0xb8;
	[tilespmem:$0xE100] =	vst v63  }
0x16: {  	_ = 	snop  }
0x17: {  	[tilespmem:s14], [sflag:$0x1] =	stream.indirect.gather [hbm4b:s3+s11], $0x80, s13, s11, $0xb8;
	[tilespmem:$0xE100] =	vst v63  }
0x18: {  	_ =	swait.ge [sflag:s15], $0x3200  }
0x19: {  	[sflag:s15] =	ssyncset.done $0x0  }
0x1a: {  	[sflag:s15] =	ssyncadd.s32 $0xFFFFCE00  }
0x1b: {  	_ =	swait.ge [sflag:s15], $0x3200  }
0x1c: {  	[sflag:s15] =	ssyncset.done $0x0  }
0x1d: {  	[sflag:s15] =	ssyncadd.s32 $0xFFFFCE00  }
0x1e: {  	[tilespmem:s17], [sflag:$0x2] =	stream.indirect.gather [hbm4b:s3+s11], $0x80, s16, s11, $0xb8;
	[tilespmem:$0xE100] =	vst v63  }
0x1f: {  	_ = 	snop  }
0x20: {  	[tilespmem:s19], [sflag:$0x2] =	stream.indirect.gather [hbm4b:s3+s11], $0x80, s18, s11, $0xb8;
	[tilespmem:$0xE100] =	vst v63  }
0x21: {  	_ = 	snop  }
0x22: {  	[hbm4b:s7+s2] =	stream.linear.scatter [tilespmem:s12], [sflag:$0x3], $0x6400, $0x38;
	[tilespmem:$0xE100] =	vst v63  }
0x23: {  	_ =	swait.ge [sflag:s20], $0x3200  }
0x24: {  	[sflag:s20] =	ssyncset.done $0x0  }
0x25: {  	[sflag:s20] =	ssyncadd.s32 $0xFFFFCE00  }
0x26: {  	_ =	swait.ge [sflag:s20], $0x3200  }
0x27: {  	[sflag:s20] =	ssyncset.done $0x0  }
0x28: {  	[sflag:s20] =	ssyncadd.s32 $0xFFFFCE00  }
0x29: {  	_ =	swait.ge [sflag:s21], $0x6400  }
0x2a: {  	[sflag:s21] =	ssyncset.done $0x0  }
0x2b: {  	[sflag:s21] =	ssyncadd.s32 $0xFFFF9C00  }
0x2c: {  	[tilespmem:s12], [sflag:$0x1] =	stream.indirect.gather [hbm4b:s3+s11], $0x80, s22, s11, $0xb8;
	[tilespmem:$0xE100] =	vst v63  }
0x2d: {  	_ = 	snop  }
0x2e: {  	[tilespmem:s14], [sflag:$0x1] =	stream.indirect.gather [hbm4b:s3+s11], $0x80, s23, s11, $0xb8;
	[tilespmem:$0xE100] =	vst v63  }
0x2f: {  	_ = 	snop  }
0x30: {  	[hbm4b:s8+s2] =	stream.linear.scatter [tilespmem:s17], [sflag:$0x4], $0x6400, $0x38;
	[tilespmem:$0xE100] =	vst v63  }
0x31: {  	_ =	swait.ge [sflag:s15], $0x3200  }
0x32: {  	[sflag:s15] =	ssyncset.done $0x0  }
0x33: {  	[sflag:s15] =	ssyncadd.s32 $0xFFFFCE00  }
0x34: {  	_ =	swait.ge [sflag:s15], $0x3200  }
0x35: {  	[sflag:s15] =	ssyncset.done $0x0  }
0x36: {  	[sflag:s15] =	ssyncadd.s32 $0xFFFFCE00  }
0x37: {  	_ =	swait.ge [sflag:s24], $0x6400  }
0x38: {  	[sflag:s24] =	ssyncset.done $0x0  }
0x39: {  	s26 =	simm.s32 $0x300;
	[sflag:s24] =	ssyncadd.s32 $0xFFFF9C00  }
0x3a: {  	[tilespmem:s17], [sflag:$0x2] =	stream.indirect.gather [hbm4b:s3+s11], $0x80, s26, s11, $0xb8;
	[tilespmem:$0xE100] =	vst v63  }
0x3b: {  	s31 =	simm.s32 $0x380  }
0x3c: {  	[tilespmem:s19], [sflag:$0x2] =	stream.indirect.gather [hbm4b:s3+s11], $0x80, s31, s11, $0xb8;
	[tilespmem:$0xE100] =	vst v63  }
0x3d: {  	_ = 	snop  }
0x3e: {  	[hbm4b:s9+s2] =	stream.linear.scatter [tilespmem:s12], [sflag:$0x3], $0x6400, $0x38;
	[tilespmem:$0xE100] =	vst v63  }
0x3f: {  	_ =	swait.ge [sflag:s20], $0x3200  }
0x40: {  	[sflag:s20] =	ssyncset.done $0x0  }
0x41: {  	[sflag:s20] =	ssyncadd.s32 $0xFFFFCE00  }
0x42: {  	_ =	swait.ge [sflag:s20], $0x3200  }
0x43: {  	[sflag:s20] =	ssyncset.done $0x0  }
0x44: {  	[sflag:s20] =	ssyncadd.s32 $0xFFFFCE00  }
0x45: {  	_ =	swait.ge [sflag:s21], $0x6400  }
0x46: {  	[sflag:s21] =	ssyncset.done $0x0  }
0x47: {  	s30 =	simm.s32 $0x400;
	s29 =	sadd.s32 $0xC80, s9;
	[sflag:s21] =	ssyncadd.s32 $0xFFFF9C00  }
0x48: {  	[tilespmem:s12], [sflag:$0x1] =	stream.indirect.gather [hbm4b:s3+s11], $0x80, s30, s11, $0xb8;
	[tilespmem:$0xE100] =	vst v63  }
0x49: {  	s28 =	sadd.s32 $0x1900, s9;
	s26 =	simm.s32 $0x800;
	s31 =	simm.s32 $0x480  }
0x4a: {  	[tilespmem:s14], [sflag:$0x1] =	stream.indirect.gather [hbm4b:s3+s11], $0x80, s31, s11, $0xb8;
	[tilespmem:$0xE100] =	vst v63  }
.LBB2_2:
0x4b: {  	[hbm4b:s29+s2] =	stream.linear.scatter [tilespmem:s17], [sflag:$0x4], $0x6400, $0x38;
	[tilespmem:$0xE100] =	vst v63  }
0x4c: {  	s29 =	smov.u32 s26  }
0x4d: {  	p0 =	sne.s32 s26, $0x5000;
	s26 =	sadd.s32 $0x800, s26;
	_ =	swait.ge [sflag:s15], $0x3200  }
0x4e: {  	[sflag:s15] =	ssyncset.done $0x0  }
0x4f: {  	[sflag:s15] =	ssyncadd.s32 $0xFFFFCE00  }
0x50: {  	_ =	swait.ge [sflag:s15], $0x3200  }
0x51: {  	[sflag:s15] =	ssyncset.done $0x0  }
0x52: {  	[sflag:s15] =	ssyncadd.s32 $0xFFFFCE00  }
0x53: {  	_ =	swait.ge [sflag:s24], $0x6400  }
0x54: {  	s29 =	sshra.s32 s29, $0x2;
	[sflag:s24] =	ssyncset.done $0x0  }
0x55: {  	s30 =	sadd.s32 $0x300, s29;
	[sflag:s24] =	ssyncadd.s32 $0xFFFF9C00  }
0x56: {  	[tilespmem:s17], [sflag:$0x2] =	stream.indirect.gather [hbm4b:s3+s11], $0x80, s30, s11, $0xb8;
	[tilespmem:$0xE100] =	vst v63  }
0x57: {  	s30 =	sadd.s32 $0x380, s29  }
0x58: {  	[tilespmem:s19], [sflag:$0x2] =	stream.indirect.gather [hbm4b:s3+s11], $0x80, s30, s11, $0xb8;
	[tilespmem:$0xE100] =	vst v63  }
0x59: {  	_ = 	snop  }
0x5a: {  	[hbm4b:s28+s2] =	stream.linear.scatter [tilespmem:s12], [sflag:$0x3], $0x6400, $0x38;
	[tilespmem:$0xE100] =	vst v63  }
0x5b: {  	_ =	swait.ge [sflag:s20], $0x3200  }
0x5c: {  	[sflag:s20] =	ssyncset.done $0x0  }
0x5d: {  	[sflag:s20] =	ssyncadd.s32 $0xFFFFCE00  }
0x5e: {  	_ =	swait.ge [sflag:s20], $0x3200  }
0x5f: {  	[sflag:s20] =	ssyncset.done $0x0  }
0x60: {  	[sflag:s20] =	ssyncadd.s32 $0xFFFFCE00  }
0x61: {  	_ =	swait.ge [sflag:s21], $0x6400  }
0x62: {  	[sflag:s21] =	ssyncset.done $0x0  }
.Ltmp0:
0x63: {  	s30 =	sadd.s32 $0x400, s29;
	[sflag:s21] =	ssyncadd.s32 $0xFFFF9C00;
	(pc) =	sbr.rel @p0 .LBB2_2-.Ltmp0, $4  }
0x64: {  	[tilespmem:s12], [sflag:$0x1] =	stream.indirect.gather [hbm4b:s3+s11], $0x80, s30, s11, $0xb8;
	[tilespmem:$0xE100] =	vst v63  }
0x65: {  	s29 =	sadd.s32 $0x480, s29  }
0x66: {  	[tilespmem:s14], [sflag:$0x1] =	stream.indirect.gather [hbm4b:s3+s11], $0x80, s29, s11, $0xb8;
	[tilespmem:$0xE100] =	vst v63  }
0x67: {  	s29 =	sadd.s32 $0xC80, s28;
	s28 =	sadd.s32 $0x1900, s28  }
0x68: {  	[hbm4b:s29+s2] =	stream.linear.scatter [tilespmem:s17], [sflag:$0x4], $0x6400, $0x38;
	[tilespmem:$0xE100] =	vst v63  }
0x69: {  	_ =	swait.ge [sflag:s15], $0x3200  }
0x6a: {  	[sflag:s15] =	ssyncset.done $0x0  }
0x6b: {  	[sflag:s15] =	ssyncadd.s32 $0xFFFFCE00  }
0x6c: {  	_ =	swait.ge [sflag:s15], $0x3200  }
0x6d: {  	[sflag:s15] =	ssyncset.done $0x0  }
0x6e: {  	s25 =	sadd.s32 $0x1, s25;
	[sflag:s15] =	ssyncadd.s32 $0xFFFFCE00  }
0x6f: {  	[hbm4b:s5+s2] =	stream.linear.scatter [tilespmem:s12], [sflag:$0x3], $0x6400, $0x38;
	[tilespmem:$0xE100] =	vst v63  }
0x70: {  	p0 =	sne.s32 s25, s6;
	_ =	swait.ge [sflag:s24], $0x6400  }
.Ltmp1:
0x71: {  	[sflag:s24] =	ssyncset.done $0x0;
	(pc) =	sbr.rel @p0 .LBB2_1-.Ltmp1, $4  }
0x72: {  	[sflag:s24] =	ssyncadd.s32 $0xFFFF9C00  }
0x73: {  	_ =	swait.ge [sflag:s21], $0x6400  }
0x74: {  	[sflag:s21] =	ssyncset.done $0x0  }
0x75: {  	[sflag:s21] =	ssyncadd.s32 $0xFFFF9C00  }
0x76: {  	_ =	sfence.sel $0x180000  }
0x77: {  	[bflag:$0x0] =	sbarrier.arrive $0xFFFF  }
0x78: {  	p0 =	sne.s32 s1, $0x0;
	_ =	strace $0x90000056  }
0x79: {  	s0 =	sadd.s32 @!p0 $0x100000, s0;
	[bflag:$0x2] =	sbarrier.arrive $0xFFFF  }
0x7a: {  	[sflag:s0] =	ssyncadd.tile.s32 @!p0 $0x1;
	_ =	shalt  }
.Lfunc_end2:
_tile_overlayer_lowered:
.L_overlay_start_2:
0x7b: {  	(tag) =	ssettag $0x2  }
0x7c: {  	s0 =	rddreg [dreg:$0x0];
	s2 =	stileid.u32  }
0x7d: {  	s1 =	rddreg [dreg:$0x1];
	p0 =	sne.s32 s2, $0x0  }
0x7e: {  	s3 =	rddreg [dreg:$0x2];
	[bflag:$0x3] =	sbarrier.arrive $0xFFFF;
	s2 =	simm.s32 @!p0 $0x1C05  }
0x7f: {  	[timem:s3], [sflag:s2] =	dma.local @!p0 [hbm:s0], s1  }
0x80: {  	s0 =	simm.s32 @!p0 $0x5  }
0x81: {  	_ =	swait.ge @!p0 [sflag:s0], s1  }
0x82: {  	s1 =	ssub.s32 @!p0 $0x0, s1;
	[sflag:s0] =	ssyncset.done @!p0 $0x0  }
0x83: {  	[sflag:s0] =	ssyncadd.s32 @!p0 s1  }
0x84: {  	[bflag:$0x3] =	sbarrier.arrive $0xFFFF  }
0x85: {  	_ =	shalt  }

// kernel: kernel.41.cloned.1.call-start
scs
__scs_entry_jumppad:
0x0: {  	(pc) =	sbr.rel $0x88, $3  }
0x1: {  	(tag) =	ssettag $0x0;
	lr =	simm.s32 $0x1  }
0x2: {  	[smem:$0x3F91] =	sst lr;
	_ =	strace $0xD0000000  }
0x3: {  	_ = 	snop  }
0x4: {  	_ = 	snop  }
0x5: {  	_ = 	snop  }
0x6: {  	_ = 	snop  }
0x7: {  	_ = 	snop  }
__scs_overlays_trampoline_lowered:
0x8: {  	[smem:$0x3FA0] =	sst s0  }
0x9: {  	[smem:$0x3FA1] =	sst s1  }
0xa: {  	[smem:$0x3FA2] =	sst s2  }
0xb: {  	[smem:$0x3FA3] =	sst s3  }
0xc: {  	[smem:$0x3FA4] =	sst s4  }
0xd: {  	[smem:$0x3FA5] =	sst s5  }
0xe: {  	[smem:$0x3FA6] =	sst s6  }
0xf: {  	[smem:$0x3FA7] =	sst s7  }
0x10: {  	[smem:$0x3FA8] =	sst s8  }
0x11: {  	[smem:$0x3FA9] =	sst s9;
	s0 =	simm.s32 @!p0 $0x0  }
0x12: {  	s1 =	sld [smem:$0x3F8F];
	s0 =	simm.s32 @p0 $0x1  }
0x13: {  	[smem:$0x3FAA] =	sst s0;
	s0 =	simm.s32 @!p1 $0x0  }
0x14: {  	s2 =	sld [smem:$0x3F8E];
	s0 =	simm.s32 @p1 $0x1  }
0x15: {  	[smem:$0x3FAB] =	sst s0;
	s0 =	simm.s32 @!p2 $0x0  }
0x16: {  	s3 =	sld [smem:$0x3FDB];
	s0 =	simm.s32 @p2 $0x1  }
0x17: {  	s4 =	simm.s32 $0x1BF5;
	[smem:$0x3FAD] =	sst s0  }
0x18: {  	s0 =	sld [smem:$0x3F90];
	_ =	swait.ge [sflag:s4], $0x0  }
0x19: {  	s7 =	sld [smem:$0x3F91]  }
0x1a: {  	s8 =	sadd.s32 $0xFFFFE003, lr  }
0x1b: {  	s9 =	sadd.s32 $0xFFFFFEF7, lr;
	s5 =	simm.s32 $0xFFFFFFFF;
	p2 =	slt.u32 s8, $0xFFFFF086  }
0x1c: {  	p1 =	slt.u32 s9, $0xF7A;
	s5 =	simm.s32 @!p2 $0x0  }
0x1d: {  	s5 =	simm.s32 @p1 $0x1;
	p0 =	seq.s32 s7, s2  }
0x1e: {  	s7 =	smul.u32 @!p0 $0xF7A, s2;
	p2 =	seq.s32 @!p0 s5, $0x0  }
0x1f: {  	s9 =	smul.u32 $0xF7A, s1;
	s8 =	simm.s32 @!p0 $0x1BF5;
	p2 =	por !p2, p0  }
0x20: {  	[sflag:s8] =	ssyncset.s32 @!p0 $0xFFFFF086;
	s6 =	sadd.s32 @!p0 s3, s7;
	s7 =	simm.s32 @!p0 $0x108  }
0x21: {  	s3 =	sadd.s32 s3, s9;
	s6 =	sadd.s32 @!p0 $0x88, s6;
	s7 =	simm.s32 @p2 $0x1082  }
0x22: {  	[simem:s7], [sflag:s8] =	dma.local @!p0 [hbm:s6], $0xF7A  }
0x23: {  	s9 =	sor.u32 $0xD0000000, s2;
	s6 =	simm.s32 $0x108;
	_ =	swait.ge @!p0 [sflag:s8], $0x0  }
0x24: {  	s3 =	sadd.s32 $0x88, s3;
	s6 =	simm.s32 @!p1 $0x1082;
	[sflag:s4] =	ssyncset.s32 $0xFFFFF086  }
0x25: {  	[simem:s6], [sflag:s4] =	dma.local [hbm:s3], $0xF7A  }
0x26: {  	[smem:$0x3F91] =	sst s1;
	(tag) =	ssettag s2;
	_ =	strace s9  }
0x27: {  	s1 =	sld [smem:$0x3FA1]  }
0x28: {  	s2 =	sld [smem:$0x3FA2]  }
0x29: {  	s4 =	sld [smem:$0x3FA4]  }
0x2a: {  	p0 =	seq.s32 s5, $0x0;
	s5 =	sld [smem:$0x3FA5]  }
0x2b: {  	s6 =	sld [smem:$0x3FA6]  }
0x2c: {  	s7 =	sld [smem:$0x3FA7]  }
0x2d: {  	s3 =	simm.s32 $0x108;
	s8 =	sld [smem:$0x3FA8]  }
0x2e: {  	s3 =	simm.s32 @!p0 $0x1082;
	s9 =	sld [smem:$0x3FA9]  }
0x2f: {  	lr =	sadd.s32 s0, s3;
	s0 =	sld [smem:$0x3FA0]  }
0x30: {  	s3 =	sld [smem:$0x3FA3]  }
0x31: {  	[smem:$0x3FAC] =	sst s10  }
0x32: {  	s10 =	sld [smem:$0x3FAA];
	_ =	sdelay $0x3  }
0x33: {  	p0 =	seq.s32 s10, $0x1;
	s10 =	sld [smem:$0x3FAC];
	_ =	sdelay $0x3  }
0x34: {  	[smem:$0x3FAC] =	sst s10  }
0x35: {  	s10 =	sld [smem:$0x3FAB];
	_ =	sdelay $0x3  }
0x36: {  	p1 =	seq.s32 s10, $0x1;
	s10 =	sld [smem:$0x3FAC];
	_ =	sdelay $0x3  }
0x37: {  	[smem:$0x3FAC] =	sst s10  }
0x38: {  	s10 =	sld [smem:$0x3FAD]  }
0x39: {  	_ = 	snop;
	(pc) =	sbr.ind lr, $3  }
0x3a: {  	_ = 	snop  }
0x3b: {  	_ = 	snop  }
0x3c: {  	p2 =	seq.s32 s10, $0x1;
	s10 =	sld [smem:$0x3FAC]  }
0x3d: {  	_ =	shalt  }
0x3e: {  	_ =	shalt  }
0x3f: {  	_ =	shalt  }
0x40: {  	_ =	shalt  }
0x41: {  	_ =	shalt  }
0x42: {  	_ =	shalt  }
0x43: {  	_ =	shalt  }
0x44: {  	_ =	shalt  }
0x45: {  	_ =	shalt  }
0x46: {  	_ =	shalt  }
0x47: {  	_ =	shalt  }
0x48: {  	_ =	shalt  }
0x49: {  	_ =	shalt  }
0x4a: {  	_ =	shalt  }
0x4b: {  	_ =	shalt  }
0x4c: {  	_ =	shalt  }
0x4d: {  	_ =	shalt  }
0x4e: {  	_ =	shalt  }
0x4f: {  	_ =	shalt  }
0x50: {  	_ =	shalt  }
0x51: {  	_ =	shalt  }
0x52: {  	_ =	shalt  }
0x53: {  	_ =	shalt  }
0x54: {  	_ =	shalt  }
0x55: {  	_ =	shalt  }
0x56: {  	_ =	shalt  }
0x57: {  	_ =	shalt  }
0x58: {  	_ =	shalt  }
0x59: {  	_ =	shalt  }
0x5a: {  	_ =	shalt  }
0x5b: {  	_ =	shalt  }
0x5c: {  	_ =	shalt  }
0x5d: {  	_ =	shalt  }
0x5e: {  	_ =	shalt  }
0x5f: {  	_ =	shalt  }
0x60: {  	_ =	shalt  }
0x61: {  	_ =	shalt  }
0x62: {  	_ =	shalt  }
0x63: {  	_ =	shalt  }
0x64: {  	_ =	shalt  }
0x65: {  	_ =	shalt  }
0x66: {  	_ =	shalt  }
0x67: {  	_ =	shalt  }
0x68: {  	_ =	shalt  }
0x69: {  	_ =	shalt  }
0x6a: {  	_ =	shalt  }
0x6b: {  	_ =	shalt  }
0x6c: {  	_ =	shalt  }
0x6d: {  	_ =	shalt  }
0x6e: {  	_ =	shalt  }
0x6f: {  	_ =	shalt  }
0x70: {  	_ =	shalt  }
0x71: {  	_ =	shalt  }
0x72: {  	_ =	shalt  }
0x73: {  	_ =	shalt  }
0x74: {  	_ =	shalt  }
0x75: {  	_ =	shalt  }
0x76: {  	_ =	shalt  }
0x77: {  	_ =	shalt  }
0x78: {  	_ =	shalt  }
0x79: {  	_ =	shalt  }
0x7a: {  	_ =	shalt  }
0x7b: {  	_ =	shalt  }
0x7c: {  	_ =	shalt  }
0x7d: {  	_ =	shalt  }
0x7e: {  	_ =	shalt  }
0x7f: {  	_ =	shalt  }
0x80: {  	_ =	shalt  }
0x81: {  	_ =	shalt  }
0x82: {  	_ =	shalt  }
0x83: {  	_ =	shalt  }
0x84: {  	_ =	shalt  }
0x85: {  	_ =	shalt  }
0x86: {  	_ =	shalt  }
0x87: {  	_ =	shalt  }
.Lfunc_end0:
.L_simem_size_0:
called_computation.6_lowered:
.L_overlay_start_0:
0x88: {  	s2 =	sld [smem:$0x3FD9]  }
0x89: {  	s3 =	sld [smem:$0x3FFE];
	_ =	sdelay $0x1  }
0x8a: {  	s1 =	srdreg.scid  }
0x8b: {  	s0 =	sand.u32 $0x1, s1  }
0x8c: {  	s16 =	sshll.u32 s0, $0xA;
	s2 =	sadd.s32 s3, s2  }
0x8d: {  	s2 =	sadd.s32 s2, s16  }
0x8e: {  	[smem:$0x3FB8] =	sst s2  }
0x8f: {  	_ = 	snop  }
0x90: {  	(tm) =	ssettm $0x1  }
0x91: {  	s17 =	sld [smem:$0x3FFB];
	_ =	sdelay $0x3  }
0x92: {  	_ =	strace s17  }
0x93: {  	s2 =	sld [smem:$0x3FFC];
	_ =	sdelay $0x3  }
0x94: {  	_ =	strace s2  }
0x95: {  	s2 =	sld [smem:$0x3FFD];
	_ =	sdelay $0x3  }
0x96: {  	_ =	strace s2  }
0x97: {  	_ =	strace $0x8FFFFFFF  }
0x98: {  	s18 =	sld [smem:$0x3FDB];
	_ =	sdelay $0x1  }
0x99: {  	s19 =	simm.s32 $_scs_section_size  }
0x9a: {  	s4 =	simm.s32 $_size__tile_overlayer_lowered;
	s5 =	simm.s32 $_tile_overlayer_lowered  }
0x9b: {  	s22 =	simm.s32 $0x1BFF;
	s21 =	sshll.u32 s5, $0x1;
	s2 =	sadd.s32 s19, s18  }
0x9c: {  	s6 =	simm.s32 $0x0;
	s20 =	sshll.u32 s4, $0x1;
	s4 =	sadd.s32 s21, s2  }
0x9d: {  	[timem:s6], [sflag:s22] =	dma.local [hbm:s4], s20  }
0x9e: {  	_ =	swait.ge [sflag:s22], s20  }
0x9f: {  	s3 =	ssub.s32 $0x0, s20;
	[sflag:s22] =	ssyncset.done $0x0  }
0xa0: {  	[sflag:s22] =	ssyncadd.s32 s3;
	_ =	sdelay $0x1  }
0xa1: {  	s23 =	simm.s32 $0x1B8B  }
0xa2: {  	_ =	swait.ge [sflag:s23], $0x1  }
0xa3: {  	[sflag:s23] =	ssyncset.done $0x0  }
0xa4: {  	s25 =	simm.s32 $0x1B8E;
	s24 =	sld [smem:$0x3FFE];
	[sflag:s23] =	ssyncadd.s32 $0xFFFFFFFF  }
0xa5: {  	s26 =	simm.s32 $execute0_lowered;
	[smem:$0x3FD2] =	sst s25  }
0xa6: {  	s4 =	sshll.u32 s26, $0x1;
	_ =	strace $0x80000058;
	[dreg:$0x1] =	wrdreg $0xFFFFFFFF  }
0xa7: {  	s28 =	simm.s32 $_size_execute0_lowered;
	s2 =	sadd.s32 s2, s4;
	[dreg:$0x0] =	wrdreg $0x0  }
0xa8: {  	s4 =	sshll.u32 s28, $0x1;
	[dreg:$0x2] =	wrdreg s2  }
0xa9: {  	[dreg:$0x3] =	wrdreg s4  }
0xaa: {  	[dreg:$0x4] =	wrdreg $0xC0  }
0xab: {  	_ =	task [dreg:s6], $0x5FFFF  }
0xac: {  	[dreg:$0x1] =	wrdreg $0xFFFFFFFF  }
0xad: {  	[dreg:$0x0] =	wrdreg $0x60  }
0xae: {  	[dreg:$0x2] =	wrdreg s24  }
0xaf: {  	[dreg:$0x3] =	wrdreg $0x84000  }
0xb0: {  	[dreg:$0x4] =	wrdreg $0x9  }
0xb1: {  	_ =	task.clear_ibuf [dreg:s6], $0x5FFFF;
	_ =	strace $0x90000058  }
0xb2: {  	s29 =	simm.s32 $0x9;
	_ =	strace $0x8000005A  }
0xb3: {  	_ =	swait.ge [sflag:s29], $0x1  }
0xb4: {  	[sflag:s29] =	ssyncadd.s32 $0xFFFFFFFF  }
0xb5: {  	_ =	strace $0x9000005A  }
0xb6: {  	_ =	sfence  }
0xb7: {  	s30 =	sld [smem:$0x0];
	_ =	sdelay $0x2  }
0xb8: {  	s31 =	sshll.u32 s1, $0xD;
	s1 =	sshrl.u32 s1, $0x2  }
0xb9: {  	s3 =	sand.u32 $0x4000, s31;
	s1 =	sadd.s32 s1, s30  }
0xba: {  	s0 =	sor.u32 s3, s0;
	s1 =	sshll.u32 s1, $0x11  }
0xbb: {  	s0 =	sor.u32 s1, s0  }
0xbc: {  	s0 =	sadd.s32 $0x8F2B, s0  }
0xbd: {  	[sflag:s0] =	ssyncadd.remote.s32 $0x1  }
0xbe: {  	_ =	sfence.sel $0xFFFF  }
0xbf: {  	[dreg:$0x0] =	wrdreg $0xFFFFFFFF;
	(pc) =	sbr.abs _section_cstart, $3  }
0xc0: {  	[dreg:$0x1] =	wrdreg $0xFFFFFFFF  }
0xc1: {  	_ =	task.clear_ibuf [dreg:s6], $0x2FFFF;
	_ =	strace $0x9FFFFFFF  }
0xc2: {  	(tm) =	ssettm $0x7FFFFFFF  }
0xc3: {  	_ =	shalt  }
tec
execute0_lowered:
.L_overlay_start_1:
0x0: {  	(tag) =	ssettag $0x1  }
0x1: {  	s4 =	rddreg [dreg:$0x0]  }
0x2: {  	s0 =	srdreg.scid;
	s2 =	rddreg [dreg:$0x1];
	s3 =	simm.s32 $0x0  }
0x3: {  	s15 =	simm.s32 $0x1C00;
	s16 =	simm.s32 $0x1;
	s17 =	simm.s32 $0x64  }
0x4: {  	s18 =	simm.s32 $0x5000;
	s6 =	sand.u32 $0x1, s0;
	s0 =	stileid.u32  }
0x5: {  	s19 =	simm.s32 $0x2;
	s20 =	simm.s32 $0x80;
	s8 =	smul.u32 $0x2800, s0  }
0x6: {  	s21 =	simm.s32 $0x3;
	s22 =	simm.s32 $0x4;
	s9 =	smul.u32 $0x28000, s6  }
0x7: {  	s23 =	simm.s32 $0x0;
	[smem:$0x7FF] =	sst s3;
	s12 =	smul.u32 $0x50000, s0  }
0x8: {  	s10 =	sadd.s32 $0xBE00, s4;
	s1 =	sshll.u32 s6, $0x4;
	s29 =	smul.u32 $0x145000, s6  }
0x9: {  	s11 =	ssub.s32 $0x2, s6;
	s26 =	sshll.u32 s0, $0x6;
	s30 =	smul.u32 $0x14500, s0  }
0xa: {  	s5 =	sor.u32 s0, s1;
	s1 =	rddreg [dreg:$0x2];
	_ =	strace $0x80000059  }
0xb: {  	s24 =	sshrl.u32 s11, $0x1;
	s7 =	smul.u32 $0x380, s5;
	s13 =	sadd.s32 s8, s4  }
0xc: {  	s8 =	sadd.s32 s8, s9;
	s9 =	ssub.s32 s11, s24;
	s25 =	sshrl.u32 s12, $0x2  }
0xd: {  	s28 =	smul.u32 $0x14500, s5;
	s5 =	sor.u32 $0x1C05, s26;
	s31 =	sadd.s32 s29, s10  }
.Ltmp0:
0xe: {  	s8 =	sadd.s32 s8, s4;
	s14 =	sadd.s32 s25, s2;
	(pc) =	sbr.rel .LBB2_1-.Ltmp0, $4  }
0xf: {  	s12 =	sadd.s32 s30, s31;
	s7 =	sadd.s32 s7, s4;
	s4 =	sadd.s32 $0x2B5C00, s13  }
0x10: {  	s9 =	smax.u32 s9, $0x1;
	s8 =	sadd.s32 $0x306A00, s8;
	s12 =	sadd.s32 $0x1A00, s12  }
0x11: {  	s13 =	sshrl.u32 s14, $0x3;
	s6 =	sadd.s32 $0x526C00, s7;
	s7 =	sadd.s32 s10, s28  }
0x12: {  	s14 =	simm.s32 $0x5;
	s10 =	sadd.s32 $0x680, s7;
	s11 =	sadd.s32 $0xD00, s7  }
.LBB2_4:
0x13: {  	_ =	swait.ge [sflag:s22], $0x3200  }
0x14: {  	s23 =	sadd.s32 $0x1, s23;
	[sflag:s22] =	ssyncset.done $0x0  }
0x15: {  	p0 =	sne.s32 s23, s9;
	[sflag:s22] =	ssyncadd.s32 $0xFFFFCE00  }
.Ltmp1:
0x16: {  	[bflag:$0x0] =	sbarrier.arrive $0xFFFF;
	(pc) =	sbr.rel @!p0 .LBB2_5-.Ltmp1, $4  }
0x17: {  	[hbm:s8], [sflag:s5] =	dma.local [spmem:s13], $0x2800  }
0x18: {  	_ =	swait.ge [sflag:s14], $0x2800  }
0x19: {  	[sflag:s14] =	ssyncset.done $0x0  }
0x1a: {  	[sflag:s14] =	ssyncadd.s32 $0xFFFFD800  }
.LBB2_1:
0x1b: {  	[spmem:s13], [sflag:s5] =	dma.local [hbm:s4], $0x2800  }
0x1c: {  	_ =	swait.ge [sflag:s14], $0x2800  }
0x1d: {  	[sflag:s14] =	ssyncset.done $0x0  }
0x1e: {  	[sflag:s14] =	ssyncadd.s32 $0xFFFFD800  }
0x1f: {  	[tilespmem:s3], [sflag:$0x5] =	stream.linear.gather [hbm4b:s6+s3], $0x1900, $0x38;
	[tilespmem:$0x1C400] =	vst v63  }
0x20: {  	_ =	swait.ge [sflag:s14], $0x1900  }
0x21: {  	[sflag:s14] =	ssyncset.done $0x0  }
0x22: {  	[sflag:s14] =	ssyncadd.s32 $0xFFFFE700  }
0x23: {  	[bflag:$0x0] =	sbarrier.arrive $0xFFFF  }
0x24: {  	[tilespmem:s15], [sflag:$0x1] =	stream.linear.gather [hbm4b:s7+s3], $0x3200, $0x38;
	[tilespmem:$0x1C400] =	vst v63  }
0x25: {  	_ =	swait.ge [sflag:s16], $0x3200  }
0x26: {  	[sflag:s16] =	ssyncset.done $0x0  }
0x27: {  	[sflag:s16] =	ssyncadd.s32 $0xFFFFCE00  }
0x28: {  	[spmem:s2] =	stream.indirect.scatter.add.f32 [tilespmem:s15], [sflag:$0x3], $0x80, s3, s17, $0xb8;
	[tilespmem:$0x1C400] =	vst v63  }
0x29: {  	_ = 	snop  }
0x2a: {  	[tilespmem:s18], [sflag:$0x2] =	stream.linear.gather [hbm4b:s10+s3], $0x3200, $0x38;
	[tilespmem:$0x1C400] =	vst v63  }
0x2b: {  	_ =	swait.ge [sflag:s19], $0x3200  }
0x2c: {  	[sflag:s19] =	ssyncset.done $0x0  }
0x2d: {  	[sflag:s19] =	ssyncadd.s32 $0xFFFFCE00  }
0x2e: {  	[spmem:s2] =	stream.indirect.scatter.add.f32 [tilespmem:s18], [sflag:$0x4], $0x80, s20, s17, $0xb8;
	[tilespmem:$0x1C400] =	vst v63  }
0x2f: {  	_ =	swait.ge [sflag:s21], $0x3200  }
0x30: {  	[sflag:s21] =	ssyncset.done $0x0  }
0x31: {  	s24 =	smov.u32 s12;
	s25 =	simm.s32 $0x0;
	[sflag:s21] =	ssyncadd.s32 $0xFFFFCE00  }
0x32: {  	[tilespmem:s15], [sflag:$0x1] =	stream.linear.gather [hbm4b:s11+s3], $0x3200, $0x38;
	[tilespmem:$0x1C400] =	vst v63  }
.LBB2_2:
0x33: {  	_ =	swait.ge [sflag:s16], $0x3200  }
0x34: {  	s26 =	sshra.s32 s25, $0x2;
	[sflag:s16] =	ssyncset.done $0x0  }
0x35: {  	s28 =	sadd.s32 $0x100, s26;
	[sflag:s16] =	ssyncadd.s32 $0xFFFFCE00  }
0x36: {  	[spmem:s2] =	stream.indirect.scatter.add.f32 [tilespmem:s15], [sflag:$0x3], $0x80, s28, s17, $0xb8;
	[tilespmem:$0x1C400] =	vst v63  }
0x37: {  	_ =	swait.ge [sflag:s22], $0x3200  }
0x38: {  	[sflag:s22] =	ssyncset.done $0x0  }
0x39: {  	s31 =	sadd.s32 $0xFFFFF980, s24;
	[sflag:s22] =	ssyncadd.s32 $0xFFFFCE00  }
0x3a: {  	[tilespmem:s18], [sflag:$0x2] =	stream.linear.gather [hbm4b:s31+s3], $0x3200, $0x38;
	[tilespmem:$0x1C400] =	vst v63  }
0x3b: {  	_ =	swait.ge [sflag:s19], $0x3200  }
0x3c: {  	p0 =	seq.s32 s25, $0x5C00;
	[sflag:s19] =	ssyncset.done $0x0  }
.Ltmp2:
0x3d: {  	s26 =	sadd.s32 $0x180, s26;
	[sflag:s19] =	ssyncadd.s32 $0xFFFFCE00;
	(pc) =	sbr.rel @p0 .LBB2_4-.Ltmp2, $4  }
0x3e: {  	[spmem:s2] =	stream.indirect.scatter.add.f32 [tilespmem:s18], [sflag:$0x4], $0x80, s26, s17, $0xb8;
	[tilespmem:$0x1C400] =	vst v63  }
0x3f: {  	_ =	swait.ge [sflag:s21], $0x3200  }
0x40: {  	[sflag:s21] =	ssyncset.done $0x0  }
0x41: {  	[sflag:s21] =	ssyncadd.s32 $0xFFFFCE00  }
.Ltmp3:
0x42: {  	(pc) =	sbr.rel .LBB2_2-.Ltmp3, $3  }
0x43: {  	_ =	sdelay $0x1  }
0x44: {  	[tilespmem:s15], [sflag:$0x1] =	stream.linear.gather [hbm4b:s24+s3], $0x3200, $0x38;
	[tilespmem:$0x1C400] =	vst v63  }
0x45: {  	s25 =	sadd.s32 $0x400, s25;
	s24 =	sadd.s32 $0xD00, s24  }
.LBB2_5:
0x46: {  	_ =	sfence.sel $0x180000  }
0x47: {  	[bflag:$0x0] =	sbarrier.arrive $0xFFFF  }
0x48: {  	p0 =	sne.s32 s0, $0x0;
	_ =	strace $0x90000059  }
0x49: {  	s0 =	sadd.s32 @!p0 $0x100000, s1;
	[bflag:$0x2] =	sbarrier.arrive $0xFFFF  }
0x4a: {  	[sflag:s0] =	ssyncadd.tile.s32 @!p0 $0x1;
	_ =	shalt  }
.Lfunc_end2:
_tile_overlayer_lowered:
.L_overlay_start_2:
0x4b: {  	(tag) =	ssettag $0x2  }
0x4c: {  	s0 =	rddreg [dreg:$0x0];
	s2 =	stileid.u32  }
0x4d: {  	s1 =	rddreg [dreg:$0x1];
	p0 =	sne.s32 s2, $0x0  }
0x4e: {  	s3 =	rddreg [dreg:$0x2];
	[bflag:$0x3] =	sbarrier.arrive $0xFFFF;
	s2 =	simm.s32 @!p0 $0x1C05  }
0x4f: {  	[timem:s3], [sflag:s2] =	dma.local @!p0 [hbm:s0], s1  }
0x50: {  	s0 =	simm.s32 @!p0 $0x5  }
0x51: {  	_ =	swait.ge @!p0 [sflag:s0], s1  }
0x52: {  	s1 =	ssub.s32 @!p0 $0x0, s1;
	[sflag:s0] =	ssyncset.done @!p0 $0x0  }
0x53: {  	[sflag:s0] =	ssyncadd.s32 @!p0 s1  }
0x54: {  	[bflag:$0x3] =	sbarrier.arrive $0xFFFF  }
0x55: {  	_ =	shalt  }

// kernel: kernel.44.cloned.1.call-start
scs
__scs_entry_jumppad:
0x0: {  	(pc) =	sbr.rel $0x88, $3  }
0x1: {  	(tag) =	ssettag $0x0;
	lr =	simm.s32 $0x1  }
0x2: {  	[smem:$0x3F91] =	sst lr;
	_ =	strace $0xD0000000  }
0x3: {  	_ = 	snop  }
0x4: {  	_ = 	snop  }
0x5: {  	_ = 	snop  }
0x6: {  	_ = 	snop  }
0x7: {  	_ = 	snop  }
__scs_overlays_trampoline_lowered:
0x8: {  	[smem:$0x3FA0] =	sst s0  }
0x9: {  	[smem:$0x3FA1] =	sst s1  }
0xa: {  	[smem:$0x3FA2] =	sst s2  }
0xb: {  	[smem:$0x3FA3] =	sst s3  }
0xc: {  	[smem:$0x3FA4] =	sst s4  }
0xd: {  	[smem:$0x3FA5] =	sst s5  }
0xe: {  	[smem:$0x3FA6] =	sst s6  }
0xf: {  	[smem:$0x3FA7] =	sst s7  }
0x10: {  	[smem:$0x3FA8] =	sst s8  }
0x11: {  	[smem:$0x3FA9] =	sst s9;
	s0 =	simm.s32 @!p0 $0x0  }
0x12: {  	s1 =	sld [smem:$0x3F8F];
	s0 =	simm.s32 @p0 $0x1  }
0x13: {  	[smem:$0x3FAA] =	sst s0;
	s0 =	simm.s32 @!p1 $0x0  }
0x14: {  	s2 =	sld [smem:$0x3F8E];
	s0 =	simm.s32 @p1 $0x1  }
0x15: {  	[smem:$0x3FAB] =	sst s0;
	s0 =	simm.s32 @!p2 $0x0  }
0x16: {  	s3 =	sld [smem:$0x3FDB];
	s0 =	simm.s32 @p2 $0x1  }
0x17: {  	s4 =	simm.s32 $0x1BF5;
	[smem:$0x3FAD] =	sst s0  }
0x18: {  	s0 =	sld [smem:$0x3F90];
	_ =	swait.ge [sflag:s4], $0x0  }
0x19: {  	s7 =	sld [smem:$0x3F91]  }
0x1a: {  	s8 =	sadd.s32 $0xFFFFE003, lr  }
0x1b: {  	s9 =	sadd.s32 $0xFFFFFEF7, lr;
	s5 =	simm.s32 $0xFFFFFFFF;
	p2 =	slt.u32 s8, $0xFFFFF086  }
0x1c: {  	p1 =	slt.u32 s9, $0xF7A;
	s5 =	simm.s32 @!p2 $0x0  }
0x1d: {  	s5 =	simm.s32 @p1 $0x1;
	p0 =	seq.s32 s7, s2  }
0x1e: {  	s7 =	smul.u32 @!p0 $0xF7A, s2;
	p2 =	seq.s32 @!p0 s5, $0x0  }
0x1f: {  	s9 =	smul.u32 $0xF7A, s1;
	s8 =	simm.s32 @!p0 $0x1BF5;
	p2 =	por !p2, p0  }
0x20: {  	[sflag:s8] =	ssyncset.s32 @!p0 $0xFFFFF086;
	s6 =	sadd.s32 @!p0 s3, s7;
	s7 =	simm.s32 @!p0 $0x108  }
0x21: {  	s3 =	sadd.s32 s3, s9;
	s6 =	sadd.s32 @!p0 $0x88, s6;
	s7 =	simm.s32 @p2 $0x1082  }
0x22: {  	[simem:s7], [sflag:s8] =	dma.local @!p0 [hbm:s6], $0xF7A  }
0x23: {  	s9 =	sor.u32 $0xD0000000, s2;
	s6 =	simm.s32 $0x108;
	_ =	swait.ge @!p0 [sflag:s8], $0x0  }
0x24: {  	s3 =	sadd.s32 $0x88, s3;
	s6 =	simm.s32 @!p1 $0x1082;
	[sflag:s4] =	ssyncset.s32 $0xFFFFF086  }
0x25: {  	[simem:s6], [sflag:s4] =	dma.local [hbm:s3], $0xF7A  }
0x26: {  	[smem:$0x3F91] =	sst s1;
	(tag) =	ssettag s2;
	_ =	strace s9  }
0x27: {  	s1 =	sld [smem:$0x3FA1]  }
0x28: {  	s2 =	sld [smem:$0x3FA2]  }
0x29: {  	s4 =	sld [smem:$0x3FA4]  }
0x2a: {  	p0 =	seq.s32 s5, $0x0;
	s5 =	sld [smem:$0x3FA5]  }
0x2b: {  	s6 =	sld [smem:$0x3FA6]  }
0x2c: {  	s7 =	sld [smem:$0x3FA7]  }
0x2d: {  	s3 =	simm.s32 $0x108;
	s8 =	sld [smem:$0x3FA8]  }
0x2e: {  	s3 =	simm.s32 @!p0 $0x1082;
	s9 =	sld [smem:$0x3FA9]  }
0x2f: {  	lr =	sadd.s32 s0, s3;
	s0 =	sld [smem:$0x3FA0]  }
0x30: {  	s3 =	sld [smem:$0x3FA3]  }
0x31: {  	[smem:$0x3FAC] =	sst s10  }
0x32: {  	s10 =	sld [smem:$0x3FAA];
	_ =	sdelay $0x3  }
0x33: {  	p0 =	seq.s32 s10, $0x1;
	s10 =	sld [smem:$0x3FAC];
	_ =	sdelay $0x3  }
0x34: {  	[smem:$0x3FAC] =	sst s10  }
0x35: {  	s10 =	sld [smem:$0x3FAB];
	_ =	sdelay $0x3  }
0x36: {  	p1 =	seq.s32 s10, $0x1;
	s10 =	sld [smem:$0x3FAC];
	_ =	sdelay $0x3  }
0x37: {  	[smem:$0x3FAC] =	sst s10  }
0x38: {  	s10 =	sld [smem:$0x3FAD]  }
0x39: {  	_ = 	snop;
	(pc) =	sbr.ind lr, $3  }
0x3a: {  	_ = 	snop  }
0x3b: {  	_ = 	snop  }
0x3c: {  	p2 =	seq.s32 s10, $0x1;
	s10 =	sld [smem:$0x3FAC]  }
0x3d: {  	_ =	shalt  }
0x3e: {  	_ =	shalt  }
0x3f: {  	_ =	shalt  }
0x40: {  	_ =	shalt  }
0x41: {  	_ =	shalt  }
0x42: {  	_ =	shalt  }
0x43: {  	_ =	shalt  }
0x44: {  	_ =	shalt  }
0x45: {  	_ =	shalt  }
0x46: {  	_ =	shalt  }
0x47: {  	_ =	shalt  }
0x48: {  	_ =	shalt  }
0x49: {  	_ =	shalt  }
0x4a: {  	_ =	shalt  }
0x4b: {  	_ =	shalt  }
0x4c: {  	_ =	shalt  }
0x4d: {  	_ =	shalt  }
0x4e: {  	_ =	shalt  }
0x4f: {  	_ =	shalt  }
0x50: {  	_ =	shalt  }
0x51: {  	_ =	shalt  }
0x52: {  	_ =	shalt  }
0x53: {  	_ =	shalt  }
0x54: {  	_ =	shalt  }
0x55: {  	_ =	shalt  }
0x56: {  	_ =	shalt  }
0x57: {  	_ =	shalt  }
0x58: {  	_ =	shalt  }
0x59: {  	_ =	shalt  }
0x5a: {  	_ =	shalt  }
0x5b: {  	_ =	shalt  }
0x5c: {  	_ =	shalt  }
0x5d: {  	_ =	shalt  }
0x5e: {  	_ =	shalt  }
0x5f: {  	_ =	shalt  }
0x60: {  	_ =	shalt  }
0x61: {  	_ =	shalt  }
0x62: {  	_ =	shalt  }
0x63: {  	_ =	shalt  }
0x64: {  	_ =	shalt  }
0x65: {  	_ =	shalt  }
0x66: {  	_ =	shalt  }
0x67: {  	_ =	shalt  }
0x68: {  	_ =	shalt  }
0x69: {  	_ =	shalt  }
0x6a: {  	_ =	shalt  }
0x6b: {  	_ =	shalt  }
0x6c: {  	_ =	shalt  }
0x6d: {  	_ =	shalt  }
0x6e: {  	_ =	shalt  }
0x6f: {  	_ =	shalt  }
0x70: {  	_ =	shalt  }
0x71: {  	_ =	shalt  }
0x72: {  	_ =	shalt  }
0x73: {  	_ =	shalt  }
0x74: {  	_ =	shalt  }
0x75: {  	_ =	shalt  }
0x76: {  	_ =	shalt  }
0x77: {  	_ =	shalt  }
0x78: {  	_ =	shalt  }
0x79: {  	_ =	shalt  }
0x7a: {  	_ =	shalt  }
0x7b: {  	_ =	shalt  }
0x7c: {  	_ =	shalt  }
0x7d: {  	_ =	shalt  }
0x7e: {  	_ =	shalt  }
0x7f: {  	_ =	shalt  }
0x80: {  	_ =	shalt  }
0x81: {  	_ =	shalt  }
0x82: {  	_ =	shalt  }
0x83: {  	_ =	shalt  }
0x84: {  	_ =	shalt  }
0x85: {  	_ =	shalt  }
0x86: {  	_ =	shalt  }
0x87: {  	_ =	shalt  }
.Lfunc_end0:
.L_simem_size_0:
called_computation.7_lowered:
.L_overlay_start_0:
0x88: {  	s2 =	sld [smem:$0x3FD9]  }
0x89: {  	s3 =	sld [smem:$0x3FFE];
	_ =	sdelay $0x1  }
0x8a: {  	s1 =	srdreg.scid  }
0x8b: {  	s0 =	sand.u32 $0x1, s1  }
0x8c: {  	s16 =	sshll.u32 s0, $0xA;
	s2 =	sadd.s32 s3, s2  }
0x8d: {  	s2 =	sadd.s32 s2, s16  }
0x8e: {  	[smem:$0x3FB8] =	sst s2  }
0x8f: {  	_ = 	snop  }
0x90: {  	(tm) =	ssettm $0x1  }
0x91: {  	s17 =	sld [smem:$0x3FFB];
	_ =	sdelay $0x3  }
0x92: {  	_ =	strace s17  }
0x93: {  	s2 =	sld [smem:$0x3FFC];
	_ =	sdelay $0x3  }
0x94: {  	_ =	strace s2  }
0x95: {  	s2 =	sld [smem:$0x3FFD];
	_ =	sdelay $0x3  }
0x96: {  	_ =	strace s2  }
0x97: {  	_ =	strace $0x8FFFFFFF  }
0x98: {  	s18 =	sld [smem:$0x3FDB];
	_ =	sdelay $0x1  }
0x99: {  	s19 =	simm.s32 $_scs_section_size  }
0x9a: {  	s4 =	simm.s32 $_size__tile_overlayer_lowered;
	s5 =	simm.s32 $_tile_overlayer_lowered  }
0x9b: {  	s22 =	simm.s32 $0x1BFF;
	s21 =	sshll.u32 s5, $0x1;
	s2 =	sadd.s32 s19, s18  }
0x9c: {  	s6 =	simm.s32 $0x0;
	s20 =	sshll.u32 s4, $0x1;
	s4 =	sadd.s32 s21, s2  }
0x9d: {  	[timem:s6], [sflag:s22] =	dma.local [hbm:s4], s20  }
0x9e: {  	_ =	swait.ge [sflag:s22], s20  }
0x9f: {  	s3 =	ssub.s32 $0x0, s20;
	[sflag:s22] =	ssyncset.done $0x0  }
0xa0: {  	[sflag:s22] =	ssyncadd.s32 s3;
	_ =	sdelay $0x1  }
0xa1: {  	s23 =	simm.s32 $0x1B8B  }
0xa2: {  	_ =	swait.ge [sflag:s23], $0x1  }
0xa3: {  	[sflag:s23] =	ssyncset.done $0x0  }
0xa4: {  	s25 =	simm.s32 $0x1B8E;
	s24 =	sld [smem:$0x3FFE];
	[sflag:s23] =	ssyncadd.s32 $0xFFFFFFFF  }
0xa5: {  	s26 =	simm.s32 $execute0_lowered;
	[smem:$0x3FD2] =	sst s25  }
0xa6: {  	s4 =	sshll.u32 s26, $0x1;
	_ =	strace $0x8000005B;
	[dreg:$0x1] =	wrdreg $0xFFFFFFFF  }
0xa7: {  	s28 =	simm.s32 $_size_execute0_lowered;
	s2 =	sadd.s32 s2, s4;
	[dreg:$0x0] =	wrdreg $0x0  }
0xa8: {  	s4 =	sshll.u32 s28, $0x1;
	[dreg:$0x2] =	wrdreg s2  }
0xa9: {  	[dreg:$0x3] =	wrdreg s4  }
0xaa: {  	[dreg:$0x4] =	wrdreg $0xC0  }
0xab: {  	_ =	task [dreg:s6], $0x5FFFF  }
0xac: {  	[dreg:$0x1] =	wrdreg $0xFFFFFFFF  }
0xad: {  	[dreg:$0x0] =	wrdreg $0x60  }
0xae: {  	[dreg:$0x2] =	wrdreg s24  }
0xaf: {  	[dreg:$0x3] =	wrdreg $0x9  }
0xb0: {  	_ =	task.clear_ibuf [dreg:s6], $0x4FFFF;
	_ =	strace $0x9000005B  }
0xb1: {  	s29 =	simm.s32 $0x9;
	_ =	strace $0x8000005D  }
0xb2: {  	_ =	swait.ge [sflag:s29], $0x1  }
0xb3: {  	[sflag:s29] =	ssyncadd.s32 $0xFFFFFFFF  }
0xb4: {  	_ =	strace $0x9000005D  }
0xb5: {  	_ =	sfence  }
0xb6: {  	s30 =	sld [smem:$0x0];
	_ =	sdelay $0x2  }
0xb7: {  	s31 =	sshll.u32 s1, $0xD;
	s1 =	sshrl.u32 s1, $0x2  }
0xb8: {  	s3 =	sand.u32 $0x4000, s31;
	s1 =	sadd.s32 s1, s30  }
0xb9: {  	s0 =	sor.u32 s3, s0;
	s1 =	sshll.u32 s1, $0x11  }
0xba: {  	s0 =	sor.u32 s1, s0  }
0xbb: {  	s0 =	sadd.s32 $0x8F2B, s0  }
0xbc: {  	[sflag:s0] =	ssyncadd.remote.s32 $0x1  }
0xbd: {  	_ =	sfence.sel $0xFFFF  }
0xbe: {  	[dreg:$0x0] =	wrdreg $0xFFFFFFFF;
	(pc) =	sbr.abs _section_cstart, $3  }
0xbf: {  	[dreg:$0x1] =	wrdreg $0xFFFFFFFF  }
0xc0: {  	_ =	task.clear_ibuf [dreg:s6], $0x2FFFF;
	_ =	strace $0x9FFFFFFF  }
0xc1: {  	(tm) =	ssettm $0x7FFFFFFF  }
tec
execute0_lowered:
.L_overlay_start_1:
0x0: {  	(tag) =	ssettag $0x1  }
0x1: {  	s0 =	srdreg.scid;
	s5 =	rddreg [dreg:$0x0]  }
0x2: {  	s1 =	stileid.u32;
	s2 =	simm.s32 $0x0;
	s12 =	simm.s32 $0x1900  }
0x3: {  	s13 =	simm.s32 $0x80;
	s14 =	simm.s32 $0x4B00;
	s15 =	simm.s32 $0x1  }
0x4: {  	s16 =	simm.s32 $0x100;
	s17 =	simm.s32 $0x7D00;
	s18 =	simm.s32 $0x180  }
0x5: {  	s19 =	simm.s32 $0xAF00;
	s20 =	simm.s32 $0x2;
	s21 =	simm.s32 $0x3  }
0x6: {  	s22 =	simm.s32 $0x200;
	s23 =	simm.s32 $0x280;
	s24 =	simm.s32 $0x4  }
0x7: {  	s25 =	simm.s32 $0x0;
	s4 =	sand.u32 $0x1, s0;
	s0 =	rddreg [dreg:$0x1]  }
0x8: {  	[smem:$0x7FF] =	sst s2;
	s30 =	smul.u32 $0x13880, s1;
	s3 =	sshll.u32 s4, $0x4  }
0x9: {  	s9 =	sadd.s32 $0x52DC00, s5;
	s11 =	smul.u32 $0x138800, s4;
	s6 =	sor.u32 s1, s3  }
0xa: {  	_ =	strace $0x8000005C;
	s26 =	ssub.s32 $0x2, s4;
	s7 =	smul.u32 $0x320, s6  }
0xb: {  	s3 =	sadd.s32 $0x2DDC00, s5;
	s28 =	sshrl.u32 s26, $0x1;
	s8 =	smul.u32 $0x9C400, s6  }
0xc: {  	s10 =	smul.u32 $0x13880, s6;
	s6 =	ssub.s32 s26, s28;
	s11 =	sadd.s32 s11, s9  }
0xd: {  	s6 =	smax.u32 s6, $0x1;
	s31 =	sadd.s32 s30, s11;
	s8 =	sshrl.u32 s8, $0x3  }
0xe: {  	s11 =	simm.s32 $0x64;
	s7 =	sadd.s32 s7, s5;
	s29 =	sadd.s32 s9, s8  }
0xf: {  	s4 =	sadd.s32 $0x2AF800, s7;
	s7 =	sadd.s32 s9, s10;
	s9 =	sadd.s32 $0x1900, s31  }
0x10: {  	s10 =	simm.s32 $0x5;
	s5 =	sadd.s32 $0x12C00, s29;
	s8 =	sadd.s32 $0xC80, s7  }
.LBB2_1:
0x11: {  	[tilespmem:s2], [sflag:$0x5] =	stream.linear.gather [hbm4b:s4+s2], $0x1900, $0x38;
	[tilespmem:$0xE100] =	vst v63  }
0x12: {  	_ =	swait.ge [sflag:s10], $0x1900  }
0x13: {  	[sflag:s10] =	ssyncset.done $0x0  }
0x14: {  	[sflag:s10] =	ssyncadd.s32 $0xFFFFE700  }
0x15: {  	[tilespmem:s12], [sflag:$0x1] =	stream.indirect.gather [hbm4b:s3+s11], $0x80, s2, s11, $0xb8;
	[tilespmem:$0xE100] =	vst v63  }
0x16: {  	_ = 	snop  }
0x17: {  	[tilespmem:s14], [sflag:$0x1] =	stream.indirect.gather [hbm4b:s3+s11], $0x80, s13, s11, $0xb8;
	[tilespmem:$0xE100] =	vst v63  }
0x18: {  	_ =	swait.ge [sflag:s15], $0x3200  }
0x19: {  	[sflag:s15] =	ssyncset.done $0x0  }
0x1a: {  	[sflag:s15] =	ssyncadd.s32 $0xFFFFCE00  }
0x1b: {  	_ =	swait.ge [sflag:s15], $0x3200  }
0x1c: {  	[sflag:s15] =	ssyncset.done $0x0  }
0x1d: {  	[sflag:s15] =	ssyncadd.s32 $0xFFFFCE00  }
0x1e: {  	[tilespmem:s17], [sflag:$0x2] =	stream.indirect.gather [hbm4b:s3+s11], $0x80, s16, s11, $0xb8;
	[tilespmem:$0xE100] =	vst v63  }
0x1f: {  	_ = 	snop  }
0x20: {  	[tilespmem:s19], [sflag:$0x2] =	stream.indirect.gather [hbm4b:s3+s11], $0x80, s18, s11, $0xb8;
	[tilespmem:$0xE100] =	vst v63  }
0x21: {  	_ = 	snop  }
0x22: {  	[hbm4b:s7+s2] =	stream.linear.scatter [tilespmem:s12], [sflag:$0x3], $0x6400, $0x38;
	[tilespmem:$0xE100] =	vst v63  }
0x23: {  	_ =	swait.ge [sflag:s20], $0x3200  }
0x24: {  	[sflag:s20] =	ssyncset.done $0x0  }
0x25: {  	[sflag:s20] =	ssyncadd.s32 $0xFFFFCE00  }
0x26: {  	_ =	swait.ge [sflag:s20], $0x3200  }
0x27: {  	[sflag:s20] =	ssyncset.done $0x0  }
0x28: {  	[sflag:s20] =	ssyncadd.s32 $0xFFFFCE00  }
0x29: {  	_ =	swait.ge [sflag:s21], $0x6400  }
0x2a: {  	[sflag:s21] =	ssyncset.done $0x0  }
0x2b: {  	[sflag:s21] =	ssyncadd.s32 $0xFFFF9C00  }
0x2c: {  	[tilespmem:s12], [sflag:$0x1] =	stream.indirect.gather [hbm4b:s3+s11], $0x80, s22, s11, $0xb8;
	[tilespmem:$0xE100] =	vst v63  }
0x2d: {  	_ = 	snop  }
0x2e: {  	[tilespmem:s14], [sflag:$0x1] =	stream.indirect.gather [hbm4b:s3+s11], $0x80, s23, s11, $0xb8;
	[tilespmem:$0xE100] =	vst v63  }
0x2f: {  	_ = 	snop  }
0x30: {  	[hbm4b:s8+s2] =	stream.linear.scatter [tilespmem:s17], [sflag:$0x4], $0x6400, $0x38;
	[tilespmem:$0xE100] =	vst v63  }
0x31: {  	_ =	swait.ge [sflag:s15], $0x3200  }
0x32: {  	[sflag:s15] =	ssyncset.done $0x0  }
0x33: {  	[sflag:s15] =	ssyncadd.s32 $0xFFFFCE00  }
0x34: {  	_ =	swait.ge [sflag:s15], $0x3200  }
0x35: {  	[sflag:s15] =	ssyncset.done $0x0  }
0x36: {  	[sflag:s15] =	ssyncadd.s32 $0xFFFFCE00  }
0x37: {  	_ =	swait.ge [sflag:s24], $0x6400  }
0x38: {  	[sflag:s24] =	ssyncset.done $0x0  }
0x39: {  	s26 =	simm.s32 $0x300;
	[sflag:s24] =	ssyncadd.s32 $0xFFFF9C00  }
0x3a: {  	[tilespmem:s17], [sflag:$0x2] =	stream.indirect.gather [hbm4b:s3+s11], $0x80, s26, s11, $0xb8;
	[tilespmem:$0xE100] =	vst v63  }
0x3b: {  	s31 =	simm.s32 $0x380  }
0x3c: {  	[tilespmem:s19], [sflag:$0x2] =	stream.indirect.gather [hbm4b:s3+s11], $0x80, s31, s11, $0xb8;
	[tilespmem:$0xE100] =	vst v63  }
0x3d: {  	_ = 	snop  }
0x3e: {  	[hbm4b:s9+s2] =	stream.linear.scatter [tilespmem:s12], [sflag:$0x3], $0x6400, $0x38;
	[tilespmem:$0xE100] =	vst v63  }
0x3f: {  	_ =	swait.ge [sflag:s20], $0x3200  }
0x40: {  	[sflag:s20] =	ssyncset.done $0x0  }
0x41: {  	[sflag:s20] =	ssyncadd.s32 $0xFFFFCE00  }
0x42: {  	_ =	swait.ge [sflag:s20], $0x3200  }
0x43: {  	[sflag:s20] =	ssyncset.done $0x0  }
0x44: {  	[sflag:s20] =	ssyncadd.s32 $0xFFFFCE00  }
0x45: {  	_ =	swait.ge [sflag:s21], $0x6400  }
0x46: {  	[sflag:s21] =	ssyncset.done $0x0  }
0x47: {  	s30 =	simm.s32 $0x400;
	s29 =	sadd.s32 $0xC80, s9;
	[sflag:s21] =	ssyncadd.s32 $0xFFFF9C00  }
0x48: {  	[tilespmem:s12], [sflag:$0x1] =	stream.indirect.gather [hbm4b:s3+s11], $0x80, s30, s11, $0xb8;
	[tilespmem:$0xE100] =	vst v63  }
0x49: {  	s28 =	sadd.s32 $0x1900, s9;
	s26 =	simm.s32 $0x800;
	s31 =	simm.s32 $0x480  }
0x4a: {  	[tilespmem:s14], [sflag:$0x1] =	stream.indirect.gather [hbm4b:s3+s11], $0x80, s31, s11, $0xb8;
	[tilespmem:$0xE100] =	vst v63  }
.LBB2_2:
0x4b: {  	[hbm4b:s29+s2] =	stream.linear.scatter [tilespmem:s17], [sflag:$0x4], $0x6400, $0x38;
	[tilespmem:$0xE100] =	vst v63  }
0x4c: {  	s29 =	smov.u32 s26  }
0x4d: {  	p0 =	sne.s32 s26, $0x5000;
	s26 =	sadd.s32 $0x800, s26;
	_ =	swait.ge [sflag:s15], $0x3200  }
0x4e: {  	[sflag:s15] =	ssyncset.done $0x0  }
0x4f: {  	[sflag:s15] =	ssyncadd.s32 $0xFFFFCE00  }
0x50: {  	_ =	swait.ge [sflag:s15], $0x3200  }
0x51: {  	[sflag:s15] =	ssyncset.done $0x0  }
0x52: {  	[sflag:s15] =	ssyncadd.s32 $0xFFFFCE00  }
0x53: {  	_ =	swait.ge [sflag:s24], $0x6400  }
0x54: {  	s29 =	sshra.s32 s29, $0x2;
	[sflag:s24] =	ssyncset.done $0x0  }
0x55: {  	s30 =	sadd.s32 $0x300, s29;
	[sflag:s24] =	ssyncadd.s32 $0xFFFF9C00  }
0x56: {  	[tilespmem:s17], [sflag:$0x2] =	stream.indirect.gather [hbm4b:s3+s11], $0x80, s30, s11, $0xb8;
	[tilespmem:$0xE100] =	vst v63  }
0x57: {  	s30 =	sadd.s32 $0x380, s29  }
0x58: {  	[tilespmem:s19], [sflag:$0x2] =	stream.indirect.gather [hbm4b:s3+s11], $0x80, s30, s11, $0xb8;
	[tilespmem:$0xE100] =	vst v63  }
0x59: {  	_ = 	snop  }
0x5a: {  	[hbm4b:s28+s2] =	stream.linear.scatter [tilespmem:s12], [sflag:$0x3], $0x6400, $0x38;
	[tilespmem:$0xE100] =	vst v63  }
0x5b: {  	_ =	swait.ge [sflag:s20], $0x3200  }
0x5c: {  	[sflag:s20] =	ssyncset.done $0x0  }
0x5d: {  	[sflag:s20] =	ssyncadd.s32 $0xFFFFCE00  }
0x5e: {  	_ =	swait.ge [sflag:s20], $0x3200  }
0x5f: {  	[sflag:s20] =	ssyncset.done $0x0  }
0x60: {  	[sflag:s20] =	ssyncadd.s32 $0xFFFFCE00  }
0x61: {  	_ =	swait.ge [sflag:s21], $0x6400  }
0x62: {  	[sflag:s21] =	ssyncset.done $0x0  }
.Ltmp0:
0x63: {  	s30 =	sadd.s32 $0x400, s29;
	[sflag:s21] =	ssyncadd.s32 $0xFFFF9C00;
	(pc) =	sbr.rel @p0 .LBB2_2-.Ltmp0, $4  }
0x64: {  	[tilespmem:s12], [sflag:$0x1] =	stream.indirect.gather [hbm4b:s3+s11], $0x80, s30, s11, $0xb8;
	[tilespmem:$0xE100] =	vst v63  }
0x65: {  	s29 =	sadd.s32 $0x480, s29  }
0x66: {  	[tilespmem:s14], [sflag:$0x1] =	stream.indirect.gather [hbm4b:s3+s11], $0x80, s29, s11, $0xb8;
	[tilespmem:$0xE100] =	vst v63  }
0x67: {  	s29 =	sadd.s32 $0xC80, s28;
	s28 =	sadd.s32 $0x1900, s28  }
0x68: {  	[hbm4b:s29+s2] =	stream.linear.scatter [tilespmem:s17], [sflag:$0x4], $0x6400, $0x38;
	[tilespmem:$0xE100] =	vst v63  }
0x69: {  	_ =	swait.ge [sflag:s15], $0x3200  }
0x6a: {  	[sflag:s15] =	ssyncset.done $0x0  }
0x6b: {  	[sflag:s15] =	ssyncadd.s32 $0xFFFFCE00  }
0x6c: {  	_ =	swait.ge [sflag:s15], $0x3200  }
0x6d: {  	[sflag:s15] =	ssyncset.done $0x0  }
0x6e: {  	s25 =	sadd.s32 $0x1, s25;
	[sflag:s15] =	ssyncadd.s32 $0xFFFFCE00  }
0x6f: {  	[hbm4b:s5+s2] =	stream.linear.scatter [tilespmem:s12], [sflag:$0x3], $0x6400, $0x38;
	[tilespmem:$0xE100] =	vst v63  }
0x70: {  	p0 =	sne.s32 s25, s6;
	_ =	swait.ge [sflag:s24], $0x6400  }
.Ltmp1:
0x71: {  	[sflag:s24] =	ssyncset.done $0x0;
	(pc) =	sbr.rel @p0 .LBB2_1-.Ltmp1, $4  }
0x72: {  	[sflag:s24] =	ssyncadd.s32 $0xFFFF9C00  }
0x73: {  	_ =	swait.ge [sflag:s21], $0x6400  }
0x74: {  	[sflag:s21] =	ssyncset.done $0x0  }
0x75: {  	[sflag:s21] =	ssyncadd.s32 $0xFFFF9C00  }
0x76: {  	_ =	sfence.sel $0x180000  }
0x77: {  	[bflag:$0x0] =	sbarrier.arrive $0xFFFF  }
0x78: {  	p0 =	sne.s32 s1, $0x0;
	_ =	strace $0x9000005C  }
0x79: {  	s0 =	sadd.s32 @!p0 $0x100000, s0;
	[bflag:$0x2] =	sbarrier.arrive $0xFFFF  }
0x7a: {  	[sflag:s0] =	ssyncadd.tile.s32 @!p0 $0x1;
	_ =	shalt  }
.Lfunc_end2:
_tile_overlayer_lowered:
.L_overlay_start_2:
0x7b: {  	(tag) =	ssettag $0x2  }
0x7c: {  	s0 =	rddreg [dreg:$0x0];
	s2 =	stileid.u32  }
0x7d: {  	s1 =	rddreg [dreg:$0x1];
	p0 =	sne.s32 s2, $0x0  }
0x7e: {  	s3 =	rddreg [dreg:$0x2];
	[bflag:$0x3] =	sbarrier.arrive $0xFFFF;
	s2 =	simm.s32 @!p0 $0x1C05  }
0x7f: {  	[timem:s3], [sflag:s2] =	dma.local @!p0 [hbm:s0], s1  }
0x80: {  	s0 =	simm.s32 @!p0 $0x5  }
0x81: {  	_ =	swait.ge @!p0 [sflag:s0], s1  }
0x82: {  	s1 =	ssub.s32 @!p0 $0x0, s1;
	[sflag:s0] =	ssyncset.done @!p0 $0x0  }
0x83: {  	[sflag:s0] =	ssyncadd.s32 @!p0 s1  }
0x84: {  	[bflag:$0x3] =	sbarrier.arrive $0xFFFF  }
0x85: {  	_ =	shalt  }

// kernel: kernel.47.cloned.1.call-start
scs
__scs_entry_jumppad:
0x0: {  	(pc) =	sbr.rel $0x88, $3  }
0x1: {  	(tag) =	ssettag $0x0;
	lr =	simm.s32 $0x1  }
0x2: {  	[smem:$0x3F91] =	sst lr;
	_ =	strace $0xD0000000  }
0x3: {  	_ = 	snop  }
0x4: {  	_ = 	snop  }
0x5: {  	_ = 	snop  }
0x6: {  	_ = 	snop  }
0x7: {  	_ = 	snop  }
__scs_overlays_trampoline_lowered:
0x8: {  	[smem:$0x3FA0] =	sst s0  }
0x9: {  	[smem:$0x3FA1] =	sst s1  }
0xa: {  	[smem:$0x3FA2] =	sst s2  }
0xb: {  	[smem:$0x3FA3] =	sst s3  }
0xc: {  	[smem:$0x3FA4] =	sst s4  }
0xd: {  	[smem:$0x3FA5] =	sst s5  }
0xe: {  	[smem:$0x3FA6] =	sst s6  }
0xf: {  	[smem:$0x3FA7] =	sst s7  }
0x10: {  	[smem:$0x3FA8] =	sst s8  }
0x11: {  	[smem:$0x3FA9] =	sst s9;
	s0 =	simm.s32 @!p0 $0x0  }
0x12: {  	s1 =	sld [smem:$0x3F8F];
	s0 =	simm.s32 @p0 $0x1  }
0x13: {  	[smem:$0x3FAA] =	sst s0;
	s0 =	simm.s32 @!p1 $0x0  }
0x14: {  	s2 =	sld [smem:$0x3F8E];
	s0 =	simm.s32 @p1 $0x1  }
0x15: {  	[smem:$0x3FAB] =	sst s0;
	s0 =	simm.s32 @!p2 $0x0  }
0x16: {  	s3 =	sld [smem:$0x3FDB];
	s0 =	simm.s32 @p2 $0x1  }
0x17: {  	s4 =	simm.s32 $0x1BF5;
	[smem:$0x3FAD] =	sst s0  }
0x18: {  	s0 =	sld [smem:$0x3F90];
	_ =	swait.ge [sflag:s4], $0x0  }
0x19: {  	s7 =	sld [smem:$0x3F91]  }
0x1a: {  	s8 =	sadd.s32 $0xFFFFE003, lr  }
0x1b: {  	s9 =	sadd.s32 $0xFFFFFEF7, lr;
	s5 =	simm.s32 $0xFFFFFFFF;
	p2 =	slt.u32 s8, $0xFFFFF086  }
0x1c: {  	p1 =	slt.u32 s9, $0xF7A;
	s5 =	simm.s32 @!p2 $0x0  }
0x1d: {  	s5 =	simm.s32 @p1 $0x1;
	p0 =	seq.s32 s7, s2  }
0x1e: {  	s7 =	smul.u32 @!p0 $0xF7A, s2;
	p2 =	seq.s32 @!p0 s5, $0x0  }
0x1f: {  	s9 =	smul.u32 $0xF7A, s1;
	s8 =	simm.s32 @!p0 $0x1BF5;
	p2 =	por !p2, p0  }
0x20: {  	[sflag:s8] =	ssyncset.s32 @!p0 $0xFFFFF086;
	s6 =	sadd.s32 @!p0 s3, s7;
	s7 =	simm.s32 @!p0 $0x108  }
0x21: {  	s3 =	sadd.s32 s3, s9;
	s6 =	sadd.s32 @!p0 $0x88, s6;
	s7 =	simm.s32 @p2 $0x1082  }
0x22: {  	[simem:s7], [sflag:s8] =	dma.local @!p0 [hbm:s6], $0xF7A  }
0x23: {  	s9 =	sor.u32 $0xD0000000, s2;
	s6 =	simm.s32 $0x108;
	_ =	swait.ge @!p0 [sflag:s8], $0x0  }
0x24: {  	s3 =	sadd.s32 $0x88, s3;
	s6 =	simm.s32 @!p1 $0x1082;
	[sflag:s4] =	ssyncset.s32 $0xFFFFF086  }
0x25: {  	[simem:s6], [sflag:s4] =	dma.local [hbm:s3], $0xF7A  }
0x26: {  	[smem:$0x3F91] =	sst s1;
	(tag) =	ssettag s2;
	_ =	strace s9  }
0x27: {  	s1 =	sld [smem:$0x3FA1]  }
0x28: {  	s2 =	sld [smem:$0x3FA2]  }
0x29: {  	s4 =	sld [smem:$0x3FA4]  }
0x2a: {  	p0 =	seq.s32 s5, $0x0;
	s5 =	sld [smem:$0x3FA5]  }
0x2b: {  	s6 =	sld [smem:$0x3FA6]  }
0x2c: {  	s7 =	sld [smem:$0x3FA7]  }
0x2d: {  	s3 =	simm.s32 $0x108;
	s8 =	sld [smem:$0x3FA8]  }
0x2e: {  	s3 =	simm.s32 @!p0 $0x1082;
	s9 =	sld [smem:$0x3FA9]  }
0x2f: {  	lr =	sadd.s32 s0, s3;
	s0 =	sld [smem:$0x3FA0]  }
0x30: {  	s3 =	sld [smem:$0x3FA3]  }
0x31: {  	[smem:$0x3FAC] =	sst s10  }
0x32: {  	s10 =	sld [smem:$0x3FAA];
	_ =	sdelay $0x3  }
0x33: {  	p0 =	seq.s32 s10, $0x1;
	s10 =	sld [smem:$0x3FAC];
	_ =	sdelay $0x3  }
0x34: {  	[smem:$0x3FAC] =	sst s10  }
0x35: {  	s10 =	sld [smem:$0x3FAB];
	_ =	sdelay $0x3  }
0x36: {  	p1 =	seq.s32 s10, $0x1;
	s10 =	sld [smem:$0x3FAC];
	_ =	sdelay $0x3  }
0x37: {  	[smem:$0x3FAC] =	sst s10  }
0x38: {  	s10 =	sld [smem:$0x3FAD]  }
0x39: {  	_ = 	snop;
	(pc) =	sbr.ind lr, $3  }
0x3a: {  	_ = 	snop  }
0x3b: {  	_ = 	snop  }
0x3c: {  	p2 =	seq.s32 s10, $0x1;
	s10 =	sld [smem:$0x3FAC]  }
0x3d: {  	_ =	shalt  }
0x3e: {  	_ =	shalt  }
0x3f: {  	_ =	shalt  }
0x40: {  	_ =	shalt  }
0x41: {  	_ =	shalt  }
0x42: {  	_ =	shalt  }
0x43: {  	_ =	shalt  }
0x44: {  	_ =	shalt  }
0x45: {  	_ =	shalt  }
0x46: {  	_ =	shalt  }
0x47: {  	_ =	shalt  }
0x48: {  	_ =	shalt  }
0x49: {  	_ =	shalt  }
0x4a: {  	_ =	shalt  }
0x4b: {  	_ =	shalt  }
0x4c: {  	_ =	shalt  }
0x4d: {  	_ =	shalt  }
0x4e: {  	_ =	shalt  }
0x4f: {  	_ =	shalt  }
0x50: {  	_ =	shalt  }
0x51: {  	_ =	shalt  }
0x52: {  	_ =	shalt  }
0x53: {  	_ =	shalt  }
0x54: {  	_ =	shalt  }
0x55: {  	_ =	shalt  }
0x56: {  	_ =	shalt  }
0x57: {  	_ =	shalt  }
0x58: {  	_ =	shalt  }
0x59: {  	_ =	shalt  }
0x5a: {  	_ =	shalt  }
0x5b: {  	_ =	shalt  }
0x5c: {  	_ =	shalt  }
0x5d: {  	_ =	shalt  }
0x5e: {  	_ =	shalt  }
0x5f: {  	_ =	shalt  }
0x60: {  	_ =	shalt  }
0x61: {  	_ =	shalt  }
0x62: {  	_ =	shalt  }
0x63: {  	_ =	shalt  }
0x64: {  	_ =	shalt  }
0x65: {  	_ =	shalt  }
0x66: {  	_ =	shalt  }
0x67: {  	_ =	shalt  }
0x68: {  	_ =	shalt  }
0x69: {  	_ =	shalt  }
0x6a: {  	_ =	shalt  }
0x6b: {  	_ =	shalt  }
0x6c: {  	_ =	shalt  }
0x6d: {  	_ =	shalt  }
0x6e: {  	_ =	shalt  }
0x6f: {  	_ =	shalt  }
0x70: {  	_ =	shalt  }
0x71: {  	_ =	shalt  }
0x72: {  	_ =	shalt  }
0x73: {  	_ =	shalt  }
0x74: {  	_ =	shalt  }
0x75: {  	_ =	shalt  }
0x76: {  	_ =	shalt  }
0x77: {  	_ =	shalt  }
0x78: {  	_ =	shalt  }
0x79: {  	_ =	shalt  }
0x7a: {  	_ =	shalt  }
0x7b: {  	_ =	shalt  }
0x7c: {  	_ =	shalt  }
0x7d: {  	_ =	shalt  }
0x7e: {  	_ =	shalt  }
0x7f: {  	_ =	shalt  }
0x80: {  	_ =	shalt  }
0x81: {  	_ =	shalt  }
0x82: {  	_ =	shalt  }
0x83: {  	_ =	shalt  }
0x84: {  	_ =	shalt  }
0x85: {  	_ =	shalt  }
0x86: {  	_ =	shalt  }
0x87: {  	_ =	shalt  }
.Lfunc_end0:
.L_simem_size_0:
called_computation.8_lowered:
.L_overlay_start_0:
0x88: {  	s2 =	sld [smem:$0x3FD9]  }
0x89: {  	s3 =	sld [smem:$0x3FFE];
	_ =	sdelay $0x1  }
0x8a: {  	s1 =	srdreg.scid  }
0x8b: {  	s0 =	sand.u32 $0x1, s1  }
0x8c: {  	s16 =	sshll.u32 s0, $0xA;
	s2 =	sadd.s32 s3, s2  }
0x8d: {  	s2 =	sadd.s32 s2, s16  }
0x8e: {  	[smem:$0x3FB8] =	sst s2  }
0x8f: {  	_ = 	snop  }
0x90: {  	(tm) =	ssettm $0x1  }
0x91: {  	s17 =	sld [smem:$0x3FFB];
	_ =	sdelay $0x3  }
0x92: {  	_ =	strace s17  }
0x93: {  	s2 =	sld [smem:$0x3FFC];
	_ =	sdelay $0x3  }
0x94: {  	_ =	strace s2  }
0x95: {  	s2 =	sld [smem:$0x3FFD];
	_ =	sdelay $0x3  }
0x96: {  	_ =	strace s2  }
0x97: {  	_ =	strace $0x8FFFFFFF  }
0x98: {  	s18 =	sld [smem:$0x3FDB];
	_ =	sdelay $0x1  }
0x99: {  	s19 =	simm.s32 $_scs_section_size  }
0x9a: {  	s4 =	simm.s32 $_size__tile_overlayer_lowered;
	s5 =	simm.s32 $_tile_overlayer_lowered  }
0x9b: {  	s22 =	simm.s32 $0x1BFF;
	s21 =	sshll.u32 s5, $0x1;
	s2 =	sadd.s32 s19, s18  }
0x9c: {  	s6 =	simm.s32 $0x0;
	s20 =	sshll.u32 s4, $0x1;
	s4 =	sadd.s32 s21, s2  }
0x9d: {  	[timem:s6], [sflag:s22] =	dma.local [hbm:s4], s20  }
0x9e: {  	_ =	swait.ge [sflag:s22], s20  }
0x9f: {  	s3 =	ssub.s32 $0x0, s20;
	[sflag:s22] =	ssyncset.done $0x0  }
0xa0: {  	[sflag:s22] =	ssyncadd.s32 s3;
	_ =	sdelay $0x1  }
0xa1: {  	s23 =	simm.s32 $0x1B8B  }
0xa2: {  	_ =	swait.ge [sflag:s23], $0x1  }
0xa3: {  	[sflag:s23] =	ssyncset.done $0x0  }
0xa4: {  	s25 =	simm.s32 $0x1B8E;
	s24 =	sld [smem:$0x3FFE];
	[sflag:s23] =	ssyncadd.s32 $0xFFFFFFFF  }
0xa5: {  	s26 =	simm.s32 $execute0_lowered;
	[smem:$0x3FD2] =	sst s25  }
0xa6: {  	s4 =	sshll.u32 s26, $0x1;
	_ =	strace $0x8000005E;
	[dreg:$0x1] =	wrdreg $0xFFFFFFFF  }
0xa7: {  	s28 =	simm.s32 $_size_execute0_lowered;
	s2 =	sadd.s32 s2, s4;
	[dreg:$0x0] =	wrdreg $0x0  }
0xa8: {  	s4 =	sshll.u32 s28, $0x1;
	[dreg:$0x2] =	wrdreg s2  }
0xa9: {  	[dreg:$0x3] =	wrdreg s4  }
0xaa: {  	[dreg:$0x4] =	wrdreg $0xC0  }
0xab: {  	_ =	task [dreg:s6], $0x5FFFF  }
0xac: {  	[dreg:$0x1] =	wrdreg $0xFFFFFFFF  }
0xad: {  	[dreg:$0x0] =	wrdreg $0x60  }
0xae: {  	[dreg:$0x2] =	wrdreg s24  }
0xaf: {  	[dreg:$0x3] =	wrdreg $0x84000  }
0xb0: {  	[dreg:$0x4] =	wrdreg $0x9  }
0xb1: {  	_ =	task.clear_ibuf [dreg:s6], $0x5FFFF;
	_ =	strace $0x9000005E  }
0xb2: {  	s29 =	simm.s32 $0x9;
	_ =	strace $0x80000060  }
0xb3: {  	_ =	swait.ge [sflag:s29], $0x1  }
0xb4: {  	[sflag:s29] =	ssyncadd.s32 $0xFFFFFFFF  }
0xb5: {  	_ =	strace $0x90000060  }
0xb6: {  	_ =	sfence  }
0xb7: {  	s30 =	sld [smem:$0x0];
	_ =	sdelay $0x2  }
0xb8: {  	s31 =	sshll.u32 s1, $0xD;
	s1 =	sshrl.u32 s1, $0x2  }
0xb9: {  	s3 =	sand.u32 $0x4000, s31;
	s1 =	sadd.s32 s1, s30  }
0xba: {  	s0 =	sor.u32 s3, s0;
	s1 =	sshll.u32 s1, $0x11  }
0xbb: {  	s0 =	sor.u32 s1, s0  }
0xbc: {  	s0 =	sadd.s32 $0x8F2B, s0  }
0xbd: {  	[sflag:s0] =	ssyncadd.remote.s32 $0x1  }
0xbe: {  	_ =	sfence.sel $0xFFFF  }
0xbf: {  	[dreg:$0x0] =	wrdreg $0xFFFFFFFF;
	(pc) =	sbr.abs _section_cstart, $3  }
0xc0: {  	[dreg:$0x1] =	wrdreg $0xFFFFFFFF  }
0xc1: {  	_ =	task.clear_ibuf [dreg:s6], $0x2FFFF;
	_ =	strace $0x9FFFFFFF  }
0xc2: {  	(tm) =	ssettm $0x7FFFFFFF  }
0xc3: {  	_ =	shalt  }
tec
execute0_lowered:
.L_overlay_start_1:
0x0: {  	(tag) =	ssettag $0x1  }
0x1: {  	s4 =	rddreg [dreg:$0x0]  }
0x2: {  	s0 =	srdreg.scid;
	s2 =	rddreg [dreg:$0x1];
	s3 =	simm.s32 $0x0  }
0x3: {  	s15 =	simm.s32 $0x1C00;
	s16 =	simm.s32 $0x1;
	s17 =	simm.s32 $0x64  }
0x4: {  	s18 =	simm.s32 $0x5000;
	s6 =	sand.u32 $0x1, s0;
	s0 =	stileid.u32  }
0x5: {  	s19 =	simm.s32 $0x2;
	s20 =	simm.s32 $0x80;
	s8 =	smul.u32 $0x2800, s0  }
0x6: {  	s21 =	simm.s32 $0x3;
	s22 =	simm.s32 $0x4;
	s9 =	smul.u32 $0x28000, s6  }
0x7: {  	s23 =	simm.s32 $0x0;
	[smem:$0x7FF] =	sst s3;
	s12 =	smul.u32 $0x50000, s0  }
0x8: {  	s10 =	sadd.s32 $0xB400, s4;
	s1 =	sshll.u32 s6, $0x4;
	s29 =	smul.u32 $0x145000, s6  }
0x9: {  	s11 =	ssub.s32 $0x2, s6;
	s26 =	sshll.u32 s0, $0x6;
	s30 =	smul.u32 $0x14500, s0  }
0xa: {  	s5 =	sor.u32 s0, s1;
	s1 =	rddreg [dreg:$0x2];
	_ =	strace $0x8000005F  }
0xb: {  	s24 =	sshrl.u32 s11, $0x1;
	s7 =	smul.u32 $0x380, s5;
	s13 =	sadd.s32 s8, s4  }
0xc: {  	s8 =	sadd.s32 s8, s9;
	s9 =	ssub.s32 s11, s24;
	s25 =	sshrl.u32 s12, $0x2  }
0xd: {  	s28 =	smul.u32 $0x14500, s5;
	s5 =	sor.u32 $0x1C05, s26;
	s31 =	sadd.s32 s29, s10  }
.Ltmp0:
0xe: {  	s8 =	sadd.s32 s8, s4;
	s14 =	sadd.s32 s25, s2;
	(pc) =	sbr.rel .LBB2_1-.Ltmp0, $4  }
0xf: {  	s12 =	sadd.s32 s30, s31;
	s7 =	sadd.s32 s7, s4;
	s4 =	sadd.s32 $0x2B5C00, s13  }
0x10: {  	s9 =	smax.u32 s9, $0x1;
	s8 =	sadd.s32 $0x2DDC00, s8;
	s12 =	sadd.s32 $0x1A00, s12  }
0x11: {  	s13 =	sshrl.u32 s14, $0x3;
	s6 =	sadd.s32 $0x526C00, s7;
	s7 =	sadd.s32 s10, s28  }
0x12: {  	s14 =	simm.s32 $0x5;
	s10 =	sadd.s32 $0x680, s7;
	s11 =	sadd.s32 $0xD00, s7  }
.LBB2_4:
0x13: {  	_ =	swait.ge [sflag:s22], $0x3200  }
0x14: {  	s23 =	sadd.s32 $0x1, s23;
	[sflag:s22] =	ssyncset.done $0x0  }
0x15: {  	p0 =	sne.s32 s23, s9;
	[sflag:s22] =	ssyncadd.s32 $0xFFFFCE00  }
.Ltmp1:
0x16: {  	[bflag:$0x0] =	sbarrier.arrive $0xFFFF;
	(pc) =	sbr.rel @!p0 .LBB2_5-.Ltmp1, $4  }
0x17: {  	[hbm:s8], [sflag:s5] =	dma.local [spmem:s13], $0x2800  }
0x18: {  	_ =	swait.ge [sflag:s14], $0x2800  }
0x19: {  	[sflag:s14] =	ssyncset.done $0x0  }
0x1a: {  	[sflag:s14] =	ssyncadd.s32 $0xFFFFD800  }
.LBB2_1:
0x1b: {  	[spmem:s13], [sflag:s5] =	dma.local [hbm:s4], $0x2800  }
0x1c: {  	_ =	swait.ge [sflag:s14], $0x2800  }
0x1d: {  	[sflag:s14] =	ssyncset.done $0x0  }
0x1e: {  	[sflag:s14] =	ssyncadd.s32 $0xFFFFD800  }
0x1f: {  	[tilespmem:s3], [sflag:$0x5] =	stream.linear.gather [hbm4b:s6+s3], $0x1900, $0x38;
	[tilespmem:$0x1C400] =	vst v63  }
0x20: {  	_ =	swait.ge [sflag:s14], $0x1900  }
0x21: {  	[sflag:s14] =	ssyncset.done $0x0  }
0x22: {  	[sflag:s14] =	ssyncadd.s32 $0xFFFFE700  }
0x23: {  	[bflag:$0x0] =	sbarrier.arrive $0xFFFF  }
0x24: {  	[tilespmem:s15], [sflag:$0x1] =	stream.linear.gather [hbm4b:s7+s3], $0x3200, $0x38;
	[tilespmem:$0x1C400] =	vst v63  }
0x25: {  	_ =	swait.ge [sflag:s16], $0x3200  }
0x26: {  	[sflag:s16] =	ssyncset.done $0x0  }
0x27: {  	[sflag:s16] =	ssyncadd.s32 $0xFFFFCE00  }
0x28: {  	[spmem:s2] =	stream.indirect.scatter.add.f32 [tilespmem:s15], [sflag:$0x3], $0x80, s3, s17, $0xb8;
	[tilespmem:$0x1C400] =	vst v63  }
0x29: {  	_ = 	snop  }
0x2a: {  	[tilespmem:s18], [sflag:$0x2] =	stream.linear.gather [hbm4b:s10+s3], $0x3200, $0x38;
	[tilespmem:$0x1C400] =	vst v63  }
0x2b: {  	_ =	swait.ge [sflag:s19], $0x3200  }
0x2c: {  	[sflag:s19] =	ssyncset.done $0x0  }
0x2d: {  	[sflag:s19] =	ssyncadd.s32 $0xFFFFCE00  }
0x2e: {  	[spmem:s2] =	stream.indirect.scatter.add.f32 [tilespmem:s18], [sflag:$0x4], $0x80, s20, s17, $0xb8;
	[tilespmem:$0x1C400] =	vst v63  }
0x2f: {  	_ =	swait.ge [sflag:s21], $0x3200  }
0x30: {  	[sflag:s21] =	ssyncset.done $0x0  }
0x31: {  	s24 =	smov.u32 s12;
	s25 =	simm.s32 $0x0;
	[sflag:s21] =	ssyncadd.s32 $0xFFFFCE00  }
0x32: {  	[tilespmem:s15], [sflag:$0x1] =	stream.linear.gather [hbm4b:s11+s3], $0x3200, $0x38;
	[tilespmem:$0x1C400] =	vst v63  }
.LBB2_2:
0x33: {  	_ =	swait.ge [sflag:s16], $0x3200  }
0x34: {  	s26 =	sshra.s32 s25, $0x2;
	[sflag:s16] =	ssyncset.done $0x0  }
0x35: {  	s28 =	sadd.s32 $0x100, s26;
	[sflag:s16] =	ssyncadd.s32 $0xFFFFCE00  }
0x36: {  	[spmem:s2] =	stream.indirect.scatter.add.f32 [tilespmem:s15], [sflag:$0x3], $0x80, s28, s17, $0xb8;
	[tilespmem:$0x1C400] =	vst v63  }
0x37: {  	_ =	swait.ge [sflag:s22], $0x3200  }
0x38: {  	[sflag:s22] =	ssyncset.done $0x0  }
0x39: {  	s31 =	sadd.s32 $0xFFFFF980, s24;
	[sflag:s22] =	ssyncadd.s32 $0xFFFFCE00  }
0x3a: {  	[tilespmem:s18], [sflag:$0x2] =	stream.linear.gather [hbm4b:s31+s3], $0x3200, $0x38;
	[tilespmem:$0x1C400] =	vst v63  }
0x3b: {  	_ =	swait.ge [sflag:s19], $0x3200  }
0x3c: {  	p0 =	seq.s32 s25, $0x5C00;
	[sflag:s19] =	ssyncset.done $0x0  }
.Ltmp2:
0x3d: {  	s26 =	sadd.s32 $0x180, s26;
	[sflag:s19] =	ssyncadd.s32 $0xFFFFCE00;
	(pc) =	sbr.rel @p0 .LBB2_4-.Ltmp2, $4  }
0x3e: {  	[spmem:s2] =	stream.indirect.scatter.add.f32 [tilespmem:s18], [sflag:$0x4], $0x80, s26, s17, $0xb8;
	[tilespmem:$0x1C400] =	vst v63  }
0x3f: {  	_ =	swait.ge [sflag:s21], $0x3200  }
0x40: {  	[sflag:s21] =	ssyncset.done $0x0  }
0x41: {  	[sflag:s21] =	ssyncadd.s32 $0xFFFFCE00  }
.Ltmp3:
0x42: {  	(pc) =	sbr.rel .LBB2_2-.Ltmp3, $3  }
0x43: {  	_ =	sdelay $0x1  }
0x44: {  	[tilespmem:s15], [sflag:$0x1] =	stream.linear.gather [hbm4b:s24+s3], $0x3200, $0x38;
	[tilespmem:$0x1C400] =	vst v63  }
0x45: {  	s25 =	sadd.s32 $0x400, s25;
	s24 =	sadd.s32 $0xD00, s24  }
.LBB2_5:
0x46: {  	_ =	sfence.sel $0x180000  }
0x47: {  	[bflag:$0x0] =	sbarrier.arrive $0xFFFF  }
0x48: {  	p0 =	sne.s32 s0, $0x0;
	_ =	strace $0x9000005F  }
0x49: {  	s0 =	sadd.s32 @!p0 $0x100000, s1;
	[bflag:$0x2] =	sbarrier.arrive $0xFFFF  }
0x4a: {  	[sflag:s0] =	ssyncadd.tile.s32 @!p0 $0x1;
	_ =	shalt  }
.Lfunc_end2:
_tile_overlayer_lowered:
.L_overlay_start_2:
0x4b: {  	(tag) =	ssettag $0x2  }
0x4c: {  	s0 =	rddreg [dreg:$0x0];
	s2 =	stileid.u32  }
0x4d: {  	s1 =	rddreg [dreg:$0x1];
	p0 =	sne.s32 s2, $0x0  }
0x4e: {  	s3 =	rddreg [dreg:$0x2];
	[bflag:$0x3] =	sbarrier.arrive $0xFFFF;
	s2 =	simm.s32 @!p0 $0x1C05  }
0x4f: {  	[timem:s3], [sflag:s2] =	dma.local @!p0 [hbm:s0], s1  }
0x50: {  	s0 =	simm.s32 @!p0 $0x5  }
0x51: {  	_ =	swait.ge @!p0 [sflag:s0], s1  }
0x52: {  	s1 =	ssub.s32 @!p0 $0x0, s1;
	[sflag:s0] =	ssyncset.done @!p0 $0x0  }
0x53: {  	[sflag:s0] =	ssyncadd.s32 @!p0 s1  }
0x54: {  	[bflag:$0x3] =	sbarrier.arrive $0xFFFF  }
0x55: {  	_ =	shalt  }

</sc_bundles>
